<compile_context>
chip_gen: v7x
topology: tpu7x:2x2x1
jax: 0.10.2.dev20260603
libtpu: 0.0.44.dev20260713+nightly
codegen_flags: <defaults>
</compile_context>

<pallas_src>
import functools

import jax
import jax.numpy as jnp
from jax import lax
from jax.experimental import pallas as pl
from jax.experimental.pallas import tpu as pltpu
from jax.experimental.pallas import tpu_sc as plsc

NC = 2
NS = 16
NW = NC * NS
LANES = 16
CB = 100
WW = 25
NB = 3



def _prep_body(kp1, x_ref, w_ref, b_ref, s_ref, z_ref):
    x = x_ref[...]
    s_ref[...] = jnp.dot(x, w_ref[0], preferred_element_type=jnp.float32) + b_ref[...]
    for t in range(1, kp1):
        z_ref[t - 1] = jnp.dot(x, w_ref[t], preferred_element_type=jnp.float32)


def _mid_body(kp1, s_ref, pa_ref, pb_ref, w_ref, b_ref, s_out_ref, z_ref):
    h = s_ref[...] + pa_ref[...] + pb_ref[...]
    a = jnp.where(h > 0, h, jnp.exp(jnp.minimum(h, 0.0)) - 1.0)
    s_out_ref[...] = jnp.dot(a, w_ref[0], preferred_element_type=jnp.float32) + b_ref[...]
    for t in range(1, kp1):
        z_ref[t - 1] = jnp.dot(a, w_ref[t], preferred_element_type=jnp.float32)


def _final_body(s_ref, pa_ref, pb_ref, o_ref):
    o_ref[...] = s_ref[...] + pa_ref[...] + pb_ref[...]


def _tc_prep(x, w, b, rows):
    n, d = x.shape
    kp1, _, h = w.shape
    grid = (n // rows,)
    return pl.pallas_call(
        functools.partial(_prep_body, kp1),
        grid=grid,
        in_specs=[
            pl.BlockSpec((rows, d), lambda i: (i, 0)),
            pl.BlockSpec((kp1, d, h), lambda i: (0, 0, 0)),
            pl.BlockSpec((1, h), lambda i: (0, 0)),
        ],
        out_specs=[
            pl.BlockSpec((rows, h), lambda i: (i, 0)),
            pl.BlockSpec((kp1 - 1, rows, h), lambda i: (0, i, 0)),
        ],
        out_shape=[
            jax.ShapeDtypeStruct((n, h), jnp.float32),
            jax.ShapeDtypeStruct((kp1 - 1, n, h), jnp.float32),
        ],
    )(x, w, b)


def _tc_mid(s, pa, pb, w, b, rows):
    n, h0 = s.shape
    kp1, _, h = w.shape
    grid = (n // rows,)
    blk = pl.BlockSpec((rows, h0), lambda i: (i, 0))
    return pl.pallas_call(
        functools.partial(_mid_body, kp1),
        grid=grid,
        in_specs=[
            blk, blk, blk,
            pl.BlockSpec((kp1, h0, h), lambda i: (0, 0, 0)),
            pl.BlockSpec((1, h), lambda i: (0, 0)),
        ],
        out_specs=[
            pl.BlockSpec((rows, h), lambda i: (i, 0)),
            pl.BlockSpec((kp1 - 1, rows, h), lambda i: (0, i, 0)),
        ],
        out_shape=[
            jax.ShapeDtypeStruct((n, h), jnp.float32),
            jax.ShapeDtypeStruct((kp1 - 1, n, h), jnp.float32),
        ],
    )(s, pa, pb, w, b)


def _tc_final(s, pa, pb, rows):
    n, h = s.shape
    blk = pl.BlockSpec((rows, h), lambda i: (i, 0))
    return pl.pallas_call(
        _final_body,
        grid=(n // rows,),
        in_specs=[blk, blk, blk],
        out_specs=pl.BlockSpec((rows, h), lambda i: (i, 0)),
        out_shape=jax.ShapeDtypeStruct((n, h), jnp.float32),
    )(s, pa, pb)



def _make_sc_msgs(npad, h, ch):
    rpt = npad // NS
    zb = 8

    mesh = plsc.VectorSubcoreMesh(core_axis_name="c", subcore_axis_name="s")

    @functools.partial(
        pl.kernel,
        out_type=jax.ShapeDtypeStruct((NC, NS, rpt, h), jnp.float32),
        mesh=mesh,
        scratch_types=[
            pltpu.VMEM((WW, CB), jnp.int32),
            pltpu.VMEM((WW, CB), jnp.int32),
            pltpu.VMEM((CB, h), jnp.float32),
            pltpu.VMEM((CB, h), jnp.float32),
            pltpu.VMEM((CB, h), jnp.float32),
            pltpu.VMEM_SHARED((npad, h), jnp.float32),
            pltpu.SemaphoreType.DMA,
            pltpu.SemaphoreType.DMA,
            pltpu.SemaphoreType.DMA,
            pltpu.SemaphoreType.DMA,
            pltpu.SemaphoreType.DMA,
            pltpu.SemaphoreType.DMA,
        ],
    )
    def sc_msgs(z_hbm, gidx_hbm, sidx_hbm, out_hbm,
                gidx_v, sidx_v, buf0, buf1, buf2, acc,
                sg0, sg1, sg2, ss0, ss1, ss2):
        cid = lax.axis_index("c")
        sid = lax.axis_index("s")
        wid = sid * NC + cid

        z16 = jnp.zeros((LANES,), jnp.float32)

        def _zrow(r, carry):
            for c in range(h // LANES):
                buf0[r, pl.ds(c * LANES, LANES)] = z16
            return carry

        lax.fori_loop(0, zb, _zrow, 0)

        def _zstart(j, carry):
            pltpu.async_copy(buf0.at[pl.ds(0, zb)],
                             acc.at[pl.ds(sid * rpt + j * zb, zb)], sg0)
            return carry

        def _zwait(j, carry):
            pltpu.make_async_copy(buf0.at[pl.ds(0, zb)],
                                  acc.at[pl.ds(sid * rpt + j * zb, zb)],
                                  sg0).wait()
            return carry

        lax.fori_loop(0, rpt // zb, _zstart, 0)
        lax.fori_loop(0, rpt // zb, _zwait, 0)
        plsc.subcore_barrier()

        bufs = (buf0, buf1, buf2)
        sgs = (sg0, sg1, sg2)
        sss = (ss0, ss1, ss2)

        def _gather_start(g, b):
            pltpu.async_copy(z_hbm.at[gidx_v.at[g]], bufs[b], sgs[b])

        def _gather_wait(g, b):
            pltpu.make_async_copy(z_hbm.at[gidx_v.at[g]], bufs[b], sgs[b]).wait()

        def _scat_start(g, b):
            pltpu.async_copy(bufs[b], acc.at[sidx_v.at[g]], sss[b], add=True)

        def _scat_wait(g, b):
            pltpu.make_async_copy(bufs[b], acc.at[sidx_v.at[g]], sss[b]).wait()

        pd = NB - 1
        for p in range(ch // WW):
            pltpu.sync_copy(gidx_hbm.at[wid, p], gidx_v)
            pltpu.sync_copy(sidx_hbm.at[wid, p], sidx_v)
            for q in range(pd):
                _gather_start(q, q)

            def _step(g, b):
                _gather_wait(g, b)
                _scat_start(g, b)

                @pl.when(g + pd < WW)
                def _():
                    bn = (b + pd) % NB

                    @pl.when(g >= 1)
                    def _():
                        _scat_wait(g - 1, bn)

                    _gather_start(g + pd, bn)

            def _body(i, carry):
                for j in range(NB):
                    _step(NB * i + j, j)
                return carry

            lax.fori_loop(0, WW // NB, _body, 0)
            for g in range(NB * (WW // NB), WW):
                _step(g, g % NB)
            for g in range(WW - NB, WW):
                _scat_wait(g, g % NB)

        plsc.subcore_barrier()
        pltpu.sync_copy(acc.at[pl.ds(sid * rpt, rpt)], out_hbm.at[cid, sid])

    return sc_msgs



def kernel(atom_features, bond_info, W0, b0, W1, b1):
    n, d = atom_features.shape
    e = bond_info.shape[0]
    h0 = W0.shape[1]
    h1 = W1.shape[1]
    k = W0.shape[0] // d - 1

    begin = bond_info[:, 0].astype(jnp.int32)
    end = bond_info[:, 1].astype(jnp.int32)
    bt = (bond_info[:, 2].astype(jnp.int32)) % k
    per_tile = e // NW
    ch = per_tile // CB
    gidx = (bt * n + begin).reshape(NW, ch // WW, WW, CB)
    sidx = end.reshape(NW, ch // WW, WW, CB)

    w0r = W0.reshape(k + 1, d, h0)
    w1r = W1.reshape(k + 1, h0, h1)
    b0r = b0.reshape(1, h0)
    b1r = b1.reshape(1, h1)

    npad = ((n + NS * 8 - 1) // (NS * 8)) * NS * 8
    sc_msgs = _make_sc_msgs(npad, h0, ch)
    rows = 2000

    s0, z0 = _tc_prep(atom_features, w0r, b0r, rows)
    p0 = sc_msgs(z0.reshape(k * n, h0), gidx, sidx).reshape(NC, npad, h0)
    s1, z1 = _tc_mid(s0, p0[0], p0[1], w1r, b1r, rows)
    p1 = sc_msgs(z1.reshape(k * n, h1), gidx, sidx).reshape(NC, npad, h1)
    return _tc_final(s1, p1[0], p1[1], rows)

# --- scband reference (transcript-rebuilt; emitter-appended) ---
"""Pipeline reference for scband-causal-mol-conv-block-64037962383978 (READ-ONLY COPY).

The authoritative reference and input builder live on the scoring server;
editing this copy changes nothing except your own understanding.
"""

import jax, jax.numpy as jnp
import numpy as np

N = 10000
E = 320000
D = 128
K = 4
H0 = 128
H1 = 128


def setup_inputs(seed: int = 0):
    key = jax.random.key(seed)
    ks = jax.random.split(key, 8)
    atom_features = jax.random.normal(ks[0], (N, D), dtype=jnp.float32)
    begin = jax.random.randint(ks[1], (E,), 0, N)
    end = jax.random.randint(ks[2], (E,), 0, N)
    bt = jax.random.randint(ks[3], (E,), 0, K)
    bond_info = jnp.stack([begin, end, bt], axis=1)
    s0 = 1.0 / np.sqrt(D * (K + 1))
    W0 = jax.random.uniform(ks[4], (D * (K + 1), H0), minval=-s0, maxval=s0, dtype=jnp.float32)
    b0 = jax.random.uniform(ks[5], (H0,), minval=-s0, maxval=s0, dtype=jnp.float32)
    s1 = 1.0 / np.sqrt(H0 * (K + 1))
    W1 = jax.random.uniform(ks[6], (H0 * (K + 1), H1), minval=-s1, maxval=s1, dtype=jnp.float32)
    b1 = jax.random.uniform(ks[7], (H1,), minval=-s1, maxval=s1, dtype=jnp.float32)
    return {"atom_features": atom_features, "bond_info": bond_info, "W0": W0, "b0": b0, "W1": W1, "b1": b1}


def _mol_conv(x, bond_info, W, b, activation):
    # MolConv (weave-style): per-bond-type message passing.
    # 1) optional input activation (first layer uses None)
    # 2) for each bond type t: scatter-add x[begin] into end for edges of type t
    # 3) concat [self_features, msg_type_0, ..., msg_type_{K-1}] and apply Linear
    if activation == "elu":
        x = jax.nn.elu(x)
    begin = bond_info[:, 0]
    end = bond_info[:, 1]
    bt = bond_info[:, 2] % K  # keep bond type in-range for robustness
    n = x.shape[0]
    d = x.shape[1]
    gathered = jnp.take(x, begin, axis=0)  # [E, d] gather
    seg = end * K + bt  # fused (node, bond_type) segment id
    msgs = jax.ops.segment_sum(gathered, seg, num_segments=n * K)  # [n*K, d] scatter-add
    msgs = msgs.reshape(n, K * d)  # per-node concat over bond types
    h = jnp.concatenate([x, msgs], axis=1)  # [n, (K+1)*d]
    return h @ W + b


def reference(atom_features, bond_info, W0, b0, W1, b1):
    # CausalMolConvBlock.forward: stack of MolConv layers; layer 0 has no input
    # activation, subsequent layers apply elu to their input.
    h = _mol_conv(atom_features, bond_info, W0, b0, None)
    h = _mol_conv(h, bond_info, W1, b1, "elu")
    return h

if __name__ == "__main__":
    import jax
    _d = setup_inputs()
    print(jax.jit(kernel)(*tuple(_d.values())))

</pallas_src>

<mosaic_0001>
#map = affine_map<(d0, d1) -> (0, 0)>
#map1 = affine_map<(d0, d1) -> (0, 0, 0, 0)>
module attributes {stable_mosaic.version = 14 : i64} {
  func.func @sc_msgs(%arg0: i32, %arg1: i32, %arg2: memref<40000x128xf32, #tpu.memory_space<hbm>>, %arg3: memref<32x4x25x100xi32, #tpu.memory_space<hbm>>, %arg4: memref<32x4x25x100xi32, #tpu.memory_space<hbm>>, %arg5: memref<2x16x632x128xf32, #tpu.memory_space<hbm>>, %arg6: memref<25x100xi32, #tpu.memory_space<vmem>>, %arg7: memref<25x100xi32, #tpu.memory_space<vmem>>, %arg8: memref<100x128xf32, #tpu.memory_space<vmem>>, %arg9: memref<100x128xf32, #tpu.memory_space<vmem>>, %arg10: memref<100x128xf32, #tpu.memory_space<vmem>>, %arg11: memref<10112x128xf32, #tpu.memory_space<vmem_shared>>, %arg12: memref<!tpu.dma_semaphore, #tpu.memory_space<semaphore_mem>>, %arg13: memref<!tpu.dma_semaphore, #tpu.memory_space<semaphore_mem>>, %arg14: memref<!tpu.dma_semaphore, #tpu.memory_space<semaphore_mem>>, %arg15: memref<!tpu.dma_semaphore, #tpu.memory_space<semaphore_mem>>, %arg16: memref<!tpu.dma_semaphore, #tpu.memory_space<semaphore_mem>>, %arg17: memref<!tpu.dma_semaphore, #tpu.memory_space<semaphore_mem>>) attributes {dimension_semantics = [#tpu.dimension_semantics<core_parallel>, #tpu.dimension_semantics<subcore_parallel>], iteration_bounds = array<i64: 2, 16>, scalar_prefetch = 0 : i64, scratch_operands = 12 : i64, tpu.core_type = #tpu.core_type<sc_vector_subcore>, window_params = [{transform_indices = #map}, {transform_indices = #map1}, {transform_indices = #map1}, {transform_indices = #map1}]} {
    %mul3A = arith.constant 2 : i32
    %mul3A_0 = arith.muli %arg1, %mul3A : i32
    %add3A = arith.addi %mul3A_0, %arg0 : i32
    %broadcast_in_dim3A = arith.constant 0.000000e+00 : f32
    %broadcast_in_dim3A_1 = vector.broadcast %broadcast_in_dim3A : f32 to vector<16xf32>
    %scan3A = arith.constant 0 : i32
    %scan3A_2 = arith.constant 0 : i32
    %scan3A_3 = arith.constant 8 : i32
    %scan3A_4 = arith.addi %scan3A_2, %scan3A_3 : i32
    %scan3A_5 = arith.constant 1 : i32
    scf.for %scan3A_247 = %scan3A_2 to %scan3A_4 step %scan3A_5  : i32 {
      %swap3A = arith.index_cast %scan3A_247 : i32 to index
      %swap3A_248 = arith.constant 0 : index
      %swap3A_249 = tpu.vector_load %arg8[%swap3A, %swap3A_248] {strides = array<i32>} : memref<100x128xf32, #tpu.memory_space<vmem>>, vector<1x16xf32>,
      %swap3A_250 = vector.shape_cast %swap3A_249 : vector<1x16xf32> to vector<16xf32>
      %swap3A_251 = vector.shape_cast %broadcast_in_dim3A_1 : vector<16xf32> to vector<1x16xf32>
      tpu.vector_store %arg8[%swap3A, %swap3A_248], %swap3A_251 {strides = array<i32>} : memref<100x128xf32, #tpu.memory_space<vmem>>, vector<1x16xf32>,
      %swap3A_252 = arith.index_cast %scan3A_247 : i32 to index
      %swap3A_253 = arith.constant 16 : index
      %swap3A_254 = tpu.vector_load %arg8[%swap3A_252, %swap3A_253] {strides = array<i32>} : memref<100x128xf32, #tpu.memory_space<vmem>>, vector<1x16xf32>,
      %swap3A_255 = vector.shape_cast %swap3A_254 : vector<1x16xf32> to vector<16xf32>
      %swap3A_256 = vector.shape_cast %broadcast_in_dim3A_1 : vector<16xf32> to vector<1x16xf32>
      tpu.vector_store %arg8[%swap3A_252, %swap3A_253], %swap3A_256 {strides = array<i32>} : memref<100x128xf32, #tpu.memory_space<vmem>>, vector<1x16xf32>,
      %swap3A_257 = arith.index_cast %scan3A_247 : i32 to index
      %swap3A_258 = arith.constant 32 : index
      %swap3A_259 = tpu.vector_load %arg8[%swap3A_257, %swap3A_258] {strides = array<i32>} : memref<100x128xf32, #tpu.memory_space<vmem>>, vector<1x16xf32>,
      %swap3A_260 = vector.shape_cast %swap3A_259 : vector<1x16xf32> to vector<16xf32>
      %swap3A_261 = vector.shape_cast %broadcast_in_dim3A_1 : vector<16xf32> to vector<1x16xf32>
      tpu.vector_store %arg8[%swap3A_257, %swap3A_258], %swap3A_261 {strides = array<i32>} : memref<100x128xf32, #tpu.memory_space<vmem>>, vector<1x16xf32>,
      %swap3A_262 = arith.index_cast %scan3A_247 : i32 to index
      %swap3A_263 = arith.constant 48 : index
      %swap3A_264 = tpu.vector_load %arg8[%swap3A_262, %swap3A_263] {strides = array<i32>} : memref<100x128xf32, #tpu.memory_space<vmem>>, vector<1x16xf32>,
      %swap3A_265 = vector.shape_cast %swap3A_264 : vector<1x16xf32> to vector<16xf32>
      %swap3A_266 = vector.shape_cast %broadcast_in_dim3A_1 : vector<16xf32> to vector<1x16xf32>
      tpu.vector_store %arg8[%swap3A_262, %swap3A_263], %swap3A_266 {strides = array<i32>} : memref<100x128xf32, #tpu.memory_space<vmem>>, vector<1x16xf32>,
      %swap3A_267 = arith.index_cast %scan3A_247 : i32 to index
      %swap3A_268 = arith.constant 64 : index
      %swap3A_269 = tpu.vector_load %arg8[%swap3A_267, %swap3A_268] {strides = array<i32>} : memref<100x128xf32, #tpu.memory_space<vmem>>, vector<1x16xf32>,
      %swap3A_270 = vector.shape_cast %swap3A_269 : vector<1x16xf32> to vector<16xf32>
      %swap3A_271 = vector.shape_cast %broadcast_in_dim3A_1 : vector<16xf32> to vector<1x16xf32>
      tpu.vector_store %arg8[%swap3A_267, %swap3A_268], %swap3A_271 {strides = array<i32>} : memref<100x128xf32, #tpu.memory_space<vmem>>, vector<1x16xf32>,
      %swap3A_272 = arith.index_cast %scan3A_247 : i32 to index
      %swap3A_273 = arith.constant 80 : index
      %swap3A_274 = tpu.vector_load %arg8[%swap3A_272, %swap3A_273] {strides = array<i32>} : memref<100x128xf32, #tpu.memory_space<vmem>>, vector<1x16xf32>,
      %swap3A_275 = vector.shape_cast %swap3A_274 : vector<1x16xf32> to vector<16xf32>
      %swap3A_276 = vector.shape_cast %broadcast_in_dim3A_1 : vector<16xf32> to vector<1x16xf32>
      tpu.vector_store %arg8[%swap3A_272, %swap3A_273], %swap3A_276 {strides = array<i32>} : memref<100x128xf32, #tpu.memory_space<vmem>>, vector<1x16xf32>,
      %swap3A_277 = arith.index_cast %scan3A_247 : i32 to index
      %swap3A_278 = arith.constant 96 : index
      %swap3A_279 = tpu.vector_load %arg8[%swap3A_277, %swap3A_278] {strides = array<i32>} : memref<100x128xf32, #tpu.memory_space<vmem>>, vector<1x16xf32>,
      %swap3A_280 = vector.shape_cast %swap3A_279 : vector<1x16xf32> to vector<16xf32>
      %swap3A_281 = vector.shape_cast %broadcast_in_dim3A_1 : vector<16xf32> to vector<1x16xf32>
      tpu.vector_store %arg8[%swap3A_277, %swap3A_278], %swap3A_281 {strides = array<i32>} : memref<100x128xf32, #tpu.memory_space<vmem>>, vector<1x16xf32>,
      %swap3A_282 = arith.index_cast %scan3A_247 : i32 to index
      %swap3A_283 = arith.constant 112 : index
      %swap3A_284 = tpu.vector_load %arg8[%swap3A_282, %swap3A_283] {strides = array<i32>} : memref<100x128xf32, #tpu.memory_space<vmem>>, vector<1x16xf32>,
      %swap3A_285 = vector.shape_cast %swap3A_284 : vector<1x16xf32> to vector<16xf32>
      %swap3A_286 = vector.shape_cast %broadcast_in_dim3A_1 : vector<16xf32> to vector<1x16xf32>
      tpu.vector_store %arg8[%swap3A_282, %swap3A_283], %swap3A_286 {strides = array<i32>} : memref<100x128xf32, #tpu.memory_space<vmem>>, vector<1x16xf32>,
    }
    %scan3A_6 = arith.constant 8 : i32
    %scan3A_7 = arith.constant 0 : i32
    %scan3A_8 = arith.constant 0 : i32
    %scan3A_9 = arith.constant 79 : i32
    %scan3A_10 = arith.addi %scan3A_8, %scan3A_9 : i32
    %scan3A_11 = arith.constant 1 : i32
    scf.for %scan3A_247 = %scan3A_8 to %scan3A_10 step %scan3A_11  : i32 {
      %mul3A_248 = arith.constant 632 : i32
      %mul3A_249 = arith.muli %arg1, %mul3A_248 : i32
      %mul3A_250 = arith.constant 8 : i32
      %mul3A_251 = arith.muli %scan3A_247, %mul3A_250 : i32
      %add3A_252 = arith.addi %mul3A_249, %mul3A_251 : i32
      %dma_start3A_253 = arith.constant 0 : i32
      %dma_start3A_254 = arith.constant 0 : i32
      %dma_start3A_255 = tpu.memref_slice %arg8[%dma_start3A_253, %dma_start3A_254] : memref<100x128xf32, #tpu.memory_space<vmem>> -> memref<8x128xf32, #tpu.memory_space<vmem>>
      %dma_start3A_256 = arith.constant 0 : i32
      %dma_start3A_257 = tpu.memref_slice %arg11[%add3A_252, %dma_start3A_256] : memref<10112x128xf32, #tpu.memory_space<vmem_shared>> -> memref<8x128xf32, #tpu.memory_space<vmem_shared>>
      %dma_start3A_258 = arith.constant 0 : i32
      %dma_start3A_259 = tpu.memref_slice %arg11[%add3A_252, %dma_start3A_258] : memref<10112x128xf32, #tpu.memory_space<vmem_shared>> -> memref<8x128xf32, #tpu.memory_space<vmem_shared>>
      %dma_start3A_260 = arith.constant 0 : i32
      %dma_start3A_261 = arith.constant 0 : i32
      %dma_start3A_262 = tpu.memref_slice %arg8[%dma_start3A_260, %dma_start3A_261] : memref<100x128xf32, #tpu.memory_space<vmem>> -> memref<8x128xf32, #tpu.memory_space<vmem>>
      tpu.enqueue_dma source(%dma_start3A_262 : memref<8x128xf32, #tpu.memory_space<vmem>>) target(%dma_start3A_259 : memref<8x128xf32, #tpu.memory_space<vmem_shared>>) target_semaphore(%arg12 : memref<!tpu.dma_semaphore, #tpu.memory_space<semaphore_mem>>)
    }
    %scan3A_12 = arith.constant 79 : i32
    %scan3A_13 = arith.constant 0 : i32
    %scan3A_14 = arith.constant 0 : i32
    %scan3A_15 = arith.constant 79 : i32
    %scan3A_16 = arith.addi %scan3A_14, %scan3A_15 : i32
    %scan3A_17 = arith.constant 1 : i32
    scf.for %scan3A_247 = %scan3A_14 to %scan3A_16 step %scan3A_17  : i32 {
      %mul3A_248 = arith.constant 632 : i32
      %mul3A_249 = arith.muli %arg1, %mul3A_248 : i32
      %mul3A_250 = arith.constant 8 : i32
      %mul3A_251 = arith.muli %scan3A_247, %mul3A_250 : i32
      %add3A_252 = arith.addi %mul3A_249, %mul3A_251 : i32
      %dma_wait3A_253 = arith.constant 0 : i32
      %dma_wait3A_254 = arith.constant 0 : i32
      %dma_wait3A_255 = tpu.memref_slice %arg8[%dma_wait3A_253, %dma_wait3A_254] : memref<100x128xf32, #tpu.memory_space<vmem>> -> memref<8x128xf32, #tpu.memory_space<vmem>>
      %dma_wait3A_256 = arith.constant 0 : i32
      %dma_wait3A_257 = tpu.memref_slice %arg11[%add3A_252, %dma_wait3A_256] : memref<10112x128xf32, #tpu.memory_space<vmem_shared>> -> memref<8x128xf32, #tpu.memory_space<vmem_shared>>
      %dma_wait3A_258 = arith.constant 0 : i32
      %dma_wait3A_259 = tpu.memref_slice %arg11[%add3A_252, %dma_wait3A_258] : memref<10112x128xf32, #tpu.memory_space<vmem_shared>> -> memref<8x128xf32, #tpu.memory_space<vmem_shared>>
      %dma_wait3A_260 = arith.constant 0 : i32
      %dma_wait3A_261 = arith.constant 0 : i32
      %dma_wait3A_262 = tpu.memref_slice %arg8[%dma_wait3A_260, %dma_wait3A_261] : memref<100x128xf32, #tpu.memory_space<vmem>> -> memref<8x128xf32, #tpu.memory_space<vmem>>
      tpu.wait_dma2 semaphore(%arg12 : memref<!tpu.dma_semaphore, #tpu.memory_space<semaphore_mem>>) src(%dma_wait3A_262 : memref<8x128xf32, #tpu.memory_space<vmem>>) dst(%dma_wait3A_259 : memref<8x128xf32, #tpu.memory_space<vmem_shared>>)
    }
    %scan3A_18 = arith.constant 79 : i32
    %barrier3A = arith.constant 0 : index
    tpu.barrier barrier_id(%barrier3A)
    %run_scoped3A = arith.constant 0 : i32
    "tpu.region"() ({
      %run_scoped3A_247 = tpu.sem_alloc : memref<!tpu.dma_semaphore, #tpu.memory_space<semaphore_mem>>
      %dma_start3A_248 = arith.constant 0 : i32
      %dma_start3A_249 = arith.constant 0 : i32
      %dma_start3A_250 = tpu.memref_slice %arg3[%add3A, %run_scoped3A, %dma_start3A_248, %dma_start3A_249] : memref<32x4x25x100xi32, #tpu.memory_space<hbm>> -> memref<1x1x25x100xi32, #tpu.memory_space<hbm>>
      %dma_start3A_251 = tpu.memref_squeeze %dma_start3A_250 : memref<1x1x25x100xi32, #tpu.memory_space<hbm>> -> memref<25x100xi32, #tpu.memory_space<hbm>>
      %dma_start3A_252 = arith.constant 0 : i32
      %dma_start3A_253 = arith.constant 0 : i32
      %dma_start3A_254 = tpu.memref_slice %arg3[%add3A, %run_scoped3A, %dma_start3A_252, %dma_start3A_253] : memref<32x4x25x100xi32, #tpu.memory_space<hbm>> -> memref<1x1x25x100xi32, #tpu.memory_space<hbm>>
      %dma_start3A_255 = tpu.memref_squeeze %dma_start3A_254 : memref<1x1x25x100xi32, #tpu.memory_space<hbm>> -> memref<25x100xi32, #tpu.memory_space<hbm>>
      tpu.enqueue_dma source(%dma_start3A_255 : memref<25x100xi32, #tpu.memory_space<hbm>>) target(%arg6 : memref<25x100xi32, #tpu.memory_space<vmem>>) target_semaphore(%run_scoped3A_247 : memref<!tpu.dma_semaphore, #tpu.memory_space<semaphore_mem>>)
      %dma_wait3A_256 = arith.constant 0 : i32
      %dma_wait3A_257 = arith.constant 0 : i32
      %dma_wait3A_258 = tpu.memref_slice %arg3[%add3A, %run_scoped3A, %dma_wait3A_256, %dma_wait3A_257] : memref<32x4x25x100xi32, #tpu.memory_space<hbm>> -> memref<1x1x25x100xi32, #tpu.memory_space<hbm>>
      %dma_wait3A_259 = tpu.memref_squeeze %dma_wait3A_258 : memref<1x1x25x100xi32, #tpu.memory_space<hbm>> -> memref<25x100xi32, #tpu.memory_space<hbm>>
      %dma_wait3A_260 = arith.constant 0 : i32
      %dma_wait3A_261 = arith.constant 0 : i32
      %dma_wait3A_262 = tpu.memref_slice %arg3[%add3A, %run_scoped3A, %dma_wait3A_260, %dma_wait3A_261] : memref<32x4x25x100xi32, #tpu.memory_space<hbm>> -> memref<1x1x25x100xi32, #tpu.memory_space<hbm>>
      %dma_wait3A_263 = tpu.memref_squeeze %dma_wait3A_262 : memref<1x1x25x100xi32, #tpu.memory_space<hbm>> -> memref<25x100xi32, #tpu.memory_space<hbm>>
      tpu.wait_dma2 semaphore(%run_scoped3A_247 : memref<!tpu.dma_semaphore, #tpu.memory_space<semaphore_mem>>) src(%dma_wait3A_263 : memref<25x100xi32, #tpu.memory_space<hbm>>) dst(%arg6 : memref<25x100xi32, #tpu.memory_space<vmem>>)
      tpu.yield
    }) : () -> ()
    %run_scoped3A_19 = arith.constant 0 : i32
    "tpu.region"() ({
      %run_scoped3A_247 = tpu.sem_alloc : memref<!tpu.dma_semaphore, #tpu.memory_space<semaphore_mem>>
      %dma_start3A_248 = arith.constant 0 : i32
      %dma_start3A_249 = arith.constant 0 : i32
      %dma_start3A_250 = tpu.memref_slice %arg4[%add3A, %run_scoped3A_19, %dma_start3A_248, %dma_start3A_249] : memref<32x4x25x100xi32, #tpu.memory_space<hbm>> -> memref<1x1x25x100xi32, #tpu.memory_space<hbm>>
      %dma_start3A_251 = tpu.memref_squeeze %dma_start3A_250 : memref<1x1x25x100xi32, #tpu.memory_space<hbm>> -> memref<25x100xi32, #tpu.memory_space<hbm>>
      %dma_start3A_252 = arith.constant 0 : i32
      %dma_start3A_253 = arith.constant 0 : i32
      %dma_start3A_254 = tpu.memref_slice %arg4[%add3A, %run_scoped3A_19, %dma_start3A_252, %dma_start3A_253] : memref<32x4x25x100xi32, #tpu.memory_space<hbm>> -> memref<1x1x25x100xi32, #tpu.memory_space<hbm>>
      %dma_start3A_255 = tpu.memref_squeeze %dma_start3A_254 : memref<1x1x25x100xi32, #tpu.memory_space<hbm>> -> memref<25x100xi32, #tpu.memory_space<hbm>>
      tpu.enqueue_dma source(%dma_start3A_255 : memref<25x100xi32, #tpu.memory_space<hbm>>) target(%arg7 : memref<25x100xi32, #tpu.memory_space<vmem>>) target_semaphore(%run_scoped3A_247 : memref<!tpu.dma_semaphore, #tpu.memory_space<semaphore_mem>>)
      %dma_wait3A_256 = arith.constant 0 : i32
      %dma_wait3A_257 = arith.constant 0 : i32
      %dma_wait3A_258 = tpu.memref_slice %arg4[%add3A, %run_scoped3A_19, %dma_wait3A_256, %dma_wait3A_257] : memref<32x4x25x100xi32, #tpu.memory_space<hbm>> -> memref<1x1x25x100xi32, #tpu.memory_space<hbm>>
      %dma_wait3A_259 = tpu.memref_squeeze %dma_wait3A_258 : memref<1x1x25x100xi32, #tpu.memory_space<hbm>> -> memref<25x100xi32, #tpu.memory_space<hbm>>
      %dma_wait3A_260 = arith.constant 0 : i32
      %dma_wait3A_261 = arith.constant 0 : i32
      %dma_wait3A_262 = tpu.memref_slice %arg4[%add3A, %run_scoped3A_19, %dma_wait3A_260, %dma_wait3A_261] : memref<32x4x25x100xi32, #tpu.memory_space<hbm>> -> memref<1x1x25x100xi32, #tpu.memory_space<hbm>>
      %dma_wait3A_263 = tpu.memref_squeeze %dma_wait3A_262 : memref<1x1x25x100xi32, #tpu.memory_space<hbm>> -> memref<25x100xi32, #tpu.memory_space<hbm>>
      tpu.wait_dma2 semaphore(%run_scoped3A_247 : memref<!tpu.dma_semaphore, #tpu.memory_space<semaphore_mem>>) src(%dma_wait3A_263 : memref<25x100xi32, #tpu.memory_space<hbm>>) dst(%arg7 : memref<25x100xi32, #tpu.memory_space<vmem>>)
      tpu.yield
    }) : () -> ()
    %dma_start3A = arith.constant 0 : i32
    %dma_start3A_20 = arith.constant 0 : i32
    %dma_start3A_21 = tpu.memref_slice %arg6[%dma_start3A, %dma_start3A_20] : memref<25x100xi32, #tpu.memory_space<vmem>> -> memref<1x100xi32, #tpu.memory_space<vmem>>
    %dma_start3A_22 = tpu.memref_squeeze %dma_start3A_21 : memref<1x100xi32, #tpu.memory_space<vmem>> -> memref<100xi32, #tpu.memory_space<vmem>>
    %dma_start3A_23 = arith.constant 0 : i32
    %dma_start3A_24 = arith.constant 0 : i32
    %dma_start3A_25 = tpu.memref_slice %arg2[%dma_start3A_23, %dma_start3A_24] : memref<40000x128xf32, #tpu.memory_space<hbm>> -> memref<40000x128xf32, #tpu.memory_space<hbm>>
    tpu.enqueue_indirect_dma source(%dma_start3A_25 : memref<40000x128xf32, #tpu.memory_space<hbm>>) target(%arg8 : memref<100x128xf32, #tpu.memory_space<vmem>>) offsets(%dma_start3A_22 : memref<100xi32, #tpu.memory_space<vmem>>) semaphore(%arg12 : memref<!tpu.dma_semaphore, #tpu.memory_space<semaphore_mem>>)
    %dma_start3A_26 = arith.constant 1 : i32
    %dma_start3A_27 = arith.constant 0 : i32
    %dma_start3A_28 = tpu.memref_slice %arg6[%dma_start3A_26, %dma_start3A_27] : memref<25x100xi32, #tpu.memory_space<vmem>> -> memref<1x100xi32, #tpu.memory_space<vmem>>
    %dma_start3A_29 = tpu.memref_squeeze %dma_start3A_28 : memref<1x100xi32, #tpu.memory_space<vmem>> -> memref<100xi32, #tpu.memory_space<vmem>>
    %dma_start3A_30 = arith.constant 0 : i32
    %dma_start3A_31 = arith.constant 0 : i32
    %dma_start3A_32 = tpu.memref_slice %arg2[%dma_start3A_30, %dma_start3A_31] : memref<40000x128xf32, #tpu.memory_space<hbm>> -> memref<40000x128xf32, #tpu.memory_space<hbm>>
    tpu.enqueue_indirect_dma source(%dma_start3A_32 : memref<40000x128xf32, #tpu.memory_space<hbm>>) target(%arg9 : memref<100x128xf32, #tpu.memory_space<vmem>>) offsets(%dma_start3A_29 : memref<100xi32, #tpu.memory_space<vmem>>) semaphore(%arg13 : memref<!tpu.dma_semaphore, #tpu.memory_space<semaphore_mem>>)
    %scan3A_33 = arith.constant 0 : i32
    %scan3A_34 = arith.constant 0 : i32
    %scan3A_35 = arith.constant 8 : i32
    %scan3A_36 = arith.addi %scan3A_34, %scan3A_35 : i32
    %scan3A_37 = arith.constant 1 : i32
    scf.for %scan3A_247 = %scan3A_34 to %scan3A_36 step %scan3A_37  : i32 {
      %mul3A_248 = arith.constant 3 : i32
      %mul3A_249 = arith.muli %mul3A_248, %scan3A_247 : i32
      %add3A_250 = arith.constant 0 : i32
      %add3A_251 = arith.addi %mul3A_249, %add3A_250 : i32
      %dma_wait3A_252 = arith.constant 0 : i32
      %dma_wait3A_253 = tpu.memref_slice %arg6[%add3A_251, %dma_wait3A_252] : memref<25x100xi32, #tpu.memory_space<vmem>> -> memref<1x100xi32, #tpu.memory_space<vmem>>
      %dma_wait3A_254 = tpu.memref_squeeze %dma_wait3A_253 : memref<1x100xi32, #tpu.memory_space<vmem>> -> memref<100xi32, #tpu.memory_space<vmem>>
      %dma_wait3A_255 = arith.constant 0 : i32
      %dma_wait3A_256 = arith.constant 0 : i32
      %dma_wait3A_257 = tpu.memref_slice %arg2[%dma_wait3A_255, %dma_wait3A_256] : memref<40000x128xf32, #tpu.memory_space<hbm>> -> memref<40000x128xf32, #tpu.memory_space<hbm>>
      tpu.wait_indirect_dma semaphore(%arg12 : memref<!tpu.dma_semaphore, #tpu.memory_space<semaphore_mem>>) src(%dma_wait3A_257 : memref<40000x128xf32, #tpu.memory_space<hbm>>) dst(%arg8 : memref<100x128xf32, #tpu.memory_space<vmem>>)
      %dma_start3A_258 = arith.constant 0 : i32
      %dma_start3A_259 = tpu.memref_slice %arg7[%add3A_251, %dma_start3A_258] : memref<25x100xi32, #tpu.memory_space<vmem>> -> memref<1x100xi32, #tpu.memory_space<vmem>>
      %dma_start3A_260 = tpu.memref_squeeze %dma_start3A_259 : memref<1x100xi32, #tpu.memory_space<vmem>> -> memref<100xi32, #tpu.memory_space<vmem>>
      %dma_start3A_261 = arith.constant 0 : i32
      %dma_start3A_262 = arith.constant 0 : i32
      %dma_start3A_263 = tpu.memref_slice %arg11[%dma_start3A_261, %dma_start3A_262] : memref<10112x128xf32, #tpu.memory_space<vmem_shared>> -> memref<10112x128xf32, #tpu.memory_space<vmem_shared>>
      tpu.enqueue_indirect_dma source(%arg8 : memref<100x128xf32, #tpu.memory_space<vmem>>) target(%dma_start3A_263 : memref<10112x128xf32, #tpu.memory_space<vmem_shared>>) offsets(%dma_start3A_260 : memref<100xi32, #tpu.memory_space<vmem>>) semaphore(%arg15 : memref<!tpu.dma_semaphore, #tpu.memory_space<semaphore_mem>>) {add = true}
      %add3A_264 = arith.constant 2 : i32
      %add3A_265 = arith.addi %add3A_251, %add3A_264 : i32
      %lt3A = arith.constant 25 : i32
      %lt3A_266 = arith.cmpi slt, %add3A_265, %lt3A : i32
      %convert_element_type3A = arith.extui %lt3A_266 : i1 to i32
      %cond3A = arith.constant 0 : i32
      %cond3A_267 = arith.cmpi ne, %convert_element_type3A, %cond3A : i32
      scf.if %cond3A_267 {
        %ge3A = arith.constant 1 : i32
        %ge3A_314 = arith.cmpi sge, %add3A_251, %ge3A : i32
        %convert_element_type3A_315 = arith.extui %ge3A_314 : i1 to i32
        %cond3A_316 = arith.constant 0 : i32
        %cond3A_317 = arith.cmpi ne, %convert_element_type3A_315, %cond3A_316 : i32
        scf.if %cond3A_317 {
          %sub3A = arith.constant 1 : i32
          %sub3A_326 = arith.subi %add3A_251, %sub3A : i32
          %dma_wait3A_327 = arith.constant 0 : i32
          %dma_wait3A_328 = tpu.memref_slice %arg7[%sub3A_326, %dma_wait3A_327] : memref<25x100xi32, #tpu.memory_space<vmem>> -> memref<1x100xi32, #tpu.memory_space<vmem>>
          %dma_wait3A_329 = tpu.memref_squeeze %dma_wait3A_328 : memref<1x100xi32, #tpu.memory_space<vmem>> -> memref<100xi32, #tpu.memory_space<vmem>>
          %dma_wait3A_330 = arith.constant 0 : i32
          %dma_wait3A_331 = arith.constant 0 : i32
          %dma_wait3A_332 = tpu.memref_slice %arg11[%dma_wait3A_330, %dma_wait3A_331] : memref<10112x128xf32, #tpu.memory_space<vmem_shared>> -> memref<10112x128xf32, #tpu.memory_space<vmem_shared>>
          tpu.wait_indirect_dma semaphore(%arg17 : memref<!tpu.dma_semaphore, #tpu.memory_space<semaphore_mem>>) src(%arg10 : memref<100x128xf32, #tpu.memory_space<vmem>>) dst(%dma_wait3A_332 : memref<10112x128xf32, #tpu.memory_space<vmem_shared>>)
        } else {
        }
        %add3A_318 = arith.constant 2 : i32
        %add3A_319 = arith.addi %add3A_251, %add3A_318 : i32
        %dma_start3A_320 = arith.constant 0 : i32
        %dma_start3A_321 = tpu.memref_slice %arg6[%add3A_319, %dma_start3A_320] : memref<25x100xi32, #tpu.memory_space<vmem>> -> memref<1x100xi32, #tpu.memory_space<vmem>>
        %dma_start3A_322 = tpu.memref_squeeze %dma_start3A_321 : memref<1x100xi32, #tpu.memory_space<vmem>> -> memref<100xi32, #tpu.memory_space<vmem>>
        %dma_start3A_323 = arith.constant 0 : i32
        %dma_start3A_324 = arith.constant 0 : i32
        %dma_start3A_325 = tpu.memref_slice %arg2[%dma_start3A_323, %dma_start3A_324] : memref<40000x128xf32, #tpu.memory_space<hbm>> -> memref<40000x128xf32, #tpu.memory_space<hbm>>
        tpu.enqueue_indirect_dma source(%dma_start3A_325 : memref<40000x128xf32, #tpu.memory_space<hbm>>) target(%arg10 : memref<100x128xf32, #tpu.memory_space<vmem>>) offsets(%dma_start3A_322 : memref<100xi32, #tpu.memory_space<vmem>>) semaphore(%arg14 : memref<!tpu.dma_semaphore, #tpu.memory_space<semaphore_mem>>)
      } else {
      }
      %mul3A_268 = arith.constant 3 : i32
      %mul3A_269 = arith.muli %mul3A_268, %scan3A_247 : i32
      %add3A_270 = arith.constant 1 : i32
      %add3A_271 = arith.addi %mul3A_269, %add3A_270 : i32
      %dma_wait3A_272 = arith.constant 0 : i32
      %dma_wait3A_273 = tpu.memref_slice %arg6[%add3A_271, %dma_wait3A_272] : memref<25x100xi32, #tpu.memory_space<vmem>> -> memref<1x100xi32, #tpu.memory_space<vmem>>
      %dma_wait3A_274 = tpu.memref_squeeze %dma_wait3A_273 : memref<1x100xi32, #tpu.memory_space<vmem>> -> memref<100xi32, #tpu.memory_space<vmem>>
      %dma_wait3A_275 = arith.constant 0 : i32
      %dma_wait3A_276 = arith.constant 0 : i32
      %dma_wait3A_277 = tpu.memref_slice %arg2[%dma_wait3A_275, %dma_wait3A_276] : memref<40000x128xf32, #tpu.memory_space<hbm>> -> memref<40000x128xf32, #tpu.memory_space<hbm>>
      tpu.wait_indirect_dma semaphore(%arg13 : memref<!tpu.dma_semaphore, #tpu.memory_space<semaphore_mem>>) src(%dma_wait3A_277 : memref<40000x128xf32, #tpu.memory_space<hbm>>) dst(%arg9 : memref<100x128xf32, #tpu.memory_space<vmem>>)
      %dma_start3A_278 = arith.constant 0 : i32
      %dma_start3A_279 = tpu.memref_slice %arg7[%add3A_271, %dma_start3A_278] : memref<25x100xi32, #tpu.memory_space<vmem>> -> memref<1x100xi32, #tpu.memory_space<vmem>>
      %dma_start3A_280 = tpu.memref_squeeze %dma_start3A_279 : memref<1x100xi32, #tpu.memory_space<vmem>> -> memref<100xi32, #tpu.memory_space<vmem>>
      %dma_start3A_281 = arith.constant 0 : i32
      %dma_start3A_282 = arith.constant 0 : i32
      %dma_start3A_283 = tpu.memref_slice %arg11[%dma_start3A_281, %dma_start3A_282] : memref<10112x128xf32, #tpu.memory_space<vmem_shared>> -> memref<10112x128xf32, #tpu.memory_space<vmem_shared>>
      tpu.enqueue_indirect_dma source(%arg9 : memref<100x128xf32, #tpu.memory_space<vmem>>) target(%dma_start3A_283 : memref<10112x128xf32, #tpu.memory_space<vmem_shared>>) offsets(%dma_start3A_280 : memref<100xi32, #tpu.memory_space<vmem>>) semaphore(%arg16 : memref<!tpu.dma_semaphore, #tpu.memory_space<semaphore_mem>>) {add = true}
      %add3A_284 = arith.constant 2 : i32
      %add3A_285 = arith.addi %add3A_271, %add3A_284 : i32
      %lt3A_286 = arith.constant 25 : i32
      %lt3A_287 = arith.cmpi slt, %add3A_285, %lt3A_286 : i32
      %convert_element_type3A_288 = arith.extui %lt3A_287 : i1 to i32
      %cond3A_289 = arith.constant 0 : i32
      %cond3A_290 = arith.cmpi ne, %convert_element_type3A_288, %cond3A_289 : i32
      scf.if %cond3A_290 {
        %ge3A = arith.constant 1 : i32
        %ge3A_314 = arith.cmpi sge, %add3A_271, %ge3A : i32
        %convert_element_type3A_315 = arith.extui %ge3A_314 : i1 to i32
        %cond3A_316 = arith.constant 0 : i32
        %cond3A_317 = arith.cmpi ne, %convert_element_type3A_315, %cond3A_316 : i32
        scf.if %cond3A_317 {
          %sub3A = arith.constant 1 : i32
          %sub3A_326 = arith.subi %add3A_271, %sub3A : i32
          %dma_wait3A_327 = arith.constant 0 : i32
          %dma_wait3A_328 = tpu.memref_slice %arg7[%sub3A_326, %dma_wait3A_327] : memref<25x100xi32, #tpu.memory_space<vmem>> -> memref<1x100xi32, #tpu.memory_space<vmem>>
          %dma_wait3A_329 = tpu.memref_squeeze %dma_wait3A_328 : memref<1x100xi32, #tpu.memory_space<vmem>> -> memref<100xi32, #tpu.memory_space<vmem>>
          %dma_wait3A_330 = arith.constant 0 : i32
          %dma_wait3A_331 = arith.constant 0 : i32
          %dma_wait3A_332 = tpu.memref_slice %arg11[%dma_wait3A_330, %dma_wait3A_331] : memref<10112x128xf32, #tpu.memory_space<vmem_shared>> -> memref<10112x128xf32, #tpu.memory_space<vmem_shared>>
          tpu.wait_indirect_dma semaphore(%arg15 : memref<!tpu.dma_semaphore, #tpu.memory_space<semaphore_mem>>) src(%arg8 : memref<100x128xf32, #tpu.memory_space<vmem>>) dst(%dma_wait3A_332 : memref<10112x128xf32, #tpu.memory_space<vmem_shared>>)
        } else {
        }
        %add3A_318 = arith.constant 2 : i32
        %add3A_319 = arith.addi %add3A_271, %add3A_318 : i32
        %dma_start3A_320 = arith.constant 0 : i32
        %dma_start3A_321 = tpu.memref_slice %arg6[%add3A_319, %dma_start3A_320] : memref<25x100xi32, #tpu.memory_space<vmem>> -> memref<1x100xi32, #tpu.memory_space<vmem>>
        %dma_start3A_322 = tpu.memref_squeeze %dma_start3A_321 : memref<1x100xi32, #tpu.memory_space<vmem>> -> memref<100xi32, #tpu.memory_space<vmem>>
        %dma_start3A_323 = arith.constant 0 : i32
        %dma_start3A_324 = arith.constant 0 : i32
        %dma_start3A_325 = tpu.memref_slice %arg2[%dma_start3A_323, %dma_start3A_324] : memref<40000x128xf32, #tpu.memory_space<hbm>> -> memref<40000x128xf32, #tpu.memory_space<hbm>>
        tpu.enqueue_indirect_dma source(%dma_start3A_325 : memref<40000x128xf32, #tpu.memory_space<hbm>>) target(%arg8 : memref<100x128xf32, #tpu.memory_space<vmem>>) offsets(%dma_start3A_322 : memref<100xi32, #tpu.memory_space<vmem>>) semaphore(%arg12 : memref<!tpu.dma_semaphore, #tpu.memory_space<semaphore_mem>>)
      } else {
      }
      %mul3A_291 = arith.constant 3 : i32
      %mul3A_292 = arith.muli %mul3A_291, %scan3A_247 : i32
      %add3A_293 = arith.constant 2 : i32
      %add3A_294 = arith.addi %mul3A_292, %add3A_293 : i32
      %dma_wait3A_295 = arith.constant 0 : i32
      %dma_wait3A_296 = tpu.memref_slice %arg6[%add3A_294, %dma_wait3A_295] : memref<25x100xi32, #tpu.memory_space<vmem>> -> memref<1x100xi32, #tpu.memory_space<vmem>>
      %dma_wait3A_297 = tpu.memref_squeeze %dma_wait3A_296 : memref<1x100xi32, #tpu.memory_space<vmem>> -> memref<100xi32, #tpu.memory_space<vmem>>
      %dma_wait3A_298 = arith.constant 0 : i32
      %dma_wait3A_299 = arith.constant 0 : i32
      %dma_wait3A_300 = tpu.memref_slice %arg2[%dma_wait3A_298, %dma_wait3A_299] : memref<40000x128xf32, #tpu.memory_space<hbm>> -> memref<40000x128xf32, #tpu.memory_space<hbm>>
      tpu.wait_indirect_dma semaphore(%arg14 : memref<!tpu.dma_semaphore, #tpu.memory_space<semaphore_mem>>) src(%dma_wait3A_300 : memref<40000x128xf32, #tpu.memory_space<hbm>>) dst(%arg10 : memref<100x128xf32, #tpu.memory_space<vmem>>)
      %dma_start3A_301 = arith.constant 0 : i32
      %dma_start3A_302 = tpu.memref_slice %arg7[%add3A_294, %dma_start3A_301] : memref<25x100xi32, #tpu.memory_space<vmem>> -> memref<1x100xi32, #tpu.memory_space<vmem>>
      %dma_start3A_303 = tpu.memref_squeeze %dma_start3A_302 : memref<1x100xi32, #tpu.memory_space<vmem>> -> memref<100xi32, #tpu.memory_space<vmem>>
      %dma_start3A_304 = arith.constant 0 : i32
      %dma_start3A_305 = arith.constant 0 : i32
      %dma_start3A_306 = tpu.memref_slice %arg11[%dma_start3A_304, %dma_start3A_305] : memref<10112x128xf32, #tpu.memory_space<vmem_shared>> -> memref<10112x128xf32, #tpu.memory_space<vmem_shared>>
      tpu.enqueue_indirect_dma source(%arg10 : memref<100x128xf32, #tpu.memory_space<vmem>>) target(%dma_start3A_306 : memref<10112x128xf32, #tpu.memory_space<vmem_shared>>) offsets(%dma_start3A_303 : memref<100xi32, #tpu.memory_space<vmem>>) semaphore(%arg17 : memref<!tpu.dma_semaphore, #tpu.memory_space<semaphore_mem>>) {add = true}
      %add3A_307 = arith.constant 2 : i32
      %add3A_308 = arith.addi %add3A_294, %add3A_307 : i32
      %lt3A_309 = arith.constant 25 : i32
      %lt3A_310 = arith.cmpi slt, %add3A_308, %lt3A_309 : i32
      %convert_element_type3A_311 = arith.extui %lt3A_310 : i1 to i32
      %cond3A_312 = arith.constant 0 : i32
      %cond3A_313 = arith.cmpi ne, %convert_element_type3A_311, %cond3A_312 : i32
      scf.if %cond3A_313 {
        %ge3A = arith.constant 1 : i32
        %ge3A_314 = arith.cmpi sge, %add3A_294, %ge3A : i32
        %convert_element_type3A_315 = arith.extui %ge3A_314 : i1 to i32
        %cond3A_316 = arith.constant 0 : i32
        %cond3A_317 = arith.cmpi ne, %convert_element_type3A_315, %cond3A_316 : i32
        scf.if %cond3A_317 {
          %sub3A = arith.constant 1 : i32
          %sub3A_326 = arith.subi %add3A_294, %sub3A : i32
          %dma_wait3A_327 = arith.constant 0 : i32
          %dma_wait3A_328 = tpu.memref_slice %arg7[%sub3A_326, %dma_wait3A_327] : memref<25x100xi32, #tpu.memory_space<vmem>> -> memref<1x100xi32, #tpu.memory_space<vmem>>
          %dma_wait3A_329 = tpu.memref_squeeze %dma_wait3A_328 : memref<1x100xi32, #tpu.memory_space<vmem>> -> memref<100xi32, #tpu.memory_space<vmem>>
          %dma_wait3A_330 = arith.constant 0 : i32
          %dma_wait3A_331 = arith.constant 0 : i32
          %dma_wait3A_332 = tpu.memref_slice %arg11[%dma_wait3A_330, %dma_wait3A_331] : memref<10112x128xf32, #tpu.memory_space<vmem_shared>> -> memref<10112x128xf32, #tpu.memory_space<vmem_shared>>
          tpu.wait_indirect_dma semaphore(%arg16 : memref<!tpu.dma_semaphore, #tpu.memory_space<semaphore_mem>>) src(%arg9 : memref<100x128xf32, #tpu.memory_space<vmem>>) dst(%dma_wait3A_332 : memref<10112x128xf32, #tpu.memory_space<vmem_shared>>)
        } else {
        }
        %add3A_318 = arith.constant 2 : i32
        %add3A_319 = arith.addi %add3A_294, %add3A_318 : i32
        %dma_start3A_320 = arith.constant 0 : i32
        %dma_start3A_321 = tpu.memref_slice %arg6[%add3A_319, %dma_start3A_320] : memref<25x100xi32, #tpu.memory_space<vmem>> -> memref<1x100xi32, #tpu.memory_space<vmem>>
        %dma_start3A_322 = tpu.memref_squeeze %dma_start3A_321 : memref<1x100xi32, #tpu.memory_space<vmem>> -> memref<100xi32, #tpu.memory_space<vmem>>
        %dma_start3A_323 = arith.constant 0 : i32
        %dma_start3A_324 = arith.constant 0 : i32
        %dma_start3A_325 = tpu.memref_slice %arg2[%dma_start3A_323, %dma_start3A_324] : memref<40000x128xf32, #tpu.memory_space<hbm>> -> memref<40000x128xf32, #tpu.memory_space<hbm>>
        tpu.enqueue_indirect_dma source(%dma_start3A_325 : memref<40000x128xf32, #tpu.memory_space<hbm>>) target(%arg9 : memref<100x128xf32, #tpu.memory_space<vmem>>) offsets(%dma_start3A_322 : memref<100xi32, #tpu.memory_space<vmem>>) semaphore(%arg13 : memref<!tpu.dma_semaphore, #tpu.memory_space<semaphore_mem>>)
      } else {
      }
    }
    %scan3A_38 = arith.constant 8 : i32
    %dma_wait3A = arith.constant 24 : i32
    %dma_wait3A_39 = arith.constant 0 : i32
    %dma_wait3A_40 = tpu.memref_slice %arg6[%dma_wait3A, %dma_wait3A_39] : memref<25x100xi32, #tpu.memory_space<vmem>> -> memref<1x100xi32, #tpu.memory_space<vmem>>
    %dma_wait3A_41 = tpu.memref_squeeze %dma_wait3A_40 : memref<1x100xi32, #tpu.memory_space<vmem>> -> memref<100xi32, #tpu.memory_space<vmem>>
    %dma_wait3A_42 = arith.constant 0 : i32
    %dma_wait3A_43 = arith.constant 0 : i32
    %dma_wait3A_44 = tpu.memref_slice %arg2[%dma_wait3A_42, %dma_wait3A_43] : memref<40000x128xf32, #tpu.memory_space<hbm>> -> memref<40000x128xf32, #tpu.memory_space<hbm>>
    tpu.wait_indirect_dma semaphore(%arg12 : memref<!tpu.dma_semaphore, #tpu.memory_space<semaphore_mem>>) src(%dma_wait3A_44 : memref<40000x128xf32, #tpu.memory_space<hbm>>) dst(%arg8 : memref<100x128xf32, #tpu.memory_space<vmem>>)
    %dma_start3A_45 = arith.constant 24 : i32
    %dma_start3A_46 = arith.constant 0 : i32
    %dma_start3A_47 = tpu.memref_slice %arg7[%dma_start3A_45, %dma_start3A_46] : memref<25x100xi32, #tpu.memory_space<vmem>> -> memref<1x100xi32, #tpu.memory_space<vmem>>
    %dma_start3A_48 = tpu.memref_squeeze %dma_start3A_47 : memref<1x100xi32, #tpu.memory_space<vmem>> -> memref<100xi32, #tpu.memory_space<vmem>>
    %dma_start3A_49 = arith.constant 0 : i32
    %dma_start3A_50 = arith.constant 0 : i32
    %dma_start3A_51 = tpu.memref_slice %arg11[%dma_start3A_49, %dma_start3A_50] : memref<10112x128xf32, #tpu.memory_space<vmem_shared>> -> memref<10112x128xf32, #tpu.memory_space<vmem_shared>>
    tpu.enqueue_indirect_dma source(%arg8 : memref<100x128xf32, #tpu.memory_space<vmem>>) target(%dma_start3A_51 : memref<10112x128xf32, #tpu.memory_space<vmem_shared>>) offsets(%dma_start3A_48 : memref<100xi32, #tpu.memory_space<vmem>>) semaphore(%arg15 : memref<!tpu.dma_semaphore, #tpu.memory_space<semaphore_mem>>) {add = true}
    %dma_wait3A_52 = arith.constant 22 : i32
    %dma_wait3A_53 = arith.constant 0 : i32
    %dma_wait3A_54 = tpu.memref_slice %arg7[%dma_wait3A_52, %dma_wait3A_53] : memref<25x100xi32, #tpu.memory_space<vmem>> -> memref<1x100xi32, #tpu.memory_space<vmem>>
    %dma_wait3A_55 = tpu.memref_squeeze %dma_wait3A_54 : memref<1x100xi32, #tpu.memory_space<vmem>> -> memref<100xi32, #tpu.memory_space<vmem>>
    %dma_wait3A_56 = arith.constant 0 : i32
    %dma_wait3A_57 = arith.constant 0 : i32
    %dma_wait3A_58 = tpu.memref_slice %arg11[%dma_wait3A_56, %dma_wait3A_57] : memref<10112x128xf32, #tpu.memory_space<vmem_shared>> -> memref<10112x128xf32, #tpu.memory_space<vmem_shared>>
    tpu.wait_indirect_dma semaphore(%arg16 : memref<!tpu.dma_semaphore, #tpu.memory_space<semaphore_mem>>) src(%arg9 : memref<100x128xf32, #tpu.memory_space<vmem>>) dst(%dma_wait3A_58 : memref<10112x128xf32, #tpu.memory_space<vmem_shared>>)
    %dma_wait3A_59 = arith.constant 23 : i32
    %dma_wait3A_60 = arith.constant 0 : i32
    %dma_wait3A_61 = tpu.memref_slice %arg7[%dma_wait3A_59, %dma_wait3A_60] : memref<25x100xi32, #tpu.memory_space<vmem>> -> memref<1x100xi32, #tpu.memory_space<vmem>>
    %dma_wait3A_62 = tpu.memref_squeeze %dma_wait3A_61 : memref<1x100xi32, #tpu.memory_space<vmem>> -> memref<100xi32, #tpu.memory_space<vmem>>
    %dma_wait3A_63 = arith.constant 0 : i32
    %dma_wait3A_64 = arith.constant 0 : i32
    %dma_wait3A_65 = tpu.memref_slice %arg11[%dma_wait3A_63, %dma_wait3A_64] : memref<10112x128xf32, #tpu.memory_space<vmem_shared>> -> memref<10112x128xf32, #tpu.memory_space<vmem_shared>>
    tpu.wait_indirect_dma semaphore(%arg17 : memref<!tpu.dma_semaphore, #tpu.memory_space<semaphore_mem>>) src(%arg10 : memref<100x128xf32, #tpu.memory_space<vmem>>) dst(%dma_wait3A_65 : memref<10112x128xf32, #tpu.memory_space<vmem_shared>>)
    %dma_wait3A_66 = arith.constant 24 : i32
    %dma_wait3A_67 = arith.constant 0 : i32
    %dma_wait3A_68 = tpu.memref_slice %arg7[%dma_wait3A_66, %dma_wait3A_67] : memref<25x100xi32, #tpu.memory_space<vmem>> -> memref<1x100xi32, #tpu.memory_space<vmem>>
    %dma_wait3A_69 = tpu.memref_squeeze %dma_wait3A_68 : memref<1x100xi32, #tpu.memory_space<vmem>> -> memref<100xi32, #tpu.memory_space<vmem>>
    %dma_wait3A_70 = arith.constant 0 : i32
    %dma_wait3A_71 = arith.constant 0 : i32
    %dma_wait3A_72 = tpu.memref_slice %arg11[%dma_wait3A_70, %dma_wait3A_71] : memref<10112x128xf32, #tpu.memory_space<vmem_shared>> -> memref<10112x128xf32, #tpu.memory_space<vmem_shared>>
    tpu.wait_indirect_dma semaphore(%arg15 : memref<!tpu.dma_semaphore, #tpu.memory_space<semaphore_mem>>) src(%arg8 : memref<100x128xf32, #tpu.memory_space<vmem>>) dst(%dma_wait3A_72 : memref<10112x128xf32, #tpu.memory_space<vmem_shared>>)
    %run_scoped3A_73 = arith.constant 1 : i32
    "tpu.region"() ({
      %run_scoped3A_247 = tpu.sem_alloc : memref<!tpu.dma_semaphore, #tpu.memory_space<semaphore_mem>>
      %dma_start3A_248 = arith.constant 0 : i32
      %dma_start3A_249 = arith.constant 0 : i32
      %dma_start3A_250 = tpu.memref_slice %arg3[%add3A, %run_scoped3A_73, %dma_start3A_248, %dma_start3A_249] : memref<32x4x25x100xi32, #tpu.memory_space<hbm>> -> memref<1x1x25x100xi32, #tpu.memory_space<hbm>>
      %dma_start3A_251 = tpu.memref_squeeze %dma_start3A_250 : memref<1x1x25x100xi32, #tpu.memory_space<hbm>> -> memref<25x100xi32, #tpu.memory_space<hbm>>
      %dma_start3A_252 = arith.constant 0 : i32
      %dma_start3A_253 = arith.constant 0 : i32
      %dma_start3A_254 = tpu.memref_slice %arg3[%add3A, %run_scoped3A_73, %dma_start3A_252, %dma_start3A_253] : memref<32x4x25x100xi32, #tpu.memory_space<hbm>> -> memref<1x1x25x100xi32, #tpu.memory_space<hbm>>
      %dma_start3A_255 = tpu.memref_squeeze %dma_start3A_254 : memref<1x1x25x100xi32, #tpu.memory_space<hbm>> -> memref<25x100xi32, #tpu.memory_space<hbm>>
      tpu.enqueue_dma source(%dma_start3A_255 : memref<25x100xi32, #tpu.memory_space<hbm>>) target(%arg6 : memref<25x100xi32, #tpu.memory_space<vmem>>) target_semaphore(%run_scoped3A_247 : memref<!tpu.dma_semaphore, #tpu.memory_space<semaphore_mem>>)
      %dma_wait3A_256 = arith.constant 0 : i32
      %dma_wait3A_257 = arith.constant 0 : i32
      %dma_wait3A_258 = tpu.memref_slice %arg3[%add3A, %run_scoped3A_73, %dma_wait3A_256, %dma_wait3A_257] : memref<32x4x25x100xi32, #tpu.memory_space<hbm>> -> memref<1x1x25x100xi32, #tpu.memory_space<hbm>>
      %dma_wait3A_259 = tpu.memref_squeeze %dma_wait3A_258 : memref<1x1x25x100xi32, #tpu.memory_space<hbm>> -> memref<25x100xi32, #tpu.memory_space<hbm>>
      %dma_wait3A_260 = arith.constant 0 : i32
      %dma_wait3A_261 = arith.constant 0 : i32
      %dma_wait3A_262 = tpu.memref_slice %arg3[%add3A, %run_scoped3A_73, %dma_wait3A_260, %dma_wait3A_261] : memref<32x4x25x100xi32, #tpu.memory_space<hbm>> -> memref<1x1x25x100xi32, #tpu.memory_space<hbm>>
      %dma_wait3A_263 = tpu.memref_squeeze %dma_wait3A_262 : memref<1x1x25x100xi32, #tpu.memory_space<hbm>> -> memref<25x100xi32, #tpu.memory_space<hbm>>
      tpu.wait_dma2 semaphore(%run_scoped3A_247 : memref<!tpu.dma_semaphore, #tpu.memory_space<semaphore_mem>>) src(%dma_wait3A_263 : memref<25x100xi32, #tpu.memory_space<hbm>>) dst(%arg6 : memref<25x100xi32, #tpu.memory_space<vmem>>)
      tpu.yield
    }) : () -> ()
    %run_scoped3A_74 = arith.constant 1 : i32
    "tpu.region"() ({
      %run_scoped3A_247 = tpu.sem_alloc : memref<!tpu.dma_semaphore, #tpu.memory_space<semaphore_mem>>
      %dma_start3A_248 = arith.constant 0 : i32
      %dma_start3A_249 = arith.constant 0 : i32
      %dma_start3A_250 = tpu.memref_slice %arg4[%add3A, %run_scoped3A_74, %dma_start3A_248, %dma_start3A_249] : memref<32x4x25x100xi32, #tpu.memory_space<hbm>> -> memref<1x1x25x100xi32, #tpu.memory_space<hbm>>
      %dma_start3A_251 = tpu.memref_squeeze %dma_start3A_250 : memref<1x1x25x100xi32, #tpu.memory_space<hbm>> -> memref<25x100xi32, #tpu.memory_space<hbm>>
      %dma_start3A_252 = arith.constant 0 : i32
      %dma_start3A_253 = arith.constant 0 : i32
      %dma_start3A_254 = tpu.memref_slice %arg4[%add3A, %run_scoped3A_74, %dma_start3A_252, %dma_start3A_253] : memref<32x4x25x100xi32, #tpu.memory_space<hbm>> -> memref<1x1x25x100xi32, #tpu.memory_space<hbm>>
      %dma_start3A_255 = tpu.memref_squeeze %dma_start3A_254 : memref<1x1x25x100xi32, #tpu.memory_space<hbm>> -> memref<25x100xi32, #tpu.memory_space<hbm>>
      tpu.enqueue_dma source(%dma_start3A_255 : memref<25x100xi32, #tpu.memory_space<hbm>>) target(%arg7 : memref<25x100xi32, #tpu.memory_space<vmem>>) target_semaphore(%run_scoped3A_247 : memref<!tpu.dma_semaphore, #tpu.memory_space<semaphore_mem>>)
      %dma_wait3A_256 = arith.constant 0 : i32
      %dma_wait3A_257 = arith.constant 0 : i32
      %dma_wait3A_258 = tpu.memref_slice %arg4[%add3A, %run_scoped3A_74, %dma_wait3A_256, %dma_wait3A_257] : memref<32x4x25x100xi32, #tpu.memory_space<hbm>> -> memref<1x1x25x100xi32, #tpu.memory_space<hbm>>
      %dma_wait3A_259 = tpu.memref_squeeze %dma_wait3A_258 : memref<1x1x25x100xi32, #tpu.memory_space<hbm>> -> memref<25x100xi32, #tpu.memory_space<hbm>>
      %dma_wait3A_260 = arith.constant 0 : i32
      %dma_wait3A_261 = arith.constant 0 : i32
      %dma_wait3A_262 = tpu.memref_slice %arg4[%add3A, %run_scoped3A_74, %dma_wait3A_260, %dma_wait3A_261] : memref<32x4x25x100xi32, #tpu.memory_space<hbm>> -> memref<1x1x25x100xi32, #tpu.memory_space<hbm>>
      %dma_wait3A_263 = tpu.memref_squeeze %dma_wait3A_262 : memref<1x1x25x100xi32, #tpu.memory_space<hbm>> -> memref<25x100xi32, #tpu.memory_space<hbm>>
      tpu.wait_dma2 semaphore(%run_scoped3A_247 : memref<!tpu.dma_semaphore, #tpu.memory_space<semaphore_mem>>) src(%dma_wait3A_263 : memref<25x100xi32, #tpu.memory_space<hbm>>) dst(%arg7 : memref<25x100xi32, #tpu.memory_space<vmem>>)
      tpu.yield
    }) : () -> ()
    %dma_start3A_75 = arith.constant 0 : i32
    %dma_start3A_76 = arith.constant 0 : i32
    %dma_start3A_77 = tpu.memref_slice %arg6[%dma_start3A_75, %dma_start3A_76] : memref<25x100xi32, #tpu.memory_space<vmem>> -> memref<1x100xi32, #tpu.memory_space<vmem>>
    %dma_start3A_78 = tpu.memref_squeeze %dma_start3A_77 : memref<1x100xi32, #tpu.memory_space<vmem>> -> memref<100xi32, #tpu.memory_space<vmem>>
    %dma_start3A_79 = arith.constant 0 : i32
    %dma_start3A_80 = arith.constant 0 : i32
    %dma_start3A_81 = tpu.memref_slice %arg2[%dma_start3A_79, %dma_start3A_80] : memref<40000x128xf32, #tpu.memory_space<hbm>> -> memref<40000x128xf32, #tpu.memory_space<hbm>>
    tpu.enqueue_indirect_dma source(%dma_start3A_81 : memref<40000x128xf32, #tpu.memory_space<hbm>>) target(%arg8 : memref<100x128xf32, #tpu.memory_space<vmem>>) offsets(%dma_start3A_78 : memref<100xi32, #tpu.memory_space<vmem>>) semaphore(%arg12 : memref<!tpu.dma_semaphore, #tpu.memory_space<semaphore_mem>>)
    %dma_start3A_82 = arith.constant 1 : i32
    %dma_start3A_83 = arith.constant 0 : i32
    %dma_start3A_84 = tpu.memref_slice %arg6[%dma_start3A_82, %dma_start3A_83] : memref<25x100xi32, #tpu.memory_space<vmem>> -> memref<1x100xi32, #tpu.memory_space<vmem>>
    %dma_start3A_85 = tpu.memref_squeeze %dma_start3A_84 : memref<1x100xi32, #tpu.memory_space<vmem>> -> memref<100xi32, #tpu.memory_space<vmem>>
    %dma_start3A_86 = arith.constant 0 : i32
    %dma_start3A_87 = arith.constant 0 : i32
    %dma_start3A_88 = tpu.memref_slice %arg2[%dma_start3A_86, %dma_start3A_87] : memref<40000x128xf32, #tpu.memory_space<hbm>> -> memref<40000x128xf32, #tpu.memory_space<hbm>>
    tpu.enqueue_indirect_dma source(%dma_start3A_88 : memref<40000x128xf32, #tpu.memory_space<hbm>>) target(%arg9 : memref<100x128xf32, #tpu.memory_space<vmem>>) offsets(%dma_start3A_85 : memref<100xi32, #tpu.memory_space<vmem>>) semaphore(%arg13 : memref<!tpu.dma_semaphore, #tpu.memory_space<semaphore_mem>>)
    %scan3A_89 = arith.constant 0 : i32
    %scan3A_90 = arith.constant 0 : i32
    %scan3A_91 = arith.constant 8 : i32
    %scan3A_92 = arith.addi %scan3A_90, %scan3A_91 : i32
    %scan3A_93 = arith.constant 1 : i32
    scf.for %scan3A_247 = %scan3A_90 to %scan3A_92 step %scan3A_93  : i32 {
      %mul3A_248 = arith.constant 3 : i32
      %mul3A_249 = arith.muli %mul3A_248, %scan3A_247 : i32
      %add3A_250 = arith.constant 0 : i32
      %add3A_251 = arith.addi %mul3A_249, %add3A_250 : i32
      %dma_wait3A_252 = arith.constant 0 : i32
      %dma_wait3A_253 = tpu.memref_slice %arg6[%add3A_251, %dma_wait3A_252] : memref<25x100xi32, #tpu.memory_space<vmem>> -> memref<1x100xi32, #tpu.memory_space<vmem>>
      %dma_wait3A_254 = tpu.memref_squeeze %dma_wait3A_253 : memref<1x100xi32, #tpu.memory_space<vmem>> -> memref<100xi32, #tpu.memory_space<vmem>>
      %dma_wait3A_255 = arith.constant 0 : i32
      %dma_wait3A_256 = arith.constant 0 : i32
      %dma_wait3A_257 = tpu.memref_slice %arg2[%dma_wait3A_255, %dma_wait3A_256] : memref<40000x128xf32, #tpu.memory_space<hbm>> -> memref<40000x128xf32, #tpu.memory_space<hbm>>
      tpu.wait_indirect_dma semaphore(%arg12 : memref<!tpu.dma_semaphore, #tpu.memory_space<semaphore_mem>>) src(%dma_wait3A_257 : memref<40000x128xf32, #tpu.memory_space<hbm>>) dst(%arg8 : memref<100x128xf32, #tpu.memory_space<vmem>>)
      %dma_start3A_258 = arith.constant 0 : i32
      %dma_start3A_259 = tpu.memref_slice %arg7[%add3A_251, %dma_start3A_258] : memref<25x100xi32, #tpu.memory_space<vmem>> -> memref<1x100xi32, #tpu.memory_space<vmem>>
      %dma_start3A_260 = tpu.memref_squeeze %dma_start3A_259 : memref<1x100xi32, #tpu.memory_space<vmem>> -> memref<100xi32, #tpu.memory_space<vmem>>
      %dma_start3A_261 = arith.constant 0 : i32
      %dma_start3A_262 = arith.constant 0 : i32
      %dma_start3A_263 = tpu.memref_slice %arg11[%dma_start3A_261, %dma_start3A_262] : memref<10112x128xf32, #tpu.memory_space<vmem_shared>> -> memref<10112x128xf32, #tpu.memory_space<vmem_shared>>
      tpu.enqueue_indirect_dma source(%arg8 : memref<100x128xf32, #tpu.memory_space<vmem>>) target(%dma_start3A_263 : memref<10112x128xf32, #tpu.memory_space<vmem_shared>>) offsets(%dma_start3A_260 : memref<100xi32, #tpu.memory_space<vmem>>) semaphore(%arg15 : memref<!tpu.dma_semaphore, #tpu.memory_space<semaphore_mem>>) {add = true}
      %add3A_264 = arith.constant 2 : i32
      %add3A_265 = arith.addi %add3A_251, %add3A_264 : i32
      %lt3A = arith.constant 25 : i32
      %lt3A_266 = arith.cmpi slt, %add3A_265, %lt3A : i32
      %convert_element_type3A = arith.extui %lt3A_266 : i1 to i32
      %cond3A = arith.constant 0 : i32
      %cond3A_267 = arith.cmpi ne, %convert_element_type3A, %cond3A : i32
      scf.if %cond3A_267 {
        %ge3A = arith.constant 1 : i32
        %ge3A_314 = arith.cmpi sge, %add3A_251, %ge3A : i32
        %convert_element_type3A_315 = arith.extui %ge3A_314 : i1 to i32
        %cond3A_316 = arith.constant 0 : i32
        %cond3A_317 = arith.cmpi ne, %convert_element_type3A_315, %cond3A_316 : i32
        scf.if %cond3A_317 {
          %sub3A = arith.constant 1 : i32
          %sub3A_326 = arith.subi %add3A_251, %sub3A : i32
          %dma_wait3A_327 = arith.constant 0 : i32
          %dma_wait3A_328 = tpu.memref_slice %arg7[%sub3A_326, %dma_wait3A_327] : memref<25x100xi32, #tpu.memory_space<vmem>> -> memref<1x100xi32, #tpu.memory_space<vmem>>
          %dma_wait3A_329 = tpu.memref_squeeze %dma_wait3A_328 : memref<1x100xi32, #tpu.memory_space<vmem>> -> memref<100xi32, #tpu.memory_space<vmem>>
          %dma_wait3A_330 = arith.constant 0 : i32
          %dma_wait3A_331 = arith.constant 0 : i32
          %dma_wait3A_332 = tpu.memref_slice %arg11[%dma_wait3A_330, %dma_wait3A_331] : memref<10112x128xf32, #tpu.memory_space<vmem_shared>> -> memref<10112x128xf32, #tpu.memory_space<vmem_shared>>
          tpu.wait_indirect_dma semaphore(%arg17 : memref<!tpu.dma_semaphore, #tpu.memory_space<semaphore_mem>>) src(%arg10 : memref<100x128xf32, #tpu.memory_space<vmem>>) dst(%dma_wait3A_332 : memref<10112x128xf32, #tpu.memory_space<vmem_shared>>)
        } else {
        }
        %add3A_318 = arith.constant 2 : i32
        %add3A_319 = arith.addi %add3A_251, %add3A_318 : i32
        %dma_start3A_320 = arith.constant 0 : i32
        %dma_start3A_321 = tpu.memref_slice %arg6[%add3A_319, %dma_start3A_320] : memref<25x100xi32, #tpu.memory_space<vmem>> -> memref<1x100xi32, #tpu.memory_space<vmem>>
        %dma_start3A_322 = tpu.memref_squeeze %dma_start3A_321 : memref<1x100xi32, #tpu.memory_space<vmem>> -> memref<100xi32, #tpu.memory_space<vmem>>
        %dma_start3A_323 = arith.constant 0 : i32
        %dma_start3A_324 = arith.constant 0 : i32
        %dma_start3A_325 = tpu.memref_slice %arg2[%dma_start3A_323, %dma_start3A_324] : memref<40000x128xf32, #tpu.memory_space<hbm>> -> memref<40000x128xf32, #tpu.memory_space<hbm>>
        tpu.enqueue_indirect_dma source(%dma_start3A_325 : memref<40000x128xf32, #tpu.memory_space<hbm>>) target(%arg10 : memref<100x128xf32, #tpu.memory_space<vmem>>) offsets(%dma_start3A_322 : memref<100xi32, #tpu.memory_space<vmem>>) semaphore(%arg14 : memref<!tpu.dma_semaphore, #tpu.memory_space<semaphore_mem>>)
      } else {
      }
      %mul3A_268 = arith.constant 3 : i32
      %mul3A_269 = arith.muli %mul3A_268, %scan3A_247 : i32
      %add3A_270 = arith.constant 1 : i32
      %add3A_271 = arith.addi %mul3A_269, %add3A_270 : i32
      %dma_wait3A_272 = arith.constant 0 : i32
      %dma_wait3A_273 = tpu.memref_slice %arg6[%add3A_271, %dma_wait3A_272] : memref<25x100xi32, #tpu.memory_space<vmem>> -> memref<1x100xi32, #tpu.memory_space<vmem>>
      %dma_wait3A_274 = tpu.memref_squeeze %dma_wait3A_273 : memref<1x100xi32, #tpu.memory_space<vmem>> -> memref<100xi32, #tpu.memory_space<vmem>>
      %dma_wait3A_275 = arith.constant 0 : i32
      %dma_wait3A_276 = arith.constant 0 : i32
      %dma_wait3A_277 = tpu.memref_slice %arg2[%dma_wait3A_275, %dma_wait3A_276] : memref<40000x128xf32, #tpu.memory_space<hbm>> -> memref<40000x128xf32, #tpu.memory_space<hbm>>
      tpu.wait_indirect_dma semaphore(%arg13 : memref<!tpu.dma_semaphore, #tpu.memory_space<semaphore_mem>>) src(%dma_wait3A_277 : memref<40000x128xf32, #tpu.memory_space<hbm>>) dst(%arg9 : memref<100x128xf32, #tpu.memory_space<vmem>>)
      %dma_start3A_278 = arith.constant 0 : i32
      %dma_start3A_279 = tpu.memref_slice %arg7[%add3A_271, %dma_start3A_278] : memref<25x100xi32, #tpu.memory_space<vmem>> -> memref<1x100xi32, #tpu.memory_space<vmem>>
      %dma_start3A_280 = tpu.memref_squeeze %dma_start3A_279 : memref<1x100xi32, #tpu.memory_space<vmem>> -> memref<100xi32, #tpu.memory_space<vmem>>
      %dma_start3A_281 = arith.constant 0 : i32
      %dma_start3A_282 = arith.constant 0 : i32
      %dma_start3A_283 = tpu.memref_slice %arg11[%dma_start3A_281, %dma_start3A_282] : memref<10112x128xf32, #tpu.memory_space<vmem_shared>> -> memref<10112x128xf32, #tpu.memory_space<vmem_shared>>
      tpu.enqueue_indirect_dma source(%arg9 : memref<100x128xf32, #tpu.memory_space<vmem>>) target(%dma_start3A_283 : memref<10112x128xf32, #tpu.memory_space<vmem_shared>>) offsets(%dma_start3A_280 : memref<100xi32, #tpu.memory_space<vmem>>) semaphore(%arg16 : memref<!tpu.dma_semaphore, #tpu.memory_space<semaphore_mem>>) {add = true}
      %add3A_284 = arith.constant 2 : i32
      %add3A_285 = arith.addi %add3A_271, %add3A_284 : i32
      %lt3A_286 = arith.constant 25 : i32
      %lt3A_287 = arith.cmpi slt, %add3A_285, %lt3A_286 : i32
      %convert_element_type3A_288 = arith.extui %lt3A_287 : i1 to i32
      %cond3A_289 = arith.constant 0 : i32
      %cond3A_290 = arith.cmpi ne, %convert_element_type3A_288, %cond3A_289 : i32
      scf.if %cond3A_290 {
        %ge3A = arith.constant 1 : i32
        %ge3A_314 = arith.cmpi sge, %add3A_271, %ge3A : i32
        %convert_element_type3A_315 = arith.extui %ge3A_314 : i1 to i32
        %cond3A_316 = arith.constant 0 : i32
        %cond3A_317 = arith.cmpi ne, %convert_element_type3A_315, %cond3A_316 : i32
        scf.if %cond3A_317 {
          %sub3A = arith.constant 1 : i32
          %sub3A_326 = arith.subi %add3A_271, %sub3A : i32
          %dma_wait3A_327 = arith.constant 0 : i32
          %dma_wait3A_328 = tpu.memref_slice %arg7[%sub3A_326, %dma_wait3A_327] : memref<25x100xi32, #tpu.memory_space<vmem>> -> memref<1x100xi32, #tpu.memory_space<vmem>>
          %dma_wait3A_329 = tpu.memref_squeeze %dma_wait3A_328 : memref<1x100xi32, #tpu.memory_space<vmem>> -> memref<100xi32, #tpu.memory_space<vmem>>
          %dma_wait3A_330 = arith.constant 0 : i32
          %dma_wait3A_331 = arith.constant 0 : i32
          %dma_wait3A_332 = tpu.memref_slice %arg11[%dma_wait3A_330, %dma_wait3A_331] : memref<10112x128xf32, #tpu.memory_space<vmem_shared>> -> memref<10112x128xf32, #tpu.memory_space<vmem_shared>>
          tpu.wait_indirect_dma semaphore(%arg15 : memref<!tpu.dma_semaphore, #tpu.memory_space<semaphore_mem>>) src(%arg8 : memref<100x128xf32, #tpu.memory_space<vmem>>) dst(%dma_wait3A_332 : memref<10112x128xf32, #tpu.memory_space<vmem_shared>>)
        } else {
        }
        %add3A_318 = arith.constant 2 : i32
        %add3A_319 = arith.addi %add3A_271, %add3A_318 : i32
        %dma_start3A_320 = arith.constant 0 : i32
        %dma_start3A_321 = tpu.memref_slice %arg6[%add3A_319, %dma_start3A_320] : memref<25x100xi32, #tpu.memory_space<vmem>> -> memref<1x100xi32, #tpu.memory_space<vmem>>
        %dma_start3A_322 = tpu.memref_squeeze %dma_start3A_321 : memref<1x100xi32, #tpu.memory_space<vmem>> -> memref<100xi32, #tpu.memory_space<vmem>>
        %dma_start3A_323 = arith.constant 0 : i32
        %dma_start3A_324 = arith.constant 0 : i32
        %dma_start3A_325 = tpu.memref_slice %arg2[%dma_start3A_323, %dma_start3A_324] : memref<40000x128xf32, #tpu.memory_space<hbm>> -> memref<40000x128xf32, #tpu.memory_space<hbm>>
        tpu.enqueue_indirect_dma source(%dma_start3A_325 : memref<40000x128xf32, #tpu.memory_space<hbm>>) target(%arg8 : memref<100x128xf32, #tpu.memory_space<vmem>>) offsets(%dma_start3A_322 : memref<100xi32, #tpu.memory_space<vmem>>) semaphore(%arg12 : memref<!tpu.dma_semaphore, #tpu.memory_space<semaphore_mem>>)
      } else {
      }
      %mul3A_291 = arith.constant 3 : i32
      %mul3A_292 = arith.muli %mul3A_291, %scan3A_247 : i32
      %add3A_293 = arith.constant 2 : i32
      %add3A_294 = arith.addi %mul3A_292, %add3A_293 : i32
      %dma_wait3A_295 = arith.constant 0 : i32
      %dma_wait3A_296 = tpu.memref_slice %arg6[%add3A_294, %dma_wait3A_295] : memref<25x100xi32, #tpu.memory_space<vmem>> -> memref<1x100xi32, #tpu.memory_space<vmem>>
      %dma_wait3A_297 = tpu.memref_squeeze %dma_wait3A_296 : memref<1x100xi32, #tpu.memory_space<vmem>> -> memref<100xi32, #tpu.memory_space<vmem>>
      %dma_wait3A_298 = arith.constant 0 : i32
      %dma_wait3A_299 = arith.constant 0 : i32
      %dma_wait3A_300 = tpu.memref_slice %arg2[%dma_wait3A_298, %dma_wait3A_299] : memref<40000x128xf32, #tpu.memory_space<hbm>> -> memref<40000x128xf32, #tpu.memory_space<hbm>>
      tpu.wait_indirect_dma semaphore(%arg14 : memref<!tpu.dma_semaphore, #tpu.memory_space<semaphore_mem>>) src(%dma_wait3A_300 : memref<40000x128xf32, #tpu.memory_space<hbm>>) dst(%arg10 : memref<100x128xf32, #tpu.memory_space<vmem>>)
      %dma_start3A_301 = arith.constant 0 : i32
      %dma_start3A_302 = tpu.memref_slice %arg7[%add3A_294, %dma_start3A_301] : memref<25x100xi32, #tpu.memory_space<vmem>> -> memref<1x100xi32, #tpu.memory_space<vmem>>
      %dma_start3A_303 = tpu.memref_squeeze %dma_start3A_302 : memref<1x100xi32, #tpu.memory_space<vmem>> -> memref<100xi32, #tpu.memory_space<vmem>>
      %dma_start3A_304 = arith.constant 0 : i32
      %dma_start3A_305 = arith.constant 0 : i32
      %dma_start3A_306 = tpu.memref_slice %arg11[%dma_start3A_304, %dma_start3A_305] : memref<10112x128xf32, #tpu.memory_space<vmem_shared>> -> memref<10112x128xf32, #tpu.memory_space<vmem_shared>>
      tpu.enqueue_indirect_dma source(%arg10 : memref<100x128xf32, #tpu.memory_space<vmem>>) target(%dma_start3A_306 : memref<10112x128xf32, #tpu.memory_space<vmem_shared>>) offsets(%dma_start3A_303 : memref<100xi32, #tpu.memory_space<vmem>>) semaphore(%arg17 : memref<!tpu.dma_semaphore, #tpu.memory_space<semaphore_mem>>) {add = true}
      %add3A_307 = arith.constant 2 : i32
      %add3A_308 = arith.addi %add3A_294, %add3A_307 : i32
      %lt3A_309 = arith.constant 25 : i32
      %lt3A_310 = arith.cmpi slt, %add3A_308, %lt3A_309 : i32
      %convert_element_type3A_311 = arith.extui %lt3A_310 : i1 to i32
      %cond3A_312 = arith.constant 0 : i32
      %cond3A_313 = arith.cmpi ne, %convert_element_type3A_311, %cond3A_312 : i32
      scf.if %cond3A_313 {
        %ge3A = arith.constant 1 : i32
        %ge3A_314 = arith.cmpi sge, %add3A_294, %ge3A : i32
        %convert_element_type3A_315 = arith.extui %ge3A_314 : i1 to i32
        %cond3A_316 = arith.constant 0 : i32
        %cond3A_317 = arith.cmpi ne, %convert_element_type3A_315, %cond3A_316 : i32
        scf.if %cond3A_317 {
          %sub3A = arith.constant 1 : i32
          %sub3A_326 = arith.subi %add3A_294, %sub3A : i32
          %dma_wait3A_327 = arith.constant 0 : i32
          %dma_wait3A_328 = tpu.memref_slice %arg7[%sub3A_326, %dma_wait3A_327] : memref<25x100xi32, #tpu.memory_space<vmem>> -> memref<1x100xi32, #tpu.memory_space<vmem>>
          %dma_wait3A_329 = tpu.memref_squeeze %dma_wait3A_328 : memref<1x100xi32, #tpu.memory_space<vmem>> -> memref<100xi32, #tpu.memory_space<vmem>>
          %dma_wait3A_330 = arith.constant 0 : i32
          %dma_wait3A_331 = arith.constant 0 : i32
          %dma_wait3A_332 = tpu.memref_slice %arg11[%dma_wait3A_330, %dma_wait3A_331] : memref<10112x128xf32, #tpu.memory_space<vmem_shared>> -> memref<10112x128xf32, #tpu.memory_space<vmem_shared>>
          tpu.wait_indirect_dma semaphore(%arg16 : memref<!tpu.dma_semaphore, #tpu.memory_space<semaphore_mem>>) src(%arg9 : memref<100x128xf32, #tpu.memory_space<vmem>>) dst(%dma_wait3A_332 : memref<10112x128xf32, #tpu.memory_space<vmem_shared>>)
        } else {
        }
        %add3A_318 = arith.constant 2 : i32
        %add3A_319 = arith.addi %add3A_294, %add3A_318 : i32
        %dma_start3A_320 = arith.constant 0 : i32
        %dma_start3A_321 = tpu.memref_slice %arg6[%add3A_319, %dma_start3A_320] : memref<25x100xi32, #tpu.memory_space<vmem>> -> memref<1x100xi32, #tpu.memory_space<vmem>>
        %dma_start3A_322 = tpu.memref_squeeze %dma_start3A_321 : memref<1x100xi32, #tpu.memory_space<vmem>> -> memref<100xi32, #tpu.memory_space<vmem>>
        %dma_start3A_323 = arith.constant 0 : i32
        %dma_start3A_324 = arith.constant 0 : i32
        %dma_start3A_325 = tpu.memref_slice %arg2[%dma_start3A_323, %dma_start3A_324] : memref<40000x128xf32, #tpu.memory_space<hbm>> -> memref<40000x128xf32, #tpu.memory_space<hbm>>
        tpu.enqueue_indirect_dma source(%dma_start3A_325 : memref<40000x128xf32, #tpu.memory_space<hbm>>) target(%arg9 : memref<100x128xf32, #tpu.memory_space<vmem>>) offsets(%dma_start3A_322 : memref<100xi32, #tpu.memory_space<vmem>>) semaphore(%arg13 : memref<!tpu.dma_semaphore, #tpu.memory_space<semaphore_mem>>)
      } else {
      }
    }
    %scan3A_94 = arith.constant 8 : i32
    %dma_wait3A_95 = arith.constant 24 : i32
    %dma_wait3A_96 = arith.constant 0 : i32
    %dma_wait3A_97 = tpu.memref_slice %arg6[%dma_wait3A_95, %dma_wait3A_96] : memref<25x100xi32, #tpu.memory_space<vmem>> -> memref<1x100xi32, #tpu.memory_space<vmem>>
    %dma_wait3A_98 = tpu.memref_squeeze %dma_wait3A_97 : memref<1x100xi32, #tpu.memory_space<vmem>> -> memref<100xi32, #tpu.memory_space<vmem>>
    %dma_wait3A_99 = arith.constant 0 : i32
    %dma_wait3A_100 = arith.constant 0 : i32
    %dma_wait3A_101 = tpu.memref_slice %arg2[%dma_wait3A_99, %dma_wait3A_100] : memref<40000x128xf32, #tpu.memory_space<hbm>> -> memref<40000x128xf32, #tpu.memory_space<hbm>>
    tpu.wait_indirect_dma semaphore(%arg12 : memref<!tpu.dma_semaphore, #tpu.memory_space<semaphore_mem>>) src(%dma_wait3A_101 : memref<40000x128xf32, #tpu.memory_space<hbm>>) dst(%arg8 : memref<100x128xf32, #tpu.memory_space<vmem>>)
    %dma_start3A_102 = arith.constant 24 : i32
    %dma_start3A_103 = arith.constant 0 : i32
    %dma_start3A_104 = tpu.memref_slice %arg7[%dma_start3A_102, %dma_start3A_103] : memref<25x100xi32, #tpu.memory_space<vmem>> -> memref<1x100xi32, #tpu.memory_space<vmem>>
    %dma_start3A_105 = tpu.memref_squeeze %dma_start3A_104 : memref<1x100xi32, #tpu.memory_space<vmem>> -> memref<100xi32, #tpu.memory_space<vmem>>
    %dma_start3A_106 = arith.constant 0 : i32
    %dma_start3A_107 = arith.constant 0 : i32
    %dma_start3A_108 = tpu.memref_slice %arg11[%dma_start3A_106, %dma_start3A_107] : memref<10112x128xf32, #tpu.memory_space<vmem_shared>> -> memref<10112x128xf32, #tpu.memory_space<vmem_shared>>
    tpu.enqueue_indirect_dma source(%arg8 : memref<100x128xf32, #tpu.memory_space<vmem>>) target(%dma_start3A_108 : memref<10112x128xf32, #tpu.memory_space<vmem_shared>>) offsets(%dma_start3A_105 : memref<100xi32, #tpu.memory_space<vmem>>) semaphore(%arg15 : memref<!tpu.dma_semaphore, #tpu.memory_space<semaphore_mem>>) {add = true}
    %dma_wait3A_109 = arith.constant 22 : i32
    %dma_wait3A_110 = arith.constant 0 : i32
    %dma_wait3A_111 = tpu.memref_slice %arg7[%dma_wait3A_109, %dma_wait3A_110] : memref<25x100xi32, #tpu.memory_space<vmem>> -> memref<1x100xi32, #tpu.memory_space<vmem>>
    %dma_wait3A_112 = tpu.memref_squeeze %dma_wait3A_111 : memref<1x100xi32, #tpu.memory_space<vmem>> -> memref<100xi32, #tpu.memory_space<vmem>>
    %dma_wait3A_113 = arith.constant 0 : i32
    %dma_wait3A_114 = arith.constant 0 : i32
    %dma_wait3A_115 = tpu.memref_slice %arg11[%dma_wait3A_113, %dma_wait3A_114] : memref<10112x128xf32, #tpu.memory_space<vmem_shared>> -> memref<10112x128xf32, #tpu.memory_space<vmem_shared>>
    tpu.wait_indirect_dma semaphore(%arg16 : memref<!tpu.dma_semaphore, #tpu.memory_space<semaphore_mem>>) src(%arg9 : memref<100x128xf32, #tpu.memory_space<vmem>>) dst(%dma_wait3A_115 : memref<10112x128xf32, #tpu.memory_space<vmem_shared>>)
    %dma_wait3A_116 = arith.constant 23 : i32
    %dma_wait3A_117 = arith.constant 0 : i32
    %dma_wait3A_118 = tpu.memref_slice %arg7[%dma_wait3A_116, %dma_wait3A_117] : memref<25x100xi32, #tpu.memory_space<vmem>> -> memref<1x100xi32, #tpu.memory_space<vmem>>
    %dma_wait3A_119 = tpu.memref_squeeze %dma_wait3A_118 : memref<1x100xi32, #tpu.memory_space<vmem>> -> memref<100xi32, #tpu.memory_space<vmem>>
    %dma_wait3A_120 = arith.constant 0 : i32
    %dma_wait3A_121 = arith.constant 0 : i32
    %dma_wait3A_122 = tpu.memref_slice %arg11[%dma_wait3A_120, %dma_wait3A_121] : memref<10112x128xf32, #tpu.memory_space<vmem_shared>> -> memref<10112x128xf32, #tpu.memory_space<vmem_shared>>
    tpu.wait_indirect_dma semaphore(%arg17 : memref<!tpu.dma_semaphore, #tpu.memory_space<semaphore_mem>>) src(%arg10 : memref<100x128xf32, #tpu.memory_space<vmem>>) dst(%dma_wait3A_122 : memref<10112x128xf32, #tpu.memory_space<vmem_shared>>)
    %dma_wait3A_123 = arith.constant 24 : i32
    %dma_wait3A_124 = arith.constant 0 : i32
    %dma_wait3A_125 = tpu.memref_slice %arg7[%dma_wait3A_123, %dma_wait3A_124] : memref<25x100xi32, #tpu.memory_space<vmem>> -> memref<1x100xi32, #tpu.memory_space<vmem>>
    %dma_wait3A_126 = tpu.memref_squeeze %dma_wait3A_125 : memref<1x100xi32, #tpu.memory_space<vmem>> -> memref<100xi32, #tpu.memory_space<vmem>>
    %dma_wait3A_127 = arith.constant 0 : i32
    %dma_wait3A_128 = arith.constant 0 : i32
    %dma_wait3A_129 = tpu.memref_slice %arg11[%dma_wait3A_127, %dma_wait3A_128] : memref<10112x128xf32, #tpu.memory_space<vmem_shared>> -> memref<10112x128xf32, #tpu.memory_space<vmem_shared>>
    tpu.wait_indirect_dma semaphore(%arg15 : memref<!tpu.dma_semaphore, #tpu.memory_space<semaphore_mem>>) src(%arg8 : memref<100x128xf32, #tpu.memory_space<vmem>>) dst(%dma_wait3A_129 : memref<10112x128xf32, #tpu.memory_space<vmem_shared>>)
    %run_scoped3A_130 = arith.constant 2 : i32
    "tpu.region"() ({
      %run_scoped3A_247 = tpu.sem_alloc : memref<!tpu.dma_semaphore, #tpu.memory_space<semaphore_mem>>
      %dma_start3A_248 = arith.constant 0 : i32
      %dma_start3A_249 = arith.constant 0 : i32
      %dma_start3A_250 = tpu.memref_slice %arg3[%add3A, %run_scoped3A_130, %dma_start3A_248, %dma_start3A_249] : memref<32x4x25x100xi32, #tpu.memory_space<hbm>> -> memref<1x1x25x100xi32, #tpu.memory_space<hbm>>
      %dma_start3A_251 = tpu.memref_squeeze %dma_start3A_250 : memref<1x1x25x100xi32, #tpu.memory_space<hbm>> -> memref<25x100xi32, #tpu.memory_space<hbm>>
      %dma_start3A_252 = arith.constant 0 : i32
      %dma_start3A_253 = arith.constant 0 : i32
      %dma_start3A_254 = tpu.memref_slice %arg3[%add3A, %run_scoped3A_130, %dma_start3A_252, %dma_start3A_253] : memref<32x4x25x100xi32, #tpu.memory_space<hbm>> -> memref<1x1x25x100xi32, #tpu.memory_space<hbm>>
      %dma_start3A_255 = tpu.memref_squeeze %dma_start3A_254 : memref<1x1x25x100xi32, #tpu.memory_space<hbm>> -> memref<25x100xi32, #tpu.memory_space<hbm>>
      tpu.enqueue_dma source(%dma_start3A_255 : memref<25x100xi32, #tpu.memory_space<hbm>>) target(%arg6 : memref<25x100xi32, #tpu.memory_space<vmem>>) target_semaphore(%run_scoped3A_247 : memref<!tpu.dma_semaphore, #tpu.memory_space<semaphore_mem>>)
      %dma_wait3A_256 = arith.constant 0 : i32
      %dma_wait3A_257 = arith.constant 0 : i32
      %dma_wait3A_258 = tpu.memref_slice %arg3[%add3A, %run_scoped3A_130, %dma_wait3A_256, %dma_wait3A_257] : memref<32x4x25x100xi32, #tpu.memory_space<hbm>> -> memref<1x1x25x100xi32, #tpu.memory_space<hbm>>
      %dma_wait3A_259 = tpu.memref_squeeze %dma_wait3A_258 : memref<1x1x25x100xi32, #tpu.memory_space<hbm>> -> memref<25x100xi32, #tpu.memory_space<hbm>>
      %dma_wait3A_260 = arith.constant 0 : i32
      %dma_wait3A_261 = arith.constant 0 : i32
      %dma_wait3A_262 = tpu.memref_slice %arg3[%add3A, %run_scoped3A_130, %dma_wait3A_260, %dma_wait3A_261] : memref<32x4x25x100xi32, #tpu.memory_space<hbm>> -> memref<1x1x25x100xi32, #tpu.memory_space<hbm>>
      %dma_wait3A_263 = tpu.memref_squeeze %dma_wait3A_262 : memref<1x1x25x100xi32, #tpu.memory_space<hbm>> -> memref<25x100xi32, #tpu.memory_space<hbm>>
      tpu.wait_dma2 semaphore(%run_scoped3A_247 : memref<!tpu.dma_semaphore, #tpu.memory_space<semaphore_mem>>) src(%dma_wait3A_263 : memref<25x100xi32, #tpu.memory_space<hbm>>) dst(%arg6 : memref<25x100xi32, #tpu.memory_space<vmem>>)
      tpu.yield
    }) : () -> ()
    %run_scoped3A_131 = arith.constant 2 : i32
    "tpu.region"() ({
      %run_scoped3A_247 = tpu.sem_alloc : memref<!tpu.dma_semaphore, #tpu.memory_space<semaphore_mem>>
      %dma_start3A_248 = arith.constant 0 : i32
      %dma_start3A_249 = arith.constant 0 : i32
      %dma_start3A_250 = tpu.memref_slice %arg4[%add3A, %run_scoped3A_131, %dma_start3A_248, %dma_start3A_249] : memref<32x4x25x100xi32, #tpu.memory_space<hbm>> -> memref<1x1x25x100xi32, #tpu.memory_space<hbm>>
      %dma_start3A_251 = tpu.memref_squeeze %dma_start3A_250 : memref<1x1x25x100xi32, #tpu.memory_space<hbm>> -> memref<25x100xi32, #tpu.memory_space<hbm>>
      %dma_start3A_252 = arith.constant 0 : i32
      %dma_start3A_253 = arith.constant 0 : i32
      %dma_start3A_254 = tpu.memref_slice %arg4[%add3A, %run_scoped3A_131, %dma_start3A_252, %dma_start3A_253] : memref<32x4x25x100xi32, #tpu.memory_space<hbm>> -> memref<1x1x25x100xi32, #tpu.memory_space<hbm>>
      %dma_start3A_255 = tpu.memref_squeeze %dma_start3A_254 : memref<1x1x25x100xi32, #tpu.memory_space<hbm>> -> memref<25x100xi32, #tpu.memory_space<hbm>>
      tpu.enqueue_dma source(%dma_start3A_255 : memref<25x100xi32, #tpu.memory_space<hbm>>) target(%arg7 : memref<25x100xi32, #tpu.memory_space<vmem>>) target_semaphore(%run_scoped3A_247 : memref<!tpu.dma_semaphore, #tpu.memory_space<semaphore_mem>>)
      %dma_wait3A_256 = arith.constant 0 : i32
      %dma_wait3A_257 = arith.constant 0 : i32
      %dma_wait3A_258 = tpu.memref_slice %arg4[%add3A, %run_scoped3A_131, %dma_wait3A_256, %dma_wait3A_257] : memref<32x4x25x100xi32, #tpu.memory_space<hbm>> -> memref<1x1x25x100xi32, #tpu.memory_space<hbm>>
      %dma_wait3A_259 = tpu.memref_squeeze %dma_wait3A_258 : memref<1x1x25x100xi32, #tpu.memory_space<hbm>> -> memref<25x100xi32, #tpu.memory_space<hbm>>
      %dma_wait3A_260 = arith.constant 0 : i32
      %dma_wait3A_261 = arith.constant 0 : i32
      %dma_wait3A_262 = tpu.memref_slice %arg4[%add3A, %run_scoped3A_131, %dma_wait3A_260, %dma_wait3A_261] : memref<32x4x25x100xi32, #tpu.memory_space<hbm>> -> memref<1x1x25x100xi32, #tpu.memory_space<hbm>>
      %dma_wait3A_263 = tpu.memref_squeeze %dma_wait3A_262 : memref<1x1x25x100xi32, #tpu.memory_space<hbm>> -> memref<25x100xi32, #tpu.memory_space<hbm>>
      tpu.wait_dma2 semaphore(%run_scoped3A_247 : memref<!tpu.dma_semaphore, #tpu.memory_space<semaphore_mem>>) src(%dma_wait3A_263 : memref<25x100xi32, #tpu.memory_space<hbm>>) dst(%arg7 : memref<25x100xi32, #tpu.memory_space<vmem>>)
      tpu.yield
    }) : () -> ()
    %dma_start3A_132 = arith.constant 0 : i32
    %dma_start3A_133 = arith.constant 0 : i32
    %dma_start3A_134 = tpu.memref_slice %arg6[%dma_start3A_132, %dma_start3A_133] : memref<25x100xi32, #tpu.memory_space<vmem>> -> memref<1x100xi32, #tpu.memory_space<vmem>>
    %dma_start3A_135 = tpu.memref_squeeze %dma_start3A_134 : memref<1x100xi32, #tpu.memory_space<vmem>> -> memref<100xi32, #tpu.memory_space<vmem>>
    %dma_start3A_136 = arith.constant 0 : i32
    %dma_start3A_137 = arith.constant 0 : i32
    %dma_start3A_138 = tpu.memref_slice %arg2[%dma_start3A_136, %dma_start3A_137] : memref<40000x128xf32, #tpu.memory_space<hbm>> -> memref<40000x128xf32, #tpu.memory_space<hbm>>
    tpu.enqueue_indirect_dma source(%dma_start3A_138 : memref<40000x128xf32, #tpu.memory_space<hbm>>) target(%arg8 : memref<100x128xf32, #tpu.memory_space<vmem>>) offsets(%dma_start3A_135 : memref<100xi32, #tpu.memory_space<vmem>>) semaphore(%arg12 : memref<!tpu.dma_semaphore, #tpu.memory_space<semaphore_mem>>)
    %dma_start3A_139 = arith.constant 1 : i32
    %dma_start3A_140 = arith.constant 0 : i32
    %dma_start3A_141 = tpu.memref_slice %arg6[%dma_start3A_139, %dma_start3A_140] : memref<25x100xi32, #tpu.memory_space<vmem>> -> memref<1x100xi32, #tpu.memory_space<vmem>>
    %dma_start3A_142 = tpu.memref_squeeze %dma_start3A_141 : memref<1x100xi32, #tpu.memory_space<vmem>> -> memref<100xi32, #tpu.memory_space<vmem>>
    %dma_start3A_143 = arith.constant 0 : i32
    %dma_start3A_144 = arith.constant 0 : i32
    %dma_start3A_145 = tpu.memref_slice %arg2[%dma_start3A_143, %dma_start3A_144] : memref<40000x128xf32, #tpu.memory_space<hbm>> -> memref<40000x128xf32, #tpu.memory_space<hbm>>
    tpu.enqueue_indirect_dma source(%dma_start3A_145 : memref<40000x128xf32, #tpu.memory_space<hbm>>) target(%arg9 : memref<100x128xf32, #tpu.memory_space<vmem>>) offsets(%dma_start3A_142 : memref<100xi32, #tpu.memory_space<vmem>>) semaphore(%arg13 : memref<!tpu.dma_semaphore, #tpu.memory_space<semaphore_mem>>)
    %scan3A_146 = arith.constant 0 : i32
    %scan3A_147 = arith.constant 0 : i32
    %scan3A_148 = arith.constant 8 : i32
    %scan3A_149 = arith.addi %scan3A_147, %scan3A_148 : i32
    %scan3A_150 = arith.constant 1 : i32
    scf.for %scan3A_247 = %scan3A_147 to %scan3A_149 step %scan3A_150  : i32 {
      %mul3A_248 = arith.constant 3 : i32
      %mul3A_249 = arith.muli %mul3A_248, %scan3A_247 : i32
      %add3A_250 = arith.constant 0 : i32
      %add3A_251 = arith.addi %mul3A_249, %add3A_250 : i32
      %dma_wait3A_252 = arith.constant 0 : i32
      %dma_wait3A_253 = tpu.memref_slice %arg6[%add3A_251, %dma_wait3A_252] : memref<25x100xi32, #tpu.memory_space<vmem>> -> memref<1x100xi32, #tpu.memory_space<vmem>>
      %dma_wait3A_254 = tpu.memref_squeeze %dma_wait3A_253 : memref<1x100xi32, #tpu.memory_space<vmem>> -> memref<100xi32, #tpu.memory_space<vmem>>
      %dma_wait3A_255 = arith.constant 0 : i32
      %dma_wait3A_256 = arith.constant 0 : i32
      %dma_wait3A_257 = tpu.memref_slice %arg2[%dma_wait3A_255, %dma_wait3A_256] : memref<40000x128xf32, #tpu.memory_space<hbm>> -> memref<40000x128xf32, #tpu.memory_space<hbm>>
      tpu.wait_indirect_dma semaphore(%arg12 : memref<!tpu.dma_semaphore, #tpu.memory_space<semaphore_mem>>) src(%dma_wait3A_257 : memref<40000x128xf32, #tpu.memory_space<hbm>>) dst(%arg8 : memref<100x128xf32, #tpu.memory_space<vmem>>)
      %dma_start3A_258 = arith.constant 0 : i32
      %dma_start3A_259 = tpu.memref_slice %arg7[%add3A_251, %dma_start3A_258] : memref<25x100xi32, #tpu.memory_space<vmem>> -> memref<1x100xi32, #tpu.memory_space<vmem>>
      %dma_start3A_260 = tpu.memref_squeeze %dma_start3A_259 : memref<1x100xi32, #tpu.memory_space<vmem>> -> memref<100xi32, #tpu.memory_space<vmem>>
      %dma_start3A_261 = arith.constant 0 : i32
      %dma_start3A_262 = arith.constant 0 : i32
      %dma_start3A_263 = tpu.memref_slice %arg11[%dma_start3A_261, %dma_start3A_262] : memref<10112x128xf32, #tpu.memory_space<vmem_shared>> -> memref<10112x128xf32, #tpu.memory_space<vmem_shared>>
      tpu.enqueue_indirect_dma source(%arg8 : memref<100x128xf32, #tpu.memory_space<vmem>>) target(%dma_start3A_263 : memref<10112x128xf32, #tpu.memory_space<vmem_shared>>) offsets(%dma_start3A_260 : memref<100xi32, #tpu.memory_space<vmem>>) semaphore(%arg15 : memref<!tpu.dma_semaphore, #tpu.memory_space<semaphore_mem>>) {add = true}
      %add3A_264 = arith.constant 2 : i32
      %add3A_265 = arith.addi %add3A_251, %add3A_264 : i32
      %lt3A = arith.constant 25 : i32
      %lt3A_266 = arith.cmpi slt, %add3A_265, %lt3A : i32
      %convert_element_type3A = arith.extui %lt3A_266 : i1 to i32
      %cond3A = arith.constant 0 : i32
      %cond3A_267 = arith.cmpi ne, %convert_element_type3A, %cond3A : i32
      scf.if %cond3A_267 {
        %ge3A = arith.constant 1 : i32
        %ge3A_314 = arith.cmpi sge, %add3A_251, %ge3A : i32
        %convert_element_type3A_315 = arith.extui %ge3A_314 : i1 to i32
        %cond3A_316 = arith.constant 0 : i32
        %cond3A_317 = arith.cmpi ne, %convert_element_type3A_315, %cond3A_316 : i32
        scf.if %cond3A_317 {
          %sub3A = arith.constant 1 : i32
          %sub3A_326 = arith.subi %add3A_251, %sub3A : i32
          %dma_wait3A_327 = arith.constant 0 : i32
          %dma_wait3A_328 = tpu.memref_slice %arg7[%sub3A_326, %dma_wait3A_327] : memref<25x100xi32, #tpu.memory_space<vmem>> -> memref<1x100xi32, #tpu.memory_space<vmem>>
          %dma_wait3A_329 = tpu.memref_squeeze %dma_wait3A_328 : memref<1x100xi32, #tpu.memory_space<vmem>> -> memref<100xi32, #tpu.memory_space<vmem>>
          %dma_wait3A_330 = arith.constant 0 : i32
          %dma_wait3A_331 = arith.constant 0 : i32
          %dma_wait3A_332 = tpu.memref_slice %arg11[%dma_wait3A_330, %dma_wait3A_331] : memref<10112x128xf32, #tpu.memory_space<vmem_shared>> -> memref<10112x128xf32, #tpu.memory_space<vmem_shared>>
          tpu.wait_indirect_dma semaphore(%arg17 : memref<!tpu.dma_semaphore, #tpu.memory_space<semaphore_mem>>) src(%arg10 : memref<100x128xf32, #tpu.memory_space<vmem>>) dst(%dma_wait3A_332 : memref<10112x128xf32, #tpu.memory_space<vmem_shared>>)
        } else {
        }
        %add3A_318 = arith.constant 2 : i32
        %add3A_319 = arith.addi %add3A_251, %add3A_318 : i32
        %dma_start3A_320 = arith.constant 0 : i32
        %dma_start3A_321 = tpu.memref_slice %arg6[%add3A_319, %dma_start3A_320] : memref<25x100xi32, #tpu.memory_space<vmem>> -> memref<1x100xi32, #tpu.memory_space<vmem>>
        %dma_start3A_322 = tpu.memref_squeeze %dma_start3A_321 : memref<1x100xi32, #tpu.memory_space<vmem>> -> memref<100xi32, #tpu.memory_space<vmem>>
        %dma_start3A_323 = arith.constant 0 : i32
        %dma_start3A_324 = arith.constant 0 : i32
        %dma_start3A_325 = tpu.memref_slice %arg2[%dma_start3A_323, %dma_start3A_324] : memref<40000x128xf32, #tpu.memory_space<hbm>> -> memref<40000x128xf32, #tpu.memory_space<hbm>>
        tpu.enqueue_indirect_dma source(%dma_start3A_325 : memref<40000x128xf32, #tpu.memory_space<hbm>>) target(%arg10 : memref<100x128xf32, #tpu.memory_space<vmem>>) offsets(%dma_start3A_322 : memref<100xi32, #tpu.memory_space<vmem>>) semaphore(%arg14 : memref<!tpu.dma_semaphore, #tpu.memory_space<semaphore_mem>>)
      } else {
      }
      %mul3A_268 = arith.constant 3 : i32
      %mul3A_269 = arith.muli %mul3A_268, %scan3A_247 : i32
      %add3A_270 = arith.constant 1 : i32
      %add3A_271 = arith.addi %mul3A_269, %add3A_270 : i32
      %dma_wait3A_272 = arith.constant 0 : i32
      %dma_wait3A_273 = tpu.memref_slice %arg6[%add3A_271, %dma_wait3A_272] : memref<25x100xi32, #tpu.memory_space<vmem>> -> memref<1x100xi32, #tpu.memory_space<vmem>>
      %dma_wait3A_274 = tpu.memref_squeeze %dma_wait3A_273 : memref<1x100xi32, #tpu.memory_space<vmem>> -> memref<100xi32, #tpu.memory_space<vmem>>
      %dma_wait3A_275 = arith.constant 0 : i32
      %dma_wait3A_276 = arith.constant 0 : i32
      %dma_wait3A_277 = tpu.memref_slice %arg2[%dma_wait3A_275, %dma_wait3A_276] : memref<40000x128xf32, #tpu.memory_space<hbm>> -> memref<40000x128xf32, #tpu.memory_space<hbm>>
      tpu.wait_indirect_dma semaphore(%arg13 : memref<!tpu.dma_semaphore, #tpu.memory_space<semaphore_mem>>) src(%dma_wait3A_277 : memref<40000x128xf32, #tpu.memory_space<hbm>>) dst(%arg9 : memref<100x128xf32, #tpu.memory_space<vmem>>)
      %dma_start3A_278 = arith.constant 0 : i32
      %dma_start3A_279 = tpu.memref_slice %arg7[%add3A_271, %dma_start3A_278] : memref<25x100xi32, #tpu.memory_space<vmem>> -> memref<1x100xi32, #tpu.memory_space<vmem>>
      %dma_start3A_280 = tpu.memref_squeeze %dma_start3A_279 : memref<1x100xi32, #tpu.memory_space<vmem>> -> memref<100xi32, #tpu.memory_space<vmem>>
      %dma_start3A_281 = arith.constant 0 : i32
      %dma_start3A_282 = arith.constant 0 : i32
      %dma_start3A_283 = tpu.memref_slice %arg11[%dma_start3A_281, %dma_start3A_282] : memref<10112x128xf32, #tpu.memory_space<vmem_shared>> -> memref<10112x128xf32, #tpu.memory_space<vmem_shared>>
      tpu.enqueue_indirect_dma source(%arg9 : memref<100x128xf32, #tpu.memory_space<vmem>>) target(%dma_start3A_283 : memref<10112x128xf32, #tpu.memory_space<vmem_shared>>) offsets(%dma_start3A_280 : memref<100xi32, #tpu.memory_space<vmem>>) semaphore(%arg16 : memref<!tpu.dma_semaphore, #tpu.memory_space<semaphore_mem>>) {add = true}
      %add3A_284 = arith.constant 2 : i32
      %add3A_285 = arith.addi %add3A_271, %add3A_284 : i32
      %lt3A_286 = arith.constant 25 : i32
      %lt3A_287 = arith.cmpi slt, %add3A_285, %lt3A_286 : i32
      %convert_element_type3A_288 = arith.extui %lt3A_287 : i1 to i32
      %cond3A_289 = arith.constant 0 : i32
      %cond3A_290 = arith.cmpi ne, %convert_element_type3A_288, %cond3A_289 : i32
      scf.if %cond3A_290 {
        %ge3A = arith.constant 1 : i32
        %ge3A_314 = arith.cmpi sge, %add3A_271, %ge3A : i32
        %convert_element_type3A_315 = arith.extui %ge3A_314 : i1 to i32
        %cond3A_316 = arith.constant 0 : i32
        %cond3A_317 = arith.cmpi ne, %convert_element_type3A_315, %cond3A_316 : i32
        scf.if %cond3A_317 {
          %sub3A = arith.constant 1 : i32
          %sub3A_326 = arith.subi %add3A_271, %sub3A : i32
          %dma_wait3A_327 = arith.constant 0 : i32
          %dma_wait3A_328 = tpu.memref_slice %arg7[%sub3A_326, %dma_wait3A_327] : memref<25x100xi32, #tpu.memory_space<vmem>> -> memref<1x100xi32, #tpu.memory_space<vmem>>
          %dma_wait3A_329 = tpu.memref_squeeze %dma_wait3A_328 : memref<1x100xi32, #tpu.memory_space<vmem>> -> memref<100xi32, #tpu.memory_space<vmem>>
          %dma_wait3A_330 = arith.constant 0 : i32
          %dma_wait3A_331 = arith.constant 0 : i32
          %dma_wait3A_332 = tpu.memref_slice %arg11[%dma_wait3A_330, %dma_wait3A_331] : memref<10112x128xf32, #tpu.memory_space<vmem_shared>> -> memref<10112x128xf32, #tpu.memory_space<vmem_shared>>
          tpu.wait_indirect_dma semaphore(%arg15 : memref<!tpu.dma_semaphore, #tpu.memory_space<semaphore_mem>>) src(%arg8 : memref<100x128xf32, #tpu.memory_space<vmem>>) dst(%dma_wait3A_332 : memref<10112x128xf32, #tpu.memory_space<vmem_shared>>)
        } else {
        }
        %add3A_318 = arith.constant 2 : i32
        %add3A_319 = arith.addi %add3A_271, %add3A_318 : i32
        %dma_start3A_320 = arith.constant 0 : i32
        %dma_start3A_321 = tpu.memref_slice %arg6[%add3A_319, %dma_start3A_320] : memref<25x100xi32, #tpu.memory_space<vmem>> -> memref<1x100xi32, #tpu.memory_space<vmem>>
        %dma_start3A_322 = tpu.memref_squeeze %dma_start3A_321 : memref<1x100xi32, #tpu.memory_space<vmem>> -> memref<100xi32, #tpu.memory_space<vmem>>
        %dma_start3A_323 = arith.constant 0 : i32
        %dma_start3A_324 = arith.constant 0 : i32
        %dma_start3A_325 = tpu.memref_slice %arg2[%dma_start3A_323, %dma_start3A_324] : memref<40000x128xf32, #tpu.memory_space<hbm>> -> memref<40000x128xf32, #tpu.memory_space<hbm>>
        tpu.enqueue_indirect_dma source(%dma_start3A_325 : memref<40000x128xf32, #tpu.memory_space<hbm>>) target(%arg8 : memref<100x128xf32, #tpu.memory_space<vmem>>) offsets(%dma_start3A_322 : memref<100xi32, #tpu.memory_space<vmem>>) semaphore(%arg12 : memref<!tpu.dma_semaphore, #tpu.memory_space<semaphore_mem>>)
      } else {
      }
      %mul3A_291 = arith.constant 3 : i32
      %mul3A_292 = arith.muli %mul3A_291, %scan3A_247 : i32
      %add3A_293 = arith.constant 2 : i32
      %add3A_294 = arith.addi %mul3A_292, %add3A_293 : i32
      %dma_wait3A_295 = arith.constant 0 : i32
      %dma_wait3A_296 = tpu.memref_slice %arg6[%add3A_294, %dma_wait3A_295] : memref<25x100xi32, #tpu.memory_space<vmem>> -> memref<1x100xi32, #tpu.memory_space<vmem>>
      %dma_wait3A_297 = tpu.memref_squeeze %dma_wait3A_296 : memref<1x100xi32, #tpu.memory_space<vmem>> -> memref<100xi32, #tpu.memory_space<vmem>>
      %dma_wait3A_298 = arith.constant 0 : i32
      %dma_wait3A_299 = arith.constant 0 : i32
      %dma_wait3A_300 = tpu.memref_slice %arg2[%dma_wait3A_298, %dma_wait3A_299] : memref<40000x128xf32, #tpu.memory_space<hbm>> -> memref<40000x128xf32, #tpu.memory_space<hbm>>
      tpu.wait_indirect_dma semaphore(%arg14 : memref<!tpu.dma_semaphore, #tpu.memory_space<semaphore_mem>>) src(%dma_wait3A_300 : memref<40000x128xf32, #tpu.memory_space<hbm>>) dst(%arg10 : memref<100x128xf32, #tpu.memory_space<vmem>>)
      %dma_start3A_301 = arith.constant 0 : i32
      %dma_start3A_302 = tpu.memref_slice %arg7[%add3A_294, %dma_start3A_301] : memref<25x100xi32, #tpu.memory_space<vmem>> -> memref<1x100xi32, #tpu.memory_space<vmem>>
      %dma_start3A_303 = tpu.memref_squeeze %dma_start3A_302 : memref<1x100xi32, #tpu.memory_space<vmem>> -> memref<100xi32, #tpu.memory_space<vmem>>
      %dma_start3A_304 = arith.constant 0 : i32
      %dma_start3A_305 = arith.constant 0 : i32
      %dma_start3A_306 = tpu.memref_slice %arg11[%dma_start3A_304, %dma_start3A_305] : memref<10112x128xf32, #tpu.memory_space<vmem_shared>> -> memref<10112x128xf32, #tpu.memory_space<vmem_shared>>
      tpu.enqueue_indirect_dma source(%arg10 : memref<100x128xf32, #tpu.memory_space<vmem>>) target(%dma_start3A_306 : memref<10112x128xf32, #tpu.memory_space<vmem_shared>>) offsets(%dma_start3A_303 : memref<100xi32, #tpu.memory_space<vmem>>) semaphore(%arg17 : memref<!tpu.dma_semaphore, #tpu.memory_space<semaphore_mem>>) {add = true}
      %add3A_307 = arith.constant 2 : i32
      %add3A_308 = arith.addi %add3A_294, %add3A_307 : i32
      %lt3A_309 = arith.constant 25 : i32
      %lt3A_310 = arith.cmpi slt, %add3A_308, %lt3A_309 : i32
      %convert_element_type3A_311 = arith.extui %lt3A_310 : i1 to i32
      %cond3A_312 = arith.constant 0 : i32
      %cond3A_313 = arith.cmpi ne, %convert_element_type3A_311, %cond3A_312 : i32
      scf.if %cond3A_313 {
        %ge3A = arith.constant 1 : i32
        %ge3A_314 = arith.cmpi sge, %add3A_294, %ge3A : i32
        %convert_element_type3A_315 = arith.extui %ge3A_314 : i1 to i32
        %cond3A_316 = arith.constant 0 : i32
        %cond3A_317 = arith.cmpi ne, %convert_element_type3A_315, %cond3A_316 : i32
        scf.if %cond3A_317 {
          %sub3A = arith.constant 1 : i32
          %sub3A_326 = arith.subi %add3A_294, %sub3A : i32
          %dma_wait3A_327 = arith.constant 0 : i32
          %dma_wait3A_328 = tpu.memref_slice %arg7[%sub3A_326, %dma_wait3A_327] : memref<25x100xi32, #tpu.memory_space<vmem>> -> memref<1x100xi32, #tpu.memory_space<vmem>>
          %dma_wait3A_329 = tpu.memref_squeeze %dma_wait3A_328 : memref<1x100xi32, #tpu.memory_space<vmem>> -> memref<100xi32, #tpu.memory_space<vmem>>
          %dma_wait3A_330 = arith.constant 0 : i32
          %dma_wait3A_331 = arith.constant 0 : i32
          %dma_wait3A_332 = tpu.memref_slice %arg11[%dma_wait3A_330, %dma_wait3A_331] : memref<10112x128xf32, #tpu.memory_space<vmem_shared>> -> memref<10112x128xf32, #tpu.memory_space<vmem_shared>>
          tpu.wait_indirect_dma semaphore(%arg16 : memref<!tpu.dma_semaphore, #tpu.memory_space<semaphore_mem>>) src(%arg9 : memref<100x128xf32, #tpu.memory_space<vmem>>) dst(%dma_wait3A_332 : memref<10112x128xf32, #tpu.memory_space<vmem_shared>>)
        } else {
        }
        %add3A_318 = arith.constant 2 : i32
        %add3A_319 = arith.addi %add3A_294, %add3A_318 : i32
        %dma_start3A_320 = arith.constant 0 : i32
        %dma_start3A_321 = tpu.memref_slice %arg6[%add3A_319, %dma_start3A_320] : memref<25x100xi32, #tpu.memory_space<vmem>> -> memref<1x100xi32, #tpu.memory_space<vmem>>
        %dma_start3A_322 = tpu.memref_squeeze %dma_start3A_321 : memref<1x100xi32, #tpu.memory_space<vmem>> -> memref<100xi32, #tpu.memory_space<vmem>>
        %dma_start3A_323 = arith.constant 0 : i32
        %dma_start3A_324 = arith.constant 0 : i32
        %dma_start3A_325 = tpu.memref_slice %arg2[%dma_start3A_323, %dma_start3A_324] : memref<40000x128xf32, #tpu.memory_space<hbm>> -> memref<40000x128xf32, #tpu.memory_space<hbm>>
        tpu.enqueue_indirect_dma source(%dma_start3A_325 : memref<40000x128xf32, #tpu.memory_space<hbm>>) target(%arg9 : memref<100x128xf32, #tpu.memory_space<vmem>>) offsets(%dma_start3A_322 : memref<100xi32, #tpu.memory_space<vmem>>) semaphore(%arg13 : memref<!tpu.dma_semaphore, #tpu.memory_space<semaphore_mem>>)
      } else {
      }
    }
    %scan3A_151 = arith.constant 8 : i32
    %dma_wait3A_152 = arith.constant 24 : i32
    %dma_wait3A_153 = arith.constant 0 : i32
    %dma_wait3A_154 = tpu.memref_slice %arg6[%dma_wait3A_152, %dma_wait3A_153] : memref<25x100xi32, #tpu.memory_space<vmem>> -> memref<1x100xi32, #tpu.memory_space<vmem>>
    %dma_wait3A_155 = tpu.memref_squeeze %dma_wait3A_154 : memref<1x100xi32, #tpu.memory_space<vmem>> -> memref<100xi32, #tpu.memory_space<vmem>>
    %dma_wait3A_156 = arith.constant 0 : i32
    %dma_wait3A_157 = arith.constant 0 : i32
    %dma_wait3A_158 = tpu.memref_slice %arg2[%dma_wait3A_156, %dma_wait3A_157] : memref<40000x128xf32, #tpu.memory_space<hbm>> -> memref<40000x128xf32, #tpu.memory_space<hbm>>
    tpu.wait_indirect_dma semaphore(%arg12 : memref<!tpu.dma_semaphore, #tpu.memory_space<semaphore_mem>>) src(%dma_wait3A_158 : memref<40000x128xf32, #tpu.memory_space<hbm>>) dst(%arg8 : memref<100x128xf32, #tpu.memory_space<vmem>>)
    %dma_start3A_159 = arith.constant 24 : i32
    %dma_start3A_160 = arith.constant 0 : i32
    %dma_start3A_161 = tpu.memref_slice %arg7[%dma_start3A_159, %dma_start3A_160] : memref<25x100xi32, #tpu.memory_space<vmem>> -> memref<1x100xi32, #tpu.memory_space<vmem>>
    %dma_start3A_162 = tpu.memref_squeeze %dma_start3A_161 : memref<1x100xi32, #tpu.memory_space<vmem>> -> memref<100xi32, #tpu.memory_space<vmem>>
    %dma_start3A_163 = arith.constant 0 : i32
    %dma_start3A_164 = arith.constant 0 : i32
    %dma_start3A_165 = tpu.memref_slice %arg11[%dma_start3A_163, %dma_start3A_164] : memref<10112x128xf32, #tpu.memory_space<vmem_shared>> -> memref<10112x128xf32, #tpu.memory_space<vmem_shared>>
    tpu.enqueue_indirect_dma source(%arg8 : memref<100x128xf32, #tpu.memory_space<vmem>>) target(%dma_start3A_165 : memref<10112x128xf32, #tpu.memory_space<vmem_shared>>) offsets(%dma_start3A_162 : memref<100xi32, #tpu.memory_space<vmem>>) semaphore(%arg15 : memref<!tpu.dma_semaphore, #tpu.memory_space<semaphore_mem>>) {add = true}
    %dma_wait3A_166 = arith.constant 22 : i32
    %dma_wait3A_167 = arith.constant 0 : i32
    %dma_wait3A_168 = tpu.memref_slice %arg7[%dma_wait3A_166, %dma_wait3A_167] : memref<25x100xi32, #tpu.memory_space<vmem>> -> memref<1x100xi32, #tpu.memory_space<vmem>>
    %dma_wait3A_169 = tpu.memref_squeeze %dma_wait3A_168 : memref<1x100xi32, #tpu.memory_space<vmem>> -> memref<100xi32, #tpu.memory_space<vmem>>
    %dma_wait3A_170 = arith.constant 0 : i32
    %dma_wait3A_171 = arith.constant 0 : i32
    %dma_wait3A_172 = tpu.memref_slice %arg11[%dma_wait3A_170, %dma_wait3A_171] : memref<10112x128xf32, #tpu.memory_space<vmem_shared>> -> memref<10112x128xf32, #tpu.memory_space<vmem_shared>>
    tpu.wait_indirect_dma semaphore(%arg16 : memref<!tpu.dma_semaphore, #tpu.memory_space<semaphore_mem>>) src(%arg9 : memref<100x128xf32, #tpu.memory_space<vmem>>) dst(%dma_wait3A_172 : memref<10112x128xf32, #tpu.memory_space<vmem_shared>>)
    %dma_wait3A_173 = arith.constant 23 : i32
    %dma_wait3A_174 = arith.constant 0 : i32
    %dma_wait3A_175 = tpu.memref_slice %arg7[%dma_wait3A_173, %dma_wait3A_174] : memref<25x100xi32, #tpu.memory_space<vmem>> -> memref<1x100xi32, #tpu.memory_space<vmem>>
    %dma_wait3A_176 = tpu.memref_squeeze %dma_wait3A_175 : memref<1x100xi32, #tpu.memory_space<vmem>> -> memref<100xi32, #tpu.memory_space<vmem>>
    %dma_wait3A_177 = arith.constant 0 : i32
    %dma_wait3A_178 = arith.constant 0 : i32
    %dma_wait3A_179 = tpu.memref_slice %arg11[%dma_wait3A_177, %dma_wait3A_178] : memref<10112x128xf32, #tpu.memory_space<vmem_shared>> -> memref<10112x128xf32, #tpu.memory_space<vmem_shared>>
    tpu.wait_indirect_dma semaphore(%arg17 : memref<!tpu.dma_semaphore, #tpu.memory_space<semaphore_mem>>) src(%arg10 : memref<100x128xf32, #tpu.memory_space<vmem>>) dst(%dma_wait3A_179 : memref<10112x128xf32, #tpu.memory_space<vmem_shared>>)
    %dma_wait3A_180 = arith.constant 24 : i32
    %dma_wait3A_181 = arith.constant 0 : i32
    %dma_wait3A_182 = tpu.memref_slice %arg7[%dma_wait3A_180, %dma_wait3A_181] : memref<25x100xi32, #tpu.memory_space<vmem>> -> memref<1x100xi32, #tpu.memory_space<vmem>>
    %dma_wait3A_183 = tpu.memref_squeeze %dma_wait3A_182 : memref<1x100xi32, #tpu.memory_space<vmem>> -> memref<100xi32, #tpu.memory_space<vmem>>
    %dma_wait3A_184 = arith.constant 0 : i32
    %dma_wait3A_185 = arith.constant 0 : i32
    %dma_wait3A_186 = tpu.memref_slice %arg11[%dma_wait3A_184, %dma_wait3A_185] : memref<10112x128xf32, #tpu.memory_space<vmem_shared>> -> memref<10112x128xf32, #tpu.memory_space<vmem_shared>>
    tpu.wait_indirect_dma semaphore(%arg15 : memref<!tpu.dma_semaphore, #tpu.memory_space<semaphore_mem>>) src(%arg8 : memref<100x128xf32, #tpu.memory_space<vmem>>) dst(%dma_wait3A_186 : memref<10112x128xf32, #tpu.memory_space<vmem_shared>>)
    %run_scoped3A_187 = arith.constant 3 : i32
    "tpu.region"() ({
      %run_scoped3A_247 = tpu.sem_alloc : memref<!tpu.dma_semaphore, #tpu.memory_space<semaphore_mem>>
      %dma_start3A_248 = arith.constant 0 : i32
      %dma_start3A_249 = arith.constant 0 : i32
      %dma_start3A_250 = tpu.memref_slice %arg3[%add3A, %run_scoped3A_187, %dma_start3A_248, %dma_start3A_249] : memref<32x4x25x100xi32, #tpu.memory_space<hbm>> -> memref<1x1x25x100xi32, #tpu.memory_space<hbm>>
      %dma_start3A_251 = tpu.memref_squeeze %dma_start3A_250 : memref<1x1x25x100xi32, #tpu.memory_space<hbm>> -> memref<25x100xi32, #tpu.memory_space<hbm>>
      %dma_start3A_252 = arith.constant 0 : i32
      %dma_start3A_253 = arith.constant 0 : i32
      %dma_start3A_254 = tpu.memref_slice %arg3[%add3A, %run_scoped3A_187, %dma_start3A_252, %dma_start3A_253] : memref<32x4x25x100xi32, #tpu.memory_space<hbm>> -> memref<1x1x25x100xi32, #tpu.memory_space<hbm>>
      %dma_start3A_255 = tpu.memref_squeeze %dma_start3A_254 : memref<1x1x25x100xi32, #tpu.memory_space<hbm>> -> memref<25x100xi32, #tpu.memory_space<hbm>>
      tpu.enqueue_dma source(%dma_start3A_255 : memref<25x100xi32, #tpu.memory_space<hbm>>) target(%arg6 : memref<25x100xi32, #tpu.memory_space<vmem>>) target_semaphore(%run_scoped3A_247 : memref<!tpu.dma_semaphore, #tpu.memory_space<semaphore_mem>>)
      %dma_wait3A_256 = arith.constant 0 : i32
      %dma_wait3A_257 = arith.constant 0 : i32
      %dma_wait3A_258 = tpu.memref_slice %arg3[%add3A, %run_scoped3A_187, %dma_wait3A_256, %dma_wait3A_257] : memref<32x4x25x100xi32, #tpu.memory_space<hbm>> -> memref<1x1x25x100xi32, #tpu.memory_space<hbm>>
      %dma_wait3A_259 = tpu.memref_squeeze %dma_wait3A_258 : memref<1x1x25x100xi32, #tpu.memory_space<hbm>> -> memref<25x100xi32, #tpu.memory_space<hbm>>
      %dma_wait3A_260 = arith.constant 0 : i32
      %dma_wait3A_261 = arith.constant 0 : i32
      %dma_wait3A_262 = tpu.memref_slice %arg3[%add3A, %run_scoped3A_187, %dma_wait3A_260, %dma_wait3A_261] : memref<32x4x25x100xi32, #tpu.memory_space<hbm>> -> memref<1x1x25x100xi32, #tpu.memory_space<hbm>>
      %dma_wait3A_263 = tpu.memref_squeeze %dma_wait3A_262 : memref<1x1x25x100xi32, #tpu.memory_space<hbm>> -> memref<25x100xi32, #tpu.memory_space<hbm>>
      tpu.wait_dma2 semaphore(%run_scoped3A_247 : memref<!tpu.dma_semaphore, #tpu.memory_space<semaphore_mem>>) src(%dma_wait3A_263 : memref<25x100xi32, #tpu.memory_space<hbm>>) dst(%arg6 : memref<25x100xi32, #tpu.memory_space<vmem>>)
      tpu.yield
    }) : () -> ()
    %run_scoped3A_188 = arith.constant 3 : i32
    "tpu.region"() ({
      %run_scoped3A_247 = tpu.sem_alloc : memref<!tpu.dma_semaphore, #tpu.memory_space<semaphore_mem>>
      %dma_start3A_248 = arith.constant 0 : i32
      %dma_start3A_249 = arith.constant 0 : i32
      %dma_start3A_250 = tpu.memref_slice %arg4[%add3A, %run_scoped3A_188, %dma_start3A_248, %dma_start3A_249] : memref<32x4x25x100xi32, #tpu.memory_space<hbm>> -> memref<1x1x25x100xi32, #tpu.memory_space<hbm>>
      %dma_start3A_251 = tpu.memref_squeeze %dma_start3A_250 : memref<1x1x25x100xi32, #tpu.memory_space<hbm>> -> memref<25x100xi32, #tpu.memory_space<hbm>>
      %dma_start3A_252 = arith.constant 0 : i32
      %dma_start3A_253 = arith.constant 0 : i32
      %dma_start3A_254 = tpu.memref_slice %arg4[%add3A, %run_scoped3A_188, %dma_start3A_252, %dma_start3A_253] : memref<32x4x25x100xi32, #tpu.memory_space<hbm>> -> memref<1x1x25x100xi32, #tpu.memory_space<hbm>>
      %dma_start3A_255 = tpu.memref_squeeze %dma_start3A_254 : memref<1x1x25x100xi32, #tpu.memory_space<hbm>> -> memref<25x100xi32, #tpu.memory_space<hbm>>
      tpu.enqueue_dma source(%dma_start3A_255 : memref<25x100xi32, #tpu.memory_space<hbm>>) target(%arg7 : memref<25x100xi32, #tpu.memory_space<vmem>>) target_semaphore(%run_scoped3A_247 : memref<!tpu.dma_semaphore, #tpu.memory_space<semaphore_mem>>)
      %dma_wait3A_256 = arith.constant 0 : i32
      %dma_wait3A_257 = arith.constant 0 : i32
      %dma_wait3A_258 = tpu.memref_slice %arg4[%add3A, %run_scoped3A_188, %dma_wait3A_256, %dma_wait3A_257] : memref<32x4x25x100xi32, #tpu.memory_space<hbm>> -> memref<1x1x25x100xi32, #tpu.memory_space<hbm>>
      %dma_wait3A_259 = tpu.memref_squeeze %dma_wait3A_258 : memref<1x1x25x100xi32, #tpu.memory_space<hbm>> -> memref<25x100xi32, #tpu.memory_space<hbm>>
      %dma_wait3A_260 = arith.constant 0 : i32
      %dma_wait3A_261 = arith.constant 0 : i32
      %dma_wait3A_262 = tpu.memref_slice %arg4[%add3A, %run_scoped3A_188, %dma_wait3A_260, %dma_wait3A_261] : memref<32x4x25x100xi32, #tpu.memory_space<hbm>> -> memref<1x1x25x100xi32, #tpu.memory_space<hbm>>
      %dma_wait3A_263 = tpu.memref_squeeze %dma_wait3A_262 : memref<1x1x25x100xi32, #tpu.memory_space<hbm>> -> memref<25x100xi32, #tpu.memory_space<hbm>>
      tpu.wait_dma2 semaphore(%run_scoped3A_247 : memref<!tpu.dma_semaphore, #tpu.memory_space<semaphore_mem>>) src(%dma_wait3A_263 : memref<25x100xi32, #tpu.memory_space<hbm>>) dst(%arg7 : memref<25x100xi32, #tpu.memory_space<vmem>>)
      tpu.yield
    }) : () -> ()
    %dma_start3A_189 = arith.constant 0 : i32
    %dma_start3A_190 = arith.constant 0 : i32
    %dma_start3A_191 = tpu.memref_slice %arg6[%dma_start3A_189, %dma_start3A_190] : memref<25x100xi32, #tpu.memory_space<vmem>> -> memref<1x100xi32, #tpu.memory_space<vmem>>
    %dma_start3A_192 = tpu.memref_squeeze %dma_start3A_191 : memref<1x100xi32, #tpu.memory_space<vmem>> -> memref<100xi32, #tpu.memory_space<vmem>>
    %dma_start3A_193 = arith.constant 0 : i32
    %dma_start3A_194 = arith.constant 0 : i32
    %dma_start3A_195 = tpu.memref_slice %arg2[%dma_start3A_193, %dma_start3A_194] : memref<40000x128xf32, #tpu.memory_space<hbm>> -> memref<40000x128xf32, #tpu.memory_space<hbm>>
    tpu.enqueue_indirect_dma source(%dma_start3A_195 : memref<40000x128xf32, #tpu.memory_space<hbm>>) target(%arg8 : memref<100x128xf32, #tpu.memory_space<vmem>>) offsets(%dma_start3A_192 : memref<100xi32, #tpu.memory_space<vmem>>) semaphore(%arg12 : memref<!tpu.dma_semaphore, #tpu.memory_space<semaphore_mem>>)
    %dma_start3A_196 = arith.constant 1 : i32
    %dma_start3A_197 = arith.constant 0 : i32
    %dma_start3A_198 = tpu.memref_slice %arg6[%dma_start3A_196, %dma_start3A_197] : memref<25x100xi32, #tpu.memory_space<vmem>> -> memref<1x100xi32, #tpu.memory_space<vmem>>
    %dma_start3A_199 = tpu.memref_squeeze %dma_start3A_198 : memref<1x100xi32, #tpu.memory_space<vmem>> -> memref<100xi32, #tpu.memory_space<vmem>>
    %dma_start3A_200 = arith.constant 0 : i32
    %dma_start3A_201 = arith.constant 0 : i32
    %dma_start3A_202 = tpu.memref_slice %arg2[%dma_start3A_200, %dma_start3A_201] : memref<40000x128xf32, #tpu.memory_space<hbm>> -> memref<40000x128xf32, #tpu.memory_space<hbm>>
    tpu.enqueue_indirect_dma source(%dma_start3A_202 : memref<40000x128xf32, #tpu.memory_space<hbm>>) target(%arg9 : memref<100x128xf32, #tpu.memory_space<vmem>>) offsets(%dma_start3A_199 : memref<100xi32, #tpu.memory_space<vmem>>) semaphore(%arg13 : memref<!tpu.dma_semaphore, #tpu.memory_space<semaphore_mem>>)
    %scan3A_203 = arith.constant 0 : i32
    %scan3A_204 = arith.constant 0 : i32
    %scan3A_205 = arith.constant 8 : i32
    %scan3A_206 = arith.addi %scan3A_204, %scan3A_205 : i32
    %scan3A_207 = arith.constant 1 : i32
    scf.for %scan3A_247 = %scan3A_204 to %scan3A_206 step %scan3A_207  : i32 {
      %mul3A_248 = arith.constant 3 : i32
      %mul3A_249 = arith.muli %mul3A_248, %scan3A_247 : i32
      %add3A_250 = arith.constant 0 : i32
      %add3A_251 = arith.addi %mul3A_249, %add3A_250 : i32
      %dma_wait3A_252 = arith.constant 0 : i32
      %dma_wait3A_253 = tpu.memref_slice %arg6[%add3A_251, %dma_wait3A_252] : memref<25x100xi32, #tpu.memory_space<vmem>> -> memref<1x100xi32, #tpu.memory_space<vmem>>
      %dma_wait3A_254 = tpu.memref_squeeze %dma_wait3A_253 : memref<1x100xi32, #tpu.memory_space<vmem>> -> memref<100xi32, #tpu.memory_space<vmem>>
      %dma_wait3A_255 = arith.constant 0 : i32
      %dma_wait3A_256 = arith.constant 0 : i32
      %dma_wait3A_257 = tpu.memref_slice %arg2[%dma_wait3A_255, %dma_wait3A_256] : memref<40000x128xf32, #tpu.memory_space<hbm>> -> memref<40000x128xf32, #tpu.memory_space<hbm>>
      tpu.wait_indirect_dma semaphore(%arg12 : memref<!tpu.dma_semaphore, #tpu.memory_space<semaphore_mem>>) src(%dma_wait3A_257 : memref<40000x128xf32, #tpu.memory_space<hbm>>) dst(%arg8 : memref<100x128xf32, #tpu.memory_space<vmem>>)
      %dma_start3A_258 = arith.constant 0 : i32
      %dma_start3A_259 = tpu.memref_slice %arg7[%add3A_251, %dma_start3A_258] : memref<25x100xi32, #tpu.memory_space<vmem>> -> memref<1x100xi32, #tpu.memory_space<vmem>>
      %dma_start3A_260 = tpu.memref_squeeze %dma_start3A_259 : memref<1x100xi32, #tpu.memory_space<vmem>> -> memref<100xi32, #tpu.memory_space<vmem>>
      %dma_start3A_261 = arith.constant 0 : i32
      %dma_start3A_262 = arith.constant 0 : i32
      %dma_start3A_263 = tpu.memref_slice %arg11[%dma_start3A_261, %dma_start3A_262] : memref<10112x128xf32, #tpu.memory_space<vmem_shared>> -> memref<10112x128xf32, #tpu.memory_space<vmem_shared>>
      tpu.enqueue_indirect_dma source(%arg8 : memref<100x128xf32, #tpu.memory_space<vmem>>) target(%dma_start3A_263 : memref<10112x128xf32, #tpu.memory_space<vmem_shared>>) offsets(%dma_start3A_260 : memref<100xi32, #tpu.memory_space<vmem>>) semaphore(%arg15 : memref<!tpu.dma_semaphore, #tpu.memory_space<semaphore_mem>>) {add = true}
      %add3A_264 = arith.constant 2 : i32
      %add3A_265 = arith.addi %add3A_251, %add3A_264 : i32
      %lt3A = arith.constant 25 : i32
      %lt3A_266 = arith.cmpi slt, %add3A_265, %lt3A : i32
      %convert_element_type3A = arith.extui %lt3A_266 : i1 to i32
      %cond3A = arith.constant 0 : i32
      %cond3A_267 = arith.cmpi ne, %convert_element_type3A, %cond3A : i32
      scf.if %cond3A_267 {
        %ge3A = arith.constant 1 : i32
        %ge3A_314 = arith.cmpi sge, %add3A_251, %ge3A : i32
        %convert_element_type3A_315 = arith.extui %ge3A_314 : i1 to i32
        %cond3A_316 = arith.constant 0 : i32
        %cond3A_317 = arith.cmpi ne, %convert_element_type3A_315, %cond3A_316 : i32
        scf.if %cond3A_317 {
          %sub3A = arith.constant 1 : i32
          %sub3A_326 = arith.subi %add3A_251, %sub3A : i32
          %dma_wait3A_327 = arith.constant 0 : i32
          %dma_wait3A_328 = tpu.memref_slice %arg7[%sub3A_326, %dma_wait3A_327] : memref<25x100xi32, #tpu.memory_space<vmem>> -> memref<1x100xi32, #tpu.memory_space<vmem>>
          %dma_wait3A_329 = tpu.memref_squeeze %dma_wait3A_328 : memref<1x100xi32, #tpu.memory_space<vmem>> -> memref<100xi32, #tpu.memory_space<vmem>>
          %dma_wait3A_330 = arith.constant 0 : i32
          %dma_wait3A_331 = arith.constant 0 : i32
          %dma_wait3A_332 = tpu.memref_slice %arg11[%dma_wait3A_330, %dma_wait3A_331] : memref<10112x128xf32, #tpu.memory_space<vmem_shared>> -> memref<10112x128xf32, #tpu.memory_space<vmem_shared>>
          tpu.wait_indirect_dma semaphore(%arg17 : memref<!tpu.dma_semaphore, #tpu.memory_space<semaphore_mem>>) src(%arg10 : memref<100x128xf32, #tpu.memory_space<vmem>>) dst(%dma_wait3A_332 : memref<10112x128xf32, #tpu.memory_space<vmem_shared>>)
        } else {
        }
        %add3A_318 = arith.constant 2 : i32
        %add3A_319 = arith.addi %add3A_251, %add3A_318 : i32
        %dma_start3A_320 = arith.constant 0 : i32
        %dma_start3A_321 = tpu.memref_slice %arg6[%add3A_319, %dma_start3A_320] : memref<25x100xi32, #tpu.memory_space<vmem>> -> memref<1x100xi32, #tpu.memory_space<vmem>>
        %dma_start3A_322 = tpu.memref_squeeze %dma_start3A_321 : memref<1x100xi32, #tpu.memory_space<vmem>> -> memref<100xi32, #tpu.memory_space<vmem>>
        %dma_start3A_323 = arith.constant 0 : i32
        %dma_start3A_324 = arith.constant 0 : i32
        %dma_start3A_325 = tpu.memref_slice %arg2[%dma_start3A_323, %dma_start3A_324] : memref<40000x128xf32, #tpu.memory_space<hbm>> -> memref<40000x128xf32, #tpu.memory_space<hbm>>
        tpu.enqueue_indirect_dma source(%dma_start3A_325 : memref<40000x128xf32, #tpu.memory_space<hbm>>) target(%arg10 : memref<100x128xf32, #tpu.memory_space<vmem>>) offsets(%dma_start3A_322 : memref<100xi32, #tpu.memory_space<vmem>>) semaphore(%arg14 : memref<!tpu.dma_semaphore, #tpu.memory_space<semaphore_mem>>)
      } else {
      }
      %mul3A_268 = arith.constant 3 : i32
      %mul3A_269 = arith.muli %mul3A_268, %scan3A_247 : i32
      %add3A_270 = arith.constant 1 : i32
      %add3A_271 = arith.addi %mul3A_269, %add3A_270 : i32
      %dma_wait3A_272 = arith.constant 0 : i32
      %dma_wait3A_273 = tpu.memref_slice %arg6[%add3A_271, %dma_wait3A_272] : memref<25x100xi32, #tpu.memory_space<vmem>> -> memref<1x100xi32, #tpu.memory_space<vmem>>
      %dma_wait3A_274 = tpu.memref_squeeze %dma_wait3A_273 : memref<1x100xi32, #tpu.memory_space<vmem>> -> memref<100xi32, #tpu.memory_space<vmem>>
      %dma_wait3A_275 = arith.constant 0 : i32
      %dma_wait3A_276 = arith.constant 0 : i32
      %dma_wait3A_277 = tpu.memref_slice %arg2[%dma_wait3A_275, %dma_wait3A_276] : memref<40000x128xf32, #tpu.memory_space<hbm>> -> memref<40000x128xf32, #tpu.memory_space<hbm>>
      tpu.wait_indirect_dma semaphore(%arg13 : memref<!tpu.dma_semaphore, #tpu.memory_space<semaphore_mem>>) src(%dma_wait3A_277 : memref<40000x128xf32, #tpu.memory_space<hbm>>) dst(%arg9 : memref<100x128xf32, #tpu.memory_space<vmem>>)
      %dma_start3A_278 = arith.constant 0 : i32
      %dma_start3A_279 = tpu.memref_slice %arg7[%add3A_271, %dma_start3A_278] : memref<25x100xi32, #tpu.memory_space<vmem>> -> memref<1x100xi32, #tpu.memory_space<vmem>>
      %dma_start3A_280 = tpu.memref_squeeze %dma_start3A_279 : memref<1x100xi32, #tpu.memory_space<vmem>> -> memref<100xi32, #tpu.memory_space<vmem>>
      %dma_start3A_281 = arith.constant 0 : i32
      %dma_start3A_282 = arith.constant 0 : i32
      %dma_start3A_283 = tpu.memref_slice %arg11[%dma_start3A_281, %dma_start3A_282] : memref<10112x128xf32, #tpu.memory_space<vmem_shared>> -> memref<10112x128xf32, #tpu.memory_space<vmem_shared>>
      tpu.enqueue_indirect_dma source(%arg9 : memref<100x128xf32, #tpu.memory_space<vmem>>) target(%dma_start3A_283 : memref<10112x128xf32, #tpu.memory_space<vmem_shared>>) offsets(%dma_start3A_280 : memref<100xi32, #tpu.memory_space<vmem>>) semaphore(%arg16 : memref<!tpu.dma_semaphore, #tpu.memory_space<semaphore_mem>>) {add = true}
      %add3A_284 = arith.constant 2 : i32
      %add3A_285 = arith.addi %add3A_271, %add3A_284 : i32
      %lt3A_286 = arith.constant 25 : i32
      %lt3A_287 = arith.cmpi slt, %add3A_285, %lt3A_286 : i32
      %convert_element_type3A_288 = arith.extui %lt3A_287 : i1 to i32
      %cond3A_289 = arith.constant 0 : i32
      %cond3A_290 = arith.cmpi ne, %convert_element_type3A_288, %cond3A_289 : i32
      scf.if %cond3A_290 {
        %ge3A = arith.constant 1 : i32
        %ge3A_314 = arith.cmpi sge, %add3A_271, %ge3A : i32
        %convert_element_type3A_315 = arith.extui %ge3A_314 : i1 to i32
        %cond3A_316 = arith.constant 0 : i32
        %cond3A_317 = arith.cmpi ne, %convert_element_type3A_315, %cond3A_316 : i32
        scf.if %cond3A_317 {
          %sub3A = arith.constant 1 : i32
          %sub3A_326 = arith.subi %add3A_271, %sub3A : i32
          %dma_wait3A_327 = arith.constant 0 : i32
          %dma_wait3A_328 = tpu.memref_slice %arg7[%sub3A_326, %dma_wait3A_327] : memref<25x100xi32, #tpu.memory_space<vmem>> -> memref<1x100xi32, #tpu.memory_space<vmem>>
          %dma_wait3A_329 = tpu.memref_squeeze %dma_wait3A_328 : memref<1x100xi32, #tpu.memory_space<vmem>> -> memref<100xi32, #tpu.memory_space<vmem>>
          %dma_wait3A_330 = arith.constant 0 : i32
          %dma_wait3A_331 = arith.constant 0 : i32
          %dma_wait3A_332 = tpu.memref_slice %arg11[%dma_wait3A_330, %dma_wait3A_331] : memref<10112x128xf32, #tpu.memory_space<vmem_shared>> -> memref<10112x128xf32, #tpu.memory_space<vmem_shared>>
          tpu.wait_indirect_dma semaphore(%arg15 : memref<!tpu.dma_semaphore, #tpu.memory_space<semaphore_mem>>) src(%arg8 : memref<100x128xf32, #tpu.memory_space<vmem>>) dst(%dma_wait3A_332 : memref<10112x128xf32, #tpu.memory_space<vmem_shared>>)
        } else {
        }
        %add3A_318 = arith.constant 2 : i32
        %add3A_319 = arith.addi %add3A_271, %add3A_318 : i32
        %dma_start3A_320 = arith.constant 0 : i32
        %dma_start3A_321 = tpu.memref_slice %arg6[%add3A_319, %dma_start3A_320] : memref<25x100xi32, #tpu.memory_space<vmem>> -> memref<1x100xi32, #tpu.memory_space<vmem>>
        %dma_start3A_322 = tpu.memref_squeeze %dma_start3A_321 : memref<1x100xi32, #tpu.memory_space<vmem>> -> memref<100xi32, #tpu.memory_space<vmem>>
        %dma_start3A_323 = arith.constant 0 : i32
        %dma_start3A_324 = arith.constant 0 : i32
        %dma_start3A_325 = tpu.memref_slice %arg2[%dma_start3A_323, %dma_start3A_324] : memref<40000x128xf32, #tpu.memory_space<hbm>> -> memref<40000x128xf32, #tpu.memory_space<hbm>>
        tpu.enqueue_indirect_dma source(%dma_start3A_325 : memref<40000x128xf32, #tpu.memory_space<hbm>>) target(%arg8 : memref<100x128xf32, #tpu.memory_space<vmem>>) offsets(%dma_start3A_322 : memref<100xi32, #tpu.memory_space<vmem>>) semaphore(%arg12 : memref<!tpu.dma_semaphore, #tpu.memory_space<semaphore_mem>>)
      } else {
      }
      %mul3A_291 = arith.constant 3 : i32
      %mul3A_292 = arith.muli %mul3A_291, %scan3A_247 : i32
      %add3A_293 = arith.constant 2 : i32
      %add3A_294 = arith.addi %mul3A_292, %add3A_293 : i32
      %dma_wait3A_295 = arith.constant 0 : i32
      %dma_wait3A_296 = tpu.memref_slice %arg6[%add3A_294, %dma_wait3A_295] : memref<25x100xi32, #tpu.memory_space<vmem>> -> memref<1x100xi32, #tpu.memory_space<vmem>>
      %dma_wait3A_297 = tpu.memref_squeeze %dma_wait3A_296 : memref<1x100xi32, #tpu.memory_space<vmem>> -> memref<100xi32, #tpu.memory_space<vmem>>
      %dma_wait3A_298 = arith.constant 0 : i32
      %dma_wait3A_299 = arith.constant 0 : i32
      %dma_wait3A_300 = tpu.memref_slice %arg2[%dma_wait3A_298, %dma_wait3A_299] : memref<40000x128xf32, #tpu.memory_space<hbm>> -> memref<40000x128xf32, #tpu.memory_space<hbm>>
      tpu.wait_indirect_dma semaphore(%arg14 : memref<!tpu.dma_semaphore, #tpu.memory_space<semaphore_mem>>) src(%dma_wait3A_300 : memref<40000x128xf32, #tpu.memory_space<hbm>>) dst(%arg10 : memref<100x128xf32, #tpu.memory_space<vmem>>)
      %dma_start3A_301 = arith.constant 0 : i32
      %dma_start3A_302 = tpu.memref_slice %arg7[%add3A_294, %dma_start3A_301] : memref<25x100xi32, #tpu.memory_space<vmem>> -> memref<1x100xi32, #tpu.memory_space<vmem>>
      %dma_start3A_303 = tpu.memref_squeeze %dma_start3A_302 : memref<1x100xi32, #tpu.memory_space<vmem>> -> memref<100xi32, #tpu.memory_space<vmem>>
      %dma_start3A_304 = arith.constant 0 : i32
      %dma_start3A_305 = arith.constant 0 : i32
      %dma_start3A_306 = tpu.memref_slice %arg11[%dma_start3A_304, %dma_start3A_305] : memref<10112x128xf32, #tpu.memory_space<vmem_shared>> -> memref<10112x128xf32, #tpu.memory_space<vmem_shared>>
      tpu.enqueue_indirect_dma source(%arg10 : memref<100x128xf32, #tpu.memory_space<vmem>>) target(%dma_start3A_306 : memref<10112x128xf32, #tpu.memory_space<vmem_shared>>) offsets(%dma_start3A_303 : memref<100xi32, #tpu.memory_space<vmem>>) semaphore(%arg17 : memref<!tpu.dma_semaphore, #tpu.memory_space<semaphore_mem>>) {add = true}
      %add3A_307 = arith.constant 2 : i32
      %add3A_308 = arith.addi %add3A_294, %add3A_307 : i32
      %lt3A_309 = arith.constant 25 : i32
      %lt3A_310 = arith.cmpi slt, %add3A_308, %lt3A_309 : i32
      %convert_element_type3A_311 = arith.extui %lt3A_310 : i1 to i32
      %cond3A_312 = arith.constant 0 : i32
      %cond3A_313 = arith.cmpi ne, %convert_element_type3A_311, %cond3A_312 : i32
      scf.if %cond3A_313 {
        %ge3A = arith.constant 1 : i32
        %ge3A_314 = arith.cmpi sge, %add3A_294, %ge3A : i32
        %convert_element_type3A_315 = arith.extui %ge3A_314 : i1 to i32
        %cond3A_316 = arith.constant 0 : i32
        %cond3A_317 = arith.cmpi ne, %convert_element_type3A_315, %cond3A_316 : i32
        scf.if %cond3A_317 {
          %sub3A = arith.constant 1 : i32
          %sub3A_326 = arith.subi %add3A_294, %sub3A : i32
          %dma_wait3A_327 = arith.constant 0 : i32
          %dma_wait3A_328 = tpu.memref_slice %arg7[%sub3A_326, %dma_wait3A_327] : memref<25x100xi32, #tpu.memory_space<vmem>> -> memref<1x100xi32, #tpu.memory_space<vmem>>
          %dma_wait3A_329 = tpu.memref_squeeze %dma_wait3A_328 : memref<1x100xi32, #tpu.memory_space<vmem>> -> memref<100xi32, #tpu.memory_space<vmem>>
          %dma_wait3A_330 = arith.constant 0 : i32
          %dma_wait3A_331 = arith.constant 0 : i32
          %dma_wait3A_332 = tpu.memref_slice %arg11[%dma_wait3A_330, %dma_wait3A_331] : memref<10112x128xf32, #tpu.memory_space<vmem_shared>> -> memref<10112x128xf32, #tpu.memory_space<vmem_shared>>
          tpu.wait_indirect_dma semaphore(%arg16 : memref<!tpu.dma_semaphore, #tpu.memory_space<semaphore_mem>>) src(%arg9 : memref<100x128xf32, #tpu.memory_space<vmem>>) dst(%dma_wait3A_332 : memref<10112x128xf32, #tpu.memory_space<vmem_shared>>)
        } else {
        }
        %add3A_318 = arith.constant 2 : i32
        %add3A_319 = arith.addi %add3A_294, %add3A_318 : i32
        %dma_start3A_320 = arith.constant 0 : i32
        %dma_start3A_321 = tpu.memref_slice %arg6[%add3A_319, %dma_start3A_320] : memref<25x100xi32, #tpu.memory_space<vmem>> -> memref<1x100xi32, #tpu.memory_space<vmem>>
        %dma_start3A_322 = tpu.memref_squeeze %dma_start3A_321 : memref<1x100xi32, #tpu.memory_space<vmem>> -> memref<100xi32, #tpu.memory_space<vmem>>
        %dma_start3A_323 = arith.constant 0 : i32
        %dma_start3A_324 = arith.constant 0 : i32
        %dma_start3A_325 = tpu.memref_slice %arg2[%dma_start3A_323, %dma_start3A_324] : memref<40000x128xf32, #tpu.memory_space<hbm>> -> memref<40000x128xf32, #tpu.memory_space<hbm>>
        tpu.enqueue_indirect_dma source(%dma_start3A_325 : memref<40000x128xf32, #tpu.memory_space<hbm>>) target(%arg9 : memref<100x128xf32, #tpu.memory_space<vmem>>) offsets(%dma_start3A_322 : memref<100xi32, #tpu.memory_space<vmem>>) semaphore(%arg13 : memref<!tpu.dma_semaphore, #tpu.memory_space<semaphore_mem>>)
      } else {
      }
    }
    %scan3A_208 = arith.constant 8 : i32
    %dma_wait3A_209 = arith.constant 24 : i32
    %dma_wait3A_210 = arith.constant 0 : i32
    %dma_wait3A_211 = tpu.memref_slice %arg6[%dma_wait3A_209, %dma_wait3A_210] : memref<25x100xi32, #tpu.memory_space<vmem>> -> memref<1x100xi32, #tpu.memory_space<vmem>>
    %dma_wait3A_212 = tpu.memref_squeeze %dma_wait3A_211 : memref<1x100xi32, #tpu.memory_space<vmem>> -> memref<100xi32, #tpu.memory_space<vmem>>
    %dma_wait3A_213 = arith.constant 0 : i32
    %dma_wait3A_214 = arith.constant 0 : i32
    %dma_wait3A_215 = tpu.memref_slice %arg2[%dma_wait3A_213, %dma_wait3A_214] : memref<40000x128xf32, #tpu.memory_space<hbm>> -> memref<40000x128xf32, #tpu.memory_space<hbm>>
    tpu.wait_indirect_dma semaphore(%arg12 : memref<!tpu.dma_semaphore, #tpu.memory_space<semaphore_mem>>) src(%dma_wait3A_215 : memref<40000x128xf32, #tpu.memory_space<hbm>>) dst(%arg8 : memref<100x128xf32, #tpu.memory_space<vmem>>)
    %dma_start3A_216 = arith.constant 24 : i32
    %dma_start3A_217 = arith.constant 0 : i32
    %dma_start3A_218 = tpu.memref_slice %arg7[%dma_start3A_216, %dma_start3A_217] : memref<25x100xi32, #tpu.memory_space<vmem>> -> memref<1x100xi32, #tpu.memory_space<vmem>>
    %dma_start3A_219 = tpu.memref_squeeze %dma_start3A_218 : memref<1x100xi32, #tpu.memory_space<vmem>> -> memref<100xi32, #tpu.memory_space<vmem>>
    %dma_start3A_220 = arith.constant 0 : i32
    %dma_start3A_221 = arith.constant 0 : i32
    %dma_start3A_222 = tpu.memref_slice %arg11[%dma_start3A_220, %dma_start3A_221] : memref<10112x128xf32, #tpu.memory_space<vmem_shared>> -> memref<10112x128xf32, #tpu.memory_space<vmem_shared>>
    tpu.enqueue_indirect_dma source(%arg8 : memref<100x128xf32, #tpu.memory_space<vmem>>) target(%dma_start3A_222 : memref<10112x128xf32, #tpu.memory_space<vmem_shared>>) offsets(%dma_start3A_219 : memref<100xi32, #tpu.memory_space<vmem>>) semaphore(%arg15 : memref<!tpu.dma_semaphore, #tpu.memory_space<semaphore_mem>>) {add = true}
    %dma_wait3A_223 = arith.constant 22 : i32
    %dma_wait3A_224 = arith.constant 0 : i32
    %dma_wait3A_225 = tpu.memref_slice %arg7[%dma_wait3A_223, %dma_wait3A_224] : memref<25x100xi32, #tpu.memory_space<vmem>> -> memref<1x100xi32, #tpu.memory_space<vmem>>
    %dma_wait3A_226 = tpu.memref_squeeze %dma_wait3A_225 : memref<1x100xi32, #tpu.memory_space<vmem>> -> memref<100xi32, #tpu.memory_space<vmem>>
    %dma_wait3A_227 = arith.constant 0 : i32
    %dma_wait3A_228 = arith.constant 0 : i32
    %dma_wait3A_229 = tpu.memref_slice %arg11[%dma_wait3A_227, %dma_wait3A_228] : memref<10112x128xf32, #tpu.memory_space<vmem_shared>> -> memref<10112x128xf32, #tpu.memory_space<vmem_shared>>
    tpu.wait_indirect_dma semaphore(%arg16 : memref<!tpu.dma_semaphore, #tpu.memory_space<semaphore_mem>>) src(%arg9 : memref<100x128xf32, #tpu.memory_space<vmem>>) dst(%dma_wait3A_229 : memref<10112x128xf32, #tpu.memory_space<vmem_shared>>)
    %dma_wait3A_230 = arith.constant 23 : i32
    %dma_wait3A_231 = arith.constant 0 : i32
    %dma_wait3A_232 = tpu.memref_slice %arg7[%dma_wait3A_230, %dma_wait3A_231] : memref<25x100xi32, #tpu.memory_space<vmem>> -> memref<1x100xi32, #tpu.memory_space<vmem>>
    %dma_wait3A_233 = tpu.memref_squeeze %dma_wait3A_232 : memref<1x100xi32, #tpu.memory_space<vmem>> -> memref<100xi32, #tpu.memory_space<vmem>>
    %dma_wait3A_234 = arith.constant 0 : i32
    %dma_wait3A_235 = arith.constant 0 : i32
    %dma_wait3A_236 = tpu.memref_slice %arg11[%dma_wait3A_234, %dma_wait3A_235] : memref<10112x128xf32, #tpu.memory_space<vmem_shared>> -> memref<10112x128xf32, #tpu.memory_space<vmem_shared>>
    tpu.wait_indirect_dma semaphore(%arg17 : memref<!tpu.dma_semaphore, #tpu.memory_space<semaphore_mem>>) src(%arg10 : memref<100x128xf32, #tpu.memory_space<vmem>>) dst(%dma_wait3A_236 : memref<10112x128xf32, #tpu.memory_space<vmem_shared>>)
    %dma_wait3A_237 = arith.constant 24 : i32
    %dma_wait3A_238 = arith.constant 0 : i32
    %dma_wait3A_239 = tpu.memref_slice %arg7[%dma_wait3A_237, %dma_wait3A_238] : memref<25x100xi32, #tpu.memory_space<vmem>> -> memref<1x100xi32, #tpu.memory_space<vmem>>
    %dma_wait3A_240 = tpu.memref_squeeze %dma_wait3A_239 : memref<1x100xi32, #tpu.memory_space<vmem>> -> memref<100xi32, #tpu.memory_space<vmem>>
    %dma_wait3A_241 = arith.constant 0 : i32
    %dma_wait3A_242 = arith.constant 0 : i32
    %dma_wait3A_243 = tpu.memref_slice %arg11[%dma_wait3A_241, %dma_wait3A_242] : memref<10112x128xf32, #tpu.memory_space<vmem_shared>> -> memref<10112x128xf32, #tpu.memory_space<vmem_shared>>
    tpu.wait_indirect_dma semaphore(%arg15 : memref<!tpu.dma_semaphore, #tpu.memory_space<semaphore_mem>>) src(%arg8 : memref<100x128xf32, #tpu.memory_space<vmem>>) dst(%dma_wait3A_243 : memref<10112x128xf32, #tpu.memory_space<vmem_shared>>)
    %barrier3A_244 = arith.constant 0 : index
    tpu.barrier barrier_id(%barrier3A_244)
    %mul3A_245 = arith.constant 632 : i32
    %mul3A_246 = arith.muli %arg1, %mul3A_245 : i32
    "tpu.region"() ({
      %run_scoped3A_247 = tpu.sem_alloc : memref<!tpu.dma_semaphore, #tpu.memory_space<semaphore_mem>>
      %dma_start3A_248 = arith.constant 0 : i32
      %dma_start3A_249 = arith.constant 0 : i32
      %dma_start3A_250 = tpu.memref_slice %arg5[%arg0, %arg1, %dma_start3A_248, %dma_start3A_249] : memref<2x16x632x128xf32, #tpu.memory_space<hbm>> -> memref<1x1x632x128xf32, #tpu.memory_space<hbm>>
      %dma_start3A_251 = tpu.memref_squeeze %dma_start3A_250 : memref<1x1x632x128xf32, #tpu.memory_space<hbm>> -> memref<632x128xf32, #tpu.memory_space<hbm>>
      %dma_start3A_252 = arith.constant 0 : i32
      %dma_start3A_253 = tpu.memref_slice %arg11[%mul3A_246, %dma_start3A_252] : memref<10112x128xf32, #tpu.memory_space<vmem_shared>> -> memref<632x128xf32, #tpu.memory_space<vmem_shared>>
      tpu.enqueue_dma source(%dma_start3A_253 : memref<632x128xf32, #tpu.memory_space<vmem_shared>>) target(%dma_start3A_251 : memref<632x128xf32, #tpu.memory_space<hbm>>) target_semaphore(%run_scoped3A_247 : memref<!tpu.dma_semaphore, #tpu.memory_space<semaphore_mem>>)
      %dma_wait3A_254 = arith.constant 0 : i32
      %dma_wait3A_255 = arith.constant 0 : i32
      %dma_wait3A_256 = tpu.memref_slice %arg5[%arg0, %arg1, %dma_wait3A_254, %dma_wait3A_255] : memref<2x16x632x128xf32, #tpu.memory_space<hbm>> -> memref<1x1x632x128xf32, #tpu.memory_space<hbm>>
      %dma_wait3A_257 = tpu.memref_squeeze %dma_wait3A_256 : memref<1x1x632x128xf32, #tpu.memory_space<hbm>> -> memref<632x128xf32, #tpu.memory_space<hbm>>
      %dma_wait3A_258 = arith.constant 0 : i32
      %dma_wait3A_259 = tpu.memref_slice %arg11[%mul3A_246, %dma_wait3A_258] : memref<10112x128xf32, #tpu.memory_space<vmem_shared>> -> memref<632x128xf32, #tpu.memory_space<vmem_shared>>
      tpu.wait_dma2 semaphore(%run_scoped3A_247 : memref<!tpu.dma_semaphore, #tpu.memory_space<semaphore_mem>>) src(%dma_wait3A_259 : memref<632x128xf32, #tpu.memory_space<vmem_shared>>) dst(%dma_wait3A_257 : memref<632x128xf32, #tpu.memory_space<hbm>>)
      tpu.yield
    }) : () -> ()
    return
  }
}

#map = affine_map<(d0, d1) -> (0, 0)>
#map1 = affine_map<(d0, d1) -> (0, 0, 0, 0)>
module attributes {stable_mosaic.version = 14 : i64} {
  func.func @sc_msgs(%arg0: i32, %arg1: i32, %arg2: memref<40000x128xf32, #tpu.memory_space<hbm>>, %arg3: memref<32x4x25x100xi32, #tpu.memory_space<hbm>>, %arg4: memref<32x4x25x100xi32, #tpu.memory_space<hbm>>, %arg5: memref<2x16x632x128xf32, #tpu.memory_space<hbm>>, %arg6: memref<25x100xi32, #tpu.memory_space<vmem>>, %arg7: memref<25x100xi32, #tpu.memory_space<vmem>>, %arg8: memref<100x128xf32, #tpu.memory_space<vmem>>, %arg9: memref<100x128xf32, #tpu.memory_space<vmem>>, %arg10: memref<100x128xf32, #tpu.memory_space<vmem>>, %arg11: memref<10112x128xf32, #tpu.memory_space<vmem_shared>>, %arg12: memref<!tpu.dma_semaphore, #tpu.memory_space<semaphore_mem>>, %arg13: memref<!tpu.dma_semaphore, #tpu.memory_space<semaphore_mem>>, %arg14: memref<!tpu.dma_semaphore, #tpu.memory_space<semaphore_mem>>, %arg15: memref<!tpu.dma_semaphore, #tpu.memory_space<semaphore_mem>>, %arg16: memref<!tpu.dma_semaphore, #tpu.memory_space<semaphore_mem>>, %arg17: memref<!tpu.dma_semaphore, #tpu.memory_space<semaphore_mem>>) attributes {dimension_semantics = [#tpu.dimension_semantics<core_parallel>, #tpu.dimension_semantics<subcore_parallel>], iteration_bounds = array<i64: 2, 16>, scalar_prefetch = 0 : i64, scratch_operands = 12 : i64, tpu.core_type = #tpu.core_type<sc_vector_subcore>, window_params = [{transform_indices = #map}, {transform_indices = #map1}, {transform_indices = #map1}, {transform_indices = #map1}]} {
    %mul3A = arith.constant 2 : i32
    %mul3A_0 = arith.muli %arg1, %mul3A : i32
    %add3A = arith.addi %mul3A_0, %arg0 : i32
    %broadcast_in_dim3A = arith.constant 0.000000e+00 : f32
    %broadcast_in_dim3A_1 = vector.broadcast %broadcast_in_dim3A : f32 to vector<16xf32>
    %scan3A = arith.constant 0 : i32
    %scan3A_2 = arith.constant 0 : i32
    %scan3A_3 = arith.constant 8 : i32
    %scan3A_4 = arith.addi %scan3A_2, %scan3A_3 : i32
    %scan3A_5 = arith.constant 1 : i32
    scf.for %scan3A_247 = %scan3A_2 to %scan3A_4 step %scan3A_5  : i32 {
      %swap3A = arith.index_cast %scan3A_247 : i32 to index
      %swap3A_248 = arith.constant 0 : index
      %swap3A_249 = tpu.vector_load %arg8[%swap3A, %swap3A_248] {strides = array<i32>} : memref<100x128xf32, #tpu.memory_space<vmem>>, vector<1x16xf32>,
      %swap3A_250 = vector.shape_cast %swap3A_249 : vector<1x16xf32> to vector<16xf32>
      %swap3A_251 = vector.shape_cast %broadcast_in_dim3A_1 : vector<16xf32> to vector<1x16xf32>
      tpu.vector_store %arg8[%swap3A, %swap3A_248], %swap3A_251 {strides = array<i32>} : memref<100x128xf32, #tpu.memory_space<vmem>>, vector<1x16xf32>,
      %swap3A_252 = arith.index_cast %scan3A_247 : i32 to index
      %swap3A_253 = arith.constant 16 : index
      %swap3A_254 = tpu.vector_load %arg8[%swap3A_252, %swap3A_253] {strides = array<i32>} : memref<100x128xf32, #tpu.memory_space<vmem>>, vector<1x16xf32>,
      %swap3A_255 = vector.shape_cast %swap3A_254 : vector<1x16xf32> to vector<16xf32>
      %swap3A_256 = vector.shape_cast %broadcast_in_dim3A_1 : vector<16xf32> to vector<1x16xf32>
      tpu.vector_store %arg8[%swap3A_252, %swap3A_253], %swap3A_256 {strides = array<i32>} : memref<100x128xf32, #tpu.memory_space<vmem>>, vector<1x16xf32>,
      %swap3A_257 = arith.index_cast %scan3A_247 : i32 to index
      %swap3A_258 = arith.constant 32 : index
      %swap3A_259 = tpu.vector_load %arg8[%swap3A_257, %swap3A_258] {strides = array<i32>} : memref<100x128xf32, #tpu.memory_space<vmem>>, vector<1x16xf32>,
      %swap3A_260 = vector.shape_cast %swap3A_259 : vector<1x16xf32> to vector<16xf32>
      %swap3A_261 = vector.shape_cast %broadcast_in_dim3A_1 : vector<16xf32> to vector<1x16xf32>
      tpu.vector_store %arg8[%swap3A_257, %swap3A_258], %swap3A_261 {strides = array<i32>} : memref<100x128xf32, #tpu.memory_space<vmem>>, vector<1x16xf32>,
      %swap3A_262 = arith.index_cast %scan3A_247 : i32 to index
      %swap3A_263 = arith.constant 48 : index
      %swap3A_264 = tpu.vector_load %arg8[%swap3A_262, %swap3A_263] {strides = array<i32>} : memref<100x128xf32, #tpu.memory_space<vmem>>, vector<1x16xf32>,
      %swap3A_265 = vector.shape_cast %swap3A_264 : vector<1x16xf32> to vector<16xf32>
      %swap3A_266 = vector.shape_cast %broadcast_in_dim3A_1 : vector<16xf32> to vector<1x16xf32>
      tpu.vector_store %arg8[%swap3A_262, %swap3A_263], %swap3A_266 {strides = array<i32>} : memref<100x128xf32, #tpu.memory_space<vmem>>, vector<1x16xf32>,
      %swap3A_267 = arith.index_cast %scan3A_247 : i32 to index
      %swap3A_268 = arith.constant 64 : index
      %swap3A_269 = tpu.vector_load %arg8[%swap3A_267, %swap3A_268] {strides = array<i32>} : memref<100x128xf32, #tpu.memory_space<vmem>>, vector<1x16xf32>,
      %swap3A_270 = vector.shape_cast %swap3A_269 : vector<1x16xf32> to vector<16xf32>
      %swap3A_271 = vector.shape_cast %broadcast_in_dim3A_1 : vector<16xf32> to vector<1x16xf32>
      tpu.vector_store %arg8[%swap3A_267, %swap3A_268], %swap3A_271 {strides = array<i32>} : memref<100x128xf32, #tpu.memory_space<vmem>>, vector<1x16xf32>,
      %swap3A_272 = arith.index_cast %scan3A_247 : i32 to index
      %swap3A_273 = arith.constant 80 : index
      %swap3A_274 = tpu.vector_load %arg8[%swap3A_272, %swap3A_273] {strides = array<i32>} : memref<100x128xf32, #tpu.memory_space<vmem>>, vector<1x16xf32>,
      %swap3A_275 = vector.shape_cast %swap3A_274 : vector<1x16xf32> to vector<16xf32>
      %swap3A_276 = vector.shape_cast %broadcast_in_dim3A_1 : vector<16xf32> to vector<1x16xf32>
      tpu.vector_store %arg8[%swap3A_272, %swap3A_273], %swap3A_276 {strides = array<i32>} : memref<100x128xf32, #tpu.memory_space<vmem>>, vector<1x16xf32>,
      %swap3A_277 = arith.index_cast %scan3A_247 : i32 to index
      %swap3A_278 = arith.constant 96 : index
      %swap3A_279 = tpu.vector_load %arg8[%swap3A_277, %swap3A_278] {strides = array<i32>} : memref<100x128xf32, #tpu.memory_space<vmem>>, vector<1x16xf32>,
      %swap3A_280 = vector.shape_cast %swap3A_279 : vector<1x16xf32> to vector<16xf32>
      %swap3A_281 = vector.shape_cast %broadcast_in_dim3A_1 : vector<16xf32> to vector<1x16xf32>
      tpu.vector_store %arg8[%swap3A_277, %swap3A_278], %swap3A_281 {strides = array<i32>} : memref<100x128xf32, #tpu.memory_space<vmem>>, vector<1x16xf32>,
      %swap3A_282 = arith.index_cast %scan3A_247 : i32 to index
      %swap3A_283 = arith.constant 112 : index
      %swap3A_284 = tpu.vector_load %arg8[%swap3A_282, %swap3A_283] {strides = array<i32>} : memref<100x128xf32, #tpu.memory_space<vmem>>, vector<1x16xf32>,
      %swap3A_285 = vector.shape_cast %swap3A_284 : vector<1x16xf32> to vector<16xf32>
      %swap3A_286 = vector.shape_cast %broadcast_in_dim3A_1 : vector<16xf32> to vector<1x16xf32>
      tpu.vector_store %arg8[%swap3A_282, %swap3A_283], %swap3A_286 {strides = array<i32>} : memref<100x128xf32, #tpu.memory_space<vmem>>, vector<1x16xf32>,
    }
    %scan3A_6 = arith.constant 8 : i32
    %scan3A_7 = arith.constant 0 : i32
    %scan3A_8 = arith.constant 0 : i32
    %scan3A_9 = arith.constant 79 : i32
    %scan3A_10 = arith.addi %scan3A_8, %scan3A_9 : i32
    %scan3A_11 = arith.constant 1 : i32
    scf.for %scan3A_247 = %scan3A_8 to %scan3A_10 step %scan3A_11  : i32 {
      %mul3A_248 = arith.constant 632 : i32
      %mul3A_249 = arith.muli %arg1, %mul3A_248 : i32
      %mul3A_250 = arith.constant 8 : i32
      %mul3A_251 = arith.muli %scan3A_247, %mul3A_250 : i32
      %add3A_252 = arith.addi %mul3A_249, %mul3A_251 : i32
      %dma_start3A_253 = arith.constant 0 : i32
      %dma_start3A_254 = arith.constant 0 : i32
      %dma_start3A_255 = tpu.memref_slice %arg8[%dma_start3A_253, %dma_start3A_254] : memref<100x128xf32, #tpu.memory_space<vmem>> -> memref<8x128xf32, #tpu.memory_space<vmem>>
      %dma_start3A_256 = arith.constant 0 : i32
      %dma_start3A_257 = tpu.memref_slice %arg11[%add3A_252, %dma_start3A_256] : memref<10112x128xf32, #tpu.memory_space<vmem_shared>> -> memref<8x128xf32, #tpu.memory_space<vmem_shared>>
      %dma_start3A_258 = arith.constant 0 : i32
      %dma_start3A_259 = tpu.memref_slice %arg11[%add3A_252, %dma_start3A_258] : memref<10112x128xf32, #tpu.memory_space<vmem_shared>> -> memref<8x128xf32, #tpu.memory_space<vmem_shared>>
      %dma_start3A_260 = arith.constant 0 : i32
      %dma_start3A_261 = arith.constant 0 : i32
      %dma_start3A_262 = tpu.memref_slice %arg8[%dma_start3A_260, %dma_start3A_261] : memref<100x128xf32, #tpu.memory_space<vmem>> -> memref<8x128xf32, #tpu.memory_space<vmem>>
      tpu.enqueue_dma source(%dma_start3A_262 : memref<8x128xf32, #tpu.memory_space<vmem>>) target(%dma_start3A_259 : memref<8x128xf32, #tpu.memory_space<vmem_shared>>) target_semaphore(%arg12 : memref<!tpu.dma_semaphore, #tpu.memory_space<semaphore_mem>>)
    }
    %scan3A_12 = arith.constant 79 : i32
    %scan3A_13 = arith.constant 0 : i32
    %scan3A_14 = arith.constant 0 : i32
    %scan3A_15 = arith.constant 79 : i32
    %scan3A_16 = arith.addi %scan3A_14, %scan3A_15 : i32
    %scan3A_17 = arith.constant 1 : i32
    scf.for %scan3A_247 = %scan3A_14 to %scan3A_16 step %scan3A_17  : i32 {
      %mul3A_248 = arith.constant 632 : i32
      %mul3A_249 = arith.muli %arg1, %mul3A_248 : i32
      %mul3A_250 = arith.constant 8 : i32
      %mul3A_251 = arith.muli %scan3A_247, %mul3A_250 : i32
      %add3A_252 = arith.addi %mul3A_249, %mul3A_251 : i32
      %dma_wait3A_253 = arith.constant 0 : i32
      %dma_wait3A_254 = arith.constant 0 : i32
      %dma_wait3A_255 = tpu.memref_slice %arg8[%dma_wait3A_253, %dma_wait3A_254] : memref<100x128xf32, #tpu.memory_space<vmem>> -> memref<8x128xf32, #tpu.memory_space<vmem>>
      %dma_wait3A_256 = arith.constant 0 : i32
      %dma_wait3A_257 = tpu.memref_slice %arg11[%add3A_252, %dma_wait3A_256] : memref<10112x128xf32, #tpu.memory_space<vmem_shared>> -> memref<8x128xf32, #tpu.memory_space<vmem_shared>>
      %dma_wait3A_258 = arith.constant 0 : i32
      %dma_wait3A_259 = tpu.memref_slice %arg11[%add3A_252, %dma_wait3A_258] : memref<10112x128xf32, #tpu.memory_space<vmem_shared>> -> memref<8x128xf32, #tpu.memory_space<vmem_shared>>
      %dma_wait3A_260 = arith.constant 0 : i32
      %dma_wait3A_261 = arith.constant 0 : i32
      %dma_wait3A_262 = tpu.memref_slice %arg8[%dma_wait3A_260, %dma_wait3A_261] : memref<100x128xf32, #tpu.memory_space<vmem>> -> memref<8x128xf32, #tpu.memory_space<vmem>>
      tpu.wait_dma2 semaphore(%arg12 : memref<!tpu.dma_semaphore, #tpu.memory_space<semaphore_mem>>) src(%dma_wait3A_262 : memref<8x128xf32, #tpu.memory_space<vmem>>) dst(%dma_wait3A_259 : memref<8x128xf32, #tpu.memory_space<vmem_shared>>)
    }
    %scan3A_18 = arith.constant 79 : i32
    %barrier3A = arith.constant 0 : index
    tpu.barrier barrier_id(%barrier3A)
    %run_scoped3A = arith.constant 0 : i32
    "tpu.region"() ({
      %run_scoped3A_247 = tpu.sem_alloc : memref<!tpu.dma_semaphore, #tpu.memory_space<semaphore_mem>>
      %dma_start3A_248 = arith.constant 0 : i32
      %dma_start3A_249 = arith.constant 0 : i32
      %dma_start3A_250 = tpu.memref_slice %arg3[%add3A, %run_scoped3A, %dma_start3A_248, %dma_start3A_249] : memref<32x4x25x100xi32, #tpu.memory_space<hbm>> -> memref<1x1x25x100xi32, #tpu.memory_space<hbm>>
      %dma_start3A_251 = tpu.memref_squeeze %dma_start3A_250 : memref<1x1x25x100xi32, #tpu.memory_space<hbm>> -> memref<25x100xi32, #tpu.memory_space<hbm>>
      %dma_start3A_252 = arith.constant 0 : i32
      %dma_start3A_253 = arith.constant 0 : i32
      %dma_start3A_254 = tpu.memref_slice %arg3[%add3A, %run_scoped3A, %dma_start3A_252, %dma_start3A_253] : memref<32x4x25x100xi32, #tpu.memory_space<hbm>> -> memref<1x1x25x100xi32, #tpu.memory_space<hbm>>
      %dma_start3A_255 = tpu.memref_squeeze %dma_start3A_254 : memref<1x1x25x100xi32, #tpu.memory_space<hbm>> -> memref<25x100xi32, #tpu.memory_space<hbm>>
      tpu.enqueue_dma source(%dma_start3A_255 : memref<25x100xi32, #tpu.memory_space<hbm>>) target(%arg6 : memref<25x100xi32, #tpu.memory_space<vmem>>) target_semaphore(%run_scoped3A_247 : memref<!tpu.dma_semaphore, #tpu.memory_space<semaphore_mem>>)
      %dma_wait3A_256 = arith.constant 0 : i32
      %dma_wait3A_257 = arith.constant 0 : i32
      %dma_wait3A_258 = tpu.memref_slice %arg3[%add3A, %run_scoped3A, %dma_wait3A_256, %dma_wait3A_257] : memref<32x4x25x100xi32, #tpu.memory_space<hbm>> -> memref<1x1x25x100xi32, #tpu.memory_space<hbm>>
      %dma_wait3A_259 = tpu.memref_squeeze %dma_wait3A_258 : memref<1x1x25x100xi32, #tpu.memory_space<hbm>> -> memref<25x100xi32, #tpu.memory_space<hbm>>
      %dma_wait3A_260 = arith.constant 0 : i32
      %dma_wait3A_261 = arith.constant 0 : i32
      %dma_wait3A_262 = tpu.memref_slice %arg3[%add3A, %run_scoped3A, %dma_wait3A_260, %dma_wait3A_261] : memref<32x4x25x100xi32, #tpu.memory_space<hbm>> -> memref<1x1x25x100xi32, #tpu.memory_space<hbm>>
      %dma_wait3A_263 = tpu.memref_squeeze %dma_wait3A_262 : memref<1x1x25x100xi32, #tpu.memory_space<hbm>> -> memref<25x100xi32, #tpu.memory_space<hbm>>
      tpu.wait_dma2 semaphore(%run_scoped3A_247 : memref<!tpu.dma_semaphore, #tpu.memory_space<semaphore_mem>>) src(%dma_wait3A_263 : memref<25x100xi32, #tpu.memory_space<hbm>>) dst(%arg6 : memref<25x100xi32, #tpu.memory_space<vmem>>)
      tpu.yield
    }) : () -> ()
    %run_scoped3A_19 = arith.constant 0 : i32
    "tpu.region"() ({
      %run_scoped3A_247 = tpu.sem_alloc : memref<!tpu.dma_semaphore, #tpu.memory_space<semaphore_mem>>
      %dma_start3A_248 = arith.constant 0 : i32
      %dma_start3A_249 = arith.constant 0 : i32
      %dma_start3A_250 = tpu.memref_slice %arg4[%add3A, %run_scoped3A_19, %dma_start3A_248, %dma_start3A_249] : memref<32x4x25x100xi32, #tpu.memory_space<hbm>> -> memref<1x1x25x100xi32, #tpu.memory_space<hbm>>
      %dma_start3A_251 = tpu.memref_squeeze %dma_start3A_250 : memref<1x1x25x100xi32, #tpu.memory_space<hbm>> -> memref<25x100xi32, #tpu.memory_space<hbm>>
      %dma_start3A_252 = arith.constant 0 : i32
      %dma_start3A_253 = arith.constant 0 : i32
      %dma_start3A_254 = tpu.memref_slice %arg4[%add3A, %run_scoped3A_19, %dma_start3A_252, %dma_start3A_253] : memref<32x4x25x100xi32, #tpu.memory_space<hbm>> -> memref<1x1x25x100xi32, #tpu.memory_space<hbm>>
      %dma_start3A_255 = tpu.memref_squeeze %dma_start3A_254 : memref<1x1x25x100xi32, #tpu.memory_space<hbm>> -> memref<25x100xi32, #tpu.memory_space<hbm>>
      tpu.enqueue_dma source(%dma_start3A_255 : memref<25x100xi32, #tpu.memory_space<hbm>>) target(%arg7 : memref<25x100xi32, #tpu.memory_space<vmem>>) target_semaphore(%run_scoped3A_247 : memref<!tpu.dma_semaphore, #tpu.memory_space<semaphore_mem>>)
      %dma_wait3A_256 = arith.constant 0 : i32
      %dma_wait3A_257 = arith.constant 0 : i32
      %dma_wait3A_258 = tpu.memref_slice %arg4[%add3A, %run_scoped3A_19, %dma_wait3A_256, %dma_wait3A_257] : memref<32x4x25x100xi32, #tpu.memory_space<hbm>> -> memref<1x1x25x100xi32, #tpu.memory_space<hbm>>
      %dma_wait3A_259 = tpu.memref_squeeze %dma_wait3A_258 : memref<1x1x25x100xi32, #tpu.memory_space<hbm>> -> memref<25x100xi32, #tpu.memory_space<hbm>>
      %dma_wait3A_260 = arith.constant 0 : i32
      %dma_wait3A_261 = arith.constant 0 : i32
      %dma_wait3A_262 = tpu.memref_slice %arg4[%add3A, %run_scoped3A_19, %dma_wait3A_260, %dma_wait3A_261] : memref<32x4x25x100xi32, #tpu.memory_space<hbm>> -> memref<1x1x25x100xi32, #tpu.memory_space<hbm>>
      %dma_wait3A_263 = tpu.memref_squeeze %dma_wait3A_262 : memref<1x1x25x100xi32, #tpu.memory_space<hbm>> -> memref<25x100xi32, #tpu.memory_space<hbm>>
      tpu.wait_dma2 semaphore(%run_scoped3A_247 : memref<!tpu.dma_semaphore, #tpu.memory_space<semaphore_mem>>) src(%dma_wait3A_263 : memref<25x100xi32, #tpu.memory_space<hbm>>) dst(%arg7 : memref<25x100xi32, #tpu.memory_space<vmem>>)
      tpu.yield
    }) : () -> ()
    %dma_start3A = arith.constant 0 : i32
    %dma_start3A_20 = arith.constant 0 : i32
    %dma_start3A_21 = tpu.memref_slice %arg6[%dma_start3A, %dma_start3A_20] : memref<25x100xi32, #tpu.memory_space<vmem>> -> memref<1x100xi32, #tpu.memory_space<vmem>>
    %dma_start3A_22 = tpu.memref_squeeze %dma_start3A_21 : memref<1x100xi32, #tpu.memory_space<vmem>> -> memref<100xi32, #tpu.memory_space<vmem>>
    %dma_start3A_23 = arith.constant 0 : i32
    %dma_start3A_24 = arith.constant 0 : i32
    %dma_start3A_25 = tpu.memref_slice %arg2[%dma_start3A_23, %dma_start3A_24] : memref<40000x128xf32, #tpu.memory_space<hbm>> -> memref<40000x128xf32, #tpu.memory_space<hbm>>
    tpu.enqueue_indirect_dma source(%dma_start3A_25 : memref<40000x128xf32, #tpu.memory_space<hbm>>) target(%arg8 : memref<100x128xf32, #tpu.memory_space<vmem>>) offsets(%dma_start3A_22 : memref<100xi32, #tpu.memory_space<vmem>>) semaphore(%arg12 : memref<!tpu.dma_semaphore, #tpu.memory_space<semaphore_mem>>)
    %dma_start3A_26 = arith.constant 1 : i32
    %dma_start3A_27 = arith.constant 0 : i32
    %dma_start3A_28 = tpu.memref_slice %arg6[%dma_start3A_26, %dma_start3A_27] : memref<25x100xi32, #tpu.memory_space<vmem>> -> memref<1x100xi32, #tpu.memory_space<vmem>>
    %dma_start3A_29 = tpu.memref_squeeze %dma_start3A_28 : memref<1x100xi32, #tpu.memory_space<vmem>> -> memref<100xi32, #tpu.memory_space<vmem>>
    %dma_start3A_30 = arith.constant 0 : i32
    %dma_start3A_31 = arith.constant 0 : i32
    %dma_start3A_32 = tpu.memref_slice %arg2[%dma_start3A_30, %dma_start3A_31] : memref<40000x128xf32, #tpu.memory_space<hbm>> -> memref<40000x128xf32, #tpu.memory_space<hbm>>
    tpu.enqueue_indirect_dma source(%dma_start3A_32 : memref<40000x128xf32, #tpu.memory_space<hbm>>) target(%arg9 : memref<100x128xf32, #tpu.memory_space<vmem>>) offsets(%dma_start3A_29 : memref<100xi32, #tpu.memory_space<vmem>>) semaphore(%arg13 : memref<!tpu.dma_semaphore, #tpu.memory_space<semaphore_mem>>)
    %scan3A_33 = arith.constant 0 : i32
    %scan3A_34 = arith.constant 0 : i32
    %scan3A_35 = arith.constant 8 : i32
    %scan3A_36 = arith.addi %scan3A_34, %scan3A_35 : i32
    %scan3A_37 = arith.constant 1 : i32
    scf.for %scan3A_247 = %scan3A_34 to %scan3A_36 step %scan3A_37  : i32 {
      %mul3A_248 = arith.constant 3 : i32
      %mul3A_249 = arith.muli %mul3A_248, %scan3A_247 : i32
      %add3A_250 = arith.constant 0 : i32
      %add3A_251 = arith.addi %mul3A_249, %add3A_250 : i32
      %dma_wait3A_252 = arith.constant 0 : i32
      %dma_wait3A_253 = tpu.memref_slice %arg6[%add3A_251, %dma_wait3A_252] : memref<25x100xi32, #tpu.memory_space<vmem>> -> memref<1x100xi32, #tpu.memory_space<vmem>>
      %dma_wait3A_254 = tpu.memref_squeeze %dma_wait3A_253 : memref<1x100xi32, #tpu.memory_space<vmem>> -> memref<100xi32, #tpu.memory_space<vmem>>
      %dma_wait3A_255 = arith.constant 0 : i32
      %dma_wait3A_256 = arith.constant 0 : i32
      %dma_wait3A_257 = tpu.memref_slice %arg2[%dma_wait3A_255, %dma_wait3A_256] : memref<40000x128xf32, #tpu.memory_space<hbm>> -> memref<40000x128xf32, #tpu.memory_space<hbm>>
      tpu.wait_indirect_dma semaphore(%arg12 : memref<!tpu.dma_semaphore, #tpu.memory_space<semaphore_mem>>) src(%dma_wait3A_257 : memref<40000x128xf32, #tpu.memory_space<hbm>>) dst(%arg8 : memref<100x128xf32, #tpu.memory_space<vmem>>)
      %dma_start3A_258 = arith.constant 0 : i32
      %dma_start3A_259 = tpu.memref_slice %arg7[%add3A_251, %dma_start3A_258] : memref<25x100xi32, #tpu.memory_space<vmem>> -> memref<1x100xi32, #tpu.memory_space<vmem>>
      %dma_start3A_260 = tpu.memref_squeeze %dma_start3A_259 : memref<1x100xi32, #tpu.memory_space<vmem>> -> memref<100xi32, #tpu.memory_space<vmem>>
      %dma_start3A_261 = arith.constant 0 : i32
      %dma_start3A_262 = arith.constant 0 : i32
      %dma_start3A_263 = tpu.memref_slice %arg11[%dma_start3A_261, %dma_start3A_262] : memref<10112x128xf32, #tpu.memory_space<vmem_shared>> -> memref<10112x128xf32, #tpu.memory_space<vmem_shared>>
      tpu.enqueue_indirect_dma source(%arg8 : memref<100x128xf32, #tpu.memory_space<vmem>>) target(%dma_start3A_263 : memref<10112x128xf32, #tpu.memory_space<vmem_shared>>) offsets(%dma_start3A_260 : memref<100xi32, #tpu.memory_space<vmem>>) semaphore(%arg15 : memref<!tpu.dma_semaphore, #tpu.memory_space<semaphore_mem>>) {add = true}
      %add3A_264 = arith.constant 2 : i32
      %add3A_265 = arith.addi %add3A_251, %add3A_264 : i32
      %lt3A = arith.constant 25 : i32
      %lt3A_266 = arith.cmpi slt, %add3A_265, %lt3A : i32
      %convert_element_type3A = arith.extui %lt3A_266 : i1 to i32
      %cond3A = arith.constant 0 : i32
      %cond3A_267 = arith.cmpi ne, %convert_element_type3A, %cond3A : i32
      scf.if %cond3A_267 {
        %ge3A = arith.constant 1 : i32
        %ge3A_314 = arith.cmpi sge, %add3A_251, %ge3A : i32
        %convert_element_type3A_315 = arith.extui %ge3A_314 : i1 to i32
        %cond3A_316 = arith.constant 0 : i32
        %cond3A_317 = arith.cmpi ne, %convert_element_type3A_315, %cond3A_316 : i32
        scf.if %cond3A_317 {
          %sub3A = arith.constant 1 : i32
          %sub3A_326 = arith.subi %add3A_251, %sub3A : i32
          %dma_wait3A_327 = arith.constant 0 : i32
          %dma_wait3A_328 = tpu.memref_slice %arg7[%sub3A_326, %dma_wait3A_327] : memref<25x100xi32, #tpu.memory_space<vmem>> -> memref<1x100xi32, #tpu.memory_space<vmem>>
          %dma_wait3A_329 = tpu.memref_squeeze %dma_wait3A_328 : memref<1x100xi32, #tpu.memory_space<vmem>> -> memref<100xi32, #tpu.memory_space<vmem>>
          %dma_wait3A_330 = arith.constant 0 : i32
          %dma_wait3A_331 = arith.constant 0 : i32
          %dma_wait3A_332 = tpu.memref_slice %arg11[%dma_wait3A_330, %dma_wait3A_331] : memref<10112x128xf32, #tpu.memory_space<vmem_shared>> -> memref<10112x128xf32, #tpu.memory_space<vmem_shared>>
          tpu.wait_indirect_dma semaphore(%arg17 : memref<!tpu.dma_semaphore, #tpu.memory_space<semaphore_mem>>) src(%arg10 : memref<100x128xf32, #tpu.memory_space<vmem>>) dst(%dma_wait3A_332 : memref<10112x128xf32, #tpu.memory_space<vmem_shared>>)
        } else {
        }
        %add3A_318 = arith.constant 2 : i32
        %add3A_319 = arith.addi %add3A_251, %add3A_318 : i32
        %dma_start3A_320 = arith.constant 0 : i32
        %dma_start3A_321 = tpu.memref_slice %arg6[%add3A_319, %dma_start3A_320] : memref<25x100xi32, #tpu.memory_space<vmem>> -> memref<1x100xi32, #tpu.memory_space<vmem>>
        %dma_start3A_322 = tpu.memref_squeeze %dma_start3A_321 : memref<1x100xi32, #tpu.memory_space<vmem>> -> memref<100xi32, #tpu.memory_space<vmem>>
        %dma_start3A_323 = arith.constant 0 : i32
        %dma_start3A_324 = arith.constant 0 : i32
        %dma_start3A_325 = tpu.memref_slice %arg2[%dma_start3A_323, %dma_start3A_324] : memref<40000x128xf32, #tpu.memory_space<hbm>> -> memref<40000x128xf32, #tpu.memory_space<hbm>>
        tpu.enqueue_indirect_dma source(%dma_start3A_325 : memref<40000x128xf32, #tpu.memory_space<hbm>>) target(%arg10 : memref<100x128xf32, #tpu.memory_space<vmem>>) offsets(%dma_start3A_322 : memref<100xi32, #tpu.memory_space<vmem>>) semaphore(%arg14 : memref<!tpu.dma_semaphore, #tpu.memory_space<semaphore_mem>>)
      } else {
      }
      %mul3A_268 = arith.constant 3 : i32
      %mul3A_269 = arith.muli %mul3A_268, %scan3A_247 : i32
      %add3A_270 = arith.constant 1 : i32
      %add3A_271 = arith.addi %mul3A_269, %add3A_270 : i32
      %dma_wait3A_272 = arith.constant 0 : i32
      %dma_wait3A_273 = tpu.memref_slice %arg6[%add3A_271, %dma_wait3A_272] : memref<25x100xi32, #tpu.memory_space<vmem>> -> memref<1x100xi32, #tpu.memory_space<vmem>>
      %dma_wait3A_274 = tpu.memref_squeeze %dma_wait3A_273 : memref<1x100xi32, #tpu.memory_space<vmem>> -> memref<100xi32, #tpu.memory_space<vmem>>
      %dma_wait3A_275 = arith.constant 0 : i32
      %dma_wait3A_276 = arith.constant 0 : i32
      %dma_wait3A_277 = tpu.memref_slice %arg2[%dma_wait3A_275, %dma_wait3A_276] : memref<40000x128xf32, #tpu.memory_space<hbm>> -> memref<40000x128xf32, #tpu.memory_space<hbm>>
      tpu.wait_indirect_dma semaphore(%arg13 : memref<!tpu.dma_semaphore, #tpu.memory_space<semaphore_mem>>) src(%dma_wait3A_277 : memref<40000x128xf32, #tpu.memory_space<hbm>>) dst(%arg9 : memref<100x128xf32, #tpu.memory_space<vmem>>)
      %dma_start3A_278 = arith.constant 0 : i32
      %dma_start3A_279 = tpu.memref_slice %arg7[%add3A_271, %dma_start3A_278] : memref<25x100xi32, #tpu.memory_space<vmem>> -> memref<1x100xi32, #tpu.memory_space<vmem>>
      %dma_start3A_280 = tpu.memref_squeeze %dma_start3A_279 : memref<1x100xi32, #tpu.memory_space<vmem>> -> memref<100xi32, #tpu.memory_space<vmem>>
      %dma_start3A_281 = arith.constant 0 : i32
      %dma_start3A_282 = arith.constant 0 : i32
      %dma_start3A_283 = tpu.memref_slice %arg11[%dma_start3A_281, %dma_start3A_282] : memref<10112x128xf32, #tpu.memory_space<vmem_shared>> -> memref<10112x128xf32, #tpu.memory_space<vmem_shared>>
      tpu.enqueue_indirect_dma source(%arg9 : memref<100x128xf32, #tpu.memory_space<vmem>>) target(%dma_start3A_283 : memref<10112x128xf32, #tpu.memory_space<vmem_shared>>) offsets(%dma_start3A_280 : memref<100xi32, #tpu.memory_space<vmem>>) semaphore(%arg16 : memref<!tpu.dma_semaphore, #tpu.memory_space<semaphore_mem>>) {add = true}
      %add3A_284 = arith.constant 2 : i32
      %add3A_285 = arith.addi %add3A_271, %add3A_284 : i32
      %lt3A_286 = arith.constant 25 : i32
      %lt3A_287 = arith.cmpi slt, %add3A_285, %lt3A_286 : i32
      %convert_element_type3A_288 = arith.extui %lt3A_287 : i1 to i32
      %cond3A_289 = arith.constant 0 : i32
      %cond3A_290 = arith.cmpi ne, %convert_element_type3A_288, %cond3A_289 : i32
      scf.if %cond3A_290 {
        %ge3A = arith.constant 1 : i32
        %ge3A_314 = arith.cmpi sge, %add3A_271, %ge3A : i32
        %convert_element_type3A_315 = arith.extui %ge3A_314 : i1 to i32
        %cond3A_316 = arith.constant 0 : i32
        %cond3A_317 = arith.cmpi ne, %convert_element_type3A_315, %cond3A_316 : i32
        scf.if %cond3A_317 {
          %sub3A = arith.constant 1 : i32
          %sub3A_326 = arith.subi %add3A_271, %sub3A : i32
          %dma_wait3A_327 = arith.constant 0 : i32
          %dma_wait3A_328 = tpu.memref_slice %arg7[%sub3A_326, %dma_wait3A_327] : memref<25x100xi32, #tpu.memory_space<vmem>> -> memref<1x100xi32, #tpu.memory_space<vmem>>
          %dma_wait3A_329 = tpu.memref_squeeze %dma_wait3A_328 : memref<1x100xi32, #tpu.memory_space<vmem>> -> memref<100xi32, #tpu.memory_space<vmem>>
          %dma_wait3A_330 = arith.constant 0 : i32
          %dma_wait3A_331 = arith.constant 0 : i32
          %dma_wait3A_332 = tpu.memref_slice %arg11[%dma_wait3A_330, %dma_wait3A_331] : memref<10112x128xf32, #tpu.memory_space<vmem_shared>> -> memref<10112x128xf32, #tpu.memory_space<vmem_shared>>
          tpu.wait_indirect_dma semaphore(%arg15 : memref<!tpu.dma_semaphore, #tpu.memory_space<semaphore_mem>>) src(%arg8 : memref<100x128xf32, #tpu.memory_space<vmem>>) dst(%dma_wait3A_332 : memref<10112x128xf32, #tpu.memory_space<vmem_shared>>)
        } else {
        }
        %add3A_318 = arith.constant 2 : i32
        %add3A_319 = arith.addi %add3A_271, %add3A_318 : i32
        %dma_start3A_320 = arith.constant 0 : i32
        %dma_start3A_321 = tpu.memref_slice %arg6[%add3A_319, %dma_start3A_320] : memref<25x100xi32, #tpu.memory_space<vmem>> -> memref<1x100xi32, #tpu.memory_space<vmem>>
        %dma_start3A_322 = tpu.memref_squeeze %dma_start3A_321 : memref<1x100xi32, #tpu.memory_space<vmem>> -> memref<100xi32, #tpu.memory_space<vmem>>
        %dma_start3A_323 = arith.constant 0 : i32
        %dma_start3A_324 = arith.constant 0 : i32
        %dma_start3A_325 = tpu.memref_slice %arg2[%dma_start3A_323, %dma_start3A_324] : memref<40000x128xf32, #tpu.memory_space<hbm>> -> memref<40000x128xf32, #tpu.memory_space<hbm>>
        tpu.enqueue_indirect_dma source(%dma_start3A_325 : memref<40000x128xf32, #tpu.memory_space<hbm>>) target(%arg8 : memref<100x128xf32, #tpu.memory_space<vmem>>) offsets(%dma_start3A_322 : memref<100xi32, #tpu.memory_space<vmem>>) semaphore(%arg12 : memref<!tpu.dma_semaphore, #tpu.memory_space<semaphore_mem>>)
      } else {
      }
      %mul3A_291 = arith.constant 3 : i32
      %mul3A_292 = arith.muli %mul3A_291, %scan3A_247 : i32
      %add3A_293 = arith.constant 2 : i32
      %add3A_294 = arith.addi %mul3A_292, %add3A_293 : i32
      %dma_wait3A_295 = arith.constant 0 : i32
      %dma_wait3A_296 = tpu.memref_slice %arg6[%add3A_294, %dma_wait3A_295] : memref<25x100xi32, #tpu.memory_space<vmem>> -> memref<1x100xi32, #tpu.memory_space<vmem>>
      %dma_wait3A_297 = tpu.memref_squeeze %dma_wait3A_296 : memref<1x100xi32, #tpu.memory_space<vmem>> -> memref<100xi32, #tpu.memory_space<vmem>>
      %dma_wait3A_298 = arith.constant 0 : i32
      %dma_wait3A_299 = arith.constant 0 : i32
      %dma_wait3A_300 = tpu.memref_slice %arg2[%dma_wait3A_298, %dma_wait3A_299] : memref<40000x128xf32, #tpu.memory_space<hbm>> -> memref<40000x128xf32, #tpu.memory_space<hbm>>
      tpu.wait_indirect_dma semaphore(%arg14 : memref<!tpu.dma_semaphore, #tpu.memory_space<semaphore_mem>>) src(%dma_wait3A_300 : memref<40000x128xf32, #tpu.memory_space<hbm>>) dst(%arg10 : memref<100x128xf32, #tpu.memory_space<vmem>>)
      %dma_start3A_301 = arith.constant 0 : i32
      %dma_start3A_302 = tpu.memref_slice %arg7[%add3A_294, %dma_start3A_301] : memref<25x100xi32, #tpu.memory_space<vmem>> -> memref<1x100xi32, #tpu.memory_space<vmem>>
      %dma_start3A_303 = tpu.memref_squeeze %dma_start3A_302 : memref<1x100xi32, #tpu.memory_space<vmem>> -> memref<100xi32, #tpu.memory_space<vmem>>
      %dma_start3A_304 = arith.constant 0 : i32
      %dma_start3A_305 = arith.constant 0 : i32
      %dma_start3A_306 = tpu.memref_slice %arg11[%dma_start3A_304, %dma_start3A_305] : memref<10112x128xf32, #tpu.memory_space<vmem_shared>> -> memref<10112x128xf32, #tpu.memory_space<vmem_shared>>
      tpu.enqueue_indirect_dma source(%arg10 : memref<100x128xf32, #tpu.memory_space<vmem>>) target(%dma_start3A_306 : memref<10112x128xf32, #tpu.memory_space<vmem_shared>>) offsets(%dma_start3A_303 : memref<100xi32, #tpu.memory_space<vmem>>) semaphore(%arg17 : memref<!tpu.dma_semaphore, #tpu.memory_space<semaphore_mem>>) {add = true}
      %add3A_307 = arith.constant 2 : i32
      %add3A_308 = arith.addi %add3A_294, %add3A_307 : i32
      %lt3A_309 = arith.constant 25 : i32
      %lt3A_310 = arith.cmpi slt, %add3A_308, %lt3A_309 : i32
      %convert_element_type3A_311 = arith.extui %lt3A_310 : i1 to i32
      %cond3A_312 = arith.constant 0 : i32
      %cond3A_313 = arith.cmpi ne, %convert_element_type3A_311, %cond3A_312 : i32
      scf.if %cond3A_313 {
        %ge3A = arith.constant 1 : i32
        %ge3A_314 = arith.cmpi sge, %add3A_294, %ge3A : i32
        %convert_element_type3A_315 = arith.extui %ge3A_314 : i1 to i32
        %cond3A_316 = arith.constant 0 : i32
        %cond3A_317 = arith.cmpi ne, %convert_element_type3A_315, %cond3A_316 : i32
        scf.if %cond3A_317 {
          %sub3A = arith.constant 1 : i32
          %sub3A_326 = arith.subi %add3A_294, %sub3A : i32
          %dma_wait3A_327 = arith.constant 0 : i32
          %dma_wait3A_328 = tpu.memref_slice %arg7[%sub3A_326, %dma_wait3A_327] : memref<25x100xi32, #tpu.memory_space<vmem>> -> memref<1x100xi32, #tpu.memory_space<vmem>>
          %dma_wait3A_329 = tpu.memref_squeeze %dma_wait3A_328 : memref<1x100xi32, #tpu.memory_space<vmem>> -> memref<100xi32, #tpu.memory_space<vmem>>
          %dma_wait3A_330 = arith.constant 0 : i32
          %dma_wait3A_331 = arith.constant 0 : i32
          %dma_wait3A_332 = tpu.memref_slice %arg11[%dma_wait3A_330, %dma_wait3A_331] : memref<10112x128xf32, #tpu.memory_space<vmem_shared>> -> memref<10112x128xf32, #tpu.memory_space<vmem_shared>>
          tpu.wait_indirect_dma semaphore(%arg16 : memref<!tpu.dma_semaphore, #tpu.memory_space<semaphore_mem>>) src(%arg9 : memref<100x128xf32, #tpu.memory_space<vmem>>) dst(%dma_wait3A_332 : memref<10112x128xf32, #tpu.memory_space<vmem_shared>>)
        } else {
        }
        %add3A_318 = arith.constant 2 : i32
        %add3A_319 = arith.addi %add3A_294, %add3A_318 : i32
        %dma_start3A_320 = arith.constant 0 : i32
        %dma_start3A_321 = tpu.memref_slice %arg6[%add3A_319, %dma_start3A_320] : memref<25x100xi32, #tpu.memory_space<vmem>> -> memref<1x100xi32, #tpu.memory_space<vmem>>
        %dma_start3A_322 = tpu.memref_squeeze %dma_start3A_321 : memref<1x100xi32, #tpu.memory_space<vmem>> -> memref<100xi32, #tpu.memory_space<vmem>>
        %dma_start3A_323 = arith.constant 0 : i32
        %dma_start3A_324 = arith.constant 0 : i32
        %dma_start3A_325 = tpu.memref_slice %arg2[%dma_start3A_323, %dma_start3A_324] : memref<40000x128xf32, #tpu.memory_space<hbm>> -> memref<40000x128xf32, #tpu.memory_space<hbm>>
        tpu.enqueue_indirect_dma source(%dma_start3A_325 : memref<40000x128xf32, #tpu.memory_space<hbm>>) target(%arg9 : memref<100x128xf32, #tpu.memory_space<vmem>>) offsets(%dma_start3A_322 : memref<100xi32, #tpu.memory_space<vmem>>) semaphore(%arg13 : memref<!tpu.dma_semaphore, #tpu.memory_space<semaphore_mem>>)
      } else {
      }
    }
    %scan3A_38 = arith.constant 8 : i32
    %dma_wait3A = arith.constant 24 : i32
    %dma_wait3A_39 = arith.constant 0 : i32
    %dma_wait3A_40 = tpu.memref_slice %arg6[%dma_wait3A, %dma_wait3A_39] : memref<25x100xi32, #tpu.memory_space<vmem>> -> memref<1x100xi32, #tpu.memory_space<vmem>>
    %dma_wait3A_41 = tpu.memref_squeeze %dma_wait3A_40 : memref<1x100xi32, #tpu.memory_space<vmem>> -> memref<100xi32, #tpu.memory_space<vmem>>
    %dma_wait3A_42 = arith.constant 0 : i32
    %dma_wait3A_43 = arith.constant 0 : i32
    %dma_wait3A_44 = tpu.memref_slice %arg2[%dma_wait3A_42, %dma_wait3A_43] : memref<40000x128xf32, #tpu.memory_space<hbm>> -> memref<40000x128xf32, #tpu.memory_space<hbm>>
    tpu.wait_indirect_dma semaphore(%arg12 : memref<!tpu.dma_semaphore, #tpu.memory_space<semaphore_mem>>) src(%dma_wait3A_44 : memref<40000x128xf32, #tpu.memory_space<hbm>>) dst(%arg8 : memref<100x128xf32, #tpu.memory_space<vmem>>)
    %dma_start3A_45 = arith.constant 24 : i32
    %dma_start3A_46 = arith.constant 0 : i32
    %dma_start3A_47 = tpu.memref_slice %arg7[%dma_start3A_45, %dma_start3A_46] : memref<25x100xi32, #tpu.memory_space<vmem>> -> memref<1x100xi32, #tpu.memory_space<vmem>>
    %dma_start3A_48 = tpu.memref_squeeze %dma_start3A_47 : memref<1x100xi32, #tpu.memory_space<vmem>> -> memref<100xi32, #tpu.memory_space<vmem>>
    %dma_start3A_49 = arith.constant 0 : i32
    %dma_start3A_50 = arith.constant 0 : i32
    %dma_start3A_51 = tpu.memref_slice %arg11[%dma_start3A_49, %dma_start3A_50] : memref<10112x128xf32, #tpu.memory_space<vmem_shared>> -> memref<10112x128xf32, #tpu.memory_space<vmem_shared>>
    tpu.enqueue_indirect_dma source(%arg8 : memref<100x128xf32, #tpu.memory_space<vmem>>) target(%dma_start3A_51 : memref<10112x128xf32, #tpu.memory_space<vmem_shared>>) offsets(%dma_start3A_48 : memref<100xi32, #tpu.memory_space<vmem>>) semaphore(%arg15 : memref<!tpu.dma_semaphore, #tpu.memory_space<semaphore_mem>>) {add = true}
    %dma_wait3A_52 = arith.constant 22 : i32
    %dma_wait3A_53 = arith.constant 0 : i32
    %dma_wait3A_54 = tpu.memref_slice %arg7[%dma_wait3A_52, %dma_wait3A_53] : memref<25x100xi32, #tpu.memory_space<vmem>> -> memref<1x100xi32, #tpu.memory_space<vmem>>
    %dma_wait3A_55 = tpu.memref_squeeze %dma_wait3A_54 : memref<1x100xi32, #tpu.memory_space<vmem>> -> memref<100xi32, #tpu.memory_space<vmem>>
    %dma_wait3A_56 = arith.constant 0 : i32
    %dma_wait3A_57 = arith.constant 0 : i32
    %dma_wait3A_58 = tpu.memref_slice %arg11[%dma_wait3A_56, %dma_wait3A_57] : memref<10112x128xf32, #tpu.memory_space<vmem_shared>> -> memref<10112x128xf32, #tpu.memory_space<vmem_shared>>
    tpu.wait_indirect_dma semaphore(%arg16 : memref<!tpu.dma_semaphore, #tpu.memory_space<semaphore_mem>>) src(%arg9 : memref<100x128xf32, #tpu.memory_space<vmem>>) dst(%dma_wait3A_58 : memref<10112x128xf32, #tpu.memory_space<vmem_shared>>)
    %dma_wait3A_59 = arith.constant 23 : i32
    %dma_wait3A_60 = arith.constant 0 : i32
    %dma_wait3A_61 = tpu.memref_slice %arg7[%dma_wait3A_59, %dma_wait3A_60] : memref<25x100xi32, #tpu.memory_space<vmem>> -> memref<1x100xi32, #tpu.memory_space<vmem>>
    %dma_wait3A_62 = tpu.memref_squeeze %dma_wait3A_61 : memref<1x100xi32, #tpu.memory_space<vmem>> -> memref<100xi32, #tpu.memory_space<vmem>>
    %dma_wait3A_63 = arith.constant 0 : i32
    %dma_wait3A_64 = arith.constant 0 : i32
    %dma_wait3A_65 = tpu.memref_slice %arg11[%dma_wait3A_63, %dma_wait3A_64] : memref<10112x128xf32, #tpu.memory_space<vmem_shared>> -> memref<10112x128xf32, #tpu.memory_space<vmem_shared>>
    tpu.wait_indirect_dma semaphore(%arg17 : memref<!tpu.dma_semaphore, #tpu.memory_space<semaphore_mem>>) src(%arg10 : memref<100x128xf32, #tpu.memory_space<vmem>>) dst(%dma_wait3A_65 : memref<10112x128xf32, #tpu.memory_space<vmem_shared>>)
    %dma_wait3A_66 = arith.constant 24 : i32
    %dma_wait3A_67 = arith.constant 0 : i32
    %dma_wait3A_68 = tpu.memref_slice %arg7[%dma_wait3A_66, %dma_wait3A_67] : memref<25x100xi32, #tpu.memory_space<vmem>> -> memref<1x100xi32, #tpu.memory_space<vmem>>
    %dma_wait3A_69 = tpu.memref_squeeze %dma_wait3A_68 : memref<1x100xi32, #tpu.memory_space<vmem>> -> memref<100xi32, #tpu.memory_space<vmem>>
    %dma_wait3A_70 = arith.constant 0 : i32
    %dma_wait3A_71 = arith.constant 0 : i32
    %dma_wait3A_72 = tpu.memref_slice %arg11[%dma_wait3A_70, %dma_wait3A_71] : memref<10112x128xf32, #tpu.memory_space<vmem_shared>> -> memref<10112x128xf32, #tpu.memory_space<vmem_shared>>
    tpu.wait_indirect_dma semaphore(%arg15 : memref<!tpu.dma_semaphore, #tpu.memory_space<semaphore_mem>>) src(%arg8 : memref<100x128xf32, #tpu.memory_space<vmem>>) dst(%dma_wait3A_72 : memref<10112x128xf32, #tpu.memory_space<vmem_shared>>)
    %run_scoped3A_73 = arith.constant 1 : i32
    "tpu.region"() ({
      %run_scoped3A_247 = tpu.sem_alloc : memref<!tpu.dma_semaphore, #tpu.memory_space<semaphore_mem>>
      %dma_start3A_248 = arith.constant 0 : i32
      %dma_start3A_249 = arith.constant 0 : i32
      %dma_start3A_250 = tpu.memref_slice %arg3[%add3A, %run_scoped3A_73, %dma_start3A_248, %dma_start3A_249] : memref<32x4x25x100xi32, #tpu.memory_space<hbm>> -> memref<1x1x25x100xi32, #tpu.memory_space<hbm>>
      %dma_start3A_251 = tpu.memref_squeeze %dma_start3A_250 : memref<1x1x25x100xi32, #tpu.memory_space<hbm>> -> memref<25x100xi32, #tpu.memory_space<hbm>>
      %dma_start3A_252 = arith.constant 0 : i32
      %dma_start3A_253 = arith.constant 0 : i32
      %dma_start3A_254 = tpu.memref_slice %arg3[%add3A, %run_scoped3A_73, %dma_start3A_252, %dma_start3A_253] : memref<32x4x25x100xi32, #tpu.memory_space<hbm>> -> memref<1x1x25x100xi32, #tpu.memory_space<hbm>>
      %dma_start3A_255 = tpu.memref_squeeze %dma_start3A_254 : memref<1x1x25x100xi32, #tpu.memory_space<hbm>> -> memref<25x100xi32, #tpu.memory_space<hbm>>
      tpu.enqueue_dma source(%dma_start3A_255 : memref<25x100xi32, #tpu.memory_space<hbm>>) target(%arg6 : memref<25x100xi32, #tpu.memory_space<vmem>>) target_semaphore(%run_scoped3A_247 : memref<!tpu.dma_semaphore, #tpu.memory_space<semaphore_mem>>)
      %dma_wait3A_256 = arith.constant 0 : i32
      %dma_wait3A_257 = arith.constant 0 : i32
      %dma_wait3A_258 = tpu.memref_slice %arg3[%add3A, %run_scoped3A_73, %dma_wait3A_256, %dma_wait3A_257] : memref<32x4x25x100xi32, #tpu.memory_space<hbm>> -> memref<1x1x25x100xi32, #tpu.memory_space<hbm>>
      %dma_wait3A_259 = tpu.memref_squeeze %dma_wait3A_258 : memref<1x1x25x100xi32, #tpu.memory_space<hbm>> -> memref<25x100xi32, #tpu.memory_space<hbm>>
      %dma_wait3A_260 = arith.constant 0 : i32
      %dma_wait3A_261 = arith.constant 0 : i32
      %dma_wait3A_262 = tpu.memref_slice %arg3[%add3A, %run_scoped3A_73, %dma_wait3A_260, %dma_wait3A_261] : memref<32x4x25x100xi32, #tpu.memory_space<hbm>> -> memref<1x1x25x100xi32, #tpu.memory_space<hbm>>
      %dma_wait3A_263 = tpu.memref_squeeze %dma_wait3A_262 : memref<1x1x25x100xi32, #tpu.memory_space<hbm>> -> memref<25x100xi32, #tpu.memory_space<hbm>>
      tpu.wait_dma2 semaphore(%run_scoped3A_247 : memref<!tpu.dma_semaphore, #tpu.memory_space<semaphore_mem>>) src(%dma_wait3A_263 : memref<25x100xi32, #tpu.memory_space<hbm>>) dst(%arg6 : memref<25x100xi32, #tpu.memory_space<vmem>>)
      tpu.yield
    }) : () -> ()
    %run_scoped3A_74 = arith.constant 1 : i32
    "tpu.region"() ({
      %run_scoped3A_247 = tpu.sem_alloc : memref<!tpu.dma_semaphore, #tpu.memory_space<semaphore_mem>>
      %dma_start3A_248 = arith.constant 0 : i32
      %dma_start3A_249 = arith.constant 0 : i32
      %dma_start3A_250 = tpu.memref_slice %arg4[%add3A, %run_scoped3A_74, %dma_start3A_248, %dma_start3A_249] : memref<32x4x25x100xi32, #tpu.memory_space<hbm>> -> memref<1x1x25x100xi32, #tpu.memory_space<hbm>>
      %dma_start3A_251 = tpu.memref_squeeze %dma_start3A_250 : memref<1x1x25x100xi32, #tpu.memory_space<hbm>> -> memref<25x100xi32, #tpu.memory_space<hbm>>
      %dma_start3A_252 = arith.constant 0 : i32
      %dma_start3A_253 = arith.constant 0 : i32
      %dma_start3A_254 = tpu.memref_slice %arg4[%add3A, %run_scoped3A_74, %dma_start3A_252, %dma_start3A_253] : memref<32x4x25x100xi32, #tpu.memory_space<hbm>> -> memref<1x1x25x100xi32, #tpu.memory_space<hbm>>
      %dma_start3A_255 = tpu.memref_squeeze %dma_start3A_254 : memref<1x1x25x100xi32, #tpu.memory_space<hbm>> -> memref<25x100xi32, #tpu.memory_space<hbm>>
      tpu.enqueue_dma source(%dma_start3A_255 : memref<25x100xi32, #tpu.memory_space<hbm>>) target(%arg7 : memref<25x100xi32, #tpu.memory_space<vmem>>) target_semaphore(%run_scoped3A_247 : memref<!tpu.dma_semaphore, #tpu.memory_space<semaphore_mem>>)
      %dma_wait3A_256 = arith.constant 0 : i32
      %dma_wait3A_257 = arith.constant 0 : i32
      %dma_wait3A_258 = tpu.memref_slice %arg4[%add3A, %run_scoped3A_74, %dma_wait3A_256, %dma_wait3A_257] : memref<32x4x25x100xi32, #tpu.memory_space<hbm>> -> memref<1x1x25x100xi32, #tpu.memory_space<hbm>>
      %dma_wait3A_259 = tpu.memref_squeeze %dma_wait3A_258 : memref<1x1x25x100xi32, #tpu.memory_space<hbm>> -> memref<25x100xi32, #tpu.memory_space<hbm>>
      %dma_wait3A_260 = arith.constant 0 : i32
      %dma_wait3A_261 = arith.constant 0 : i32
      %dma_wait3A_262 = tpu.memref_slice %arg4[%add3A, %run_scoped3A_74, %dma_wait3A_260, %dma_wait3A_261] : memref<32x4x25x100xi32, #tpu.memory_space<hbm>> -> memref<1x1x25x100xi32, #tpu.memory_space<hbm>>
      %dma_wait3A_263 = tpu.memref_squeeze %dma_wait3A_262 : memref<1x1x25x100xi32, #tpu.memory_space<hbm>> -> memref<25x100xi32, #tpu.memory_space<hbm>>
      tpu.wait_dma2 semaphore(%run_scoped3A_247 : memref<!tpu.dma_semaphore, #tpu.memory_space<semaphore_mem>>) src(%dma_wait3A_263 : memref<25x100xi32, #tpu.memory_space<hbm>>) dst(%arg7 : memref<25x100xi32, #tpu.memory_space<vmem>>)
      tpu.yield
    }) : () -> ()
    %dma_start3A_75 = arith.constant 0 : i32
    %dma_start3A_76 = arith.constant 0 : i32
    %dma_start3A_77 = tpu.memref_slice %arg6[%dma_start3A_75, %dma_start3A_76] : memref<25x100xi32, #tpu.memory_space<vmem>> -> memref<1x100xi32, #tpu.memory_space<vmem>>
    %dma_start3A_78 = tpu.memref_squeeze %dma_start3A_77 : memref<1x100xi32, #tpu.memory_space<vmem>> -> memref<100xi32, #tpu.memory_space<vmem>>
    %dma_start3A_79 = arith.constant 0 : i32
    %dma_start3A_80 = arith.constant 0 : i32
    %dma_start3A_81 = tpu.memref_slice %arg2[%dma_start3A_79, %dma_start3A_80] : memref<40000x128xf32, #tpu.memory_space<hbm>> -> memref<40000x128xf32, #tpu.memory_space<hbm>>
    tpu.enqueue_indirect_dma source(%dma_start3A_81 : memref<40000x128xf32, #tpu.memory_space<hbm>>) target(%arg8 : memref<100x128xf32, #tpu.memory_space<vmem>>) offsets(%dma_start3A_78 : memref<100xi32, #tpu.memory_space<vmem>>) semaphore(%arg12 : memref<!tpu.dma_semaphore, #tpu.memory_space<semaphore_mem>>)
    %dma_start3A_82 = arith.constant 1 : i32
    %dma_start3A_83 = arith.constant 0 : i32
    %dma_start3A_84 = tpu.memref_slice %arg6[%dma_start3A_82, %dma_start3A_83] : memref<25x100xi32, #tpu.memory_space<vmem>> -> memref<1x100xi32, #tpu.memory_space<vmem>>
    %dma_start3A_85 = tpu.memref_squeeze %dma_start3A_84 : memref<1x100xi32, #tpu.memory_space<vmem>> -> memref<100xi32, #tpu.memory_space<vmem>>
    %dma_start3A_86 = arith.constant 0 : i32
    %dma_start3A_87 = arith.constant 0 : i32
    %dma_start3A_88 = tpu.memref_slice %arg2[%dma_start3A_86, %dma_start3A_87] : memref<40000x128xf32, #tpu.memory_space<hbm>> -> memref<40000x128xf32, #tpu.memory_space<hbm>>
    tpu.enqueue_indirect_dma source(%dma_start3A_88 : memref<40000x128xf32, #tpu.memory_space<hbm>>) target(%arg9 : memref<100x128xf32, #tpu.memory_space<vmem>>) offsets(%dma_start3A_85 : memref<100xi32, #tpu.memory_space<vmem>>) semaphore(%arg13 : memref<!tpu.dma_semaphore, #tpu.memory_space<semaphore_mem>>)
    %scan3A_89 = arith.constant 0 : i32
    %scan3A_90 = arith.constant 0 : i32
    %scan3A_91 = arith.constant 8 : i32
    %scan3A_92 = arith.addi %scan3A_90, %scan3A_91 : i32
    %scan3A_93 = arith.constant 1 : i32
    scf.for %scan3A_247 = %scan3A_90 to %scan3A_92 step %scan3A_93  : i32 {
      %mul3A_248 = arith.constant 3 : i32
      %mul3A_249 = arith.muli %mul3A_248, %scan3A_247 : i32
      %add3A_250 = arith.constant 0 : i32
      %add3A_251 = arith.addi %mul3A_249, %add3A_250 : i32
      %dma_wait3A_252 = arith.constant 0 : i32
      %dma_wait3A_253 = tpu.memref_slice %arg6[%add3A_251, %dma_wait3A_252] : memref<25x100xi32, #tpu.memory_space<vmem>> -> memref<1x100xi32, #tpu.memory_space<vmem>>
      %dma_wait3A_254 = tpu.memref_squeeze %dma_wait3A_253 : memref<1x100xi32, #tpu.memory_space<vmem>> -> memref<100xi32, #tpu.memory_space<vmem>>
      %dma_wait3A_255 = arith.constant 0 : i32
      %dma_wait3A_256 = arith.constant 0 : i32
      %dma_wait3A_257 = tpu.memref_slice %arg2[%dma_wait3A_255, %dma_wait3A_256] : memref<40000x128xf32, #tpu.memory_space<hbm>> -> memref<40000x128xf32, #tpu.memory_space<hbm>>
      tpu.wait_indirect_dma semaphore(%arg12 : memref<!tpu.dma_semaphore, #tpu.memory_space<semaphore_mem>>) src(%dma_wait3A_257 : memref<40000x128xf32, #tpu.memory_space<hbm>>) dst(%arg8 : memref<100x128xf32, #tpu.memory_space<vmem>>)
      %dma_start3A_258 = arith.constant 0 : i32
      %dma_start3A_259 = tpu.memref_slice %arg7[%add3A_251, %dma_start3A_258] : memref<25x100xi32, #tpu.memory_space<vmem>> -> memref<1x100xi32, #tpu.memory_space<vmem>>
      %dma_start3A_260 = tpu.memref_squeeze %dma_start3A_259 : memref<1x100xi32, #tpu.memory_space<vmem>> -> memref<100xi32, #tpu.memory_space<vmem>>
      %dma_start3A_261 = arith.constant 0 : i32
      %dma_start3A_262 = arith.constant 0 : i32
      %dma_start3A_263 = tpu.memref_slice %arg11[%dma_start3A_261, %dma_start3A_262] : memref<10112x128xf32, #tpu.memory_space<vmem_shared>> -> memref<10112x128xf32, #tpu.memory_space<vmem_shared>>
      tpu.enqueue_indirect_dma source(%arg8 : memref<100x128xf32, #tpu.memory_space<vmem>>) target(%dma_start3A_263 : memref<10112x128xf32, #tpu.memory_space<vmem_shared>>) offsets(%dma_start3A_260 : memref<100xi32, #tpu.memory_space<vmem>>) semaphore(%arg15 : memref<!tpu.dma_semaphore, #tpu.memory_space<semaphore_mem>>) {add = true}
      %add3A_264 = arith.constant 2 : i32
      %add3A_265 = arith.addi %add3A_251, %add3A_264 : i32
      %lt3A = arith.constant 25 : i32
      %lt3A_266 = arith.cmpi slt, %add3A_265, %lt3A : i32
      %convert_element_type3A = arith.extui %lt3A_266 : i1 to i32
      %cond3A = arith.constant 0 : i32
      %cond3A_267 = arith.cmpi ne, %convert_element_type3A, %cond3A : i32
      scf.if %cond3A_267 {
        %ge3A = arith.constant 1 : i32
        %ge3A_314 = arith.cmpi sge, %add3A_251, %ge3A : i32
        %convert_element_type3A_315 = arith.extui %ge3A_314 : i1 to i32
        %cond3A_316 = arith.constant 0 : i32
        %cond3A_317 = arith.cmpi ne, %convert_element_type3A_315, %cond3A_316 : i32
        scf.if %cond3A_317 {
          %sub3A = arith.constant 1 : i32
          %sub3A_326 = arith.subi %add3A_251, %sub3A : i32
          %dma_wait3A_327 = arith.constant 0 : i32
          %dma_wait3A_328 = tpu.memref_slice %arg7[%sub3A_326, %dma_wait3A_327] : memref<25x100xi32, #tpu.memory_space<vmem>> -> memref<1x100xi32, #tpu.memory_space<vmem>>
          %dma_wait3A_329 = tpu.memref_squeeze %dma_wait3A_328 : memref<1x100xi32, #tpu.memory_space<vmem>> -> memref<100xi32, #tpu.memory_space<vmem>>
          %dma_wait3A_330 = arith.constant 0 : i32
          %dma_wait3A_331 = arith.constant 0 : i32
          %dma_wait3A_332 = tpu.memref_slice %arg11[%dma_wait3A_330, %dma_wait3A_331] : memref<10112x128xf32, #tpu.memory_space<vmem_shared>> -> memref<10112x128xf32, #tpu.memory_space<vmem_shared>>
          tpu.wait_indirect_dma semaphore(%arg17 : memref<!tpu.dma_semaphore, #tpu.memory_space<semaphore_mem>>) src(%arg10 : memref<100x128xf32, #tpu.memory_space<vmem>>) dst(%dma_wait3A_332 : memref<10112x128xf32, #tpu.memory_space<vmem_shared>>)
        } else {
        }
        %add3A_318 = arith.constant 2 : i32
        %add3A_319 = arith.addi %add3A_251, %add3A_318 : i32
        %dma_start3A_320 = arith.constant 0 : i32
        %dma_start3A_321 = tpu.memref_slice %arg6[%add3A_319, %dma_start3A_320] : memref<25x100xi32, #tpu.memory_space<vmem>> -> memref<1x100xi32, #tpu.memory_space<vmem>>
        %dma_start3A_322 = tpu.memref_squeeze %dma_start3A_321 : memref<1x100xi32, #tpu.memory_space<vmem>> -> memref<100xi32, #tpu.memory_space<vmem>>
        %dma_start3A_323 = arith.constant 0 : i32
        %dma_start3A_324 = arith.constant 0 : i32
        %dma_start3A_325 = tpu.memref_slice %arg2[%dma_start3A_323, %dma_start3A_324] : memref<40000x128xf32, #tpu.memory_space<hbm>> -> memref<40000x128xf32, #tpu.memory_space<hbm>>
        tpu.enqueue_indirect_dma source(%dma_start3A_325 : memref<40000x128xf32, #tpu.memory_space<hbm>>) target(%arg10 : memref<100x128xf32, #tpu.memory_space<vmem>>) offsets(%dma_start3A_322 : memref<100xi32, #tpu.memory_space<vmem>>) semaphore(%arg14 : memref<!tpu.dma_semaphore, #tpu.memory_space<semaphore_mem>>)
      } else {
      }
      %mul3A_268 = arith.constant 3 : i32
      %mul3A_269 = arith.muli %mul3A_268, %scan3A_247 : i32
      %add3A_270 = arith.constant 1 : i32
      %add3A_271 = arith.addi %mul3A_269, %add3A_270 : i32
      %dma_wait3A_272 = arith.constant 0 : i32
      %dma_wait3A_273 = tpu.memref_slice %arg6[%add3A_271, %dma_wait3A_272] : memref<25x100xi32, #tpu.memory_space<vmem>> -> memref<1x100xi32, #tpu.memory_space<vmem>>
      %dma_wait3A_274 = tpu.memref_squeeze %dma_wait3A_273 : memref<1x100xi32, #tpu.memory_space<vmem>> -> memref<100xi32, #tpu.memory_space<vmem>>
      %dma_wait3A_275 = arith.constant 0 : i32
      %dma_wait3A_276 = arith.constant 0 : i32
      %dma_wait3A_277 = tpu.memref_slice %arg2[%dma_wait3A_275, %dma_wait3A_276] : memref<40000x128xf32, #tpu.memory_space<hbm>> -> memref<40000x128xf32, #tpu.memory_space<hbm>>
      tpu.wait_indirect_dma semaphore(%arg13 : memref<!tpu.dma_semaphore, #tpu.memory_space<semaphore_mem>>) src(%dma_wait3A_277 : memref<40000x128xf32, #tpu.memory_space<hbm>>) dst(%arg9 : memref<100x128xf32, #tpu.memory_space<vmem>>)
      %dma_start3A_278 = arith.constant 0 : i32
      %dma_start3A_279 = tpu.memref_slice %arg7[%add3A_271, %dma_start3A_278] : memref<25x100xi32, #tpu.memory_space<vmem>> -> memref<1x100xi32, #tpu.memory_space<vmem>>
      %dma_start3A_280 = tpu.memref_squeeze %dma_start3A_279 : memref<1x100xi32, #tpu.memory_space<vmem>> -> memref<100xi32, #tpu.memory_space<vmem>>
      %dma_start3A_281 = arith.constant 0 : i32
      %dma_start3A_282 = arith.constant 0 : i32
      %dma_start3A_283 = tpu.memref_slice %arg11[%dma_start3A_281, %dma_start3A_282] : memref<10112x128xf32, #tpu.memory_space<vmem_shared>> -> memref<10112x128xf32, #tpu.memory_space<vmem_shared>>
      tpu.enqueue_indirect_dma source(%arg9 : memref<100x128xf32, #tpu.memory_space<vmem>>) target(%dma_start3A_283 : memref<10112x128xf32, #tpu.memory_space<vmem_shared>>) offsets(%dma_start3A_280 : memref<100xi32, #tpu.memory_space<vmem>>) semaphore(%arg16 : memref<!tpu.dma_semaphore, #tpu.memory_space<semaphore_mem>>) {add = true}
      %add3A_284 = arith.constant 2 : i32
      %add3A_285 = arith.addi %add3A_271, %add3A_284 : i32
      %lt3A_286 = arith.constant 25 : i32
      %lt3A_287 = arith.cmpi slt, %add3A_285, %lt3A_286 : i32
      %convert_element_type3A_288 = arith.extui %lt3A_287 : i1 to i32
      %cond3A_289 = arith.constant 0 : i32
      %cond3A_290 = arith.cmpi ne, %convert_element_type3A_288, %cond3A_289 : i32
      scf.if %cond3A_290 {
        %ge3A = arith.constant 1 : i32
        %ge3A_314 = arith.cmpi sge, %add3A_271, %ge3A : i32
        %convert_element_type3A_315 = arith.extui %ge3A_314 : i1 to i32
        %cond3A_316 = arith.constant 0 : i32
        %cond3A_317 = arith.cmpi ne, %convert_element_type3A_315, %cond3A_316 : i32
        scf.if %cond3A_317 {
          %sub3A = arith.constant 1 : i32
          %sub3A_326 = arith.subi %add3A_271, %sub3A : i32
          %dma_wait3A_327 = arith.constant 0 : i32
          %dma_wait3A_328 = tpu.memref_slice %arg7[%sub3A_326, %dma_wait3A_327] : memref<25x100xi32, #tpu.memory_space<vmem>> -> memref<1x100xi32, #tpu.memory_space<vmem>>
          %dma_wait3A_329 = tpu.memref_squeeze %dma_wait3A_328 : memref<1x100xi32, #tpu.memory_space<vmem>> -> memref<100xi32, #tpu.memory_space<vmem>>
          %dma_wait3A_330 = arith.constant 0 : i32
          %dma_wait3A_331 = arith.constant 0 : i32
          %dma_wait3A_332 = tpu.memref_slice %arg11[%dma_wait3A_330, %dma_wait3A_331] : memref<10112x128xf32, #tpu.memory_space<vmem_shared>> -> memref<10112x128xf32, #tpu.memory_space<vmem_shared>>
          tpu.wait_indirect_dma semaphore(%arg15 : memref<!tpu.dma_semaphore, #tpu.memory_space<semaphore_mem>>) src(%arg8 : memref<100x128xf32, #tpu.memory_space<vmem>>) dst(%dma_wait3A_332 : memref<10112x128xf32, #tpu.memory_space<vmem_shared>>)
        } else {
        }
        %add3A_318 = arith.constant 2 : i32
        %add3A_319 = arith.addi %add3A_271, %add3A_318 : i32
        %dma_start3A_320 = arith.constant 0 : i32
        %dma_start3A_321 = tpu.memref_slice %arg6[%add3A_319, %dma_start3A_320] : memref<25x100xi32, #tpu.memory_space<vmem>> -> memref<1x100xi32, #tpu.memory_space<vmem>>
        %dma_start3A_322 = tpu.memref_squeeze %dma_start3A_321 : memref<1x100xi32, #tpu.memory_space<vmem>> -> memref<100xi32, #tpu.memory_space<vmem>>
        %dma_start3A_323 = arith.constant 0 : i32
        %dma_start3A_324 = arith.constant 0 : i32
        %dma_start3A_325 = tpu.memref_slice %arg2[%dma_start3A_323, %dma_start3A_324] : memref<40000x128xf32, #tpu.memory_space<hbm>> -> memref<40000x128xf32, #tpu.memory_space<hbm>>
        tpu.enqueue_indirect_dma source(%dma_start3A_325 : memref<40000x128xf32, #tpu.memory_space<hbm>>) target(%arg8 : memref<100x128xf32, #tpu.memory_space<vmem>>) offsets(%dma_start3A_322 : memref<100xi32, #tpu.memory_space<vmem>>) semaphore(%arg12 : memref<!tpu.dma_semaphore, #tpu.memory_space<semaphore_mem>>)
      } else {
      }
      %mul3A_291 = arith.constant 3 : i32
      %mul3A_292 = arith.muli %mul3A_291, %scan3A_247 : i32
      %add3A_293 = arith.constant 2 : i32
      %add3A_294 = arith.addi %mul3A_292, %add3A_293 : i32
      %dma_wait3A_295 = arith.constant 0 : i32
      %dma_wait3A_296 = tpu.memref_slice %arg6[%add3A_294, %dma_wait3A_295] : memref<25x100xi32, #tpu.memory_space<vmem>> -> memref<1x100xi32, #tpu.memory_space<vmem>>
      %dma_wait3A_297 = tpu.memref_squeeze %dma_wait3A_296 : memref<1x100xi32, #tpu.memory_space<vmem>> -> memref<100xi32, #tpu.memory_space<vmem>>
      %dma_wait3A_298 = arith.constant 0 : i32
      %dma_wait3A_299 = arith.constant 0 : i32
      %dma_wait3A_300 = tpu.memref_slice %arg2[%dma_wait3A_298, %dma_wait3A_299] : memref<40000x128xf32, #tpu.memory_space<hbm>> -> memref<40000x128xf32, #tpu.memory_space<hbm>>
      tpu.wait_indirect_dma semaphore(%arg14 : memref<!tpu.dma_semaphore, #tpu.memory_space<semaphore_mem>>) src(%dma_wait3A_300 : memref<40000x128xf32, #tpu.memory_space<hbm>>) dst(%arg10 : memref<100x128xf32, #tpu.memory_space<vmem>>)
      %dma_start3A_301 = arith.constant 0 : i32
      %dma_start3A_302 = tpu.memref_slice %arg7[%add3A_294, %dma_start3A_301] : memref<25x100xi32, #tpu.memory_space<vmem>> -> memref<1x100xi32, #tpu.memory_space<vmem>>
      %dma_start3A_303 = tpu.memref_squeeze %dma_start3A_302 : memref<1x100xi32, #tpu.memory_space<vmem>> -> memref<100xi32, #tpu.memory_space<vmem>>
      %dma_start3A_304 = arith.constant 0 : i32
      %dma_start3A_305 = arith.constant 0 : i32
      %dma_start3A_306 = tpu.memref_slice %arg11[%dma_start3A_304, %dma_start3A_305] : memref<10112x128xf32, #tpu.memory_space<vmem_shared>> -> memref<10112x128xf32, #tpu.memory_space<vmem_shared>>
      tpu.enqueue_indirect_dma source(%arg10 : memref<100x128xf32, #tpu.memory_space<vmem>>) target(%dma_start3A_306 : memref<10112x128xf32, #tpu.memory_space<vmem_shared>>) offsets(%dma_start3A_303 : memref<100xi32, #tpu.memory_space<vmem>>) semaphore(%arg17 : memref<!tpu.dma_semaphore, #tpu.memory_space<semaphore_mem>>) {add = true}
      %add3A_307 = arith.constant 2 : i32
      %add3A_308 = arith.addi %add3A_294, %add3A_307 : i32
      %lt3A_309 = arith.constant 25 : i32
      %lt3A_310 = arith.cmpi slt, %add3A_308, %lt3A_309 : i32
      %convert_element_type3A_311 = arith.extui %lt3A_310 : i1 to i32
      %cond3A_312 = arith.constant 0 : i32
      %cond3A_313 = arith.cmpi ne, %convert_element_type3A_311, %cond3A_312 : i32
      scf.if %cond3A_313 {
        %ge3A = arith.constant 1 : i32
        %ge3A_314 = arith.cmpi sge, %add3A_294, %ge3A : i32
        %convert_element_type3A_315 = arith.extui %ge3A_314 : i1 to i32
        %cond3A_316 = arith.constant 0 : i32
        %cond3A_317 = arith.cmpi ne, %convert_element_type3A_315, %cond3A_316 : i32
        scf.if %cond3A_317 {
          %sub3A = arith.constant 1 : i32
          %sub3A_326 = arith.subi %add3A_294, %sub3A : i32
          %dma_wait3A_327 = arith.constant 0 : i32
          %dma_wait3A_328 = tpu.memref_slice %arg7[%sub3A_326, %dma_wait3A_327] : memref<25x100xi32, #tpu.memory_space<vmem>> -> memref<1x100xi32, #tpu.memory_space<vmem>>
          %dma_wait3A_329 = tpu.memref_squeeze %dma_wait3A_328 : memref<1x100xi32, #tpu.memory_space<vmem>> -> memref<100xi32, #tpu.memory_space<vmem>>
          %dma_wait3A_330 = arith.constant 0 : i32
          %dma_wait3A_331 = arith.constant 0 : i32
          %dma_wait3A_332 = tpu.memref_slice %arg11[%dma_wait3A_330, %dma_wait3A_331] : memref<10112x128xf32, #tpu.memory_space<vmem_shared>> -> memref<10112x128xf32, #tpu.memory_space<vmem_shared>>
          tpu.wait_indirect_dma semaphore(%arg16 : memref<!tpu.dma_semaphore, #tpu.memory_space<semaphore_mem>>) src(%arg9 : memref<100x128xf32, #tpu.memory_space<vmem>>) dst(%dma_wait3A_332 : memref<10112x128xf32, #tpu.memory_space<vmem_shared>>)
        } else {
        }
        %add3A_318 = arith.constant 2 : i32
        %add3A_319 = arith.addi %add3A_294, %add3A_318 : i32
        %dma_start3A_320 = arith.constant 0 : i32
        %dma_start3A_321 = tpu.memref_slice %arg6[%add3A_319, %dma_start3A_320] : memref<25x100xi32, #tpu.memory_space<vmem>> -> memref<1x100xi32, #tpu.memory_space<vmem>>
        %dma_start3A_322 = tpu.memref_squeeze %dma_start3A_321 : memref<1x100xi32, #tpu.memory_space<vmem>> -> memref<100xi32, #tpu.memory_space<vmem>>
        %dma_start3A_323 = arith.constant 0 : i32
        %dma_start3A_324 = arith.constant 0 : i32
        %dma_start3A_325 = tpu.memref_slice %arg2[%dma_start3A_323, %dma_start3A_324] : memref<40000x128xf32, #tpu.memory_space<hbm>> -> memref<40000x128xf32, #tpu.memory_space<hbm>>
        tpu.enqueue_indirect_dma source(%dma_start3A_325 : memref<40000x128xf32, #tpu.memory_space<hbm>>) target(%arg9 : memref<100x128xf32, #tpu.memory_space<vmem>>) offsets(%dma_start3A_322 : memref<100xi32, #tpu.memory_space<vmem>>) semaphore(%arg13 : memref<!tpu.dma_semaphore, #tpu.memory_space<semaphore_mem>>)
      } else {
      }
    }
    %scan3A_94 = arith.constant 8 : i32
    %dma_wait3A_95 = arith.constant 24 : i32
    %dma_wait3A_96 = arith.constant 0 : i32
    %dma_wait3A_97 = tpu.memref_slice %arg6[%dma_wait3A_95, %dma_wait3A_96] : memref<25x100xi32, #tpu.memory_space<vmem>> -> memref<1x100xi32, #tpu.memory_space<vmem>>
    %dma_wait3A_98 = tpu.memref_squeeze %dma_wait3A_97 : memref<1x100xi32, #tpu.memory_space<vmem>> -> memref<100xi32, #tpu.memory_space<vmem>>
    %dma_wait3A_99 = arith.constant 0 : i32
    %dma_wait3A_100 = arith.constant 0 : i32
    %dma_wait3A_101 = tpu.memref_slice %arg2[%dma_wait3A_99, %dma_wait3A_100] : memref<40000x128xf32, #tpu.memory_space<hbm>> -> memref<40000x128xf32, #tpu.memory_space<hbm>>
    tpu.wait_indirect_dma semaphore(%arg12 : memref<!tpu.dma_semaphore, #tpu.memory_space<semaphore_mem>>) src(%dma_wait3A_101 : memref<40000x128xf32, #tpu.memory_space<hbm>>) dst(%arg8 : memref<100x128xf32, #tpu.memory_space<vmem>>)
    %dma_start3A_102 = arith.constant 24 : i32
    %dma_start3A_103 = arith.constant 0 : i32
    %dma_start3A_104 = tpu.memref_slice %arg7[%dma_start3A_102, %dma_start3A_103] : memref<25x100xi32, #tpu.memory_space<vmem>> -> memref<1x100xi32, #tpu.memory_space<vmem>>
    %dma_start3A_105 = tpu.memref_squeeze %dma_start3A_104 : memref<1x100xi32, #tpu.memory_space<vmem>> -> memref<100xi32, #tpu.memory_space<vmem>>
    %dma_start3A_106 = arith.constant 0 : i32
    %dma_start3A_107 = arith.constant 0 : i32
    %dma_start3A_108 = tpu.memref_slice %arg11[%dma_start3A_106, %dma_start3A_107] : memref<10112x128xf32, #tpu.memory_space<vmem_shared>> -> memref<10112x128xf32, #tpu.memory_space<vmem_shared>>
    tpu.enqueue_indirect_dma source(%arg8 : memref<100x128xf32, #tpu.memory_space<vmem>>) target(%dma_start3A_108 : memref<10112x128xf32, #tpu.memory_space<vmem_shared>>) offsets(%dma_start3A_105 : memref<100xi32, #tpu.memory_space<vmem>>) semaphore(%arg15 : memref<!tpu.dma_semaphore, #tpu.memory_space<semaphore_mem>>) {add = true}
    %dma_wait3A_109 = arith.constant 22 : i32
    %dma_wait3A_110 = arith.constant 0 : i32
    %dma_wait3A_111 = tpu.memref_slice %arg7[%dma_wait3A_109, %dma_wait3A_110] : memref<25x100xi32, #tpu.memory_space<vmem>> -> memref<1x100xi32, #tpu.memory_space<vmem>>
    %dma_wait3A_112 = tpu.memref_squeeze %dma_wait3A_111 : memref<1x100xi32, #tpu.memory_space<vmem>> -> memref<100xi32, #tpu.memory_space<vmem>>
    %dma_wait3A_113 = arith.constant 0 : i32
    %dma_wait3A_114 = arith.constant 0 : i32
    %dma_wait3A_115 = tpu.memref_slice %arg11[%dma_wait3A_113, %dma_wait3A_114] : memref<10112x128xf32, #tpu.memory_space<vmem_shared>> -> memref<10112x128xf32, #tpu.memory_space<vmem_shared>>
    tpu.wait_indirect_dma semaphore(%arg16 : memref<!tpu.dma_semaphore, #tpu.memory_space<semaphore_mem>>) src(%arg9 : memref<100x128xf32, #tpu.memory_space<vmem>>) dst(%dma_wait3A_115 : memref<10112x128xf32, #tpu.memory_space<vmem_shared>>)
    %dma_wait3A_116 = arith.constant 23 : i32
    %dma_wait3A_117 = arith.constant 0 : i32
    %dma_wait3A_118 = tpu.memref_slice %arg7[%dma_wait3A_116, %dma_wait3A_117] : memref<25x100xi32, #tpu.memory_space<vmem>> -> memref<1x100xi32, #tpu.memory_space<vmem>>
    %dma_wait3A_119 = tpu.memref_squeeze %dma_wait3A_118 : memref<1x100xi32, #tpu.memory_space<vmem>> -> memref<100xi32, #tpu.memory_space<vmem>>
    %dma_wait3A_120 = arith.constant 0 : i32
    %dma_wait3A_121 = arith.constant 0 : i32
    %dma_wait3A_122 = tpu.memref_slice %arg11[%dma_wait3A_120, %dma_wait3A_121] : memref<10112x128xf32, #tpu.memory_space<vmem_shared>> -> memref<10112x128xf32, #tpu.memory_space<vmem_shared>>
    tpu.wait_indirect_dma semaphore(%arg17 : memref<!tpu.dma_semaphore, #tpu.memory_space<semaphore_mem>>) src(%arg10 : memref<100x128xf32, #tpu.memory_space<vmem>>) dst(%dma_wait3A_122 : memref<10112x128xf32, #tpu.memory_space<vmem_shared>>)
    %dma_wait3A_123 = arith.constant 24 : i32
    %dma_wait3A_124 = arith.constant 0 : i32
    %dma_wait3A_125 = tpu.memref_slice %arg7[%dma_wait3A_123, %dma_wait3A_124] : memref<25x100xi32, #tpu.memory_space<vmem>> -> memref<1x100xi32, #tpu.memory_space<vmem>>
    %dma_wait3A_126 = tpu.memref_squeeze %dma_wait3A_125 : memref<1x100xi32, #tpu.memory_space<vmem>> -> memref<100xi32, #tpu.memory_space<vmem>>
    %dma_wait3A_127 = arith.constant 0 : i32
    %dma_wait3A_128 = arith.constant 0 : i32
    %dma_wait3A_129 = tpu.memref_slice %arg11[%dma_wait3A_127, %dma_wait3A_128] : memref<10112x128xf32, #tpu.memory_space<vmem_shared>> -> memref<10112x128xf32, #tpu.memory_space<vmem_shared>>
    tpu.wait_indirect_dma semaphore(%arg15 : memref<!tpu.dma_semaphore, #tpu.memory_space<semaphore_mem>>) src(%arg8 : memref<100x128xf32, #tpu.memory_space<vmem>>) dst(%dma_wait3A_129 : memref<10112x128xf32, #tpu.memory_space<vmem_shared>>)
    %run_scoped3A_130 = arith.constant 2 : i32
    "tpu.region"() ({
      %run_scoped3A_247 = tpu.sem_alloc : memref<!tpu.dma_semaphore, #tpu.memory_space<semaphore_mem>>
      %dma_start3A_248 = arith.constant 0 : i32
      %dma_start3A_249 = arith.constant 0 : i32
      %dma_start3A_250 = tpu.memref_slice %arg3[%add3A, %run_scoped3A_130, %dma_start3A_248, %dma_start3A_249] : memref<32x4x25x100xi32, #tpu.memory_space<hbm>> -> memref<1x1x25x100xi32, #tpu.memory_space<hbm>>
      %dma_start3A_251 = tpu.memref_squeeze %dma_start3A_250 : memref<1x1x25x100xi32, #tpu.memory_space<hbm>> -> memref<25x100xi32, #tpu.memory_space<hbm>>
      %dma_start3A_252 = arith.constant 0 : i32
      %dma_start3A_253 = arith.constant 0 : i32
      %dma_start3A_254 = tpu.memref_slice %arg3[%add3A, %run_scoped3A_130, %dma_start3A_252, %dma_start3A_253] : memref<32x4x25x100xi32, #tpu.memory_space<hbm>> -> memref<1x1x25x100xi32, #tpu.memory_space<hbm>>
      %dma_start3A_255 = tpu.memref_squeeze %dma_start3A_254 : memref<1x1x25x100xi32, #tpu.memory_space<hbm>> -> memref<25x100xi32, #tpu.memory_space<hbm>>
      tpu.enqueue_dma source(%dma_start3A_255 : memref<25x100xi32, #tpu.memory_space<hbm>>) target(%arg6 : memref<25x100xi32, #tpu.memory_space<vmem>>) target_semaphore(%run_scoped3A_247 : memref<!tpu.dma_semaphore, #tpu.memory_space<semaphore_mem>>)
      %dma_wait3A_256 = arith.constant 0 : i32
      %dma_wait3A_257 = arith.constant 0 : i32
      %dma_wait3A_258 = tpu.memref_slice %arg3[%add3A, %run_scoped3A_130, %dma_wait3A_256, %dma_wait3A_257] : memref<32x4x25x100xi32, #tpu.memory_space<hbm>> -> memref<1x1x25x100xi32, #tpu.memory_space<hbm>>
      %dma_wait3A_259 = tpu.memref_squeeze %dma_wait3A_258 : memref<1x1x25x100xi32, #tpu.memory_space<hbm>> -> memref<25x100xi32, #tpu.memory_space<hbm>>
      %dma_wait3A_260 = arith.constant 0 : i32
      %dma_wait3A_261 = arith.constant 0 : i32
      %dma_wait3A_262 = tpu.memref_slice %arg3[%add3A, %run_scoped3A_130, %dma_wait3A_260, %dma_wait3A_261] : memref<32x4x25x100xi32, #tpu.memory_space<hbm>> -> memref<1x1x25x100xi32, #tpu.memory_space<hbm>>
      %dma_wait3A_263 = tpu.memref_squeeze %dma_wait3A_262 : memref<1x1x25x100xi32, #tpu.memory_space<hbm>> -> memref<25x100xi32, #tpu.memory_space<hbm>>
      tpu.wait_dma2 semaphore(%run_scoped3A_247 : memref<!tpu.dma_semaphore, #tpu.memory_space<semaphore_mem>>) src(%dma_wait3A_263 : memref<25x100xi32, #tpu.memory_space<hbm>>) dst(%arg6 : memref<25x100xi32, #tpu.memory_space<vmem>>)
      tpu.yield
    }) : () -> ()
    %run_scoped3A_131 = arith.constant 2 : i32
    "tpu.region"() ({
      %run_scoped3A_247 = tpu.sem_alloc : memref<!tpu.dma_semaphore, #tpu.memory_space<semaphore_mem>>
      %dma_start3A_248 = arith.constant 0 : i32
      %dma_start3A_249 = arith.constant 0 : i32
      %dma_start3A_250 = tpu.memref_slice %arg4[%add3A, %run_scoped3A_131, %dma_start3A_248, %dma_start3A_249] : memref<32x4x25x100xi32, #tpu.memory_space<hbm>> -> memref<1x1x25x100xi32, #tpu.memory_space<hbm>>
      %dma_start3A_251 = tpu.memref_squeeze %dma_start3A_250 : memref<1x1x25x100xi32, #tpu.memory_space<hbm>> -> memref<25x100xi32, #tpu.memory_space<hbm>>
      %dma_start3A_252 = arith.constant 0 : i32
      %dma_start3A_253 = arith.constant 0 : i32
      %dma_start3A_254 = tpu.memref_slice %arg4[%add3A, %run_scoped3A_131, %dma_start3A_252, %dma_start3A_253] : memref<32x4x25x100xi32, #tpu.memory_space<hbm>> -> memref<1x1x25x100xi32, #tpu.memory_space<hbm>>
      %dma_start3A_255 = tpu.memref_squeeze %dma_start3A_254 : memref<1x1x25x100xi32, #tpu.memory_space<hbm>> -> memref<25x100xi32, #tpu.memory_space<hbm>>
      tpu.enqueue_dma source(%dma_start3A_255 : memref<25x100xi32, #tpu.memory_space<hbm>>) target(%arg7 : memref<25x100xi32, #tpu.memory_space<vmem>>) target_semaphore(%run_scoped3A_247 : memref<!tpu.dma_semaphore, #tpu.memory_space<semaphore_mem>>)
      %dma_wait3A_256 = arith.constant 0 : i32
      %dma_wait3A_257 = arith.constant 0 : i32
      %dma_wait3A_258 = tpu.memref_slice %arg4[%add3A, %run_scoped3A_131, %dma_wait3A_256, %dma_wait3A_257] : memref<32x4x25x100xi32, #tpu.memory_space<hbm>> -> memref<1x1x25x100xi32, #tpu.memory_space<hbm>>
      %dma_wait3A_259 = tpu.memref_squeeze %dma_wait3A_258 : memref<1x1x25x100xi32, #tpu.memory_space<hbm>> -> memref<25x100xi32, #tpu.memory_space<hbm>>
      %dma_wait3A_260 = arith.constant 0 : i32
      %dma_wait3A_261 = arith.constant 0 : i32
      %dma_wait3A_262 = tpu.memref_slice %arg4[%add3A, %run_scoped3A_131, %dma_wait3A_260, %dma_wait3A_261] : memref<32x4x25x100xi32, #tpu.memory_space<hbm>> -> memref<1x1x25x100xi32, #tpu.memory_space<hbm>>
      %dma_wait3A_263 = tpu.memref_squeeze %dma_wait3A_262 : memref<1x1x25x100xi32, #tpu.memory_space<hbm>> -> memref<25x100xi32, #tpu.memory_space<hbm>>
      tpu.wait_dma2 semaphore(%run_scoped3A_247 : memref<!tpu.dma_semaphore, #tpu.memory_space<semaphore_mem>>) src(%dma_wait3A_263 : memref<25x100xi32, #tpu.memory_space<hbm>>) dst(%arg7 : memref<25x100xi32, #tpu.memory_space<vmem>>)
      tpu.yield
    }) : () -> ()
    %dma_start3A_132 = arith.constant 0 : i32
    %dma_start3A_133 = arith.constant 0 : i32
    %dma_start3A_134 = tpu.memref_slice %arg6[%dma_start3A_132, %dma_start3A_133] : memref<25x100xi32, #tpu.memory_space<vmem>> -> memref<1x100xi32, #tpu.memory_space<vmem>>
    %dma_start3A_135 = tpu.memref_squeeze %dma_start3A_134 : memref<1x100xi32, #tpu.memory_space<vmem>> -> memref<100xi32, #tpu.memory_space<vmem>>
    %dma_start3A_136 = arith.constant 0 : i32
    %dma_start3A_137 = arith.constant 0 : i32
    %dma_start3A_138 = tpu.memref_slice %arg2[%dma_start3A_136, %dma_start3A_137] : memref<40000x128xf32, #tpu.memory_space<hbm>> -> memref<40000x128xf32, #tpu.memory_space<hbm>>
    tpu.enqueue_indirect_dma source(%dma_start3A_138 : memref<40000x128xf32, #tpu.memory_space<hbm>>) target(%arg8 : memref<100x128xf32, #tpu.memory_space<vmem>>) offsets(%dma_start3A_135 : memref<100xi32, #tpu.memory_space<vmem>>) semaphore(%arg12 : memref<!tpu.dma_semaphore, #tpu.memory_space<semaphore_mem>>)
    %dma_start3A_139 = arith.constant 1 : i32
    %dma_start3A_140 = arith.constant 0 : i32
    %dma_start3A_141 = tpu.memref_slice %arg6[%dma_start3A_139, %dma_start3A_140] : memref<25x100xi32, #tpu.memory_space<vmem>> -> memref<1x100xi32, #tpu.memory_space<vmem>>
    %dma_start3A_142 = tpu.memref_squeeze %dma_start3A_141 : memref<1x100xi32, #tpu.memory_space<vmem>> -> memref<100xi32, #tpu.memory_space<vmem>>
    %dma_start3A_143 = arith.constant 0 : i32
    %dma_start3A_144 = arith.constant 0 : i32
    %dma_start3A_145 = tpu.memref_slice %arg2[%dma_start3A_143, %dma_start3A_144] : memref<40000x128xf32, #tpu.memory_space<hbm>> -> memref<40000x128xf32, #tpu.memory_space<hbm>>
    tpu.enqueue_indirect_dma source(%dma_start3A_145 : memref<40000x128xf32, #tpu.memory_space<hbm>>) target(%arg9 : memref<100x128xf32, #tpu.memory_space<vmem>>) offsets(%dma_start3A_142 : memref<100xi32, #tpu.memory_space<vmem>>) semaphore(%arg13 : memref<!tpu.dma_semaphore, #tpu.memory_space<semaphore_mem>>)
    %scan3A_146 = arith.constant 0 : i32
    %scan3A_147 = arith.constant 0 : i32
    %scan3A_148 = arith.constant 8 : i32
    %scan3A_149 = arith.addi %scan3A_147, %scan3A_148 : i32
    %scan3A_150 = arith.constant 1 : i32
    scf.for %scan3A_247 = %scan3A_147 to %scan3A_149 step %scan3A_150  : i32 {
      %mul3A_248 = arith.constant 3 : i32
      %mul3A_249 = arith.muli %mul3A_248, %scan3A_247 : i32
      %add3A_250 = arith.constant 0 : i32
      %add3A_251 = arith.addi %mul3A_249, %add3A_250 : i32
      %dma_wait3A_252 = arith.constant 0 : i32
      %dma_wait3A_253 = tpu.memref_slice %arg6[%add3A_251, %dma_wait3A_252] : memref<25x100xi32, #tpu.memory_space<vmem>> -> memref<1x100xi32, #tpu.memory_space<vmem>>
      %dma_wait3A_254 = tpu.memref_squeeze %dma_wait3A_253 : memref<1x100xi32, #tpu.memory_space<vmem>> -> memref<100xi32, #tpu.memory_space<vmem>>
      %dma_wait3A_255 = arith.constant 0 : i32
      %dma_wait3A_256 = arith.constant 0 : i32
      %dma_wait3A_257 = tpu.memref_slice %arg2[%dma_wait3A_255, %dma_wait3A_256] : memref<40000x128xf32, #tpu.memory_space<hbm>> -> memref<40000x128xf32, #tpu.memory_space<hbm>>
      tpu.wait_indirect_dma semaphore(%arg12 : memref<!tpu.dma_semaphore, #tpu.memory_space<semaphore_mem>>) src(%dma_wait3A_257 : memref<40000x128xf32, #tpu.memory_space<hbm>>) dst(%arg8 : memref<100x128xf32, #tpu.memory_space<vmem>>)
      %dma_start3A_258 = arith.constant 0 : i32
      %dma_start3A_259 = tpu.memref_slice %arg7[%add3A_251, %dma_start3A_258] : memref<25x100xi32, #tpu.memory_space<vmem>> -> memref<1x100xi32, #tpu.memory_space<vmem>>
      %dma_start3A_260 = tpu.memref_squeeze %dma_start3A_259 : memref<1x100xi32, #tpu.memory_space<vmem>> -> memref<100xi32, #tpu.memory_space<vmem>>
      %dma_start3A_261 = arith.constant 0 : i32
      %dma_start3A_262 = arith.constant 0 : i32
      %dma_start3A_263 = tpu.memref_slice %arg11[%dma_start3A_261, %dma_start3A_262] : memref<10112x128xf32, #tpu.memory_space<vmem_shared>> -> memref<10112x128xf32, #tpu.memory_space<vmem_shared>>
      tpu.enqueue_indirect_dma source(%arg8 : memref<100x128xf32, #tpu.memory_space<vmem>>) target(%dma_start3A_263 : memref<10112x128xf32, #tpu.memory_space<vmem_shared>>) offsets(%dma_start3A_260 : memref<100xi32, #tpu.memory_space<vmem>>) semaphore(%arg15 : memref<!tpu.dma_semaphore, #tpu.memory_space<semaphore_mem>>) {add = true}
      %add3A_264 = arith.constant 2 : i32
      %add3A_265 = arith.addi %add3A_251, %add3A_264 : i32
      %lt3A = arith.constant 25 : i32
      %lt3A_266 = arith.cmpi slt, %add3A_265, %lt3A : i32
      %convert_element_type3A = arith.extui %lt3A_266 : i1 to i32
      %cond3A = arith.constant 0 : i32
      %cond3A_267 = arith.cmpi ne, %convert_element_type3A, %cond3A : i32
      scf.if %cond3A_267 {
        %ge3A = arith.constant 1 : i32
        %ge3A_314 = arith.cmpi sge, %add3A_251, %ge3A : i32
        %convert_element_type3A_315 = arith.extui %ge3A_314 : i1 to i32
        %cond3A_316 = arith.constant 0 : i32
        %cond3A_317 = arith.cmpi ne, %convert_element_type3A_315, %cond3A_316 : i32
        scf.if %cond3A_317 {
          %sub3A = arith.constant 1 : i32
          %sub3A_326 = arith.subi %add3A_251, %sub3A : i32
          %dma_wait3A_327 = arith.constant 0 : i32
          %dma_wait3A_328 = tpu.memref_slice %arg7[%sub3A_326, %dma_wait3A_327] : memref<25x100xi32, #tpu.memory_space<vmem>> -> memref<1x100xi32, #tpu.memory_space<vmem>>
          %dma_wait3A_329 = tpu.memref_squeeze %dma_wait3A_328 : memref<1x100xi32, #tpu.memory_space<vmem>> -> memref<100xi32, #tpu.memory_space<vmem>>
          %dma_wait3A_330 = arith.constant 0 : i32
          %dma_wait3A_331 = arith.constant 0 : i32
          %dma_wait3A_332 = tpu.memref_slice %arg11[%dma_wait3A_330, %dma_wait3A_331] : memref<10112x128xf32, #tpu.memory_space<vmem_shared>> -> memref<10112x128xf32, #tpu.memory_space<vmem_shared>>
          tpu.wait_indirect_dma semaphore(%arg17 : memref<!tpu.dma_semaphore, #tpu.memory_space<semaphore_mem>>) src(%arg10 : memref<100x128xf32, #tpu.memory_space<vmem>>) dst(%dma_wait3A_332 : memref<10112x128xf32, #tpu.memory_space<vmem_shared>>)
        } else {
        }
        %add3A_318 = arith.constant 2 : i32
        %add3A_319 = arith.addi %add3A_251, %add3A_318 : i32
        %dma_start3A_320 = arith.constant 0 : i32
        %dma_start3A_321 = tpu.memref_slice %arg6[%add3A_319, %dma_start3A_320] : memref<25x100xi32, #tpu.memory_space<vmem>> -> memref<1x100xi32, #tpu.memory_space<vmem>>
        %dma_start3A_322 = tpu.memref_squeeze %dma_start3A_321 : memref<1x100xi32, #tpu.memory_space<vmem>> -> memref<100xi32, #tpu.memory_space<vmem>>
        %dma_start3A_323 = arith.constant 0 : i32
        %dma_start3A_324 = arith.constant 0 : i32
        %dma_start3A_325 = tpu.memref_slice %arg2[%dma_start3A_323, %dma_start3A_324] : memref<40000x128xf32, #tpu.memory_space<hbm>> -> memref<40000x128xf32, #tpu.memory_space<hbm>>
        tpu.enqueue_indirect_dma source(%dma_start3A_325 : memref<40000x128xf32, #tpu.memory_space<hbm>>) target(%arg10 : memref<100x128xf32, #tpu.memory_space<vmem>>) offsets(%dma_start3A_322 : memref<100xi32, #tpu.memory_space<vmem>>) semaphore(%arg14 : memref<!tpu.dma_semaphore, #tpu.memory_space<semaphore_mem>>)
      } else {
      }
      %mul3A_268 = arith.constant 3 : i32
      %mul3A_269 = arith.muli %mul3A_268, %scan3A_247 : i32
      %add3A_270 = arith.constant 1 : i32
      %add3A_271 = arith.addi %mul3A_269, %add3A_270 : i32
      %dma_wait3A_272 = arith.constant 0 : i32
      %dma_wait3A_273 = tpu.memref_slice %arg6[%add3A_271, %dma_wait3A_272] : memref<25x100xi32, #tpu.memory_space<vmem>> -> memref<1x100xi32, #tpu.memory_space<vmem>>
      %dma_wait3A_274 = tpu.memref_squeeze %dma_wait3A_273 : memref<1x100xi32, #tpu.memory_space<vmem>> -> memref<100xi32, #tpu.memory_space<vmem>>
      %dma_wait3A_275 = arith.constant 0 : i32
      %dma_wait3A_276 = arith.constant 0 : i32
      %dma_wait3A_277 = tpu.memref_slice %arg2[%dma_wait3A_275, %dma_wait3A_276] : memref<40000x128xf32, #tpu.memory_space<hbm>> -> memref<40000x128xf32, #tpu.memory_space<hbm>>
      tpu.wait_indirect_dma semaphore(%arg13 : memref<!tpu.dma_semaphore, #tpu.memory_space<semaphore_mem>>) src(%dma_wait3A_277 : memref<40000x128xf32, #tpu.memory_space<hbm>>) dst(%arg9 : memref<100x128xf32, #tpu.memory_space<vmem>>)
      %dma_start3A_278 = arith.constant 0 : i32
      %dma_start3A_279 = tpu.memref_slice %arg7[%add3A_271, %dma_start3A_278] : memref<25x100xi32, #tpu.memory_space<vmem>> -> memref<1x100xi32, #tpu.memory_space<vmem>>
      %dma_start3A_280 = tpu.memref_squeeze %dma_start3A_279 : memref<1x100xi32, #tpu.memory_space<vmem>> -> memref<100xi32, #tpu.memory_space<vmem>>
      %dma_start3A_281 = arith.constant 0 : i32
      %dma_start3A_282 = arith.constant 0 : i32
      %dma_start3A_283 = tpu.memref_slice %arg11[%dma_start3A_281, %dma_start3A_282] : memref<10112x128xf32, #tpu.memory_space<vmem_shared>> -> memref<10112x128xf32, #tpu.memory_space<vmem_shared>>
      tpu.enqueue_indirect_dma source(%arg9 : memref<100x128xf32, #tpu.memory_space<vmem>>) target(%dma_start3A_283 : memref<10112x128xf32, #tpu.memory_space<vmem_shared>>) offsets(%dma_start3A_280 : memref<100xi32, #tpu.memory_space<vmem>>) semaphore(%arg16 : memref<!tpu.dma_semaphore, #tpu.memory_space<semaphore_mem>>) {add = true}
      %add3A_284 = arith.constant 2 : i32
      %add3A_285 = arith.addi %add3A_271, %add3A_284 : i32
      %lt3A_286 = arith.constant 25 : i32
      %lt3A_287 = arith.cmpi slt, %add3A_285, %lt3A_286 : i32
      %convert_element_type3A_288 = arith.extui %lt3A_287 : i1 to i32
      %cond3A_289 = arith.constant 0 : i32
      %cond3A_290 = arith.cmpi ne, %convert_element_type3A_288, %cond3A_289 : i32
      scf.if %cond3A_290 {
        %ge3A = arith.constant 1 : i32
        %ge3A_314 = arith.cmpi sge, %add3A_271, %ge3A : i32
        %convert_element_type3A_315 = arith.extui %ge3A_314 : i1 to i32
        %cond3A_316 = arith.constant 0 : i32
        %cond3A_317 = arith.cmpi ne, %convert_element_type3A_315, %cond3A_316 : i32
        scf.if %cond3A_317 {
          %sub3A = arith.constant 1 : i32
          %sub3A_326 = arith.subi %add3A_271, %sub3A : i32
          %dma_wait3A_327 = arith.constant 0 : i32
          %dma_wait3A_328 = tpu.memref_slice %arg7[%sub3A_326, %dma_wait3A_327] : memref<25x100xi32, #tpu.memory_space<vmem>> -> memref<1x100xi32, #tpu.memory_space<vmem>>
          %dma_wait3A_329 = tpu.memref_squeeze %dma_wait3A_328 : memref<1x100xi32, #tpu.memory_space<vmem>> -> memref<100xi32, #tpu.memory_space<vmem>>
          %dma_wait3A_330 = arith.constant 0 : i32
          %dma_wait3A_331 = arith.constant 0 : i32
          %dma_wait3A_332 = tpu.memref_slice %arg11[%dma_wait3A_330, %dma_wait3A_331] : memref<10112x128xf32, #tpu.memory_space<vmem_shared>> -> memref<10112x128xf32, #tpu.memory_space<vmem_shared>>
          tpu.wait_indirect_dma semaphore(%arg15 : memref<!tpu.dma_semaphore, #tpu.memory_space<semaphore_mem>>) src(%arg8 : memref<100x128xf32, #tpu.memory_space<vmem>>) dst(%dma_wait3A_332 : memref<10112x128xf32, #tpu.memory_space<vmem_shared>>)
        } else {
        }
        %add3A_318 = arith.constant 2 : i32
        %add3A_319 = arith.addi %add3A_271, %add3A_318 : i32
        %dma_start3A_320 = arith.constant 0 : i32
        %dma_start3A_321 = tpu.memref_slice %arg6[%add3A_319, %dma_start3A_320] : memref<25x100xi32, #tpu.memory_space<vmem>> -> memref<1x100xi32, #tpu.memory_space<vmem>>
        %dma_start3A_322 = tpu.memref_squeeze %dma_start3A_321 : memref<1x100xi32, #tpu.memory_space<vmem>> -> memref<100xi32, #tpu.memory_space<vmem>>
        %dma_start3A_323 = arith.constant 0 : i32
        %dma_start3A_324 = arith.constant 0 : i32
        %dma_start3A_325 = tpu.memref_slice %arg2[%dma_start3A_323, %dma_start3A_324] : memref<40000x128xf32, #tpu.memory_space<hbm>> -> memref<40000x128xf32, #tpu.memory_space<hbm>>
        tpu.enqueue_indirect_dma source(%dma_start3A_325 : memref<40000x128xf32, #tpu.memory_space<hbm>>) target(%arg8 : memref<100x128xf32, #tpu.memory_space<vmem>>) offsets(%dma_start3A_322 : memref<100xi32, #tpu.memory_space<vmem>>) semaphore(%arg12 : memref<!tpu.dma_semaphore, #tpu.memory_space<semaphore_mem>>)
      } else {
      }
      %mul3A_291 = arith.constant 3 : i32
      %mul3A_292 = arith.muli %mul3A_291, %scan3A_247 : i32
      %add3A_293 = arith.constant 2 : i32
      %add3A_294 = arith.addi %mul3A_292, %add3A_293 : i32
      %dma_wait3A_295 = arith.constant 0 : i32
      %dma_wait3A_296 = tpu.memref_slice %arg6[%add3A_294, %dma_wait3A_295] : memref<25x100xi32, #tpu.memory_space<vmem>> -> memref<1x100xi32, #tpu.memory_space<vmem>>
      %dma_wait3A_297 = tpu.memref_squeeze %dma_wait3A_296 : memref<1x100xi32, #tpu.memory_space<vmem>> -> memref<100xi32, #tpu.memory_space<vmem>>
      %dma_wait3A_298 = arith.constant 0 : i32
      %dma_wait3A_299 = arith.constant 0 : i32
      %dma_wait3A_300 = tpu.memref_slice %arg2[%dma_wait3A_298, %dma_wait3A_299] : memref<40000x128xf32, #tpu.memory_space<hbm>> -> memref<40000x128xf32, #tpu.memory_space<hbm>>
      tpu.wait_indirect_dma semaphore(%arg14 : memref<!tpu.dma_semaphore, #tpu.memory_space<semaphore_mem>>) src(%dma_wait3A_300 : memref<40000x128xf32, #tpu.memory_space<hbm>>) dst(%arg10 : memref<100x128xf32, #tpu.memory_space<vmem>>)
      %dma_start3A_301 = arith.constant 0 : i32
      %dma_start3A_302 = tpu.memref_slice %arg7[%add3A_294, %dma_start3A_301] : memref<25x100xi32, #tpu.memory_space<vmem>> -> memref<1x100xi32, #tpu.memory_space<vmem>>
      %dma_start3A_303 = tpu.memref_squeeze %dma_start3A_302 : memref<1x100xi32, #tpu.memory_space<vmem>> -> memref<100xi32, #tpu.memory_space<vmem>>
      %dma_start3A_304 = arith.constant 0 : i32
      %dma_start3A_305 = arith.constant 0 : i32
      %dma_start3A_306 = tpu.memref_slice %arg11[%dma_start3A_304, %dma_start3A_305] : memref<10112x128xf32, #tpu.memory_space<vmem_shared>> -> memref<10112x128xf32, #tpu.memory_space<vmem_shared>>
      tpu.enqueue_indirect_dma source(%arg10 : memref<100x128xf32, #tpu.memory_space<vmem>>) target(%dma_start3A_306 : memref<10112x128xf32, #tpu.memory_space<vmem_shared>>) offsets(%dma_start3A_303 : memref<100xi32, #tpu.memory_space<vmem>>) semaphore(%arg17 : memref<!tpu.dma_semaphore, #tpu.memory_space<semaphore_mem>>) {add = true}
      %add3A_307 = arith.constant 2 : i32
      %add3A_308 = arith.addi %add3A_294, %add3A_307 : i32
      %lt3A_309 = arith.constant 25 : i32
      %lt3A_310 = arith.cmpi slt, %add3A_308, %lt3A_309 : i32
      %convert_element_type3A_311 = arith.extui %lt3A_310 : i1 to i32
      %cond3A_312 = arith.constant 0 : i32
      %cond3A_313 = arith.cmpi ne, %convert_element_type3A_311, %cond3A_312 : i32
      scf.if %cond3A_313 {
        %ge3A = arith.constant 1 : i32
        %ge3A_314 = arith.cmpi sge, %add3A_294, %ge3A : i32
        %convert_element_type3A_315 = arith.extui %ge3A_314 : i1 to i32
        %cond3A_316 = arith.constant 0 : i32
        %cond3A_317 = arith.cmpi ne, %convert_element_type3A_315, %cond3A_316 : i32
        scf.if %cond3A_317 {
          %sub3A = arith.constant 1 : i32
          %sub3A_326 = arith.subi %add3A_294, %sub3A : i32
          %dma_wait3A_327 = arith.constant 0 : i32
          %dma_wait3A_328 = tpu.memref_slice %arg7[%sub3A_326, %dma_wait3A_327] : memref<25x100xi32, #tpu.memory_space<vmem>> -> memref<1x100xi32, #tpu.memory_space<vmem>>
          %dma_wait3A_329 = tpu.memref_squeeze %dma_wait3A_328 : memref<1x100xi32, #tpu.memory_space<vmem>> -> memref<100xi32, #tpu.memory_space<vmem>>
          %dma_wait3A_330 = arith.constant 0 : i32
          %dma_wait3A_331 = arith.constant 0 : i32
          %dma_wait3A_332 = tpu.memref_slice %arg11[%dma_wait3A_330, %dma_wait3A_331] : memref<10112x128xf32, #tpu.memory_space<vmem_shared>> -> memref<10112x128xf32, #tpu.memory_space<vmem_shared>>
          tpu.wait_indirect_dma semaphore(%arg16 : memref<!tpu.dma_semaphore, #tpu.memory_space<semaphore_mem>>) src(%arg9 : memref<100x128xf32, #tpu.memory_space<vmem>>) dst(%dma_wait3A_332 : memref<10112x128xf32, #tpu.memory_space<vmem_shared>>)
        } else {
        }
        %add3A_318 = arith.constant 2 : i32
        %add3A_319 = arith.addi %add3A_294, %add3A_318 : i32
        %dma_start3A_320 = arith.constant 0 : i32
        %dma_start3A_321 = tpu.memref_slice %arg6[%add3A_319, %dma_start3A_320] : memref<25x100xi32, #tpu.memory_space<vmem>> -> memref<1x100xi32, #tpu.memory_space<vmem>>
        %dma_start3A_322 = tpu.memref_squeeze %dma_start3A_321 : memref<1x100xi32, #tpu.memory_space<vmem>> -> memref<100xi32, #tpu.memory_space<vmem>>
        %dma_start3A_323 = arith.constant 0 : i32
        %dma_start3A_324 = arith.constant 0 : i32
        %dma_start3A_325 = tpu.memref_slice %arg2[%dma_start3A_323, %dma_start3A_324] : memref<40000x128xf32, #tpu.memory_space<hbm>> -> memref<40000x128xf32, #tpu.memory_space<hbm>>
        tpu.enqueue_indirect_dma source(%dma_start3A_325 : memref<40000x128xf32, #tpu.memory_space<hbm>>) target(%arg9 : memref<100x128xf32, #tpu.memory_space<vmem>>) offsets(%dma_start3A_322 : memref<100xi32, #tpu.memory_space<vmem>>) semaphore(%arg13 : memref<!tpu.dma_semaphore, #tpu.memory_space<semaphore_mem>>)
      } else {
      }
    }
    %scan3A_151 = arith.constant 8 : i32
    %dma_wait3A_152 = arith.constant 24 : i32
    %dma_wait3A_153 = arith.constant 0 : i32
    %dma_wait3A_154 = tpu.memref_slice %arg6[%dma_wait3A_152, %dma_wait3A_153] : memref<25x100xi32, #tpu.memory_space<vmem>> -> memref<1x100xi32, #tpu.memory_space<vmem>>
    %dma_wait3A_155 = tpu.memref_squeeze %dma_wait3A_154 : memref<1x100xi32, #tpu.memory_space<vmem>> -> memref<100xi32, #tpu.memory_space<vmem>>
    %dma_wait3A_156 = arith.constant 0 : i32
    %dma_wait3A_157 = arith.constant 0 : i32
    %dma_wait3A_158 = tpu.memref_slice %arg2[%dma_wait3A_156, %dma_wait3A_157] : memref<40000x128xf32, #tpu.memory_space<hbm>> -> memref<40000x128xf32, #tpu.memory_space<hbm>>
    tpu.wait_indirect_dma semaphore(%arg12 : memref<!tpu.dma_semaphore, #tpu.memory_space<semaphore_mem>>) src(%dma_wait3A_158 : memref<40000x128xf32, #tpu.memory_space<hbm>>) dst(%arg8 : memref<100x128xf32, #tpu.memory_space<vmem>>)
    %dma_start3A_159 = arith.constant 24 : i32
    %dma_start3A_160 = arith.constant 0 : i32
    %dma_start3A_161 = tpu.memref_slice %arg7[%dma_start3A_159, %dma_start3A_160] : memref<25x100xi32, #tpu.memory_space<vmem>> -> memref<1x100xi32, #tpu.memory_space<vmem>>
    %dma_start3A_162 = tpu.memref_squeeze %dma_start3A_161 : memref<1x100xi32, #tpu.memory_space<vmem>> -> memref<100xi32, #tpu.memory_space<vmem>>
    %dma_start3A_163 = arith.constant 0 : i32
    %dma_start3A_164 = arith.constant 0 : i32
    %dma_start3A_165 = tpu.memref_slice %arg11[%dma_start3A_163, %dma_start3A_164] : memref<10112x128xf32, #tpu.memory_space<vmem_shared>> -> memref<10112x128xf32, #tpu.memory_space<vmem_shared>>
    tpu.enqueue_indirect_dma source(%arg8 : memref<100x128xf32, #tpu.memory_space<vmem>>) target(%dma_start3A_165 : memref<10112x128xf32, #tpu.memory_space<vmem_shared>>) offsets(%dma_start3A_162 : memref<100xi32, #tpu.memory_space<vmem>>) semaphore(%arg15 : memref<!tpu.dma_semaphore, #tpu.memory_space<semaphore_mem>>) {add = true}
    %dma_wait3A_166 = arith.constant 22 : i32
    %dma_wait3A_167 = arith.constant 0 : i32
    %dma_wait3A_168 = tpu.memref_slice %arg7[%dma_wait3A_166, %dma_wait3A_167] : memref<25x100xi32, #tpu.memory_space<vmem>> -> memref<1x100xi32, #tpu.memory_space<vmem>>
    %dma_wait3A_169 = tpu.memref_squeeze %dma_wait3A_168 : memref<1x100xi32, #tpu.memory_space<vmem>> -> memref<100xi32, #tpu.memory_space<vmem>>
    %dma_wait3A_170 = arith.constant 0 : i32
    %dma_wait3A_171 = arith.constant 0 : i32
    %dma_wait3A_172 = tpu.memref_slice %arg11[%dma_wait3A_170, %dma_wait3A_171] : memref<10112x128xf32, #tpu.memory_space<vmem_shared>> -> memref<10112x128xf32, #tpu.memory_space<vmem_shared>>
    tpu.wait_indirect_dma semaphore(%arg16 : memref<!tpu.dma_semaphore, #tpu.memory_space<semaphore_mem>>) src(%arg9 : memref<100x128xf32, #tpu.memory_space<vmem>>) dst(%dma_wait3A_172 : memref<10112x128xf32, #tpu.memory_space<vmem_shared>>)
    %dma_wait3A_173 = arith.constant 23 : i32
    %dma_wait3A_174 = arith.constant 0 : i32
    %dma_wait3A_175 = tpu.memref_slice %arg7[%dma_wait3A_173, %dma_wait3A_174] : memref<25x100xi32, #tpu.memory_space<vmem>> -> memref<1x100xi32, #tpu.memory_space<vmem>>
    %dma_wait3A_176 = tpu.memref_squeeze %dma_wait3A_175 : memref<1x100xi32, #tpu.memory_space<vmem>> -> memref<100xi32, #tpu.memory_space<vmem>>
    %dma_wait3A_177 = arith.constant 0 : i32
    %dma_wait3A_178 = arith.constant 0 : i32
    %dma_wait3A_179 = tpu.memref_slice %arg11[%dma_wait3A_177, %dma_wait3A_178] : memref<10112x128xf32, #tpu.memory_space<vmem_shared>> -> memref<10112x128xf32, #tpu.memory_space<vmem_shared>>
    tpu.wait_indirect_dma semaphore(%arg17 : memref<!tpu.dma_semaphore, #tpu.memory_space<semaphore_mem>>) src(%arg10 : memref<100x128xf32, #tpu.memory_space<vmem>>) dst(%dma_wait3A_179 : memref<10112x128xf32, #tpu.memory_space<vmem_shared>>)
    %dma_wait3A_180 = arith.constant 24 : i32
    %dma_wait3A_181 = arith.constant 0 : i32
    %dma_wait3A_182 = tpu.memref_slice %arg7[%dma_wait3A_180, %dma_wait3A_181] : memref<25x100xi32, #tpu.memory_space<vmem>> -> memref<1x100xi32, #tpu.memory_space<vmem>>
    %dma_wait3A_183 = tpu.memref_squeeze %dma_wait3A_182 : memref<1x100xi32, #tpu.memory_space<vmem>> -> memref<100xi32, #tpu.memory_space<vmem>>
    %dma_wait3A_184 = arith.constant 0 : i32
    %dma_wait3A_185 = arith.constant 0 : i32
    %dma_wait3A_186 = tpu.memref_slice %arg11[%dma_wait3A_184, %dma_wait3A_185] : memref<10112x128xf32, #tpu.memory_space<vmem_shared>> -> memref<10112x128xf32, #tpu.memory_space<vmem_shared>>
    tpu.wait_indirect_dma semaphore(%arg15 : memref<!tpu.dma_semaphore, #tpu.memory_space<semaphore_mem>>) src(%arg8 : memref<100x128xf32, #tpu.memory_space<vmem>>) dst(%dma_wait3A_186 : memref<10112x128xf32, #tpu.memory_space<vmem_shared>>)
    %run_scoped3A_187 = arith.constant 3 : i32
    "tpu.region"() ({
      %run_scoped3A_247 = tpu.sem_alloc : memref<!tpu.dma_semaphore, #tpu.memory_space<semaphore_mem>>
      %dma_start3A_248 = arith.constant 0 : i32
      %dma_start3A_249 = arith.constant 0 : i32
      %dma_start3A_250 = tpu.memref_slice %arg3[%add3A, %run_scoped3A_187, %dma_start3A_248, %dma_start3A_249] : memref<32x4x25x100xi32, #tpu.memory_space<hbm>> -> memref<1x1x25x100xi32, #tpu.memory_space<hbm>>
      %dma_start3A_251 = tpu.memref_squeeze %dma_start3A_250 : memref<1x1x25x100xi32, #tpu.memory_space<hbm>> -> memref<25x100xi32, #tpu.memory_space<hbm>>
      %dma_start3A_252 = arith.constant 0 : i32
      %dma_start3A_253 = arith.constant 0 : i32
      %dma_start3A_254 = tpu.memref_slice %arg3[%add3A, %run_scoped3A_187, %dma_start3A_252, %dma_start3A_253] : memref<32x4x25x100xi32, #tpu.memory_space<hbm>> -> memref<1x1x25x100xi32, #tpu.memory_space<hbm>>
      %dma_start3A_255 = tpu.memref_squeeze %dma_start3A_254 : memref<1x1x25x100xi32, #tpu.memory_space<hbm>> -> memref<25x100xi32, #tpu.memory_space<hbm>>
      tpu.enqueue_dma source(%dma_start3A_255 : memref<25x100xi32, #tpu.memory_space<hbm>>) target(%arg6 : memref<25x100xi32, #tpu.memory_space<vmem>>) target_semaphore(%run_scoped3A_247 : memref<!tpu.dma_semaphore, #tpu.memory_space<semaphore_mem>>)
      %dma_wait3A_256 = arith.constant 0 : i32
      %dma_wait3A_257 = arith.constant 0 : i32
      %dma_wait3A_258 = tpu.memref_slice %arg3[%add3A, %run_scoped3A_187, %dma_wait3A_256, %dma_wait3A_257] : memref<32x4x25x100xi32, #tpu.memory_space<hbm>> -> memref<1x1x25x100xi32, #tpu.memory_space<hbm>>
      %dma_wait3A_259 = tpu.memref_squeeze %dma_wait3A_258 : memref<1x1x25x100xi32, #tpu.memory_space<hbm>> -> memref<25x100xi32, #tpu.memory_space<hbm>>
      %dma_wait3A_260 = arith.constant 0 : i32
      %dma_wait3A_261 = arith.constant 0 : i32
      %dma_wait3A_262 = tpu.memref_slice %arg3[%add3A, %run_scoped3A_187, %dma_wait3A_260, %dma_wait3A_261] : memref<32x4x25x100xi32, #tpu.memory_space<hbm>> -> memref<1x1x25x100xi32, #tpu.memory_space<hbm>>
      %dma_wait3A_263 = tpu.memref_squeeze %dma_wait3A_262 : memref<1x1x25x100xi32, #tpu.memory_space<hbm>> -> memref<25x100xi32, #tpu.memory_space<hbm>>
      tpu.wait_dma2 semaphore(%run_scoped3A_247 : memref<!tpu.dma_semaphore, #tpu.memory_space<semaphore_mem>>) src(%dma_wait3A_263 : memref<25x100xi32, #tpu.memory_space<hbm>>) dst(%arg6 : memref<25x100xi32, #tpu.memory_space<vmem>>)
      tpu.yield
    }) : () -> ()
    %run_scoped3A_188 = arith.constant 3 : i32
    "tpu.region"() ({
      %run_scoped3A_247 = tpu.sem_alloc : memref<!tpu.dma_semaphore, #tpu.memory_space<semaphore_mem>>
      %dma_start3A_248 = arith.constant 0 : i32
      %dma_start3A_249 = arith.constant 0 : i32
      %dma_start3A_250 = tpu.memref_slice %arg4[%add3A, %run_scoped3A_188, %dma_start3A_248, %dma_start3A_249] : memref<32x4x25x100xi32, #tpu.memory_space<hbm>> -> memref<1x1x25x100xi32, #tpu.memory_space<hbm>>
      %dma_start3A_251 = tpu.memref_squeeze %dma_start3A_250 : memref<1x1x25x100xi32, #tpu.memory_space<hbm>> -> memref<25x100xi32, #tpu.memory_space<hbm>>
      %dma_start3A_252 = arith.constant 0 : i32
      %dma_start3A_253 = arith.constant 0 : i32
      %dma_start3A_254 = tpu.memref_slice %arg4[%add3A, %run_scoped3A_188, %dma_start3A_252, %dma_start3A_253] : memref<32x4x25x100xi32, #tpu.memory_space<hbm>> -> memref<1x1x25x100xi32, #tpu.memory_space<hbm>>
      %dma_start3A_255 = tpu.memref_squeeze %dma_start3A_254 : memref<1x1x25x100xi32, #tpu.memory_space<hbm>> -> memref<25x100xi32, #tpu.memory_space<hbm>>
      tpu.enqueue_dma source(%dma_start3A_255 : memref<25x100xi32, #tpu.memory_space<hbm>>) target(%arg7 : memref<25x100xi32, #tpu.memory_space<vmem>>) target_semaphore(%run_scoped3A_247 : memref<!tpu.dma_semaphore, #tpu.memory_space<semaphore_mem>>)
      %dma_wait3A_256 = arith.constant 0 : i32
      %dma_wait3A_257 = arith.constant 0 : i32
      %dma_wait3A_258 = tpu.memref_slice %arg4[%add3A, %run_scoped3A_188, %dma_wait3A_256, %dma_wait3A_257] : memref<32x4x25x100xi32, #tpu.memory_space<hbm>> -> memref<1x1x25x100xi32, #tpu.memory_space<hbm>>
      %dma_wait3A_259 = tpu.memref_squeeze %dma_wait3A_258 : memref<1x1x25x100xi32, #tpu.memory_space<hbm>> -> memref<25x100xi32, #tpu.memory_space<hbm>>
      %dma_wait3A_260 = arith.constant 0 : i32
      %dma_wait3A_261 = arith.constant 0 : i32
      %dma_wait3A_262 = tpu.memref_slice %arg4[%add3A, %run_scoped3A_188, %dma_wait3A_260, %dma_wait3A_261] : memref<32x4x25x100xi32, #tpu.memory_space<hbm>> -> memref<1x1x25x100xi32, #tpu.memory_space<hbm>>
      %dma_wait3A_263 = tpu.memref_squeeze %dma_wait3A_262 : memref<1x1x25x100xi32, #tpu.memory_space<hbm>> -> memref<25x100xi32, #tpu.memory_space<hbm>>
      tpu.wait_dma2 semaphore(%run_scoped3A_247 : memref<!tpu.dma_semaphore, #tpu.memory_space<semaphore_mem>>) src(%dma_wait3A_263 : memref<25x100xi32, #tpu.memory_space<hbm>>) dst(%arg7 : memref<25x100xi32, #tpu.memory_space<vmem>>)
      tpu.yield
    }) : () -> ()
    %dma_start3A_189 = arith.constant 0 : i32
    %dma_start3A_190 = arith.constant 0 : i32
    %dma_start3A_191 = tpu.memref_slice %arg6[%dma_start3A_189, %dma_start3A_190] : memref<25x100xi32, #tpu.memory_space<vmem>> -> memref<1x100xi32, #tpu.memory_space<vmem>>
    %dma_start3A_192 = tpu.memref_squeeze %dma_start3A_191 : memref<1x100xi32, #tpu.memory_space<vmem>> -> memref<100xi32, #tpu.memory_space<vmem>>
    %dma_start3A_193 = arith.constant 0 : i32
    %dma_start3A_194 = arith.constant 0 : i32
    %dma_start3A_195 = tpu.memref_slice %arg2[%dma_start3A_193, %dma_start3A_194] : memref<40000x128xf32, #tpu.memory_space<hbm>> -> memref<40000x128xf32, #tpu.memory_space<hbm>>
    tpu.enqueue_indirect_dma source(%dma_start3A_195 : memref<40000x128xf32, #tpu.memory_space<hbm>>) target(%arg8 : memref<100x128xf32, #tpu.memory_space<vmem>>) offsets(%dma_start3A_192 : memref<100xi32, #tpu.memory_space<vmem>>) semaphore(%arg12 : memref<!tpu.dma_semaphore, #tpu.memory_space<semaphore_mem>>)
    %dma_start3A_196 = arith.constant 1 : i32
    %dma_start3A_197 = arith.constant 0 : i32
    %dma_start3A_198 = tpu.memref_slice %arg6[%dma_start3A_196, %dma_start3A_197] : memref<25x100xi32, #tpu.memory_space<vmem>> -> memref<1x100xi32, #tpu.memory_space<vmem>>
    %dma_start3A_199 = tpu.memref_squeeze %dma_start3A_198 : memref<1x100xi32, #tpu.memory_space<vmem>> -> memref<100xi32, #tpu.memory_space<vmem>>
    %dma_start3A_200 = arith.constant 0 : i32
    %dma_start3A_201 = arith.constant 0 : i32
    %dma_start3A_202 = tpu.memref_slice %arg2[%dma_start3A_200, %dma_start3A_201] : memref<40000x128xf32, #tpu.memory_space<hbm>> -> memref<40000x128xf32, #tpu.memory_space<hbm>>
    tpu.enqueue_indirect_dma source(%dma_start3A_202 : memref<40000x128xf32, #tpu.memory_space<hbm>>) target(%arg9 : memref<100x128xf32, #tpu.memory_space<vmem>>) offsets(%dma_start3A_199 : memref<100xi32, #tpu.memory_space<vmem>>) semaphore(%arg13 : memref<!tpu.dma_semaphore, #tpu.memory_space<semaphore_mem>>)
    %scan3A_203 = arith.constant 0 : i32
    %scan3A_204 = arith.constant 0 : i32
    %scan3A_205 = arith.constant 8 : i32
    %scan3A_206 = arith.addi %scan3A_204, %scan3A_205 : i32
    %scan3A_207 = arith.constant 1 : i32
    scf.for %scan3A_247 = %scan3A_204 to %scan3A_206 step %scan3A_207  : i32 {
      %mul3A_248 = arith.constant 3 : i32
      %mul3A_249 = arith.muli %mul3A_248, %scan3A_247 : i32
      %add3A_250 = arith.constant 0 : i32
      %add3A_251 = arith.addi %mul3A_249, %add3A_250 : i32
      %dma_wait3A_252 = arith.constant 0 : i32
      %dma_wait3A_253 = tpu.memref_slice %arg6[%add3A_251, %dma_wait3A_252] : memref<25x100xi32, #tpu.memory_space<vmem>> -> memref<1x100xi32, #tpu.memory_space<vmem>>
      %dma_wait3A_254 = tpu.memref_squeeze %dma_wait3A_253 : memref<1x100xi32, #tpu.memory_space<vmem>> -> memref<100xi32, #tpu.memory_space<vmem>>
      %dma_wait3A_255 = arith.constant 0 : i32
      %dma_wait3A_256 = arith.constant 0 : i32
      %dma_wait3A_257 = tpu.memref_slice %arg2[%dma_wait3A_255, %dma_wait3A_256] : memref<40000x128xf32, #tpu.memory_space<hbm>> -> memref<40000x128xf32, #tpu.memory_space<hbm>>
      tpu.wait_indirect_dma semaphore(%arg12 : memref<!tpu.dma_semaphore, #tpu.memory_space<semaphore_mem>>) src(%dma_wait3A_257 : memref<40000x128xf32, #tpu.memory_space<hbm>>) dst(%arg8 : memref<100x128xf32, #tpu.memory_space<vmem>>)
      %dma_start3A_258 = arith.constant 0 : i32
      %dma_start3A_259 = tpu.memref_slice %arg7[%add3A_251, %dma_start3A_258] : memref<25x100xi32, #tpu.memory_space<vmem>> -> memref<1x100xi32, #tpu.memory_space<vmem>>
      %dma_start3A_260 = tpu.memref_squeeze %dma_start3A_259 : memref<1x100xi32, #tpu.memory_space<vmem>> -> memref<100xi32, #tpu.memory_space<vmem>>
      %dma_start3A_261 = arith.constant 0 : i32
      %dma_start3A_262 = arith.constant 0 : i32
      %dma_start3A_263 = tpu.memref_slice %arg11[%dma_start3A_261, %dma_start3A_262] : memref<10112x128xf32, #tpu.memory_space<vmem_shared>> -> memref<10112x128xf32, #tpu.memory_space<vmem_shared>>
      tpu.enqueue_indirect_dma source(%arg8 : memref<100x128xf32, #tpu.memory_space<vmem>>) target(%dma_start3A_263 : memref<10112x128xf32, #tpu.memory_space<vmem_shared>>) offsets(%dma_start3A_260 : memref<100xi32, #tpu.memory_space<vmem>>) semaphore(%arg15 : memref<!tpu.dma_semaphore, #tpu.memory_space<semaphore_mem>>) {add = true}
      %add3A_264 = arith.constant 2 : i32
      %add3A_265 = arith.addi %add3A_251, %add3A_264 : i32
      %lt3A = arith.constant 25 : i32
      %lt3A_266 = arith.cmpi slt, %add3A_265, %lt3A : i32
      %convert_element_type3A = arith.extui %lt3A_266 : i1 to i32
      %cond3A = arith.constant 0 : i32
      %cond3A_267 = arith.cmpi ne, %convert_element_type3A, %cond3A : i32
      scf.if %cond3A_267 {
        %ge3A = arith.constant 1 : i32
        %ge3A_314 = arith.cmpi sge, %add3A_251, %ge3A : i32
        %convert_element_type3A_315 = arith.extui %ge3A_314 : i1 to i32
        %cond3A_316 = arith.constant 0 : i32
        %cond3A_317 = arith.cmpi ne, %convert_element_type3A_315, %cond3A_316 : i32
        scf.if %cond3A_317 {
          %sub3A = arith.constant 1 : i32
          %sub3A_326 = arith.subi %add3A_251, %sub3A : i32
          %dma_wait3A_327 = arith.constant 0 : i32
          %dma_wait3A_328 = tpu.memref_slice %arg7[%sub3A_326, %dma_wait3A_327] : memref<25x100xi32, #tpu.memory_space<vmem>> -> memref<1x100xi32, #tpu.memory_space<vmem>>
          %dma_wait3A_329 = tpu.memref_squeeze %dma_wait3A_328 : memref<1x100xi32, #tpu.memory_space<vmem>> -> memref<100xi32, #tpu.memory_space<vmem>>
          %dma_wait3A_330 = arith.constant 0 : i32
          %dma_wait3A_331 = arith.constant 0 : i32
          %dma_wait3A_332 = tpu.memref_slice %arg11[%dma_wait3A_330, %dma_wait3A_331] : memref<10112x128xf32, #tpu.memory_space<vmem_shared>> -> memref<10112x128xf32, #tpu.memory_space<vmem_shared>>
          tpu.wait_indirect_dma semaphore(%arg17 : memref<!tpu.dma_semaphore, #tpu.memory_space<semaphore_mem>>) src(%arg10 : memref<100x128xf32, #tpu.memory_space<vmem>>) dst(%dma_wait3A_332 : memref<10112x128xf32, #tpu.memory_space<vmem_shared>>)
        } else {
        }
        %add3A_318 = arith.constant 2 : i32
        %add3A_319 = arith.addi %add3A_251, %add3A_318 : i32
        %dma_start3A_320 = arith.constant 0 : i32
        %dma_start3A_321 = tpu.memref_slice %arg6[%add3A_319, %dma_start3A_320] : memref<25x100xi32, #tpu.memory_space<vmem>> -> memref<1x100xi32, #tpu.memory_space<vmem>>
        %dma_start3A_322 = tpu.memref_squeeze %dma_start3A_321 : memref<1x100xi32, #tpu.memory_space<vmem>> -> memref<100xi32, #tpu.memory_space<vmem>>
        %dma_start3A_323 = arith.constant 0 : i32
        %dma_start3A_324 = arith.constant 0 : i32
        %dma_start3A_325 = tpu.memref_slice %arg2[%dma_start3A_323, %dma_start3A_324] : memref<40000x128xf32, #tpu.memory_space<hbm>> -> memref<40000x128xf32, #tpu.memory_space<hbm>>
        tpu.enqueue_indirect_dma source(%dma_start3A_325 : memref<40000x128xf32, #tpu.memory_space<hbm>>) target(%arg10 : memref<100x128xf32, #tpu.memory_space<vmem>>) offsets(%dma_start3A_322 : memref<100xi32, #tpu.memory_space<vmem>>) semaphore(%arg14 : memref<!tpu.dma_semaphore, #tpu.memory_space<semaphore_mem>>)
      } else {
      }
      %mul3A_268 = arith.constant 3 : i32
      %mul3A_269 = arith.muli %mul3A_268, %scan3A_247 : i32
      %add3A_270 = arith.constant 1 : i32
      %add3A_271 = arith.addi %mul3A_269, %add3A_270 : i32
      %dma_wait3A_272 = arith.constant 0 : i32
      %dma_wait3A_273 = tpu.memref_slice %arg6[%add3A_271, %dma_wait3A_272] : memref<25x100xi32, #tpu.memory_space<vmem>> -> memref<1x100xi32, #tpu.memory_space<vmem>>
      %dma_wait3A_274 = tpu.memref_squeeze %dma_wait3A_273 : memref<1x100xi32, #tpu.memory_space<vmem>> -> memref<100xi32, #tpu.memory_space<vmem>>
      %dma_wait3A_275 = arith.constant 0 : i32
      %dma_wait3A_276 = arith.constant 0 : i32
      %dma_wait3A_277 = tpu.memref_slice %arg2[%dma_wait3A_275, %dma_wait3A_276] : memref<40000x128xf32, #tpu.memory_space<hbm>> -> memref<40000x128xf32, #tpu.memory_space<hbm>>
      tpu.wait_indirect_dma semaphore(%arg13 : memref<!tpu.dma_semaphore, #tpu.memory_space<semaphore_mem>>) src(%dma_wait3A_277 : memref<40000x128xf32, #tpu.memory_space<hbm>>) dst(%arg9 : memref<100x128xf32, #tpu.memory_space<vmem>>)
      %dma_start3A_278 = arith.constant 0 : i32
      %dma_start3A_279 = tpu.memref_slice %arg7[%add3A_271, %dma_start3A_278] : memref<25x100xi32, #tpu.memory_space<vmem>> -> memref<1x100xi32, #tpu.memory_space<vmem>>
      %dma_start3A_280 = tpu.memref_squeeze %dma_start3A_279 : memref<1x100xi32, #tpu.memory_space<vmem>> -> memref<100xi32, #tpu.memory_space<vmem>>
      %dma_start3A_281 = arith.constant 0 : i32
      %dma_start3A_282 = arith.constant 0 : i32
      %dma_start3A_283 = tpu.memref_slice %arg11[%dma_start3A_281, %dma_start3A_282] : memref<10112x128xf32, #tpu.memory_space<vmem_shared>> -> memref<10112x128xf32, #tpu.memory_space<vmem_shared>>
      tpu.enqueue_indirect_dma source(%arg9 : memref<100x128xf32, #tpu.memory_space<vmem>>) target(%dma_start3A_283 : memref<10112x128xf32, #tpu.memory_space<vmem_shared>>) offsets(%dma_start3A_280 : memref<100xi32, #tpu.memory_space<vmem>>) semaphore(%arg16 : memref<!tpu.dma_semaphore, #tpu.memory_space<semaphore_mem>>) {add = true}
      %add3A_284 = arith.constant 2 : i32
      %add3A_285 = arith.addi %add3A_271, %add3A_284 : i32
      %lt3A_286 = arith.constant 25 : i32
      %lt3A_287 = arith.cmpi slt, %add3A_285, %lt3A_286 : i32
      %convert_element_type3A_288 = arith.extui %lt3A_287 : i1 to i32
      %cond3A_289 = arith.constant 0 : i32
      %cond3A_290 = arith.cmpi ne, %convert_element_type3A_288, %cond3A_289 : i32
      scf.if %cond3A_290 {
        %ge3A = arith.constant 1 : i32
        %ge3A_314 = arith.cmpi sge, %add3A_271, %ge3A : i32
        %convert_element_type3A_315 = arith.extui %ge3A_314 : i1 to i32
        %cond3A_316 = arith.constant 0 : i32
        %cond3A_317 = arith.cmpi ne, %convert_element_type3A_315, %cond3A_316 : i32
        scf.if %cond3A_317 {
          %sub3A = arith.constant 1 : i32
          %sub3A_326 = arith.subi %add3A_271, %sub3A : i32
          %dma_wait3A_327 = arith.constant 0 : i32
          %dma_wait3A_328 = tpu.memref_slice %arg7[%sub3A_326, %dma_wait3A_327] : memref<25x100xi32, #tpu.memory_space<vmem>> -> memref<1x100xi32, #tpu.memory_space<vmem>>
          %dma_wait3A_329 = tpu.memref_squeeze %dma_wait3A_328 : memref<1x100xi32, #tpu.memory_space<vmem>> -> memref<100xi32, #tpu.memory_space<vmem>>
          %dma_wait3A_330 = arith.constant 0 : i32
          %dma_wait3A_331 = arith.constant 0 : i32
          %dma_wait3A_332 = tpu.memref_slice %arg11[%dma_wait3A_330, %dma_wait3A_331] : memref<10112x128xf32, #tpu.memory_space<vmem_shared>> -> memref<10112x128xf32, #tpu.memory_space<vmem_shared>>
          tpu.wait_indirect_dma semaphore(%arg15 : memref<!tpu.dma_semaphore, #tpu.memory_space<semaphore_mem>>) src(%arg8 : memref<100x128xf32, #tpu.memory_space<vmem>>) dst(%dma_wait3A_332 : memref<10112x128xf32, #tpu.memory_space<vmem_shared>>)
        } else {
        }
        %add3A_318 = arith.constant 2 : i32
        %add3A_319 = arith.addi %add3A_271, %add3A_318 : i32
        %dma_start3A_320 = arith.constant 0 : i32
        %dma_start3A_321 = tpu.memref_slice %arg6[%add3A_319, %dma_start3A_320] : memref<25x100xi32, #tpu.memory_space<vmem>> -> memref<1x100xi32, #tpu.memory_space<vmem>>
        %dma_start3A_322 = tpu.memref_squeeze %dma_start3A_321 : memref<1x100xi32, #tpu.memory_space<vmem>> -> memref<100xi32, #tpu.memory_space<vmem>>
        %dma_start3A_323 = arith.constant 0 : i32
        %dma_start3A_324 = arith.constant 0 : i32
        %dma_start3A_325 = tpu.memref_slice %arg2[%dma_start3A_323, %dma_start3A_324] : memref<40000x128xf32, #tpu.memory_space<hbm>> -> memref<40000x128xf32, #tpu.memory_space<hbm>>
        tpu.enqueue_indirect_dma source(%dma_start3A_325 : memref<40000x128xf32, #tpu.memory_space<hbm>>) target(%arg8 : memref<100x128xf32, #tpu.memory_space<vmem>>) offsets(%dma_start3A_322 : memref<100xi32, #tpu.memory_space<vmem>>) semaphore(%arg12 : memref<!tpu.dma_semaphore, #tpu.memory_space<semaphore_mem>>)
      } else {
      }
      %mul3A_291 = arith.constant 3 : i32
      %mul3A_292 = arith.muli %mul3A_291, %scan3A_247 : i32
      %add3A_293 = arith.constant 2 : i32
      %add3A_294 = arith.addi %mul3A_292, %add3A_293 : i32
      %dma_wait3A_295 = arith.constant 0 : i32
      %dma_wait3A_296 = tpu.memref_slice %arg6[%add3A_294, %dma_wait3A_295] : memref<25x100xi32, #tpu.memory_space<vmem>> -> memref<1x100xi32, #tpu.memory_space<vmem>>
      %dma_wait3A_297 = tpu.memref_squeeze %dma_wait3A_296 : memref<1x100xi32, #tpu.memory_space<vmem>> -> memref<100xi32, #tpu.memory_space<vmem>>
      %dma_wait3A_298 = arith.constant 0 : i32
      %dma_wait3A_299 = arith.constant 0 : i32
      %dma_wait3A_300 = tpu.memref_slice %arg2[%dma_wait3A_298, %dma_wait3A_299] : memref<40000x128xf32, #tpu.memory_space<hbm>> -> memref<40000x128xf32, #tpu.memory_space<hbm>>
      tpu.wait_indirect_dma semaphore(%arg14 : memref<!tpu.dma_semaphore, #tpu.memory_space<semaphore_mem>>) src(%dma_wait3A_300 : memref<40000x128xf32, #tpu.memory_space<hbm>>) dst(%arg10 : memref<100x128xf32, #tpu.memory_space<vmem>>)
      %dma_start3A_301 = arith.constant 0 : i32
      %dma_start3A_302 = tpu.memref_slice %arg7[%add3A_294, %dma_start3A_301] : memref<25x100xi32, #tpu.memory_space<vmem>> -> memref<1x100xi32, #tpu.memory_space<vmem>>
      %dma_start3A_303 = tpu.memref_squeeze %dma_start3A_302 : memref<1x100xi32, #tpu.memory_space<vmem>> -> memref<100xi32, #tpu.memory_space<vmem>>
      %dma_start3A_304 = arith.constant 0 : i32
      %dma_start3A_305 = arith.constant 0 : i32
      %dma_start3A_306 = tpu.memref_slice %arg11[%dma_start3A_304, %dma_start3A_305] : memref<10112x128xf32, #tpu.memory_space<vmem_shared>> -> memref<10112x128xf32, #tpu.memory_space<vmem_shared>>
      tpu.enqueue_indirect_dma source(%arg10 : memref<100x128xf32, #tpu.memory_space<vmem>>) target(%dma_start3A_306 : memref<10112x128xf32, #tpu.memory_space<vmem_shared>>) offsets(%dma_start3A_303 : memref<100xi32, #tpu.memory_space<vmem>>) semaphore(%arg17 : memref<!tpu.dma_semaphore, #tpu.memory_space<semaphore_mem>>) {add = true}
      %add3A_307 = arith.constant 2 : i32
      %add3A_308 = arith.addi %add3A_294, %add3A_307 : i32
      %lt3A_309 = arith.constant 25 : i32
      %lt3A_310 = arith.cmpi slt, %add3A_308, %lt3A_309 : i32
      %convert_element_type3A_311 = arith.extui %lt3A_310 : i1 to i32
      %cond3A_312 = arith.constant 0 : i32
      %cond3A_313 = arith.cmpi ne, %convert_element_type3A_311, %cond3A_312 : i32
      scf.if %cond3A_313 {
        %ge3A = arith.constant 1 : i32
        %ge3A_314 = arith.cmpi sge, %add3A_294, %ge3A : i32
        %convert_element_type3A_315 = arith.extui %ge3A_314 : i1 to i32
        %cond3A_316 = arith.constant 0 : i32
        %cond3A_317 = arith.cmpi ne, %convert_element_type3A_315, %cond3A_316 : i32
        scf.if %cond3A_317 {
          %sub3A = arith.constant 1 : i32
          %sub3A_326 = arith.subi %add3A_294, %sub3A : i32
          %dma_wait3A_327 = arith.constant 0 : i32
          %dma_wait3A_328 = tpu.memref_slice %arg7[%sub3A_326, %dma_wait3A_327] : memref<25x100xi32, #tpu.memory_space<vmem>> -> memref<1x100xi32, #tpu.memory_space<vmem>>
          %dma_wait3A_329 = tpu.memref_squeeze %dma_wait3A_328 : memref<1x100xi32, #tpu.memory_space<vmem>> -> memref<100xi32, #tpu.memory_space<vmem>>
          %dma_wait3A_330 = arith.constant 0 : i32
          %dma_wait3A_331 = arith.constant 0 : i32
          %dma_wait3A_332 = tpu.memref_slice %arg11[%dma_wait3A_330, %dma_wait3A_331] : memref<10112x128xf32, #tpu.memory_space<vmem_shared>> -> memref<10112x128xf32, #tpu.memory_space<vmem_shared>>
          tpu.wait_indirect_dma semaphore(%arg16 : memref<!tpu.dma_semaphore, #tpu.memory_space<semaphore_mem>>) src(%arg9 : memref<100x128xf32, #tpu.memory_space<vmem>>) dst(%dma_wait3A_332 : memref<10112x128xf32, #tpu.memory_space<vmem_shared>>)
        } else {
        }
        %add3A_318 = arith.constant 2 : i32
        %add3A_319 = arith.addi %add3A_294, %add3A_318 : i32
        %dma_start3A_320 = arith.constant 0 : i32
        %dma_start3A_321 = tpu.memref_slice %arg6[%add3A_319, %dma_start3A_320] : memref<25x100xi32, #tpu.memory_space<vmem>> -> memref<1x100xi32, #tpu.memory_space<vmem>>
        %dma_start3A_322 = tpu.memref_squeeze %dma_start3A_321 : memref<1x100xi32, #tpu.memory_space<vmem>> -> memref<100xi32, #tpu.memory_space<vmem>>
        %dma_start3A_323 = arith.constant 0 : i32
        %dma_start3A_324 = arith.constant 0 : i32
        %dma_start3A_325 = tpu.memref_slice %arg2[%dma_start3A_323, %dma_start3A_324] : memref<40000x128xf32, #tpu.memory_space<hbm>> -> memref<40000x128xf32, #tpu.memory_space<hbm>>
        tpu.enqueue_indirect_dma source(%dma_start3A_325 : memref<40000x128xf32, #tpu.memory_space<hbm>>) target(%arg9 : memref<100x128xf32, #tpu.memory_space<vmem>>) offsets(%dma_start3A_322 : memref<100xi32, #tpu.memory_space<vmem>>) semaphore(%arg13 : memref<!tpu.dma_semaphore, #tpu.memory_space<semaphore_mem>>)
      } else {
      }
    }
    %scan3A_208 = arith.constant 8 : i32
    %dma_wait3A_209 = arith.constant 24 : i32
    %dma_wait3A_210 = arith.constant 0 : i32
    %dma_wait3A_211 = tpu.memref_slice %arg6[%dma_wait3A_209, %dma_wait3A_210] : memref<25x100xi32, #tpu.memory_space<vmem>> -> memref<1x100xi32, #tpu.memory_space<vmem>>
    %dma_wait3A_212 = tpu.memref_squeeze %dma_wait3A_211 : memref<1x100xi32, #tpu.memory_space<vmem>> -> memref<100xi32, #tpu.memory_space<vmem>>
    %dma_wait3A_213 = arith.constant 0 : i32
    %dma_wait3A_214 = arith.constant 0 : i32
    %dma_wait3A_215 = tpu.memref_slice %arg2[%dma_wait3A_213, %dma_wait3A_214] : memref<40000x128xf32, #tpu.memory_space<hbm>> -> memref<40000x128xf32, #tpu.memory_space<hbm>>
    tpu.wait_indirect_dma semaphore(%arg12 : memref<!tpu.dma_semaphore, #tpu.memory_space<semaphore_mem>>) src(%dma_wait3A_215 : memref<40000x128xf32, #tpu.memory_space<hbm>>) dst(%arg8 : memref<100x128xf32, #tpu.memory_space<vmem>>)
    %dma_start3A_216 = arith.constant 24 : i32
    %dma_start3A_217 = arith.constant 0 : i32
    %dma_start3A_218 = tpu.memref_slice %arg7[%dma_start3A_216, %dma_start3A_217] : memref<25x100xi32, #tpu.memory_space<vmem>> -> memref<1x100xi32, #tpu.memory_space<vmem>>
    %dma_start3A_219 = tpu.memref_squeeze %dma_start3A_218 : memref<1x100xi32, #tpu.memory_space<vmem>> -> memref<100xi32, #tpu.memory_space<vmem>>
    %dma_start3A_220 = arith.constant 0 : i32
    %dma_start3A_221 = arith.constant 0 : i32
    %dma_start3A_222 = tpu.memref_slice %arg11[%dma_start3A_220, %dma_start3A_221] : memref<10112x128xf32, #tpu.memory_space<vmem_shared>> -> memref<10112x128xf32, #tpu.memory_space<vmem_shared>>
    tpu.enqueue_indirect_dma source(%arg8 : memref<100x128xf32, #tpu.memory_space<vmem>>) target(%dma_start3A_222 : memref<10112x128xf32, #tpu.memory_space<vmem_shared>>) offsets(%dma_start3A_219 : memref<100xi32, #tpu.memory_space<vmem>>) semaphore(%arg15 : memref<!tpu.dma_semaphore, #tpu.memory_space<semaphore_mem>>) {add = true}
    %dma_wait3A_223 = arith.constant 22 : i32
    %dma_wait3A_224 = arith.constant 0 : i32
    %dma_wait3A_225 = tpu.memref_slice %arg7[%dma_wait3A_223, %dma_wait3A_224] : memref<25x100xi32, #tpu.memory_space<vmem>> -> memref<1x100xi32, #tpu.memory_space<vmem>>
    %dma_wait3A_226 = tpu.memref_squeeze %dma_wait3A_225 : memref<1x100xi32, #tpu.memory_space<vmem>> -> memref<100xi32, #tpu.memory_space<vmem>>
    %dma_wait3A_227 = arith.constant 0 : i32
    %dma_wait3A_228 = arith.constant 0 : i32
    %dma_wait3A_229 = tpu.memref_slice %arg11[%dma_wait3A_227, %dma_wait3A_228] : memref<10112x128xf32, #tpu.memory_space<vmem_shared>> -> memref<10112x128xf32, #tpu.memory_space<vmem_shared>>
    tpu.wait_indirect_dma semaphore(%arg16 : memref<!tpu.dma_semaphore, #tpu.memory_space<semaphore_mem>>) src(%arg9 : memref<100x128xf32, #tpu.memory_space<vmem>>) dst(%dma_wait3A_229 : memref<10112x128xf32, #tpu.memory_space<vmem_shared>>)
    %dma_wait3A_230 = arith.constant 23 : i32
    %dma_wait3A_231 = arith.constant 0 : i32
    %dma_wait3A_232 = tpu.memref_slice %arg7[%dma_wait3A_230, %dma_wait3A_231] : memref<25x100xi32, #tpu.memory_space<vmem>> -> memref<1x100xi32, #tpu.memory_space<vmem>>
    %dma_wait3A_233 = tpu.memref_squeeze %dma_wait3A_232 : memref<1x100xi32, #tpu.memory_space<vmem>> -> memref<100xi32, #tpu.memory_space<vmem>>
    %dma_wait3A_234 = arith.constant 0 : i32
    %dma_wait3A_235 = arith.constant 0 : i32
    %dma_wait3A_236 = tpu.memref_slice %arg11[%dma_wait3A_234, %dma_wait3A_235] : memref<10112x128xf32, #tpu.memory_space<vmem_shared>> -> memref<10112x128xf32, #tpu.memory_space<vmem_shared>>
    tpu.wait_indirect_dma semaphore(%arg17 : memref<!tpu.dma_semaphore, #tpu.memory_space<semaphore_mem>>) src(%arg10 : memref<100x128xf32, #tpu.memory_space<vmem>>) dst(%dma_wait3A_236 : memref<10112x128xf32, #tpu.memory_space<vmem_shared>>)
    %dma_wait3A_237 = arith.constant 24 : i32
    %dma_wait3A_238 = arith.constant 0 : i32
    %dma_wait3A_239 = tpu.memref_slice %arg7[%dma_wait3A_237, %dma_wait3A_238] : memref<25x100xi32, #tpu.memory_space<vmem>> -> memref<1x100xi32, #tpu.memory_space<vmem>>
    %dma_wait3A_240 = tpu.memref_squeeze %dma_wait3A_239 : memref<1x100xi32, #tpu.memory_space<vmem>> -> memref<100xi32, #tpu.memory_space<vmem>>
    %dma_wait3A_241 = arith.constant 0 : i32
    %dma_wait3A_242 = arith.constant 0 : i32
    %dma_wait3A_243 = tpu.memref_slice %arg11[%dma_wait3A_241, %dma_wait3A_242] : memref<10112x128xf32, #tpu.memory_space<vmem_shared>> -> memref<10112x128xf32, #tpu.memory_space<vmem_shared>>
    tpu.wait_indirect_dma semaphore(%arg15 : memref<!tpu.dma_semaphore, #tpu.memory_space<semaphore_mem>>) src(%arg8 : memref<100x128xf32, #tpu.memory_space<vmem>>) dst(%dma_wait3A_243 : memref<10112x128xf32, #tpu.memory_space<vmem_shared>>)
    %barrier3A_244 = arith.constant 0 : index
    tpu.barrier barrier_id(%barrier3A_244)
    %mul3A_245 = arith.constant 632 : i32
    %mul3A_246 = arith.muli %arg1, %mul3A_245 : i32
    "tpu.region"() ({
      %run_scoped3A_247 = tpu.sem_alloc : memref<!tpu.dma_semaphore, #tpu.memory_space<semaphore_mem>>
      %dma_start3A_248 = arith.constant 0 : i32
      %dma_start3A_249 = arith.constant 0 : i32
      %dma_start3A_250 = tpu.memref_slice %arg5[%arg0, %arg1, %dma_start3A_248, %dma_start3A_249] : memref<2x16x632x128xf32, #tpu.memory_space<hbm>> -> memref<1x1x632x128xf32, #tpu.memory_space<hbm>>
      %dma_start3A_251 = tpu.memref_squeeze %dma_start3A_250 : memref<1x1x632x128xf32, #tpu.memory_space<hbm>> -> memref<632x128xf32, #tpu.memory_space<hbm>>
      %dma_start3A_252 = arith.constant 0 : i32
      %dma_start3A_253 = tpu.memref_slice %arg11[%mul3A_246, %dma_start3A_252] : memref<10112x128xf32, #tpu.memory_space<vmem_shared>> -> memref<632x128xf32, #tpu.memory_space<vmem_shared>>
      tpu.enqueue_dma source(%dma_start3A_253 : memref<632x128xf32, #tpu.memory_space<vmem_shared>>) target(%dma_start3A_251 : memref<632x128xf32, #tpu.memory_space<hbm>>) target_semaphore(%run_scoped3A_247 : memref<!tpu.dma_semaphore, #tpu.memory_space<semaphore_mem>>)
      %dma_wait3A_254 = arith.constant 0 : i32
      %dma_wait3A_255 = arith.constant 0 : i32
      %dma_wait3A_256 = tpu.memref_slice %arg5[%arg0, %arg1, %dma_wait3A_254, %dma_wait3A_255] : memref<2x16x632x128xf32, #tpu.memory_space<hbm>> -> memref<1x1x632x128xf32, #tpu.memory_space<hbm>>
      %dma_wait3A_257 = tpu.memref_squeeze %dma_wait3A_256 : memref<1x1x632x128xf32, #tpu.memory_space<hbm>> -> memref<632x128xf32, #tpu.memory_space<hbm>>
      %dma_wait3A_258 = arith.constant 0 : i32
      %dma_wait3A_259 = tpu.memref_slice %arg11[%mul3A_246, %dma_wait3A_258] : memref<10112x128xf32, #tpu.memory_space<vmem_shared>> -> memref<632x128xf32, #tpu.memory_space<vmem_shared>>
      tpu.wait_dma2 semaphore(%run_scoped3A_247 : memref<!tpu.dma_semaphore, #tpu.memory_space<semaphore_mem>>) src(%dma_wait3A_259 : memref<632x128xf32, #tpu.memory_space<vmem_shared>>) dst(%dma_wait3A_257 : memref<632x128xf32, #tpu.memory_space<hbm>>)
      tpu.yield
    }) : () -> ()
    return
  }
}

module attributes {stable_mosaic.version = 14 : i64} {
  func.func @_prep_body(%arg0: i32, %arg1: memref<2000x128xf32, #tpu.memory_space<vmem>>, %arg2: memref<5x128x128xf32, #tpu.memory_space<vmem>>, %arg3: memref<1x128xf32, #tpu.memory_space<vmem>>, %arg4: memref<2000x128xf32, #tpu.memory_space<vmem>>, %arg5: memref<4x2000x128xf32, #tpu.memory_space<vmem>>) attributes {dimension_semantics = [#tpu.dimension_semantics<arbitrary>], iteration_bounds = array<i64: 5>, scalar_prefetch = 0 : i64, scratch_operands = 0 : i64, tpu.core_type = #tpu.core_type<tc>, window_params = [{transform_indices = @transform_0, window_bounds = array<i64: 2000, 128>}, {pipeline_mode = #tpu.pipeline_mode<synchronous>, transform_indices = @transform_1, window_bounds = array<i64: 5, 128, 128>}, {pipeline_mode = #tpu.pipeline_mode<synchronous>, transform_indices = @transform_2, window_bounds = array<i64: 1, 128>}, {transform_indices = @transform_3, window_bounds = array<i64: 2000, 128>}, {transform_indices = @transform_4, window_bounds = array<i64: 4, 2000, 128>}]} {
    %get3A = arith.constant 0 : index
    %get3A_0 = arith.constant 0 : index
    %get3A_1 = vector.load %arg1[%get3A, %get3A_0] : memref<2000x128xf32, #tpu.memory_space<vmem>>, vector<2000x128xf32>
    %get3A_2 = arith.constant 0 : index
    %get3A_3 = arith.constant 0 : index
    %get3A_4 = arith.constant 0 : index
    %get3A_5 = vector.load %arg2[%get3A_2, %get3A_3, %get3A_4] : memref<5x128x128xf32, #tpu.memory_space<vmem>>, vector<1x128x128xf32>
    %get3A_6 = vector.shape_cast %get3A_5 : vector<1x128x128xf32> to vector<128x128xf32>
    %dot_general3A = arith.constant dense<0.000000e+00> : vector<2000x128xf32>
    %dot_general3A_7 = tpu.matmul %get3A_1, %get3A_6, %dot_general3A {dimension_numbers = #tpu.dot_dimension_numbers<[1], [0], [0], [1], [0, 0, 1, 1], [], []>, transpose_lhs_hint = false} : vector<2000x128xf32>, vector<128x128xf32>, vector<2000x128xf32> -> vector<2000x128xf32>
    %get3A_8 = arith.constant 0 : index
    %get3A_9 = arith.constant 0 : index
    %get3A_10 = vector.load %arg3[%get3A_8, %get3A_9] : memref<1x128xf32, #tpu.memory_space<vmem>>, vector<1x128xf32>
    %add3A = vector.broadcast %get3A_10 : vector<1x128xf32> to vector<2000x128xf32>
    %add3A_11 = arith.addf %dot_general3A_7, %add3A : vector<2000x128xf32>
    %swap3A = arith.constant 0 : index
    %swap3A_12 = arith.constant 0 : index
    %swap3A_13 = vector.load %arg4[%swap3A, %swap3A_12] : memref<2000x128xf32, #tpu.memory_space<vmem>>, vector<2000x128xf32>
    tpu.vector_store %arg4[%swap3A, %swap3A_12], %add3A_11 {strides = array<i32>} : memref<2000x128xf32, #tpu.memory_space<vmem>>, vector<2000x128xf32>,
    %get3A_14 = arith.constant 1 : index
    %get3A_15 = arith.constant 0 : index
    %get3A_16 = arith.constant 0 : index
    %get3A_17 = vector.load %arg2[%get3A_14, %get3A_15, %get3A_16] : memref<5x128x128xf32, #tpu.memory_space<vmem>>, vector<1x128x128xf32>
    %get3A_18 = vector.shape_cast %get3A_17 : vector<1x128x128xf32> to vector<128x128xf32>
    %dot_general3A_19 = arith.constant dense<0.000000e+00> : vector<2000x128xf32>
    %dot_general3A_20 = tpu.matmul %get3A_1, %get3A_18, %dot_general3A_19 {dimension_numbers = #tpu.dot_dimension_numbers<[1], [0], [0], [1], [0, 0, 1, 1], [], []>, transpose_lhs_hint = false} : vector<2000x128xf32>, vector<128x128xf32>, vector<2000x128xf32> -> vector<2000x128xf32>
    %swap3A_21 = arith.constant 0 : index
    %swap3A_22 = arith.constant 0 : index
    %swap3A_23 = arith.constant 0 : index
    %swap3A_24 = vector.load %arg5[%swap3A_21, %swap3A_22, %swap3A_23] : memref<4x2000x128xf32, #tpu.memory_space<vmem>>, vector<1x2000x128xf32>
    %swap3A_25 = vector.shape_cast %swap3A_24 : vector<1x2000x128xf32> to vector<2000x128xf32>
    %swap3A_26 = vector.shape_cast %dot_general3A_20 : vector<2000x128xf32> to vector<1x2000x128xf32>
    tpu.vector_store %arg5[%swap3A_21, %swap3A_22, %swap3A_23], %swap3A_26 {strides = array<i32>} : memref<4x2000x128xf32, #tpu.memory_space<vmem>>, vector<1x2000x128xf32>,
    %get3A_27 = arith.constant 2 : index
    %get3A_28 = arith.constant 0 : index
    %get3A_29 = arith.constant 0 : index
    %get3A_30 = vector.load %arg2[%get3A_27, %get3A_28, %get3A_29] : memref<5x128x128xf32, #tpu.memory_space<vmem>>, vector<1x128x128xf32>
    %get3A_31 = vector.shape_cast %get3A_30 : vector<1x128x128xf32> to vector<128x128xf32>
    %dot_general3A_32 = arith.constant dense<0.000000e+00> : vector<2000x128xf32>
    %dot_general3A_33 = tpu.matmul %get3A_1, %get3A_31, %dot_general3A_32 {dimension_numbers = #tpu.dot_dimension_numbers<[1], [0], [0], [1], [0, 0, 1, 1], [], []>, transpose_lhs_hint = false} : vector<2000x128xf32>, vector<128x128xf32>, vector<2000x128xf32> -> vector<2000x128xf32>
    %swap3A_34 = arith.constant 1 : index
    %swap3A_35 = arith.constant 0 : index
    %swap3A_36 = arith.constant 0 : index
    %swap3A_37 = vector.load %arg5[%swap3A_34, %swap3A_35, %swap3A_36] : memref<4x2000x128xf32, #tpu.memory_space<vmem>>, vector<1x2000x128xf32>
    %swap3A_38 = vector.shape_cast %swap3A_37 : vector<1x2000x128xf32> to vector<2000x128xf32>
    %swap3A_39 = vector.shape_cast %dot_general3A_33 : vector<2000x128xf32> to vector<1x2000x128xf32>
    tpu.vector_store %arg5[%swap3A_34, %swap3A_35, %swap3A_36], %swap3A_39 {strides = array<i32>} : memref<4x2000x128xf32, #tpu.memory_space<vmem>>, vector<1x2000x128xf32>,
    %get3A_40 = arith.constant 3 : index
    %get3A_41 = arith.constant 0 : index
    %get3A_42 = arith.constant 0 : index
    %get3A_43 = vector.load %arg2[%get3A_40, %get3A_41, %get3A_42] : memref<5x128x128xf32, #tpu.memory_space<vmem>>, vector<1x128x128xf32>
    %get3A_44 = vector.shape_cast %get3A_43 : vector<1x128x128xf32> to vector<128x128xf32>
    %dot_general3A_45 = arith.constant dense<0.000000e+00> : vector<2000x128xf32>
    %dot_general3A_46 = tpu.matmul %get3A_1, %get3A_44, %dot_general3A_45 {dimension_numbers = #tpu.dot_dimension_numbers<[1], [0], [0], [1], [0, 0, 1, 1], [], []>, transpose_lhs_hint = false} : vector<2000x128xf32>, vector<128x128xf32>, vector<2000x128xf32> -> vector<2000x128xf32>
    %swap3A_47 = arith.constant 2 : index
    %swap3A_48 = arith.constant 0 : index
    %swap3A_49 = arith.constant 0 : index
    %swap3A_50 = vector.load %arg5[%swap3A_47, %swap3A_48, %swap3A_49] : memref<4x2000x128xf32, #tpu.memory_space<vmem>>, vector<1x2000x128xf32>
    %swap3A_51 = vector.shape_cast %swap3A_50 : vector<1x2000x128xf32> to vector<2000x128xf32>
    %swap3A_52 = vector.shape_cast %dot_general3A_46 : vector<2000x128xf32> to vector<1x2000x128xf32>
    tpu.vector_store %arg5[%swap3A_47, %swap3A_48, %swap3A_49], %swap3A_52 {strides = array<i32>} : memref<4x2000x128xf32, #tpu.memory_space<vmem>>, vector<1x2000x128xf32>,
    %get3A_53 = arith.constant 4 : index
    %get3A_54 = arith.constant 0 : index
    %get3A_55 = arith.constant 0 : index
    %get3A_56 = vector.load %arg2[%get3A_53, %get3A_54, %get3A_55] : memref<5x128x128xf32, #tpu.memory_space<vmem>>, vector<1x128x128xf32>
    %get3A_57 = vector.shape_cast %get3A_56 : vector<1x128x128xf32> to vector<128x128xf32>
    %dot_general3A_58 = arith.constant dense<0.000000e+00> : vector<2000x128xf32>
    %dot_general3A_59 = tpu.matmul %get3A_1, %get3A_57, %dot_general3A_58 {dimension_numbers = #tpu.dot_dimension_numbers<[1], [0], [0], [1], [0, 0, 1, 1], [], []>, transpose_lhs_hint = false} : vector<2000x128xf32>, vector<128x128xf32>, vector<2000x128xf32> -> vector<2000x128xf32>
    %swap3A_60 = arith.constant 3 : index
    %swap3A_61 = arith.constant 0 : index
    %swap3A_62 = arith.constant 0 : index
    %swap3A_63 = vector.load %arg5[%swap3A_60, %swap3A_61, %swap3A_62] : memref<4x2000x128xf32, #tpu.memory_space<vmem>>, vector<1x2000x128xf32>
    %swap3A_64 = vector.shape_cast %swap3A_63 : vector<1x2000x128xf32> to vector<2000x128xf32>
    %swap3A_65 = vector.shape_cast %dot_general3A_59 : vector<2000x128xf32> to vector<1x2000x128xf32>
    tpu.vector_store %arg5[%swap3A_60, %swap3A_61, %swap3A_62], %swap3A_65 {strides = array<i32>} : memref<4x2000x128xf32, #tpu.memory_space<vmem>>, vector<1x2000x128xf32>,
    return
  }
  func.func @transform_0(%arg0: i32) -> (i32, i32) {
    %c0_i32 = arith.constant 0 : i32
    %c0_i32_0 = arith.constant 0 : i32
    return %arg0, %c0_i32 : i32, i32
  }
  func.func @transform_1(%arg0: i32) -> (i32, i32, i32) {
    %c0_i32 = arith.constant 0 : i32
    %c0_i32_0 = arith.constant 0 : i32
    %c0_i32_1 = arith.constant 0 : i32
    %c0_i32_2 = arith.constant 0 : i32
    return %c0_i32, %c0_i32_0, %c0_i32_1 : i32, i32, i32
  }
  func.func @transform_2(%arg0: i32) -> (i32, i32) {
    %c0_i32 = arith.constant 0 : i32
    %c0_i32_0 = arith.constant 0 : i32
    %c0_i32_1 = arith.constant 0 : i32
    return %c0_i32, %c0_i32_0 : i32, i32
  }
  func.func @transform_3(%arg0: i32) -> (i32, i32) {
    %c0_i32 = arith.constant 0 : i32
    %c0_i32_0 = arith.constant 0 : i32
    return %arg0, %c0_i32 : i32, i32
  }
  func.func @transform_4(%arg0: i32) -> (i32, i32, i32) {
    %c0_i32 = arith.constant 0 : i32
    %c0_i32_0 = arith.constant 0 : i32
    %c0_i32_1 = arith.constant 0 : i32
    return %c0_i32, %arg0, %c0_i32_0 : i32, i32, i32
  }
}

module attributes {stable_mosaic.version = 14 : i64} {
  func.func @_mid_body(%arg0: i32, %arg1: memref<2000x128xf32, #tpu.memory_space<vmem>>, %arg2: memref<2000x128xf32, #tpu.memory_space<vmem>>, %arg3: memref<2000x128xf32, #tpu.memory_space<vmem>>, %arg4: memref<5x128x128xf32, #tpu.memory_space<vmem>>, %arg5: memref<1x128xf32, #tpu.memory_space<vmem>>, %arg6: memref<2000x128xf32, #tpu.memory_space<vmem>>, %arg7: memref<4x2000x128xf32, #tpu.memory_space<vmem>>) attributes {dimension_semantics = [#tpu.dimension_semantics<arbitrary>], iteration_bounds = array<i64: 5>, scalar_prefetch = 0 : i64, scratch_operands = 0 : i64, tpu.core_type = #tpu.core_type<tc>, window_params = [{transform_indices = @transform_0, window_bounds = array<i64: 2000, 128>}, {transform_indices = @transform_1, window_bounds = array<i64: 2000, 128>}, {transform_indices = @transform_2, window_bounds = array<i64: 2000, 128>}, {pipeline_mode = #tpu.pipeline_mode<synchronous>, transform_indices = @transform_3, window_bounds = array<i64: 5, 128, 128>}, {pipeline_mode = #tpu.pipeline_mode<synchronous>, transform_indices = @transform_4, window_bounds = array<i64: 1, 128>}, {transform_indices = @transform_5, window_bounds = array<i64: 2000, 128>}, {transform_indices = @transform_6, window_bounds = array<i64: 4, 2000, 128>}]} {
    %get3A = arith.constant 0 : index
    %get3A_0 = arith.constant 0 : index
    %get3A_1 = vector.load %arg1[%get3A, %get3A_0] : memref<2000x128xf32, #tpu.memory_space<vmem>>, vector<2000x128xf32>
    %get3A_2 = arith.constant 0 : index
    %get3A_3 = arith.constant 0 : index
    %get3A_4 = vector.load %arg2[%get3A_2, %get3A_3] : memref<2000x128xf32, #tpu.memory_space<vmem>>, vector<2000x128xf32>
    %add3A = arith.addf %get3A_1, %get3A_4 : vector<2000x128xf32>
    %get3A_5 = arith.constant 0 : index
    %get3A_6 = arith.constant 0 : index
    %get3A_7 = vector.load %arg3[%get3A_5, %get3A_6] : memref<2000x128xf32, #tpu.memory_space<vmem>>, vector<2000x128xf32>
    %add3A_8 = arith.addf %add3A, %get3A_7 : vector<2000x128xf32>
    %gt3A = arith.constant 0.000000e+00 : f32
    %gt3A_9 = vector.broadcast %gt3A : f32 to vector<2000x128xf32>
    %gt3A_10 = arith.cmpf ogt, %add3A_8, %gt3A_9 : vector<2000x128xf32>
    %min3A = arith.constant 0.000000e+00 : f32
    %min3A_11 = vector.broadcast %min3A : f32 to vector<2000x128xf32>
    %min3A_12 = arith.minimumf %add3A_8, %min3A_11 : vector<2000x128xf32>
    %exp3A = math.exp %min3A_12 : vector<2000x128xf32>
    %sub3A = arith.constant 1.000000e+00 : f32
    %sub3A_13 = vector.broadcast %sub3A : f32 to vector<2000x128xf32>
    %sub3A_14 = arith.subf %exp3A, %sub3A_13 : vector<2000x128xf32>
    %select_n3A = arith.select %gt3A_10, %add3A_8, %sub3A_14 : vector<2000x128xi1>, vector<2000x128xf32>
    %get3A_15 = arith.constant 0 : index
    %get3A_16 = arith.constant 0 : index
    %get3A_17 = arith.constant 0 : index
    %get3A_18 = vector.load %arg4[%get3A_15, %get3A_16, %get3A_17] : memref<5x128x128xf32, #tpu.memory_space<vmem>>, vector<1x128x128xf32>
    %get3A_19 = vector.shape_cast %get3A_18 : vector<1x128x128xf32> to vector<128x128xf32>
    %dot_general3A = arith.constant dense<0.000000e+00> : vector<2000x128xf32>
    %dot_general3A_20 = tpu.matmul %select_n3A, %get3A_19, %dot_general3A {dimension_numbers = #tpu.dot_dimension_numbers<[1], [0], [0], [1], [0, 0, 1, 1], [], []>, transpose_lhs_hint = false} : vector<2000x128xf32>, vector<128x128xf32>, vector<2000x128xf32> -> vector<2000x128xf32>
    %get3A_21 = arith.constant 0 : index
    %get3A_22 = arith.constant 0 : index
    %get3A_23 = vector.load %arg5[%get3A_21, %get3A_22] : memref<1x128xf32, #tpu.memory_space<vmem>>, vector<1x128xf32>
    %add3A_24 = vector.broadcast %get3A_23 : vector<1x128xf32> to vector<2000x128xf32>
    %add3A_25 = arith.addf %dot_general3A_20, %add3A_24 : vector<2000x128xf32>
    %swap3A = arith.constant 0 : index
    %swap3A_26 = arith.constant 0 : index
    %swap3A_27 = vector.load %arg6[%swap3A, %swap3A_26] : memref<2000x128xf32, #tpu.memory_space<vmem>>, vector<2000x128xf32>
    tpu.vector_store %arg6[%swap3A, %swap3A_26], %add3A_25 {strides = array<i32>} : memref<2000x128xf32, #tpu.memory_space<vmem>>, vector<2000x128xf32>,
    %get3A_28 = arith.constant 1 : index
    %get3A_29 = arith.constant 0 : index
    %get3A_30 = arith.constant 0 : index
    %get3A_31 = vector.load %arg4[%get3A_28, %get3A_29, %get3A_30] : memref<5x128x128xf32, #tpu.memory_space<vmem>>, vector<1x128x128xf32>
    %get3A_32 = vector.shape_cast %get3A_31 : vector<1x128x128xf32> to vector<128x128xf32>
    %dot_general3A_33 = arith.constant dense<0.000000e+00> : vector<2000x128xf32>
    %dot_general3A_34 = tpu.matmul %select_n3A, %get3A_32, %dot_general3A_33 {dimension_numbers = #tpu.dot_dimension_numbers<[1], [0], [0], [1], [0, 0, 1, 1], [], []>, transpose_lhs_hint = false} : vector<2000x128xf32>, vector<128x128xf32>, vector<2000x128xf32> -> vector<2000x128xf32>
    %swap3A_35 = arith.constant 0 : index
    %swap3A_36 = arith.constant 0 : index
    %swap3A_37 = arith.constant 0 : index
    %swap3A_38 = vector.load %arg7[%swap3A_35, %swap3A_36, %swap3A_37] : memref<4x2000x128xf32, #tpu.memory_space<vmem>>, vector<1x2000x128xf32>
    %swap3A_39 = vector.shape_cast %swap3A_38 : vector<1x2000x128xf32> to vector<2000x128xf32>
    %swap3A_40 = vector.shape_cast %dot_general3A_34 : vector<2000x128xf32> to vector<1x2000x128xf32>
    tpu.vector_store %arg7[%swap3A_35, %swap3A_36, %swap3A_37], %swap3A_40 {strides = array<i32>} : memref<4x2000x128xf32, #tpu.memory_space<vmem>>, vector<1x2000x128xf32>,
    %get3A_41 = arith.constant 2 : index
    %get3A_42 = arith.constant 0 : index
    %get3A_43 = arith.constant 0 : index
    %get3A_44 = vector.load %arg4[%get3A_41, %get3A_42, %get3A_43] : memref<5x128x128xf32, #tpu.memory_space<vmem>>, vector<1x128x128xf32>
    %get3A_45 = vector.shape_cast %get3A_44 : vector<1x128x128xf32> to vector<128x128xf32>
    %dot_general3A_46 = arith.constant dense<0.000000e+00> : vector<2000x128xf32>
    %dot_general3A_47 = tpu.matmul %select_n3A, %get3A_45, %dot_general3A_46 {dimension_numbers = #tpu.dot_dimension_numbers<[1], [0], [0], [1], [0, 0, 1, 1], [], []>, transpose_lhs_hint = false} : vector<2000x128xf32>, vector<128x128xf32>, vector<2000x128xf32> -> vector<2000x128xf32>
    %swap3A_48 = arith.constant 1 : index
    %swap3A_49 = arith.constant 0 : index
    %swap3A_50 = arith.constant 0 : index
    %swap3A_51 = vector.load %arg7[%swap3A_48, %swap3A_49, %swap3A_50] : memref<4x2000x128xf32, #tpu.memory_space<vmem>>, vector<1x2000x128xf32>
    %swap3A_52 = vector.shape_cast %swap3A_51 : vector<1x2000x128xf32> to vector<2000x128xf32>
    %swap3A_53 = vector.shape_cast %dot_general3A_47 : vector<2000x128xf32> to vector<1x2000x128xf32>
    tpu.vector_store %arg7[%swap3A_48, %swap3A_49, %swap3A_50], %swap3A_53 {strides = array<i32>} : memref<4x2000x128xf32, #tpu.memory_space<vmem>>, vector<1x2000x128xf32>,
    %get3A_54 = arith.constant 3 : index
    %get3A_55 = arith.constant 0 : index
    %get3A_56 = arith.constant 0 : index
    %get3A_57 = vector.load %arg4[%get3A_54, %get3A_55, %get3A_56] : memref<5x128x128xf32, #tpu.memory_space<vmem>>, vector<1x128x128xf32>
    %get3A_58 = vector.shape_cast %get3A_57 : vector<1x128x128xf32> to vector<128x128xf32>
    %dot_general3A_59 = arith.constant dense<0.000000e+00> : vector<2000x128xf32>
    %dot_general3A_60 = tpu.matmul %select_n3A, %get3A_58, %dot_general3A_59 {dimension_numbers = #tpu.dot_dimension_numbers<[1], [0], [0], [1], [0, 0, 1, 1], [], []>, transpose_lhs_hint = false} : vector<2000x128xf32>, vector<128x128xf32>, vector<2000x128xf32> -> vector<2000x128xf32>
    %swap3A_61 = arith.constant 2 : index
    %swap3A_62 = arith.constant 0 : index
    %swap3A_63 = arith.constant 0 : index
    %swap3A_64 = vector.load %arg7[%swap3A_61, %swap3A_62, %swap3A_63] : memref<4x2000x128xf32, #tpu.memory_space<vmem>>, vector<1x2000x128xf32>
    %swap3A_65 = vector.shape_cast %swap3A_64 : vector<1x2000x128xf32> to vector<2000x128xf32>
    %swap3A_66 = vector.shape_cast %dot_general3A_60 : vector<2000x128xf32> to vector<1x2000x128xf32>
    tpu.vector_store %arg7[%swap3A_61, %swap3A_62, %swap3A_63], %swap3A_66 {strides = array<i32>} : memref<4x2000x128xf32, #tpu.memory_space<vmem>>, vector<1x2000x128xf32>,
    %get3A_67 = arith.constant 4 : index
    %get3A_68 = arith.constant 0 : index
    %get3A_69 = arith.constant 0 : index
    %get3A_70 = vector.load %arg4[%get3A_67, %get3A_68, %get3A_69] : memref<5x128x128xf32, #tpu.memory_space<vmem>>, vector<1x128x128xf32>
    %get3A_71 = vector.shape_cast %get3A_70 : vector<1x128x128xf32> to vector<128x128xf32>
    %dot_general3A_72 = arith.constant dense<0.000000e+00> : vector<2000x128xf32>
    %dot_general3A_73 = tpu.matmul %select_n3A, %get3A_71, %dot_general3A_72 {dimension_numbers = #tpu.dot_dimension_numbers<[1], [0], [0], [1], [0, 0, 1, 1], [], []>, transpose_lhs_hint = false} : vector<2000x128xf32>, vector<128x128xf32>, vector<2000x128xf32> -> vector<2000x128xf32>
    %swap3A_74 = arith.constant 3 : index
    %swap3A_75 = arith.constant 0 : index
    %swap3A_76 = arith.constant 0 : index
    %swap3A_77 = vector.load %arg7[%swap3A_74, %swap3A_75, %swap3A_76] : memref<4x2000x128xf32, #tpu.memory_space<vmem>>, vector<1x2000x128xf32>
    %swap3A_78 = vector.shape_cast %swap3A_77 : vector<1x2000x128xf32> to vector<2000x128xf32>
    %swap3A_79 = vector.shape_cast %dot_general3A_73 : vector<2000x128xf32> to vector<1x2000x128xf32>
    tpu.vector_store %arg7[%swap3A_74, %swap3A_75, %swap3A_76], %swap3A_79 {strides = array<i32>} : memref<4x2000x128xf32, #tpu.memory_space<vmem>>, vector<1x2000x128xf32>,
    return
  }
  func.func @transform_0(%arg0: i32) -> (i32, i32) {
    %c0_i32 = arith.constant 0 : i32
    %c0_i32_0 = arith.constant 0 : i32
    return %arg0, %c0_i32 : i32, i32
  }
  func.func @transform_1(%arg0: i32) -> (i32, i32) {
    %c0_i32 = arith.constant 0 : i32
    %c0_i32_0 = arith.constant 0 : i32
    return %arg0, %c0_i32 : i32, i32
  }
  func.func @transform_2(%arg0: i32) -> (i32, i32) {
    %c0_i32 = arith.constant 0 : i32
    %c0_i32_0 = arith.constant 0 : i32
    return %arg0, %c0_i32 : i32, i32
  }
  func.func @transform_3(%arg0: i32) -> (i32, i32, i32) {
    %c0_i32 = arith.constant 0 : i32
    %c0_i32_0 = arith.constant 0 : i32
    %c0_i32_1 = arith.constant 0 : i32
    %c0_i32_2 = arith.constant 0 : i32
    return %c0_i32, %c0_i32_0, %c0_i32_1 : i32, i32, i32
  }
  func.func @transform_4(%arg0: i32) -> (i32, i32) {
    %c0_i32 = arith.constant 0 : i32
    %c0_i32_0 = arith.constant 0 : i32
    %c0_i32_1 = arith.constant 0 : i32
    return %c0_i32, %c0_i32_0 : i32, i32
  }
  func.func @transform_5(%arg0: i32) -> (i32, i32) {
    %c0_i32 = arith.constant 0 : i32
    %c0_i32_0 = arith.constant 0 : i32
    return %arg0, %c0_i32 : i32, i32
  }
  func.func @transform_6(%arg0: i32) -> (i32, i32, i32) {
    %c0_i32 = arith.constant 0 : i32
    %c0_i32_0 = arith.constant 0 : i32
    %c0_i32_1 = arith.constant 0 : i32
    return %c0_i32, %arg0, %c0_i32_0 : i32, i32, i32
  }
}

module attributes {stable_mosaic.version = 14 : i64} {
  func.func @_final_body(%arg0: i32, %arg1: memref<2000x128xf32, #tpu.memory_space<vmem>>, %arg2: memref<2000x128xf32, #tpu.memory_space<vmem>>, %arg3: memref<2000x128xf32, #tpu.memory_space<vmem>>, %arg4: memref<2000x128xf32, #tpu.memory_space<vmem>>) attributes {dimension_semantics = [#tpu.dimension_semantics<arbitrary>], iteration_bounds = array<i64: 5>, scalar_prefetch = 0 : i64, scratch_operands = 0 : i64, tpu.core_type = #tpu.core_type<tc>, window_params = [{transform_indices = @transform_0, window_bounds = array<i64: 2000, 128>}, {transform_indices = @transform_1, window_bounds = array<i64: 2000, 128>}, {transform_indices = @transform_2, window_bounds = array<i64: 2000, 128>}, {transform_indices = @transform_3, window_bounds = array<i64: 2000, 128>}]} {
    %get3A = arith.constant 0 : index
    %get3A_0 = arith.constant 0 : index
    %get3A_1 = vector.load %arg1[%get3A, %get3A_0] : memref<2000x128xf32, #tpu.memory_space<vmem>>, vector<2000x128xf32>
    %get3A_2 = arith.constant 0 : index
    %get3A_3 = arith.constant 0 : index
    %get3A_4 = vector.load %arg2[%get3A_2, %get3A_3] : memref<2000x128xf32, #tpu.memory_space<vmem>>, vector<2000x128xf32>
    %add3A = arith.addf %get3A_1, %get3A_4 : vector<2000x128xf32>
    %get3A_5 = arith.constant 0 : index
    %get3A_6 = arith.constant 0 : index
    %get3A_7 = vector.load %arg3[%get3A_5, %get3A_6] : memref<2000x128xf32, #tpu.memory_space<vmem>>, vector<2000x128xf32>
    %add3A_8 = arith.addf %add3A, %get3A_7 : vector<2000x128xf32>
    %swap3A = arith.constant 0 : index
    %swap3A_9 = arith.constant 0 : index
    %swap3A_10 = vector.load %arg4[%swap3A, %swap3A_9] : memref<2000x128xf32, #tpu.memory_space<vmem>>, vector<2000x128xf32>
    tpu.vector_store %arg4[%swap3A, %swap3A_9], %add3A_8 {strides = array<i32>} : memref<2000x128xf32, #tpu.memory_space<vmem>>, vector<2000x128xf32>,
    return
  }
  func.func @transform_0(%arg0: i32) -> (i32, i32) {
    %c0_i32 = arith.constant 0 : i32
    %c0_i32_0 = arith.constant 0 : i32
    return %arg0, %c0_i32 : i32, i32
  }
  func.func @transform_1(%arg0: i32) -> (i32, i32) {
    %c0_i32 = arith.constant 0 : i32
    %c0_i32_0 = arith.constant 0 : i32
    return %arg0, %c0_i32 : i32, i32
  }
  func.func @transform_2(%arg0: i32) -> (i32, i32) {
    %c0_i32 = arith.constant 0 : i32
    %c0_i32_0 = arith.constant 0 : i32
    return %arg0, %c0_i32 : i32, i32
  }
  func.func @transform_3(%arg0: i32) -> (i32, i32) {
    %c0_i32 = arith.constant 0 : i32
    %c0_i32_0 = arith.constant 0 : i32
    return %arg0, %c0_i32 : i32, i32
  }
}

</mosaic_0001>

<sc_bundles>
// kernel: kernel.10.cloned.1.call-start
scs
__scs_entry_jumppad:
0x0: {  	(pc) =	sbr.rel $0x88, $3  }
0x1: {  	(tag) =	ssettag $0x0;
	lr =	simm.s32 $0x1  }
0x2: {  	[smem:$0x3F9B] =	sst lr;
	_ =	strace $0xD0000000  }
0x3: {  	_ = 	snop  }
0x4: {  	_ = 	snop  }
0x5: {  	_ = 	snop  }
0x6: {  	_ = 	snop  }
0x7: {  	_ = 	snop  }
__scs_overlays_trampoline_lowered:
0x8: {  	[smem:$0x3FAA] =	sst s0  }
0x9: {  	[smem:$0x3FAB] =	sst s1  }
0xa: {  	[smem:$0x3FAC] =	sst s2  }
0xb: {  	[smem:$0x3FAD] =	sst s3  }
0xc: {  	[smem:$0x3FAE] =	sst s4  }
0xd: {  	[smem:$0x3FAF] =	sst s5  }
0xe: {  	[smem:$0x3FB0] =	sst s6  }
0xf: {  	[smem:$0x3FB1] =	sst s7  }
0x10: {  	[smem:$0x3FB2] =	sst s8  }
0x11: {  	[smem:$0x3FB3] =	sst s9;
	s0 =	simm.s32 @!p0 $0x0  }
0x12: {  	s1 =	sld [smem:$0x3F99];
	s0 =	simm.s32 @p0 $0x1  }
0x13: {  	[smem:$0x3FB4] =	sst s0;
	s0 =	simm.s32 @!p1 $0x0  }
0x14: {  	s2 =	sld [smem:$0x3F98];
	s0 =	simm.s32 @p1 $0x1  }
0x15: {  	[smem:$0x3FB5] =	sst s0;
	s0 =	simm.s32 @!p2 $0x0  }
0x16: {  	s3 =	sld [smem:$0x3FDB];
	s0 =	simm.s32 @p2 $0x1  }
0x17: {  	s4 =	simm.s32 $0x1BF5;
	[smem:$0x3FB7] =	sst s0  }
0x18: {  	s0 =	sld [smem:$0x3F9A];
	_ =	swait.ge [sflag:s4], $0x0  }
0x19: {  	s7 =	sld [smem:$0x3F9B]  }
0x1a: {  	s8 =	sadd.s32 $0xFFFFE003, lr  }
0x1b: {  	s9 =	sadd.s32 $0xFFFFFEF7, lr;
	s5 =	simm.s32 $0xFFFFFFFF;
	p2 =	slt.u32 s8, $0xFFFFF086  }
0x1c: {  	p1 =	slt.u32 s9, $0xF7A;
	s5 =	simm.s32 @!p2 $0x0  }
0x1d: {  	s5 =	simm.s32 @p1 $0x1;
	p0 =	seq.s32 s7, s2  }
0x1e: {  	s7 =	smul.u32 @!p0 $0xF7A, s2;
	p2 =	seq.s32 @!p0 s5, $0x0  }
0x1f: {  	s9 =	smul.u32 $0xF7A, s1;
	s8 =	simm.s32 @!p0 $0x1BF5;
	p2 =	por !p2, p0  }
0x20: {  	[sflag:s8] =	ssyncset.s32 @!p0 $0xFFFFF086;
	s6 =	sadd.s32 @!p0 s3, s7;
	s7 =	simm.s32 @!p0 $0x108  }
0x21: {  	s3 =	sadd.s32 s3, s9;
	s6 =	sadd.s32 @!p0 $0x88, s6;
	s7 =	simm.s32 @p2 $0x1082  }
0x22: {  	[simem:s7], [sflag:s8] =	dma.local @!p0 [hbm:s6], $0xF7A  }
0x23: {  	s9 =	sor.u32 $0xD0000000, s2;
	s6 =	simm.s32 $0x108;
	_ =	swait.ge @!p0 [sflag:s8], $0x0  }
0x24: {  	s3 =	sadd.s32 $0x88, s3;
	s6 =	simm.s32 @!p1 $0x1082;
	[sflag:s4] =	ssyncset.s32 $0xFFFFF086  }
0x25: {  	[simem:s6], [sflag:s4] =	dma.local [hbm:s3], $0xF7A  }
0x26: {  	[smem:$0x3F9B] =	sst s1;
	(tag) =	ssettag s2;
	_ =	strace s9  }
0x27: {  	s1 =	sld [smem:$0x3FAB]  }
0x28: {  	s2 =	sld [smem:$0x3FAC]  }
0x29: {  	s4 =	sld [smem:$0x3FAE]  }
0x2a: {  	p0 =	seq.s32 s5, $0x0;
	s5 =	sld [smem:$0x3FAF]  }
0x2b: {  	s6 =	sld [smem:$0x3FB0]  }
0x2c: {  	s7 =	sld [smem:$0x3FB1]  }
0x2d: {  	s3 =	simm.s32 $0x108;
	s8 =	sld [smem:$0x3FB2]  }
0x2e: {  	s3 =	simm.s32 @!p0 $0x1082;
	s9 =	sld [smem:$0x3FB3]  }
0x2f: {  	lr =	sadd.s32 s0, s3;
	s0 =	sld [smem:$0x3FAA]  }
0x30: {  	s3 =	sld [smem:$0x3FAD]  }
0x31: {  	[smem:$0x3FB6] =	sst s10  }
0x32: {  	s10 =	sld [smem:$0x3FB4];
	_ =	sdelay $0x3  }
0x33: {  	p0 =	seq.s32 s10, $0x1;
	s10 =	sld [smem:$0x3FB6];
	_ =	sdelay $0x3  }
0x34: {  	[smem:$0x3FB6] =	sst s10  }
0x35: {  	s10 =	sld [smem:$0x3FB5];
	_ =	sdelay $0x3  }
0x36: {  	p1 =	seq.s32 s10, $0x1;
	s10 =	sld [smem:$0x3FB6];
	_ =	sdelay $0x3  }
0x37: {  	[smem:$0x3FB6] =	sst s10  }
0x38: {  	s10 =	sld [smem:$0x3FB7]  }
0x39: {  	_ = 	snop;
	(pc) =	sbr.ind lr, $3  }
0x3a: {  	_ = 	snop  }
0x3b: {  	_ = 	snop  }
0x3c: {  	p2 =	seq.s32 s10, $0x1;
	s10 =	sld [smem:$0x3FB6]  }
0x3d: {  	_ =	shalt  }
0x3e: {  	_ =	shalt  }
0x3f: {  	_ =	shalt  }
0x40: {  	_ =	shalt  }
0x41: {  	_ =	shalt  }
0x42: {  	_ =	shalt  }
0x43: {  	_ =	shalt  }
0x44: {  	_ =	shalt  }
0x45: {  	_ =	shalt  }
0x46: {  	_ =	shalt  }
0x47: {  	_ =	shalt  }
0x48: {  	_ =	shalt  }
0x49: {  	_ =	shalt  }
0x4a: {  	_ =	shalt  }
0x4b: {  	_ =	shalt  }
0x4c: {  	_ =	shalt  }
0x4d: {  	_ =	shalt  }
0x4e: {  	_ =	shalt  }
0x4f: {  	_ =	shalt  }
0x50: {  	_ =	shalt  }
0x51: {  	_ =	shalt  }
0x52: {  	_ =	shalt  }
0x53: {  	_ =	shalt  }
0x54: {  	_ =	shalt  }
0x55: {  	_ =	shalt  }
0x56: {  	_ =	shalt  }
0x57: {  	_ =	shalt  }
0x58: {  	_ =	shalt  }
0x59: {  	_ =	shalt  }
0x5a: {  	_ =	shalt  }
0x5b: {  	_ =	shalt  }
0x5c: {  	_ =	shalt  }
0x5d: {  	_ =	shalt  }
0x5e: {  	_ =	shalt  }
0x5f: {  	_ =	shalt  }
0x60: {  	_ =	shalt  }
0x61: {  	_ =	shalt  }
0x62: {  	_ =	shalt  }
0x63: {  	_ =	shalt  }
0x64: {  	_ =	shalt  }
0x65: {  	_ =	shalt  }
0x66: {  	_ =	shalt  }
0x67: {  	_ =	shalt  }
0x68: {  	_ =	shalt  }
0x69: {  	_ =	shalt  }
0x6a: {  	_ =	shalt  }
0x6b: {  	_ =	shalt  }
0x6c: {  	_ =	shalt  }
0x6d: {  	_ =	shalt  }
0x6e: {  	_ =	shalt  }
0x6f: {  	_ =	shalt  }
0x70: {  	_ =	shalt  }
0x71: {  	_ =	shalt  }
0x72: {  	_ =	shalt  }
0x73: {  	_ =	shalt  }
0x74: {  	_ =	shalt  }
0x75: {  	_ =	shalt  }
0x76: {  	_ =	shalt  }
0x77: {  	_ =	shalt  }
0x78: {  	_ =	shalt  }
0x79: {  	_ =	shalt  }
0x7a: {  	_ =	shalt  }
0x7b: {  	_ =	shalt  }
0x7c: {  	_ =	shalt  }
0x7d: {  	_ =	shalt  }
0x7e: {  	_ =	shalt  }
0x7f: {  	_ =	shalt  }
0x80: {  	_ =	shalt  }
0x81: {  	_ =	shalt  }
0x82: {  	_ =	shalt  }
0x83: {  	_ =	shalt  }
0x84: {  	_ =	shalt  }
0x85: {  	_ =	shalt  }
0x86: {  	_ =	shalt  }
0x87: {  	_ =	shalt  }
.Lfunc_end0:
.L_simem_size_0:
called_computation.1_lowered:
.L_overlay_start_0:
0x88: {  	s2 =	sld [smem:$0x3FD9]  }
0x89: {  	s3 =	sld [smem:$0x3FFE];
	_ =	sdelay $0x1  }
0x8a: {  	s1 =	srdreg.scid  }
0x8b: {  	s0 =	sand.u32 $0x1, s1  }
0x8c: {  	s17 =	sshll.u32 s0, $0xA;
	s2 =	sadd.s32 s3, s2  }
0x8d: {  	s2 =	sadd.s32 s2, s17  }
0x8e: {  	[smem:$0x3FC2] =	sst s2  }
0x8f: {  	_ = 	snop  }
0x90: {  	s2 =	sld [smem:$0x3FD0];
	(tm) =	ssettm $0x1  }
0x91: {  	s18 =	sld [smem:$0x3FFB];
	_ =	sdelay $0x3  }
0x92: {  	_ =	strace s18  }
0x93: {  	s3 =	sld [smem:$0x3FFC];
	_ =	sdelay $0x3  }
0x94: {  	_ =	strace s3  }
0x95: {  	s3 =	sld [smem:$0x3FFD];
	_ =	sdelay $0x3  }
0x96: {  	_ =	strace s3  }
0x97: {  	_ =	strace $0x8FFFFFFF  }
0x98: {  	s19 =	sld [smem:$0x3FDB];
	_ =	sdelay $0x1  }
0x99: {  	s4 =	simm.s32 $_scs_section_size  }
0x9a: {  	s5 =	simm.s32 $_size__tile_overlayer_lowered;
	s6 =	simm.s32 $_tile_overlayer_lowered  }
0x9b: {  	s22 =	simm.s32 $0x1BFF;
	s21 =	sshll.u32 s6, $0x1;
	s3 =	sadd.s32 s4, s19  }
0x9c: {  	s7 =	simm.s32 $0x0;
	s20 =	sshll.u32 s5, $0x1;
	s5 =	sadd.s32 s21, s3  }
0x9d: {  	[timem:s7], [sflag:s22] =	dma.local [hbm:s5], s20  }
0x9e: {  	_ =	swait.ge [sflag:s22], s20  }
0x9f: {  	s4 =	ssub.s32 $0x0, s20;
	[sflag:s22] =	ssyncset.done $0x0  }
0xa0: {  	[sflag:s22] =	ssyncadd.s32 s4;
	_ =	sdelay $0x1  }
0xa1: {  	s23 =	simm.s32 $0x1B8B  }
0xa2: {  	_ =	swait.ge [sflag:s23], $0x1  }
0xa3: {  	[sflag:s23] =	ssyncset.done $0x0  }
0xa4: {  	s25 =	simm.s32 $0x1B8E;
	s24 =	sld [smem:$0x3FFE];
	[sflag:s23] =	ssyncadd.s32 $0xFFFFFFFF  }
0xa5: {  	s26 =	simm.s32 $execute0_lowered;
	[smem:$0x3FD2] =	sst s25  }
0xa6: {  	s5 =	sshll.u32 s26, $0x1;
	_ =	strace $0x80000049;
	[dreg:$0x1] =	wrdreg $0xFFFFFFFF  }
0xa7: {  	s28 =	simm.s32 $_size_execute0_lowered;
	s3 =	sadd.s32 s3, s5;
	[dreg:$0x0] =	wrdreg $0x0  }
0xa8: {  	s5 =	sshll.u32 s28, $0x1;
	[dreg:$0x2] =	wrdreg s3  }
0xa9: {  	[dreg:$0x3] =	wrdreg s5  }
0xaa: {  	[dreg:$0x4] =	wrdreg $0xC0  }
0xab: {  	_ =	task [dreg:s7], $0x5FFFF  }
0xac: {  	[dreg:$0x1] =	wrdreg $0xFFFFFFFF  }
0xad: {  	[dreg:$0x0] =	wrdreg $0x60  }
0xae: {  	[dreg:$0x2] =	wrdreg s24  }
0xaf: {  	[dreg:$0x3] =	wrdreg s2  }
0xb0: {  	[dreg:$0x4] =	wrdreg $0xBC000  }
0xb1: {  	[dreg:$0x5] =	wrdreg $0x9  }
0xb2: {  	_ =	task.clear_ibuf [dreg:s7], $0x6FFFF;
	_ =	strace $0x90000049  }
0xb3: {  	s29 =	simm.s32 $0x9;
	_ =	strace $0x8000004B  }
0xb4: {  	_ =	swait.ge [sflag:s29], $0x1  }
0xb5: {  	[sflag:s29] =	ssyncadd.s32 $0xFFFFFFFF  }
0xb6: {  	_ =	strace $0x9000004B  }
0xb7: {  	_ =	sfence  }
0xb8: {  	s30 =	sld [smem:$0x0];
	_ =	sdelay $0x2  }
0xb9: {  	s31 =	sshll.u32 s1, $0xD;
	s1 =	sshrl.u32 s1, $0x2  }
0xba: {  	s3 =	sand.u32 $0x4000, s31;
	s1 =	sadd.s32 s1, s30  }
0xbb: {  	s0 =	sor.u32 s3, s0;
	s1 =	sshll.u32 s1, $0x11  }
0xbc: {  	s0 =	sor.u32 s1, s0  }
0xbd: {  	s0 =	sadd.s32 $0x8F2B, s0  }
0xbe: {  	[sflag:s0] =	ssyncadd.remote.s32 $0x1  }
0xbf: {  	_ =	sfence.sel $0xFFFF  }
0xc0: {  	[dreg:$0x0] =	wrdreg $0xFFFFFFFF;
	(pc) =	sbr.abs _section_cstart, $3  }
0xc1: {  	[dreg:$0x1] =	wrdreg $0xFFFFFFFF  }
0xc2: {  	_ =	task.clear_ibuf [dreg:s7], $0x2FFFF;
	_ =	strace $0x9FFFFFFF  }
0xc3: {  	(tm) =	ssettm $0x7FFFFFFF  }
tec
execute0_lowered:
.L_overlay_start_1:
0x0: {  	(tag) =	ssettag $0x1  }
0x1: {  	s0 =	rddreg [dreg:$0x0]  }
0x2: {  	s1 =	rddreg [dreg:$0x1]  }
0x3: {  	s3 =	srdreg.scid;
	s2 =	rddreg [dreg:$0x2]  }
0x4: {  	s10 =	stileid.u32;
	s11 =	simm.s32 $0x0;
	s16 =	simm.s32 $0x2000  }
0x5: {  	s28 =	simm.s32 $0x4;
	s30 =	simm.s32 $0x3;
	s29 =	simm.s32 $0x0  }
0x6: {  	s5 =	sand.u32 $0x1, s3;
	s6 =	smul.u32 $0x13C00, s10;
	[smem:$0x7FF] =	sst s11  }
0x7: {  	s7 =	sadd.s32 $0x1200, s0;
	s8 =	smul.u32 $0x4F000, s10;
	s10 =	sshll.u32 s10, $0xC  }
0x8: {  	s3 =	simm.s32 $0x1000;
	s4 =	smul.u32 $0x13C000, s5;
	s17 =	ssub.s32 $0x2, s5  }
0x9: {  	_ =	strace $0x8000004A;
	s5 =	sshll.u32 s5, $0xB;
	s9 =	sshrl.u32 s17, $0x1  }
0xa: {  	s8 =	sshrl.u32 s8, $0x2;
	s18 =	sor.u32 s5, s10;
	s6 =	sadd.s32 s6, s4  }
0xb: {  	s4 =	sadd.s32 $0x11200, s0;
	s5 =	sadd.s32 s8, s2;
	s19 =	sadd.s32 s1, s18  }
0xc: {  	s20 =	sor.u32 $0x200, s18;
	s10 =	sadd.s32 s7, s18;
	s22 =	sor.u32 $0x400, s18  }
0xd: {  	s24 =	sor.u32 $0x600, s18;
	s18 =	simm.s32 $0x7;
	[dreg:$0x4] =	wrdreg s19  }
0xe: {  	s6 =	sshrl.u32 s6, $0x3;
	[dreg:$0x5] =	wrdreg s10;
	s21 =	sadd.s32 s1, s20  }
0xf: {  	s8 =	sadd.s32 s7, s20;
	s23 =	sadd.s32 s1, s22;
	[dreg:$0x6] =	wrdreg s21  }
0x10: {  	s25 =	sadd.s32 s7, s22;
	s1 =	sadd.s32 s1, s24;
	[dreg:$0x7] =	wrdreg s8  }
0x11: {  	s26 =	sadd.s32 s7, s24;
	s20 =	simm.s32 $0x64;
	[dreg:$0x8] =	wrdreg s23  }
0x12: {  	s22 =	simm.s32 $0x5400;
	s24 =	simm.s32 $0x8800;
	[dreg:$0x9] =	wrdreg s25  }
0x13: {  	s7 =	simm.s32 $0x6;
	s0 =	sadd.s32 s6, s0;
	[dreg:$0xa] =	wrdreg s1  }
0x14: {  	s6 =	ssub.s32 s17, s9;
	[dreg:$0xb] =	wrdreg s26;
	s0 =	sadd.s32 $0xAD600, s0  }
0x15: {  	s17 =	simm.s32 $0x1;
	s31 =	smax.u32 s6, $0x1;
	[dreg:$0xc] =	wrdreg s0  }
0x16: {  	v0 =	vimm.f32 $0.0e+00;
	s25 =	simm.s32 $0x2;
	[dreg:$0xd] =	wrdreg s31;
	s0 =	simm.s32 $0x5  }
.LBB2_1:
0x17: {  	[tilespmem:$0x2000] =	vst v0  }
0x18: {  	[tilespmem:$0x2010] =	vst v0  }
0x19: {  	[tilespmem:$0x2020] =	vst v0  }
0x1a: {  	[tilespmem:$0x2030] =	vst v0  }
0x1b: {  	[tilespmem:$0x2040] =	vst v0  }
0x1c: {  	[tilespmem:$0x2050] =	vst v0  }
0x1d: {  	[tilespmem:$0x2060] =	vst v0  }
0x1e: {  	[tilespmem:$0x2070] =	vst v0  }
0x1f: {  	[tilespmem:$0x2080] =	vst v0  }
0x20: {  	[tilespmem:$0x2090] =	vst v0  }
0x21: {  	[tilespmem:$0x20A0] =	vst v0  }
0x22: {  	[tilespmem:$0x20B0] =	vst v0  }
0x23: {  	[tilespmem:$0x20C0] =	vst v0  }
0x24: {  	[tilespmem:$0x20D0] =	vst v0  }
0x25: {  	[tilespmem:$0x20E0] =	vst v0  }
0x26: {  	[tilespmem:$0x20F0] =	vst v0  }
0x27: {  	[tilespmem:$0x2100] =	vst v0  }
0x28: {  	[tilespmem:$0x2110] =	vst v0  }
0x29: {  	[tilespmem:$0x2120] =	vst v0  }
0x2a: {  	[tilespmem:$0x2130] =	vst v0  }
0x2b: {  	[tilespmem:$0x2140] =	vst v0  }
0x2c: {  	[tilespmem:$0x2150] =	vst v0  }
0x2d: {  	[tilespmem:$0x2160] =	vst v0  }
0x2e: {  	[tilespmem:$0x2170] =	vst v0  }
0x2f: {  	[tilespmem:$0x2180] =	vst v0  }
0x30: {  	[tilespmem:$0x2190] =	vst v0  }
0x31: {  	[tilespmem:$0x21A0] =	vst v0  }
0x32: {  	[tilespmem:$0x21B0] =	vst v0  }
0x33: {  	[tilespmem:$0x21C0] =	vst v0  }
0x34: {  	[tilespmem:$0x21D0] =	vst v0  }
0x35: {  	[tilespmem:$0x21E0] =	vst v0  }
0x36: {  	[tilespmem:$0x21F0] =	vst v0  }
0x37: {  	[tilespmem:$0x2200] =	vst v0  }
0x38: {  	[tilespmem:$0x2210] =	vst v0  }
0x39: {  	[tilespmem:$0x2220] =	vst v0  }
0x3a: {  	[tilespmem:$0x2230] =	vst v0  }
0x3b: {  	[tilespmem:$0x2240] =	vst v0  }
0x3c: {  	[tilespmem:$0x2250] =	vst v0  }
0x3d: {  	[tilespmem:$0x2260] =	vst v0  }
0x3e: {  	[tilespmem:$0x2270] =	vst v0  }
0x3f: {  	[tilespmem:$0x2280] =	vst v0  }
0x40: {  	[tilespmem:$0x2290] =	vst v0  }
0x41: {  	[tilespmem:$0x22A0] =	vst v0  }
0x42: {  	[tilespmem:$0x22B0] =	vst v0  }
0x43: {  	[tilespmem:$0x22C0] =	vst v0  }
0x44: {  	[tilespmem:$0x22D0] =	vst v0  }
0x45: {  	[tilespmem:$0x22E0] =	vst v0  }
0x46: {  	[tilespmem:$0x22F0] =	vst v0  }
0x47: {  	[tilespmem:$0x2300] =	vst v0  }
0x48: {  	[tilespmem:$0x2310] =	vst v0  }
0x49: {  	[tilespmem:$0x2320] =	vst v0  }
0x4a: {  	[tilespmem:$0x2330] =	vst v0  }
0x4b: {  	[tilespmem:$0x2340] =	vst v0  }
0x4c: {  	[tilespmem:$0x2350] =	vst v0  }
0x4d: {  	[tilespmem:$0x2360] =	vst v0  }
0x4e: {  	[tilespmem:$0x2370] =	vst v0  }
0x4f: {  	[tilespmem:$0x2380] =	vst v0  }
0x50: {  	[tilespmem:$0x2390] =	vst v0  }
0x51: {  	[tilespmem:$0x23A0] =	vst v0  }
0x52: {  	[tilespmem:$0x23B0] =	vst v0  }
0x53: {  	[tilespmem:$0x23C0] =	vst v0  }
0x54: {  	[tilespmem:$0x23D0] =	vst v0  }
0x55: {  	[tilespmem:$0x23E0] =	vst v0  }
0x56: {  	[tilespmem:$0x23F0] =	vst v0;
	s31 =	simm.s32 $0x0  }
.LBB2_2:
0x57: {  	p0 =	sne.s32 s31, $0x4E000  }
.Ltmp0:
0x58: {  	_ = 	snop;
	(pc) =	sbr.rel @p0 .LBB2_2-.Ltmp0, $4  }
0x59: {  	_ = 	snop  }
0x5a: {  	s1 =	sshra.s32 s31, $0x2  }
0x5b: {  	s31 =	sadd.s32 $0x1000, s31;
	s1 =	sadd.s32 s1, s5  }
0x5c: {  	[spmem:s1] =	stream.linear.scatter [tilespmem:s16], [sflag:$0x1], $0x400, $0x38;
	[tilespmem:$0x1F800] =	vst v63  }
0x5d: {  	_ =	swait.ge [sflag:s17], $0x400  }
0x5e: {  	s31 =	simm.s32 $0x4E;
	[sflag:s17] =	ssyncset.done $0x0  }
.LBB2_4:
0x5f: {  	p0 =	sne.s32 s31, $0x1;
	s31 =	sadd.s32 $0xFFFFFFFF, s31;
	[sflag:s17] =	ssyncadd.s32 $0xFFFFFC00  }
.Ltmp1:
0x60: {  	(pc) =	sbr.rel @p0 .LBB2_4-.Ltmp1, $3  }
0x61: {  	_ =	sdelay $0x1  }
0x62: {  	_ =	swait.ge [sflag:s17], $0x400  }
0x63: {  	[sflag:s17] =	ssyncset.done $0x0  }
0x64: {  	[sflag:s17] =	ssyncadd.s32 $0xFFFFFC00  }
0x65: {  	[bflag:$0x0] =	sbarrier.arrive $0xFFFF  }
0x66: {  	s1 =	rddreg [dreg:$0x4]  }
0x67: {  	[tilespmem:s11], [sflag:$0x7] =	stream.linear.gather [hbm4b:s1+s11], $0xC80, $0x38;
	[tilespmem:$0x1F800] =	vst v63  }
0x68: {  	_ =	swait.ge [sflag:s18], $0xC80  }
0x69: {  	[sflag:s18] =	ssyncset.done $0x0  }
0x6a: {  	s15 =	rddreg [dreg:$0x5];
	[sflag:s18] =	ssyncadd.s32 $0xFFFFF380  }
0x6b: {  	[tilespmem:s3], [sflag:$0x7] =	stream.linear.gather [hbm4b:s15+s11], $0xC80, $0x38;
	[tilespmem:$0x1F800] =	vst v63  }
0x6c: {  	_ =	swait.ge [sflag:s18], $0xC80  }
0x6d: {  	[sflag:s18] =	ssyncset.done $0x0  }
0x6e: {  	[sflag:s18] =	ssyncadd.s32 $0xFFFFF380  }
0x6f: {  	[tilespmem:s16], [sflag:$0x1] =	stream.indirect.gather [hbm4b:s4+s20], $0x80, s11, s20, $0xb8;
	[tilespmem:$0x1F800] =	vst v63  }
0x70: {  	s19 =	simm.s32 $0x80  }
0x71: {  	[tilespmem:s22], [sflag:$0x2] =	stream.indirect.gather [hbm4b:s4+s20], $0x80, s19, s20, $0xb8;
	[tilespmem:$0x1F800] =	vst v63  }
0x72: {  	_ =	swait.ge [sflag:s17], $0x3200  }
0x73: {  	[sflag:s17] =	ssyncset.done $0x0  }
0x74: {  	[sflag:s17] =	ssyncadd.s32 $0xFFFFCE00  }
0x75: {  	[spmem:s2] =	stream.indirect.scatter.add.f32 [tilespmem:s16], [sflag:$0x4], $0x80, s3, s20, $0xb8;
	[tilespmem:$0x1F800] =	vst v63  }
0x76: {  	s21 =	simm.s32 $0x100  }
0x77: {  	[tilespmem:s24], [sflag:$0x3] =	stream.indirect.gather [hbm4b:s4+s20], $0x80, s21, s20, $0xb8;
	[tilespmem:$0x1F800] =	vst v63  }
0x78: {  	_ =	swait.ge [sflag:s25], $0x3200  }
0x79: {  	[sflag:s25] =	ssyncset.done $0x0  }
0x7a: {  	s23 =	simm.s32 $0x1080;
	[sflag:s25] =	ssyncadd.s32 $0xFFFFCE00  }
0x7b: {  	[spmem:s2] =	stream.indirect.scatter.add.f32 [tilespmem:s22], [sflag:$0x5], $0x80, s23, s20, $0xb8;
	[tilespmem:$0x1F800] =	vst v63  }
0x7c: {  	_ =	swait.ge [sflag:s28], $0x3200  }
0x7d: {  	[sflag:s28] =	ssyncset.done $0x0  }
0x7e: {  	s26 =	simm.s32 $0x180;
	[sflag:s28] =	ssyncadd.s32 $0xFFFFCE00  }
0x7f: {  	[tilespmem:s16], [sflag:$0x1] =	stream.indirect.gather [hbm4b:s4+s20], $0x80, s26, s20, $0xb8;
	[tilespmem:$0x1F800] =	vst v63  }
0x80: {  	_ =	swait.ge [sflag:s30], $0x3200  }
0x81: {  	[sflag:s30] =	ssyncset.done $0x0  }
0x82: {  	s31 =	simm.s32 $0x1100;
	[sflag:s30] =	ssyncadd.s32 $0xFFFFCE00  }
0x83: {  	[spmem:s2] =	stream.indirect.scatter.add.f32 [tilespmem:s24], [sflag:$0x6], $0x80, s31, s20, $0xb8;
	[tilespmem:$0x1F800] =	vst v63  }
0x84: {  	_ =	swait.ge [sflag:s0], $0x3200  }
0x85: {  	[sflag:s0] =	ssyncset.done $0x0  }
0x86: {  	s6 =	simm.s32 $0x200;
	[sflag:s0] =	ssyncadd.s32 $0xFFFFCE00  }
0x87: {  	[tilespmem:s22], [sflag:$0x2] =	stream.indirect.gather [hbm4b:s4+s20], $0x80, s6, s20, $0xb8;
	[tilespmem:$0x1F800] =	vst v63  }
0x88: {  	_ =	swait.ge [sflag:s17], $0x3200  }
0x89: {  	[sflag:s17] =	ssyncset.done $0x0  }
0x8a: {  	s8 =	simm.s32 $0x1180;
	[sflag:s17] =	ssyncadd.s32 $0xFFFFCE00  }
0x8b: {  	[spmem:s2] =	stream.indirect.scatter.add.f32 [tilespmem:s16], [sflag:$0x4], $0x80, s8, s20, $0xb8;
	[tilespmem:$0x1F800] =	vst v63  }
0x8c: {  	_ =	swait.ge [sflag:s7], $0x3200  }
0x8d: {  	[sflag:s7] =	ssyncset.done $0x0  }
0x8e: {  	s9 =	simm.s32 $0x280;
	[sflag:s7] =	ssyncadd.s32 $0xFFFFCE00  }
0x8f: {  	[tilespmem:s24], [sflag:$0x3] =	stream.indirect.gather [hbm4b:s4+s20], $0x80, s9, s20, $0xb8;
	[tilespmem:$0x1F800] =	vst v63  }
0x90: {  	_ =	swait.ge [sflag:s25], $0x3200  }
0x91: {  	[sflag:s25] =	ssyncset.done $0x0  }
0x92: {  	s10 =	simm.s32 $0x1200;
	[sflag:s25] =	ssyncadd.s32 $0xFFFFCE00  }
0x93: {  	[spmem:s2] =	stream.indirect.scatter.add.f32 [tilespmem:s22], [sflag:$0x5], $0x80, s10, s20, $0xb8;
	[tilespmem:$0x1F800] =	vst v63  }
0x94: {  	_ =	swait.ge [sflag:s28], $0x3200  }
0x95: {  	[sflag:s28] =	ssyncset.done $0x0  }
0x96: {  	s12 =	simm.s32 $0x300;
	[sflag:s28] =	ssyncadd.s32 $0xFFFFCE00  }
0x97: {  	[tilespmem:s16], [sflag:$0x1] =	stream.indirect.gather [hbm4b:s4+s20], $0x80, s12, s20, $0xb8;
	[tilespmem:$0x1F800] =	vst v63  }
0x98: {  	_ =	swait.ge [sflag:s30], $0x3200  }
0x99: {  	[sflag:s30] =	ssyncset.done $0x0  }
0x9a: {  	s13 =	simm.s32 $0x1280;
	[sflag:s30] =	ssyncadd.s32 $0xFFFFCE00  }
0x9b: {  	[spmem:s2] =	stream.indirect.scatter.add.f32 [tilespmem:s24], [sflag:$0x6], $0x80, s13, s20, $0xb8;
	[tilespmem:$0x1F800] =	vst v63  }
0x9c: {  	_ =	swait.ge [sflag:s0], $0x3200  }
0x9d: {  	[sflag:s0] =	ssyncset.done $0x0  }
0x9e: {  	s14 =	simm.s32 $0x380;
	[sflag:s0] =	ssyncadd.s32 $0xFFFFCE00  }
0x9f: {  	[tilespmem:s22], [sflag:$0x2] =	stream.indirect.gather [hbm4b:s4+s20], $0x80, s14, s20, $0xb8;
	[tilespmem:$0x1F800] =	vst v63  }
0xa0: {  	_ =	swait.ge [sflag:s17], $0x3200  }
0xa1: {  	[sflag:s17] =	ssyncset.done $0x0  }
0xa2: {  	s15 =	simm.s32 $0x1300;
	[sflag:s17] =	ssyncadd.s32 $0xFFFFCE00  }
0xa3: {  	[spmem:s2] =	stream.indirect.scatter.add.f32 [tilespmem:s16], [sflag:$0x4], $0x80, s15, s20, $0xb8;
	[tilespmem:$0x1F800] =	vst v63  }
0xa4: {  	_ =	swait.ge [sflag:s7], $0x3200  }
0xa5: {  	[sflag:s7] =	ssyncset.done $0x0  }
0xa6: {  	s19 =	simm.s32 $0x400;
	[sflag:s7] =	ssyncadd.s32 $0xFFFFCE00  }
0xa7: {  	[tilespmem:s24], [sflag:$0x3] =	stream.indirect.gather [hbm4b:s4+s20], $0x80, s19, s20, $0xb8;
	[tilespmem:$0x1F800] =	vst v63  }
0xa8: {  	_ =	swait.ge [sflag:s25], $0x3200  }
0xa9: {  	[sflag:s25] =	ssyncset.done $0x0  }
0xaa: {  	s21 =	simm.s32 $0x1380;
	[sflag:s25] =	ssyncadd.s32 $0xFFFFCE00  }
0xab: {  	[spmem:s2] =	stream.indirect.scatter.add.f32 [tilespmem:s22], [sflag:$0x5], $0x80, s21, s20, $0xb8;
	[tilespmem:$0x1F800] =	vst v63  }
0xac: {  	_ =	swait.ge [sflag:s28], $0x3200  }
0xad: {  	[sflag:s28] =	ssyncset.done $0x0  }
0xae: {  	s23 =	simm.s32 $0x480;
	[sflag:s28] =	ssyncadd.s32 $0xFFFFCE00  }
0xaf: {  	[tilespmem:s16], [sflag:$0x1] =	stream.indirect.gather [hbm4b:s4+s20], $0x80, s23, s20, $0xb8;
	[tilespmem:$0x1F800] =	vst v63  }
0xb0: {  	_ =	swait.ge [sflag:s30], $0x3200  }
0xb1: {  	[sflag:s30] =	ssyncset.done $0x0  }
0xb2: {  	s26 =	simm.s32 $0x1400;
	[sflag:s30] =	ssyncadd.s32 $0xFFFFCE00  }
0xb3: {  	[spmem:s2] =	stream.indirect.scatter.add.f32 [tilespmem:s24], [sflag:$0x6], $0x80, s26, s20, $0xb8;
	[tilespmem:$0x1F800] =	vst v63  }
0xb4: {  	_ =	swait.ge [sflag:s0], $0x3200  }
0xb5: {  	[sflag:s0] =	ssyncset.done $0x0  }
0xb6: {  	s31 =	simm.s32 $0x500;
	[sflag:s0] =	ssyncadd.s32 $0xFFFFCE00  }
0xb7: {  	[tilespmem:s22], [sflag:$0x2] =	stream.indirect.gather [hbm4b:s4+s20], $0x80, s31, s20, $0xb8;
	[tilespmem:$0x1F800] =	vst v63  }
0xb8: {  	_ =	swait.ge [sflag:s17], $0x3200  }
0xb9: {  	[sflag:s17] =	ssyncset.done $0x0  }
0xba: {  	s12 =	simm.s32 $0x1480;
	[sflag:s17] =	ssyncadd.s32 $0xFFFFCE00  }
0xbb: {  	[spmem:s2] =	stream.indirect.scatter.add.f32 [tilespmem:s16], [sflag:$0x4], $0x80, s12, s20, $0xb8;
	[tilespmem:$0x1F800] =	vst v63  }
0xbc: {  	_ =	swait.ge [sflag:s7], $0x3200  }
0xbd: {  	[sflag:s7] =	ssyncset.done $0x0  }
0xbe: {  	s13 =	simm.s32 $0x580;
	[sflag:s7] =	ssyncadd.s32 $0xFFFFCE00  }
0xbf: {  	[tilespmem:s24], [sflag:$0x3] =	stream.indirect.gather [hbm4b:s4+s20], $0x80, s13, s20, $0xb8;
	[tilespmem:$0x1F800] =	vst v63  }
0xc0: {  	_ =	swait.ge [sflag:s25], $0x3200  }
0xc1: {  	[sflag:s25] =	ssyncset.done $0x0  }
0xc2: {  	s14 =	simm.s32 $0x1500;
	[sflag:s25] =	ssyncadd.s32 $0xFFFFCE00  }
0xc3: {  	[spmem:s2] =	stream.indirect.scatter.add.f32 [tilespmem:s22], [sflag:$0x5], $0x80, s14, s20, $0xb8;
	[tilespmem:$0x1F800] =	vst v63  }
0xc4: {  	_ =	swait.ge [sflag:s28], $0x3200  }
0xc5: {  	[sflag:s28] =	ssyncset.done $0x0  }
0xc6: {  	s15 =	simm.s32 $0x600;
	[sflag:s28] =	ssyncadd.s32 $0xFFFFCE00  }
0xc7: {  	[tilespmem:s16], [sflag:$0x1] =	stream.indirect.gather [hbm4b:s4+s20], $0x80, s15, s20, $0xb8;
	[tilespmem:$0x1F800] =	vst v63  }
0xc8: {  	_ =	swait.ge [sflag:s30], $0x3200  }
0xc9: {  	[sflag:s30] =	ssyncset.done $0x0  }
0xca: {  	s19 =	simm.s32 $0x1580;
	[sflag:s30] =	ssyncadd.s32 $0xFFFFCE00  }
0xcb: {  	[spmem:s2] =	stream.indirect.scatter.add.f32 [tilespmem:s24], [sflag:$0x6], $0x80, s19, s20, $0xb8;
	[tilespmem:$0x1F800] =	vst v63  }
0xcc: {  	_ =	swait.ge [sflag:s0], $0x3200  }
0xcd: {  	[sflag:s0] =	ssyncset.done $0x0  }
0xce: {  	s21 =	simm.s32 $0x680;
	[sflag:s0] =	ssyncadd.s32 $0xFFFFCE00  }
0xcf: {  	[tilespmem:s22], [sflag:$0x2] =	stream.indirect.gather [hbm4b:s4+s20], $0x80, s21, s20, $0xb8;
	[tilespmem:$0x1F800] =	vst v63  }
0xd0: {  	_ =	swait.ge [sflag:s17], $0x3200  }
0xd1: {  	[sflag:s17] =	ssyncset.done $0x0  }
0xd2: {  	s23 =	simm.s32 $0x1600;
	[sflag:s17] =	ssyncadd.s32 $0xFFFFCE00  }
0xd3: {  	[spmem:s2] =	stream.indirect.scatter.add.f32 [tilespmem:s16], [sflag:$0x4], $0x80, s23, s20, $0xb8;
	[tilespmem:$0x1F800] =	vst v63  }
0xd4: {  	_ =	swait.ge [sflag:s7], $0x3200  }
0xd5: {  	[sflag:s7] =	ssyncset.done $0x0  }
0xd6: {  	s26 =	simm.s32 $0x700;
	[sflag:s7] =	ssyncadd.s32 $0xFFFFCE00  }
0xd7: {  	[tilespmem:s24], [sflag:$0x3] =	stream.indirect.gather [hbm4b:s4+s20], $0x80, s26, s20, $0xb8;
	[tilespmem:$0x1F800] =	vst v63  }
0xd8: {  	_ =	swait.ge [sflag:s25], $0x3200  }
0xd9: {  	[sflag:s25] =	ssyncset.done $0x0  }
0xda: {  	s1 =	simm.s32 $0x1680;
	[sflag:s25] =	ssyncadd.s32 $0xFFFFCE00  }
0xdb: {  	[spmem:s2] =	stream.indirect.scatter.add.f32 [tilespmem:s22], [sflag:$0x5], $0x80, s1, s20, $0xb8;
	[tilespmem:$0x1F800] =	vst v63  }
0xdc: {  	_ =	swait.ge [sflag:s28], $0x3200  }
0xdd: {  	[sflag:s28] =	ssyncset.done $0x0  }
0xde: {  	s1 =	simm.s32 $0x780;
	[sflag:s28] =	ssyncadd.s32 $0xFFFFCE00  }
0xdf: {  	[tilespmem:s16], [sflag:$0x1] =	stream.indirect.gather [hbm4b:s4+s20], $0x80, s1, s20, $0xb8;
	[tilespmem:$0x1F800] =	vst v63  }
0xe0: {  	_ =	swait.ge [sflag:s30], $0x3200  }
0xe1: {  	[sflag:s30] =	ssyncset.done $0x0  }
0xe2: {  	s1 =	simm.s32 $0x1700;
	[sflag:s30] =	ssyncadd.s32 $0xFFFFCE00  }
0xe3: {  	[spmem:s2] =	stream.indirect.scatter.add.f32 [tilespmem:s24], [sflag:$0x6], $0x80, s1, s20, $0xb8;
	[tilespmem:$0x1F800] =	vst v63  }
0xe4: {  	_ =	swait.ge [sflag:s0], $0x3200  }
0xe5: {  	[sflag:s0] =	ssyncset.done $0x0  }
0xe6: {  	s1 =	simm.s32 $0x800;
	[sflag:s0] =	ssyncadd.s32 $0xFFFFCE00  }
0xe7: {  	[tilespmem:s22], [sflag:$0x2] =	stream.indirect.gather [hbm4b:s4+s20], $0x80, s1, s20, $0xb8;
	[tilespmem:$0x1F800] =	vst v63  }
0xe8: {  	_ =	swait.ge [sflag:s17], $0x3200  }
0xe9: {  	[sflag:s17] =	ssyncset.done $0x0  }
0xea: {  	s1 =	simm.s32 $0x1780;
	[sflag:s17] =	ssyncadd.s32 $0xFFFFCE00  }
0xeb: {  	[spmem:s2] =	stream.indirect.scatter.add.f32 [tilespmem:s16], [sflag:$0x4], $0x80, s1, s20, $0xb8;
	[tilespmem:$0x1F800] =	vst v63  }
0xec: {  	_ =	swait.ge [sflag:s7], $0x3200  }
0xed: {  	[sflag:s7] =	ssyncset.done $0x0  }
0xee: {  	s1 =	simm.s32 $0x880;
	[sflag:s7] =	ssyncadd.s32 $0xFFFFCE00  }
0xef: {  	[tilespmem:s24], [sflag:$0x3] =	stream.indirect.gather [hbm4b:s4+s20], $0x80, s1, s20, $0xb8;
	[tilespmem:$0x1F800] =	vst v63  }
0xf0: {  	_ =	swait.ge [sflag:s25], $0x3200  }
0xf1: {  	[sflag:s25] =	ssyncset.done $0x0  }
0xf2: {  	s1 =	simm.s32 $0x1800;
	[sflag:s25] =	ssyncadd.s32 $0xFFFFCE00  }
0xf3: {  	[spmem:s2] =	stream.indirect.scatter.add.f32 [tilespmem:s22], [sflag:$0x5], $0x80, s1, s20, $0xb8;
	[tilespmem:$0x1F800] =	vst v63  }
0xf4: {  	_ =	swait.ge [sflag:s28], $0x3200  }
0xf5: {  	[sflag:s28] =	ssyncset.done $0x0  }
0xf6: {  	s1 =	simm.s32 $0x900;
	[sflag:s28] =	ssyncadd.s32 $0xFFFFCE00  }
0xf7: {  	[tilespmem:s16], [sflag:$0x1] =	stream.indirect.gather [hbm4b:s4+s20], $0x80, s1, s20, $0xb8;
	[tilespmem:$0x1F800] =	vst v63  }
0xf8: {  	_ =	swait.ge [sflag:s30], $0x3200  }
0xf9: {  	[sflag:s30] =	ssyncset.done $0x0  }
0xfa: {  	s1 =	simm.s32 $0x1880;
	[sflag:s30] =	ssyncadd.s32 $0xFFFFCE00  }
0xfb: {  	[spmem:s2] =	stream.indirect.scatter.add.f32 [tilespmem:s24], [sflag:$0x6], $0x80, s1, s20, $0xb8;
	[tilespmem:$0x1F800] =	vst v63  }
0xfc: {  	_ =	swait.ge [sflag:s0], $0x3200  }
0xfd: {  	[sflag:s0] =	ssyncset.done $0x0  }
0xfe: {  	s1 =	simm.s32 $0x980;
	[sflag:s0] =	ssyncadd.s32 $0xFFFFCE00  }
0xff: {  	[tilespmem:s22], [sflag:$0x2] =	stream.indirect.gather [hbm4b:s4+s20], $0x80, s1, s20, $0xb8;
	[tilespmem:$0x1F800] =	vst v63  }
0x100: {  	_ =	swait.ge [sflag:s17], $0x3200  }
0x101: {  	[sflag:s17] =	ssyncset.done $0x0  }
0x102: {  	s1 =	simm.s32 $0x1900;
	[sflag:s17] =	ssyncadd.s32 $0xFFFFCE00  }
0x103: {  	[spmem:s2] =	stream.indirect.scatter.add.f32 [tilespmem:s16], [sflag:$0x4], $0x80, s1, s20, $0xb8;
	[tilespmem:$0x1F800] =	vst v63  }
0x104: {  	_ =	swait.ge [sflag:s7], $0x3200  }
0x105: {  	[sflag:s7] =	ssyncset.done $0x0  }
0x106: {  	s1 =	simm.s32 $0xA00;
	[sflag:s7] =	ssyncadd.s32 $0xFFFFCE00  }
0x107: {  	[tilespmem:s24], [sflag:$0x3] =	stream.indirect.gather [hbm4b:s4+s20], $0x80, s1, s20, $0xb8;
	[tilespmem:$0x1F800] =	vst v63  }
0x108: {  	_ =	swait.ge [sflag:s25], $0x3200  }
0x109: {  	[sflag:s25] =	ssyncset.done $0x0  }
0x10a: {  	s1 =	simm.s32 $0x1980;
	[sflag:s25] =	ssyncadd.s32 $0xFFFFCE00  }
0x10b: {  	[spmem:s2] =	stream.indirect.scatter.add.f32 [tilespmem:s22], [sflag:$0x5], $0x80, s1, s20, $0xb8;
	[tilespmem:$0x1F800] =	vst v63  }
0x10c: {  	_ =	swait.ge [sflag:s28], $0x3200  }
0x10d: {  	[sflag:s28] =	ssyncset.done $0x0  }
0x10e: {  	s1 =	simm.s32 $0xA80;
	[sflag:s28] =	ssyncadd.s32 $0xFFFFCE00  }
0x10f: {  	[tilespmem:s16], [sflag:$0x1] =	stream.indirect.gather [hbm4b:s4+s20], $0x80, s1, s20, $0xb8;
	[tilespmem:$0x1F800] =	vst v63  }
0x110: {  	_ =	swait.ge [sflag:s30], $0x3200  }
0x111: {  	[sflag:s30] =	ssyncset.done $0x0  }
0x112: {  	s1 =	simm.s32 $0x1A00;
	[sflag:s30] =	ssyncadd.s32 $0xFFFFCE00  }
0x113: {  	[spmem:s2] =	stream.indirect.scatter.add.f32 [tilespmem:s24], [sflag:$0x6], $0x80, s1, s20, $0xb8;
	[tilespmem:$0x1F800] =	vst v63  }
0x114: {  	_ =	swait.ge [sflag:s0], $0x3200  }
0x115: {  	[sflag:s0] =	ssyncset.done $0x0  }
0x116: {  	s1 =	simm.s32 $0xB00;
	[sflag:s0] =	ssyncadd.s32 $0xFFFFCE00  }
0x117: {  	[tilespmem:s22], [sflag:$0x2] =	stream.indirect.gather [hbm4b:s4+s20], $0x80, s1, s20, $0xb8;
	[tilespmem:$0x1F800] =	vst v63  }
0x118: {  	_ =	swait.ge [sflag:s17], $0x3200  }
0x119: {  	[sflag:s17] =	ssyncset.done $0x0  }
0x11a: {  	s1 =	simm.s32 $0x1A80;
	[sflag:s17] =	ssyncadd.s32 $0xFFFFCE00  }
0x11b: {  	[spmem:s2] =	stream.indirect.scatter.add.f32 [tilespmem:s16], [sflag:$0x4], $0x80, s1, s20, $0xb8;
	[tilespmem:$0x1F800] =	vst v63  }
0x11c: {  	_ =	swait.ge [sflag:s7], $0x3200  }
0x11d: {  	[sflag:s7] =	ssyncset.done $0x0  }
0x11e: {  	s1 =	simm.s32 $0xB80;
	[sflag:s7] =	ssyncadd.s32 $0xFFFFCE00  }
0x11f: {  	[tilespmem:s24], [sflag:$0x3] =	stream.indirect.gather [hbm4b:s4+s20], $0x80, s1, s20, $0xb8;
	[tilespmem:$0x1F800] =	vst v63  }
0x120: {  	_ =	swait.ge [sflag:s25], $0x3200  }
0x121: {  	[sflag:s25] =	ssyncset.done $0x0  }
0x122: {  	s1 =	simm.s32 $0x1B00;
	[sflag:s25] =	ssyncadd.s32 $0xFFFFCE00  }
0x123: {  	[spmem:s2] =	stream.indirect.scatter.add.f32 [tilespmem:s22], [sflag:$0x5], $0x80, s1, s20, $0xb8;
	[tilespmem:$0x1F800] =	vst v63  }
0x124: {  	_ =	swait.ge [sflag:s28], $0x3200  }
0x125: {  	[sflag:s28] =	ssyncset.done $0x0  }
0x126: {  	s1 =	simm.s32 $0xC00;
	[sflag:s28] =	ssyncadd.s32 $0xFFFFCE00  }
0x127: {  	[tilespmem:s16], [sflag:$0x1] =	stream.indirect.gather [hbm4b:s4+s20], $0x80, s1, s20, $0xb8;
	[tilespmem:$0x1F800] =	vst v63  }
0x128: {  	_ =	swait.ge [sflag:s30], $0x3200  }
0x129: {  	[sflag:s30] =	ssyncset.done $0x0  }
0x12a: {  	s1 =	simm.s32 $0x1B80;
	[sflag:s30] =	ssyncadd.s32 $0xFFFFCE00  }
0x12b: {  	[spmem:s2] =	stream.indirect.scatter.add.f32 [tilespmem:s24], [sflag:$0x6], $0x80, s1, s20, $0xb8;
	[tilespmem:$0x1F800] =	vst v63  }
0x12c: {  	_ =	swait.ge [sflag:s17], $0x3200  }
0x12d: {  	[sflag:s17] =	ssyncset.done $0x0  }
0x12e: {  	s1 =	simm.s32 $0x1C00;
	[sflag:s17] =	ssyncadd.s32 $0xFFFFCE00  }
0x12f: {  	[spmem:s2] =	stream.indirect.scatter.add.f32 [tilespmem:s16], [sflag:$0x4], $0x80, s1, s20, $0xb8;
	[tilespmem:$0x1F800] =	vst v63  }
0x130: {  	_ =	swait.ge [sflag:s0], $0x3200  }
0x131: {  	[sflag:s0] =	ssyncset.done $0x0  }
0x132: {  	[sflag:s0] =	ssyncadd.s32 $0xFFFFCE00  }
0x133: {  	_ =	swait.ge [sflag:s7], $0x3200  }
0x134: {  	[sflag:s7] =	ssyncset.done $0x0  }
0x135: {  	[sflag:s7] =	ssyncadd.s32 $0xFFFFCE00  }
0x136: {  	_ =	swait.ge [sflag:s28], $0x3200  }
0x137: {  	[sflag:s28] =	ssyncset.done $0x0  }
0x138: {  	s1 =	rddreg [dreg:$0x6];
	[sflag:s28] =	ssyncadd.s32 $0xFFFFCE00  }
0x139: {  	[tilespmem:s11], [sflag:$0x7] =	stream.linear.gather [hbm4b:s1+s11], $0xC80, $0x38;
	[tilespmem:$0x1F800] =	vst v63  }
0x13a: {  	_ =	swait.ge [sflag:s18], $0xC80  }
0x13b: {  	[sflag:s18] =	ssyncset.done $0x0  }
0x13c: {  	s1 =	rddreg [dreg:$0x7];
	[sflag:s18] =	ssyncadd.s32 $0xFFFFF380  }
0x13d: {  	[tilespmem:s3], [sflag:$0x7] =	stream.linear.gather [hbm4b:s1+s11], $0xC80, $0x38;
	[tilespmem:$0x1F800] =	vst v63  }
0x13e: {  	_ =	swait.ge [sflag:s18], $0xC80  }
0x13f: {  	[sflag:s18] =	ssyncset.done $0x0  }
0x140: {  	[sflag:s18] =	ssyncadd.s32 $0xFFFFF380  }
0x141: {  	[tilespmem:s16], [sflag:$0x1] =	stream.indirect.gather [hbm4b:s4+s20], $0x80, s11, s20, $0xb8;
	[tilespmem:$0x1F800] =	vst v63  }
0x142: {  	s1 =	simm.s32 $0x80  }
0x143: {  	[tilespmem:s22], [sflag:$0x2] =	stream.indirect.gather [hbm4b:s4+s20], $0x80, s1, s20, $0xb8;
	[tilespmem:$0x1F800] =	vst v63  }
0x144: {  	_ =	swait.ge [sflag:s17], $0x3200  }
0x145: {  	[sflag:s17] =	ssyncset.done $0x0  }
0x146: {  	[sflag:s17] =	ssyncadd.s32 $0xFFFFCE00  }
0x147: {  	[spmem:s2] =	stream.indirect.scatter.add.f32 [tilespmem:s16], [sflag:$0x4], $0x80, s3, s20, $0xb8;
	[tilespmem:$0x1F800] =	vst v63  }
0x148: {  	s1 =	simm.s32 $0x100  }
0x149: {  	[tilespmem:s24], [sflag:$0x3] =	stream.indirect.gather [hbm4b:s4+s20], $0x80, s1, s20, $0xb8;
	[tilespmem:$0x1F800] =	vst v63  }
0x14a: {  	_ =	swait.ge [sflag:s25], $0x3200  }
0x14b: {  	[sflag:s25] =	ssyncset.done $0x0  }
0x14c: {  	s1 =	simm.s32 $0x1080;
	[sflag:s25] =	ssyncadd.s32 $0xFFFFCE00  }
0x14d: {  	[spmem:s2] =	stream.indirect.scatter.add.f32 [tilespmem:s22], [sflag:$0x5], $0x80, s1, s20, $0xb8;
	[tilespmem:$0x1F800] =	vst v63  }
0x14e: {  	_ =	swait.ge [sflag:s28], $0x3200  }
0x14f: {  	[sflag:s28] =	ssyncset.done $0x0  }
0x150: {  	s1 =	simm.s32 $0x180;
	[sflag:s28] =	ssyncadd.s32 $0xFFFFCE00  }
0x151: {  	[tilespmem:s16], [sflag:$0x1] =	stream.indirect.gather [hbm4b:s4+s20], $0x80, s1, s20, $0xb8;
	[tilespmem:$0x1F800] =	vst v63  }
0x152: {  	_ =	swait.ge [sflag:s30], $0x3200  }
0x153: {  	[sflag:s30] =	ssyncset.done $0x0  }
0x154: {  	s1 =	simm.s32 $0x1100;
	[sflag:s30] =	ssyncadd.s32 $0xFFFFCE00  }
0x155: {  	[spmem:s2] =	stream.indirect.scatter.add.f32 [tilespmem:s24], [sflag:$0x6], $0x80, s1, s20, $0xb8;
	[tilespmem:$0x1F800] =	vst v63  }
0x156: {  	_ =	swait.ge [sflag:s0], $0x3200  }
0x157: {  	[sflag:s0] =	ssyncset.done $0x0  }
0x158: {  	s1 =	simm.s32 $0x200;
	[sflag:s0] =	ssyncadd.s32 $0xFFFFCE00  }
0x159: {  	[tilespmem:s22], [sflag:$0x2] =	stream.indirect.gather [hbm4b:s4+s20], $0x80, s1, s20, $0xb8;
	[tilespmem:$0x1F800] =	vst v63  }
0x15a: {  	_ =	swait.ge [sflag:s17], $0x3200  }
0x15b: {  	[sflag:s17] =	ssyncset.done $0x0  }
0x15c: {  	s1 =	simm.s32 $0x1180;
	[sflag:s17] =	ssyncadd.s32 $0xFFFFCE00  }
0x15d: {  	[spmem:s2] =	stream.indirect.scatter.add.f32 [tilespmem:s16], [sflag:$0x4], $0x80, s1, s20, $0xb8;
	[tilespmem:$0x1F800] =	vst v63  }
0x15e: {  	_ =	swait.ge [sflag:s7], $0x3200  }
0x15f: {  	[sflag:s7] =	ssyncset.done $0x0  }
0x160: {  	s1 =	simm.s32 $0x280;
	[sflag:s7] =	ssyncadd.s32 $0xFFFFCE00  }
0x161: {  	[tilespmem:s24], [sflag:$0x3] =	stream.indirect.gather [hbm4b:s4+s20], $0x80, s1, s20, $0xb8;
	[tilespmem:$0x1F800] =	vst v63  }
0x162: {  	_ =	swait.ge [sflag:s25], $0x3200  }
0x163: {  	[sflag:s25] =	ssyncset.done $0x0  }
0x164: {  	s1 =	simm.s32 $0x1200;
	[sflag:s25] =	ssyncadd.s32 $0xFFFFCE00  }
0x165: {  	[spmem:s2] =	stream.indirect.scatter.add.f32 [tilespmem:s22], [sflag:$0x5], $0x80, s1, s20, $0xb8;
	[tilespmem:$0x1F800] =	vst v63  }
0x166: {  	_ =	swait.ge [sflag:s28], $0x3200  }
0x167: {  	[sflag:s28] =	ssyncset.done $0x0  }
0x168: {  	s1 =	simm.s32 $0x300;
	[sflag:s28] =	ssyncadd.s32 $0xFFFFCE00  }
0x169: {  	[tilespmem:s16], [sflag:$0x1] =	stream.indirect.gather [hbm4b:s4+s20], $0x80, s1, s20, $0xb8;
	[tilespmem:$0x1F800] =	vst v63  }
0x16a: {  	_ =	swait.ge [sflag:s30], $0x3200  }
0x16b: {  	[sflag:s30] =	ssyncset.done $0x0  }
0x16c: {  	s1 =	simm.s32 $0x1280;
	[sflag:s30] =	ssyncadd.s32 $0xFFFFCE00  }
0x16d: {  	[spmem:s2] =	stream.indirect.scatter.add.f32 [tilespmem:s24], [sflag:$0x6], $0x80, s1, s20, $0xb8;
	[tilespmem:$0x1F800] =	vst v63  }
0x16e: {  	_ =	swait.ge [sflag:s0], $0x3200  }
0x16f: {  	[sflag:s0] =	ssyncset.done $0x0  }
0x170: {  	s1 =	simm.s32 $0x380;
	[sflag:s0] =	ssyncadd.s32 $0xFFFFCE00  }
0x171: {  	[tilespmem:s22], [sflag:$0x2] =	stream.indirect.gather [hbm4b:s4+s20], $0x80, s1, s20, $0xb8;
	[tilespmem:$0x1F800] =	vst v63  }
0x172: {  	_ =	swait.ge [sflag:s17], $0x3200  }
0x173: {  	[sflag:s17] =	ssyncset.done $0x0  }
0x174: {  	s1 =	simm.s32 $0x1300;
	[sflag:s17] =	ssyncadd.s32 $0xFFFFCE00  }
0x175: {  	[spmem:s2] =	stream.indirect.scatter.add.f32 [tilespmem:s16], [sflag:$0x4], $0x80, s1, s20, $0xb8;
	[tilespmem:$0x1F800] =	vst v63  }
0x176: {  	_ =	swait.ge [sflag:s7], $0x3200  }
0x177: {  	[sflag:s7] =	ssyncset.done $0x0  }
0x178: {  	s6 =	simm.s32 $0x400;
	[sflag:s7] =	ssyncadd.s32 $0xFFFFCE00  }
0x179: {  	[tilespmem:s24], [sflag:$0x3] =	stream.indirect.gather [hbm4b:s4+s20], $0x80, s6, s20, $0xb8;
	[tilespmem:$0x1F800] =	vst v63  }
0x17a: {  	_ =	swait.ge [sflag:s25], $0x3200  }
0x17b: {  	[sflag:s25] =	ssyncset.done $0x0  }
0x17c: {  	s8 =	simm.s32 $0x1380;
	[sflag:s25] =	ssyncadd.s32 $0xFFFFCE00  }
0x17d: {  	[spmem:s2] =	stream.indirect.scatter.add.f32 [tilespmem:s22], [sflag:$0x5], $0x80, s8, s20, $0xb8;
	[tilespmem:$0x1F800] =	vst v63  }
0x17e: {  	_ =	swait.ge [sflag:s28], $0x3200  }
0x17f: {  	[sflag:s28] =	ssyncset.done $0x0  }
0x180: {  	s9 =	simm.s32 $0x480;
	[sflag:s28] =	ssyncadd.s32 $0xFFFFCE00  }
0x181: {  	[tilespmem:s16], [sflag:$0x1] =	stream.indirect.gather [hbm4b:s4+s20], $0x80, s9, s20, $0xb8;
	[tilespmem:$0x1F800] =	vst v63  }
0x182: {  	_ =	swait.ge [sflag:s30], $0x3200  }
0x183: {  	[sflag:s30] =	ssyncset.done $0x0  }
0x184: {  	s10 =	simm.s32 $0x1400;
	[sflag:s30] =	ssyncadd.s32 $0xFFFFCE00  }
0x185: {  	[spmem:s2] =	stream.indirect.scatter.add.f32 [tilespmem:s24], [sflag:$0x6], $0x80, s10, s20, $0xb8;
	[tilespmem:$0x1F800] =	vst v63  }
0x186: {  	_ =	swait.ge [sflag:s0], $0x3200  }
0x187: {  	[sflag:s0] =	ssyncset.done $0x0  }
0x188: {  	s31 =	simm.s32 $0x500;
	[sflag:s0] =	ssyncadd.s32 $0xFFFFCE00  }
0x189: {  	[tilespmem:s22], [sflag:$0x2] =	stream.indirect.gather [hbm4b:s4+s20], $0x80, s31, s20, $0xb8;
	[tilespmem:$0x1F800] =	vst v63  }
0x18a: {  	_ =	swait.ge [sflag:s17], $0x3200  }
0x18b: {  	[sflag:s17] =	ssyncset.done $0x0  }
0x18c: {  	s12 =	simm.s32 $0x1480;
	[sflag:s17] =	ssyncadd.s32 $0xFFFFCE00  }
0x18d: {  	[spmem:s2] =	stream.indirect.scatter.add.f32 [tilespmem:s16], [sflag:$0x4], $0x80, s12, s20, $0xb8;
	[tilespmem:$0x1F800] =	vst v63  }
0x18e: {  	_ =	swait.ge [sflag:s7], $0x3200  }
0x18f: {  	[sflag:s7] =	ssyncset.done $0x0  }
0x190: {  	s13 =	simm.s32 $0x580;
	[sflag:s7] =	ssyncadd.s32 $0xFFFFCE00  }
0x191: {  	[tilespmem:s24], [sflag:$0x3] =	stream.indirect.gather [hbm4b:s4+s20], $0x80, s13, s20, $0xb8;
	[tilespmem:$0x1F800] =	vst v63  }
0x192: {  	_ =	swait.ge [sflag:s25], $0x3200  }
0x193: {  	[sflag:s25] =	ssyncset.done $0x0  }
0x194: {  	s14 =	simm.s32 $0x1500;
	[sflag:s25] =	ssyncadd.s32 $0xFFFFCE00  }
0x195: {  	[spmem:s2] =	stream.indirect.scatter.add.f32 [tilespmem:s22], [sflag:$0x5], $0x80, s14, s20, $0xb8;
	[tilespmem:$0x1F800] =	vst v63  }
0x196: {  	_ =	swait.ge [sflag:s28], $0x3200  }
0x197: {  	[sflag:s28] =	ssyncset.done $0x0  }
0x198: {  	s15 =	simm.s32 $0x600;
	[sflag:s28] =	ssyncadd.s32 $0xFFFFCE00  }
0x199: {  	[tilespmem:s16], [sflag:$0x1] =	stream.indirect.gather [hbm4b:s4+s20], $0x80, s15, s20, $0xb8;
	[tilespmem:$0x1F800] =	vst v63  }
0x19a: {  	_ =	swait.ge [sflag:s30], $0x3200  }
0x19b: {  	[sflag:s30] =	ssyncset.done $0x0  }
0x19c: {  	s19 =	simm.s32 $0x1580;
	[sflag:s30] =	ssyncadd.s32 $0xFFFFCE00  }
0x19d: {  	[spmem:s2] =	stream.indirect.scatter.add.f32 [tilespmem:s24], [sflag:$0x6], $0x80, s19, s20, $0xb8;
	[tilespmem:$0x1F800] =	vst v63  }
0x19e: {  	_ =	swait.ge [sflag:s0], $0x3200  }
0x19f: {  	[sflag:s0] =	ssyncset.done $0x0  }
0x1a0: {  	s21 =	simm.s32 $0x680;
	[sflag:s0] =	ssyncadd.s32 $0xFFFFCE00  }
0x1a1: {  	[tilespmem:s22], [sflag:$0x2] =	stream.indirect.gather [hbm4b:s4+s20], $0x80, s21, s20, $0xb8;
	[tilespmem:$0x1F800] =	vst v63  }
0x1a2: {  	_ =	swait.ge [sflag:s17], $0x3200  }
0x1a3: {  	[sflag:s17] =	ssyncset.done $0x0  }
0x1a4: {  	s23 =	simm.s32 $0x1600;
	[sflag:s17] =	ssyncadd.s32 $0xFFFFCE00  }
0x1a5: {  	[spmem:s2] =	stream.indirect.scatter.add.f32 [tilespmem:s16], [sflag:$0x4], $0x80, s23, s20, $0xb8;
	[tilespmem:$0x1F800] =	vst v63  }
0x1a6: {  	_ =	swait.ge [sflag:s7], $0x3200  }
0x1a7: {  	[sflag:s7] =	ssyncset.done $0x0  }
0x1a8: {  	s26 =	simm.s32 $0x700;
	[sflag:s7] =	ssyncadd.s32 $0xFFFFCE00  }
0x1a9: {  	[tilespmem:s24], [sflag:$0x3] =	stream.indirect.gather [hbm4b:s4+s20], $0x80, s26, s20, $0xb8;
	[tilespmem:$0x1F800] =	vst v63  }
0x1aa: {  	_ =	swait.ge [sflag:s25], $0x3200  }
0x1ab: {  	[sflag:s25] =	ssyncset.done $0x0  }
0x1ac: {  	s12 =	simm.s32 $0x1680;
	[sflag:s25] =	ssyncadd.s32 $0xFFFFCE00  }
0x1ad: {  	[spmem:s2] =	stream.indirect.scatter.add.f32 [tilespmem:s22], [sflag:$0x5], $0x80, s12, s20, $0xb8;
	[tilespmem:$0x1F800] =	vst v63  }
0x1ae: {  	_ =	swait.ge [sflag:s28], $0x3200  }
0x1af: {  	[sflag:s28] =	ssyncset.done $0x0  }
0x1b0: {  	s12 =	simm.s32 $0x780;
	[sflag:s28] =	ssyncadd.s32 $0xFFFFCE00  }
0x1b1: {  	[tilespmem:s16], [sflag:$0x1] =	stream.indirect.gather [hbm4b:s4+s20], $0x80, s12, s20, $0xb8;
	[tilespmem:$0x1F800] =	vst v63  }
0x1b2: {  	_ =	swait.ge [sflag:s30], $0x3200  }
0x1b3: {  	[sflag:s30] =	ssyncset.done $0x0  }
0x1b4: {  	s12 =	simm.s32 $0x1700;
	[sflag:s30] =	ssyncadd.s32 $0xFFFFCE00  }
0x1b5: {  	[spmem:s2] =	stream.indirect.scatter.add.f32 [tilespmem:s24], [sflag:$0x6], $0x80, s12, s20, $0xb8;
	[tilespmem:$0x1F800] =	vst v63  }
0x1b6: {  	_ =	swait.ge [sflag:s0], $0x3200  }
0x1b7: {  	[sflag:s0] =	ssyncset.done $0x0  }
0x1b8: {  	s12 =	simm.s32 $0x800;
	[sflag:s0] =	ssyncadd.s32 $0xFFFFCE00  }
0x1b9: {  	[tilespmem:s22], [sflag:$0x2] =	stream.indirect.gather [hbm4b:s4+s20], $0x80, s12, s20, $0xb8;
	[tilespmem:$0x1F800] =	vst v63  }
0x1ba: {  	_ =	swait.ge [sflag:s17], $0x3200  }
0x1bb: {  	[sflag:s17] =	ssyncset.done $0x0  }
0x1bc: {  	s12 =	simm.s32 $0x1780;
	[sflag:s17] =	ssyncadd.s32 $0xFFFFCE00  }
0x1bd: {  	[spmem:s2] =	stream.indirect.scatter.add.f32 [tilespmem:s16], [sflag:$0x4], $0x80, s12, s20, $0xb8;
	[tilespmem:$0x1F800] =	vst v63  }
0x1be: {  	_ =	swait.ge [sflag:s7], $0x3200  }
0x1bf: {  	[sflag:s7] =	ssyncset.done $0x0  }
0x1c0: {  	s12 =	simm.s32 $0x880;
	[sflag:s7] =	ssyncadd.s32 $0xFFFFCE00  }
0x1c1: {  	[tilespmem:s24], [sflag:$0x3] =	stream.indirect.gather [hbm4b:s4+s20], $0x80, s12, s20, $0xb8;
	[tilespmem:$0x1F800] =	vst v63  }
0x1c2: {  	_ =	swait.ge [sflag:s25], $0x3200  }
0x1c3: {  	[sflag:s25] =	ssyncset.done $0x0  }
0x1c4: {  	s12 =	simm.s32 $0x1800;
	[sflag:s25] =	ssyncadd.s32 $0xFFFFCE00  }
0x1c5: {  	[spmem:s2] =	stream.indirect.scatter.add.f32 [tilespmem:s22], [sflag:$0x5], $0x80, s12, s20, $0xb8;
	[tilespmem:$0x1F800] =	vst v63  }
0x1c6: {  	_ =	swait.ge [sflag:s28], $0x3200  }
0x1c7: {  	[sflag:s28] =	ssyncset.done $0x0  }
0x1c8: {  	s12 =	simm.s32 $0x900;
	[sflag:s28] =	ssyncadd.s32 $0xFFFFCE00  }
0x1c9: {  	[tilespmem:s16], [sflag:$0x1] =	stream.indirect.gather [hbm4b:s4+s20], $0x80, s12, s20, $0xb8;
	[tilespmem:$0x1F800] =	vst v63  }
0x1ca: {  	_ =	swait.ge [sflag:s30], $0x3200  }
0x1cb: {  	[sflag:s30] =	ssyncset.done $0x0  }
0x1cc: {  	s12 =	simm.s32 $0x1880;
	[sflag:s30] =	ssyncadd.s32 $0xFFFFCE00  }
0x1cd: {  	[spmem:s2] =	stream.indirect.scatter.add.f32 [tilespmem:s24], [sflag:$0x6], $0x80, s12, s20, $0xb8;
	[tilespmem:$0x1F800] =	vst v63  }
0x1ce: {  	_ =	swait.ge [sflag:s0], $0x3200  }
0x1cf: {  	[sflag:s0] =	ssyncset.done $0x0  }
0x1d0: {  	s12 =	simm.s32 $0x980;
	[sflag:s0] =	ssyncadd.s32 $0xFFFFCE00  }
0x1d1: {  	[tilespmem:s22], [sflag:$0x2] =	stream.indirect.gather [hbm4b:s4+s20], $0x80, s12, s20, $0xb8;
	[tilespmem:$0x1F800] =	vst v63  }
0x1d2: {  	_ =	swait.ge [sflag:s17], $0x3200  }
0x1d3: {  	[sflag:s17] =	ssyncset.done $0x0  }
0x1d4: {  	s12 =	simm.s32 $0x1900;
	[sflag:s17] =	ssyncadd.s32 $0xFFFFCE00  }
0x1d5: {  	[spmem:s2] =	stream.indirect.scatter.add.f32 [tilespmem:s16], [sflag:$0x4], $0x80, s12, s20, $0xb8;
	[tilespmem:$0x1F800] =	vst v63  }
0x1d6: {  	_ =	swait.ge [sflag:s7], $0x3200  }
0x1d7: {  	[sflag:s7] =	ssyncset.done $0x0  }
0x1d8: {  	s12 =	simm.s32 $0xA00;
	[sflag:s7] =	ssyncadd.s32 $0xFFFFCE00  }
0x1d9: {  	[tilespmem:s24], [sflag:$0x3] =	stream.indirect.gather [hbm4b:s4+s20], $0x80, s12, s20, $0xb8;
	[tilespmem:$0x1F800] =	vst v63  }
0x1da: {  	_ =	swait.ge [sflag:s25], $0x3200  }
0x1db: {  	[sflag:s25] =	ssyncset.done $0x0  }
0x1dc: {  	s12 =	simm.s32 $0x1980;
	[sflag:s25] =	ssyncadd.s32 $0xFFFFCE00  }
0x1dd: {  	[spmem:s2] =	stream.indirect.scatter.add.f32 [tilespmem:s22], [sflag:$0x5], $0x80, s12, s20, $0xb8;
	[tilespmem:$0x1F800] =	vst v63  }
0x1de: {  	_ =	swait.ge [sflag:s28], $0x3200  }
0x1df: {  	[sflag:s28] =	ssyncset.done $0x0  }
0x1e0: {  	s12 =	simm.s32 $0xA80;
	[sflag:s28] =	ssyncadd.s32 $0xFFFFCE00  }
0x1e1: {  	[tilespmem:s16], [sflag:$0x1] =	stream.indirect.gather [hbm4b:s4+s20], $0x80, s12, s20, $0xb8;
	[tilespmem:$0x1F800] =	vst v63  }
0x1e2: {  	_ =	swait.ge [sflag:s30], $0x3200  }
0x1e3: {  	[sflag:s30] =	ssyncset.done $0x0  }
0x1e4: {  	s12 =	simm.s32 $0x1A00;
	[sflag:s30] =	ssyncadd.s32 $0xFFFFCE00  }
0x1e5: {  	[spmem:s2] =	stream.indirect.scatter.add.f32 [tilespmem:s24], [sflag:$0x6], $0x80, s12, s20, $0xb8;
	[tilespmem:$0x1F800] =	vst v63  }
0x1e6: {  	_ =	swait.ge [sflag:s0], $0x3200  }
0x1e7: {  	[sflag:s0] =	ssyncset.done $0x0  }
0x1e8: {  	s12 =	simm.s32 $0xB00;
	[sflag:s0] =	ssyncadd.s32 $0xFFFFCE00  }
0x1e9: {  	[tilespmem:s22], [sflag:$0x2] =	stream.indirect.gather [hbm4b:s4+s20], $0x80, s12, s20, $0xb8;
	[tilespmem:$0x1F800] =	vst v63  }
0x1ea: {  	_ =	swait.ge [sflag:s17], $0x3200  }
0x1eb: {  	[sflag:s17] =	ssyncset.done $0x0  }
0x1ec: {  	s12 =	simm.s32 $0x1A80;
	[sflag:s17] =	ssyncadd.s32 $0xFFFFCE00  }
0x1ed: {  	[spmem:s2] =	stream.indirect.scatter.add.f32 [tilespmem:s16], [sflag:$0x4], $0x80, s12, s20, $0xb8;
	[tilespmem:$0x1F800] =	vst v63  }
0x1ee: {  	_ =	swait.ge [sflag:s7], $0x3200  }
0x1ef: {  	[sflag:s7] =	ssyncset.done $0x0  }
0x1f0: {  	s12 =	simm.s32 $0xB80;
	[sflag:s7] =	ssyncadd.s32 $0xFFFFCE00  }
0x1f1: {  	[tilespmem:s24], [sflag:$0x3] =	stream.indirect.gather [hbm4b:s4+s20], $0x80, s12, s20, $0xb8;
	[tilespmem:$0x1F800] =	vst v63  }
0x1f2: {  	_ =	swait.ge [sflag:s25], $0x3200  }
0x1f3: {  	[sflag:s25] =	ssyncset.done $0x0  }
0x1f4: {  	s12 =	simm.s32 $0x1B00;
	[sflag:s25] =	ssyncadd.s32 $0xFFFFCE00  }
0x1f5: {  	[spmem:s2] =	stream.indirect.scatter.add.f32 [tilespmem:s22], [sflag:$0x5], $0x80, s12, s20, $0xb8;
	[tilespmem:$0x1F800] =	vst v63  }
0x1f6: {  	_ =	swait.ge [sflag:s28], $0x3200  }
0x1f7: {  	[sflag:s28] =	ssyncset.done $0x0  }
0x1f8: {  	s12 =	simm.s32 $0xC00;
	[sflag:s28] =	ssyncadd.s32 $0xFFFFCE00  }
0x1f9: {  	[tilespmem:s16], [sflag:$0x1] =	stream.indirect.gather [hbm4b:s4+s20], $0x80, s12, s20, $0xb8;
	[tilespmem:$0x1F800] =	vst v63  }
0x1fa: {  	_ =	swait.ge [sflag:s30], $0x3200  }
0x1fb: {  	[sflag:s30] =	ssyncset.done $0x0  }
0x1fc: {  	s12 =	simm.s32 $0x1B80;
	[sflag:s30] =	ssyncadd.s32 $0xFFFFCE00  }
0x1fd: {  	[spmem:s2] =	stream.indirect.scatter.add.f32 [tilespmem:s24], [sflag:$0x6], $0x80, s12, s20, $0xb8;
	[tilespmem:$0x1F800] =	vst v63  }
0x1fe: {  	_ =	swait.ge [sflag:s17], $0x3200  }
0x1ff: {  	[sflag:s17] =	ssyncset.done $0x0  }
0x200: {  	s12 =	simm.s32 $0x1C00;
	[sflag:s17] =	ssyncadd.s32 $0xFFFFCE00  }
0x201: {  	[spmem:s2] =	stream.indirect.scatter.add.f32 [tilespmem:s16], [sflag:$0x4], $0x80, s12, s20, $0xb8;
	[tilespmem:$0x1F800] =	vst v63  }
0x202: {  	_ =	swait.ge [sflag:s0], $0x3200  }
0x203: {  	[sflag:s0] =	ssyncset.done $0x0  }
0x204: {  	[sflag:s0] =	ssyncadd.s32 $0xFFFFCE00  }
0x205: {  	_ =	swait.ge [sflag:s7], $0x3200  }
0x206: {  	[sflag:s7] =	ssyncset.done $0x0  }
0x207: {  	[sflag:s7] =	ssyncadd.s32 $0xFFFFCE00  }
0x208: {  	_ =	swait.ge [sflag:s28], $0x3200  }
0x209: {  	[sflag:s28] =	ssyncset.done $0x0  }
0x20a: {  	s12 =	rddreg [dreg:$0x8];
	[sflag:s28] =	ssyncadd.s32 $0xFFFFCE00  }
0x20b: {  	[tilespmem:s11], [sflag:$0x7] =	stream.linear.gather [hbm4b:s12+s11], $0xC80, $0x38;
	[tilespmem:$0x1F800] =	vst v63  }
0x20c: {  	_ =	swait.ge [sflag:s18], $0xC80  }
0x20d: {  	[sflag:s18] =	ssyncset.done $0x0  }
0x20e: {  	s12 =	rddreg [dreg:$0x9];
	[sflag:s18] =	ssyncadd.s32 $0xFFFFF380  }
0x20f: {  	[tilespmem:s3], [sflag:$0x7] =	stream.linear.gather [hbm4b:s12+s11], $0xC80, $0x38;
	[tilespmem:$0x1F800] =	vst v63  }
0x210: {  	_ =	swait.ge [sflag:s18], $0xC80  }
0x211: {  	[sflag:s18] =	ssyncset.done $0x0  }
0x212: {  	[sflag:s18] =	ssyncadd.s32 $0xFFFFF380  }
0x213: {  	[tilespmem:s16], [sflag:$0x1] =	stream.indirect.gather [hbm4b:s4+s20], $0x80, s11, s20, $0xb8;
	[tilespmem:$0x1F800] =	vst v63  }
0x214: {  	s12 =	simm.s32 $0x80  }
0x215: {  	[tilespmem:s22], [sflag:$0x2] =	stream.indirect.gather [hbm4b:s4+s20], $0x80, s12, s20, $0xb8;
	[tilespmem:$0x1F800] =	vst v63  }
0x216: {  	_ =	swait.ge [sflag:s17], $0x3200  }
0x217: {  	[sflag:s17] =	ssyncset.done $0x0  }
0x218: {  	[sflag:s17] =	ssyncadd.s32 $0xFFFFCE00  }
0x219: {  	[spmem:s2] =	stream.indirect.scatter.add.f32 [tilespmem:s16], [sflag:$0x4], $0x80, s3, s20, $0xb8;
	[tilespmem:$0x1F800] =	vst v63  }
0x21a: {  	s12 =	simm.s32 $0x100  }
0x21b: {  	[tilespmem:s24], [sflag:$0x3] =	stream.indirect.gather [hbm4b:s4+s20], $0x80, s12, s20, $0xb8;
	[tilespmem:$0x1F800] =	vst v63  }
0x21c: {  	_ =	swait.ge [sflag:s25], $0x3200  }
0x21d: {  	[sflag:s25] =	ssyncset.done $0x0  }
0x21e: {  	s12 =	simm.s32 $0x1080;
	[sflag:s25] =	ssyncadd.s32 $0xFFFFCE00  }
0x21f: {  	[spmem:s2] =	stream.indirect.scatter.add.f32 [tilespmem:s22], [sflag:$0x5], $0x80, s12, s20, $0xb8;
	[tilespmem:$0x1F800] =	vst v63  }
0x220: {  	_ =	swait.ge [sflag:s28], $0x3200  }
0x221: {  	[sflag:s28] =	ssyncset.done $0x0  }
0x222: {  	s12 =	simm.s32 $0x180;
	[sflag:s28] =	ssyncadd.s32 $0xFFFFCE00  }
0x223: {  	[tilespmem:s16], [sflag:$0x1] =	stream.indirect.gather [hbm4b:s4+s20], $0x80, s12, s20, $0xb8;
	[tilespmem:$0x1F800] =	vst v63  }
0x224: {  	_ =	swait.ge [sflag:s30], $0x3200  }
0x225: {  	[sflag:s30] =	ssyncset.done $0x0  }
0x226: {  	s12 =	simm.s32 $0x1100;
	[sflag:s30] =	ssyncadd.s32 $0xFFFFCE00  }
0x227: {  	[spmem:s2] =	stream.indirect.scatter.add.f32 [tilespmem:s24], [sflag:$0x6], $0x80, s12, s20, $0xb8;
	[tilespmem:$0x1F800] =	vst v63  }
0x228: {  	_ =	swait.ge [sflag:s0], $0x3200  }
0x229: {  	[sflag:s0] =	ssyncset.done $0x0  }
0x22a: {  	s12 =	simm.s32 $0x200;
	[sflag:s0] =	ssyncadd.s32 $0xFFFFCE00  }
0x22b: {  	[tilespmem:s22], [sflag:$0x2] =	stream.indirect.gather [hbm4b:s4+s20], $0x80, s12, s20, $0xb8;
	[tilespmem:$0x1F800] =	vst v63  }
0x22c: {  	_ =	swait.ge [sflag:s17], $0x3200  }
0x22d: {  	[sflag:s17] =	ssyncset.done $0x0  }
0x22e: {  	s12 =	simm.s32 $0x1180;
	[sflag:s17] =	ssyncadd.s32 $0xFFFFCE00  }
0x22f: {  	[spmem:s2] =	stream.indirect.scatter.add.f32 [tilespmem:s16], [sflag:$0x4], $0x80, s12, s20, $0xb8;
	[tilespmem:$0x1F800] =	vst v63  }
0x230: {  	_ =	swait.ge [sflag:s7], $0x3200  }
0x231: {  	[sflag:s7] =	ssyncset.done $0x0  }
0x232: {  	s12 =	simm.s32 $0x280;
	[sflag:s7] =	ssyncadd.s32 $0xFFFFCE00  }
0x233: {  	[tilespmem:s24], [sflag:$0x3] =	stream.indirect.gather [hbm4b:s4+s20], $0x80, s12, s20, $0xb8;
	[tilespmem:$0x1F800] =	vst v63  }
0x234: {  	_ =	swait.ge [sflag:s25], $0x3200  }
0x235: {  	[sflag:s25] =	ssyncset.done $0x0  }
0x236: {  	s12 =	simm.s32 $0x1200;
	[sflag:s25] =	ssyncadd.s32 $0xFFFFCE00  }
0x237: {  	[spmem:s2] =	stream.indirect.scatter.add.f32 [tilespmem:s22], [sflag:$0x5], $0x80, s12, s20, $0xb8;
	[tilespmem:$0x1F800] =	vst v63  }
0x238: {  	_ =	swait.ge [sflag:s28], $0x3200  }
0x239: {  	[sflag:s28] =	ssyncset.done $0x0  }
0x23a: {  	s12 =	simm.s32 $0x300;
	[sflag:s28] =	ssyncadd.s32 $0xFFFFCE00  }
0x23b: {  	[tilespmem:s16], [sflag:$0x1] =	stream.indirect.gather [hbm4b:s4+s20], $0x80, s12, s20, $0xb8;
	[tilespmem:$0x1F800] =	vst v63  }
0x23c: {  	_ =	swait.ge [sflag:s30], $0x3200  }
0x23d: {  	[sflag:s30] =	ssyncset.done $0x0  }
0x23e: {  	s12 =	simm.s32 $0x1280;
	[sflag:s30] =	ssyncadd.s32 $0xFFFFCE00  }
0x23f: {  	[spmem:s2] =	stream.indirect.scatter.add.f32 [tilespmem:s24], [sflag:$0x6], $0x80, s12, s20, $0xb8;
	[tilespmem:$0x1F800] =	vst v63  }
0x240: {  	_ =	swait.ge [sflag:s0], $0x3200  }
0x241: {  	[sflag:s0] =	ssyncset.done $0x0  }
0x242: {  	s12 =	simm.s32 $0x380;
	[sflag:s0] =	ssyncadd.s32 $0xFFFFCE00  }
0x243: {  	[tilespmem:s22], [sflag:$0x2] =	stream.indirect.gather [hbm4b:s4+s20], $0x80, s12, s20, $0xb8;
	[tilespmem:$0x1F800] =	vst v63  }
0x244: {  	_ =	swait.ge [sflag:s17], $0x3200  }
0x245: {  	[sflag:s17] =	ssyncset.done $0x0  }
0x246: {  	s12 =	simm.s32 $0x1300;
	[sflag:s17] =	ssyncadd.s32 $0xFFFFCE00  }
0x247: {  	[spmem:s2] =	stream.indirect.scatter.add.f32 [tilespmem:s16], [sflag:$0x4], $0x80, s12, s20, $0xb8;
	[tilespmem:$0x1F800] =	vst v63  }
0x248: {  	_ =	swait.ge [sflag:s7], $0x3200  }
0x249: {  	[sflag:s7] =	ssyncset.done $0x0  }
0x24a: {  	s6 =	simm.s32 $0x400;
	[sflag:s7] =	ssyncadd.s32 $0xFFFFCE00  }
0x24b: {  	[tilespmem:s24], [sflag:$0x3] =	stream.indirect.gather [hbm4b:s4+s20], $0x80, s6, s20, $0xb8;
	[tilespmem:$0x1F800] =	vst v63  }
0x24c: {  	_ =	swait.ge [sflag:s25], $0x3200  }
0x24d: {  	[sflag:s25] =	ssyncset.done $0x0  }
0x24e: {  	s8 =	simm.s32 $0x1380;
	[sflag:s25] =	ssyncadd.s32 $0xFFFFCE00  }
0x24f: {  	[spmem:s2] =	stream.indirect.scatter.add.f32 [tilespmem:s22], [sflag:$0x5], $0x80, s8, s20, $0xb8;
	[tilespmem:$0x1F800] =	vst v63  }
0x250: {  	_ =	swait.ge [sflag:s28], $0x3200  }
0x251: {  	[sflag:s28] =	ssyncset.done $0x0  }
0x252: {  	s9 =	simm.s32 $0x480;
	[sflag:s28] =	ssyncadd.s32 $0xFFFFCE00  }
0x253: {  	[tilespmem:s16], [sflag:$0x1] =	stream.indirect.gather [hbm4b:s4+s20], $0x80, s9, s20, $0xb8;
	[tilespmem:$0x1F800] =	vst v63  }
0x254: {  	_ =	swait.ge [sflag:s30], $0x3200  }
0x255: {  	[sflag:s30] =	ssyncset.done $0x0  }
0x256: {  	s10 =	simm.s32 $0x1400;
	[sflag:s30] =	ssyncadd.s32 $0xFFFFCE00  }
0x257: {  	[spmem:s2] =	stream.indirect.scatter.add.f32 [tilespmem:s24], [sflag:$0x6], $0x80, s10, s20, $0xb8;
	[tilespmem:$0x1F800] =	vst v63  }
0x258: {  	_ =	swait.ge [sflag:s0], $0x3200  }
0x259: {  	[sflag:s0] =	ssyncset.done $0x0  }
0x25a: {  	s31 =	simm.s32 $0x500;
	[sflag:s0] =	ssyncadd.s32 $0xFFFFCE00  }
0x25b: {  	[tilespmem:s22], [sflag:$0x2] =	stream.indirect.gather [hbm4b:s4+s20], $0x80, s31, s20, $0xb8;
	[tilespmem:$0x1F800] =	vst v63  }
0x25c: {  	_ =	swait.ge [sflag:s17], $0x3200  }
0x25d: {  	[sflag:s17] =	ssyncset.done $0x0  }
0x25e: {  	s31 =	simm.s32 $0x1480;
	[sflag:s17] =	ssyncadd.s32 $0xFFFFCE00  }
0x25f: {  	[spmem:s2] =	stream.indirect.scatter.add.f32 [tilespmem:s16], [sflag:$0x4], $0x80, s31, s20, $0xb8;
	[tilespmem:$0x1F800] =	vst v63  }
0x260: {  	_ =	swait.ge [sflag:s7], $0x3200  }
0x261: {  	[sflag:s7] =	ssyncset.done $0x0  }
0x262: {  	s13 =	simm.s32 $0x580;
	[sflag:s7] =	ssyncadd.s32 $0xFFFFCE00  }
0x263: {  	[tilespmem:s24], [sflag:$0x3] =	stream.indirect.gather [hbm4b:s4+s20], $0x80, s13, s20, $0xb8;
	[tilespmem:$0x1F800] =	vst v63  }
0x264: {  	_ =	swait.ge [sflag:s25], $0x3200  }
0x265: {  	[sflag:s25] =	ssyncset.done $0x0  }
0x266: {  	s14 =	simm.s32 $0x1500;
	[sflag:s25] =	ssyncadd.s32 $0xFFFFCE00  }
0x267: {  	[spmem:s2] =	stream.indirect.scatter.add.f32 [tilespmem:s22], [sflag:$0x5], $0x80, s14, s20, $0xb8;
	[tilespmem:$0x1F800] =	vst v63  }
0x268: {  	_ =	swait.ge [sflag:s28], $0x3200  }
0x269: {  	[sflag:s28] =	ssyncset.done $0x0  }
0x26a: {  	s15 =	simm.s32 $0x600;
	[sflag:s28] =	ssyncadd.s32 $0xFFFFCE00  }
0x26b: {  	[tilespmem:s16], [sflag:$0x1] =	stream.indirect.gather [hbm4b:s4+s20], $0x80, s15, s20, $0xb8;
	[tilespmem:$0x1F800] =	vst v63  }
0x26c: {  	_ =	swait.ge [sflag:s30], $0x3200  }
0x26d: {  	[sflag:s30] =	ssyncset.done $0x0  }
0x26e: {  	s19 =	simm.s32 $0x1580;
	[sflag:s30] =	ssyncadd.s32 $0xFFFFCE00  }
0x26f: {  	[spmem:s2] =	stream.indirect.scatter.add.f32 [tilespmem:s24], [sflag:$0x6], $0x80, s19, s20, $0xb8;
	[tilespmem:$0x1F800] =	vst v63  }
0x270: {  	_ =	swait.ge [sflag:s0], $0x3200  }
0x271: {  	[sflag:s0] =	ssyncset.done $0x0  }
0x272: {  	s21 =	simm.s32 $0x680;
	[sflag:s0] =	ssyncadd.s32 $0xFFFFCE00  }
0x273: {  	[tilespmem:s22], [sflag:$0x2] =	stream.indirect.gather [hbm4b:s4+s20], $0x80, s21, s20, $0xb8;
	[tilespmem:$0x1F800] =	vst v63  }
0x274: {  	_ =	swait.ge [sflag:s17], $0x3200  }
0x275: {  	[sflag:s17] =	ssyncset.done $0x0  }
0x276: {  	s23 =	simm.s32 $0x1600;
	[sflag:s17] =	ssyncadd.s32 $0xFFFFCE00  }
0x277: {  	[spmem:s2] =	stream.indirect.scatter.add.f32 [tilespmem:s16], [sflag:$0x4], $0x80, s23, s20, $0xb8;
	[tilespmem:$0x1F800] =	vst v63  }
0x278: {  	_ =	swait.ge [sflag:s7], $0x3200  }
0x279: {  	[sflag:s7] =	ssyncset.done $0x0  }
0x27a: {  	s26 =	simm.s32 $0x700;
	[sflag:s7] =	ssyncadd.s32 $0xFFFFCE00  }
0x27b: {  	[tilespmem:s24], [sflag:$0x3] =	stream.indirect.gather [hbm4b:s4+s20], $0x80, s26, s20, $0xb8;
	[tilespmem:$0x1F800] =	vst v63  }
0x27c: {  	_ =	swait.ge [sflag:s25], $0x3200  }
0x27d: {  	[sflag:s25] =	ssyncset.done $0x0  }
0x27e: {  	s1 =	simm.s32 $0x1680;
	[sflag:s25] =	ssyncadd.s32 $0xFFFFCE00  }
0x27f: {  	[spmem:s2] =	stream.indirect.scatter.add.f32 [tilespmem:s22], [sflag:$0x5], $0x80, s1, s20, $0xb8;
	[tilespmem:$0x1F800] =	vst v63  }
0x280: {  	_ =	swait.ge [sflag:s28], $0x3200  }
0x281: {  	[sflag:s28] =	ssyncset.done $0x0  }
0x282: {  	s1 =	simm.s32 $0x780;
	[sflag:s28] =	ssyncadd.s32 $0xFFFFCE00  }
0x283: {  	[tilespmem:s16], [sflag:$0x1] =	stream.indirect.gather [hbm4b:s4+s20], $0x80, s1, s20, $0xb8;
	[tilespmem:$0x1F800] =	vst v63  }
0x284: {  	_ =	swait.ge [sflag:s30], $0x3200  }
0x285: {  	[sflag:s30] =	ssyncset.done $0x0  }
0x286: {  	s1 =	simm.s32 $0x1700;
	[sflag:s30] =	ssyncadd.s32 $0xFFFFCE00  }
0x287: {  	[spmem:s2] =	stream.indirect.scatter.add.f32 [tilespmem:s24], [sflag:$0x6], $0x80, s1, s20, $0xb8;
	[tilespmem:$0x1F800] =	vst v63  }
0x288: {  	_ =	swait.ge [sflag:s0], $0x3200  }
0x289: {  	[sflag:s0] =	ssyncset.done $0x0  }
0x28a: {  	s1 =	simm.s32 $0x800;
	[sflag:s0] =	ssyncadd.s32 $0xFFFFCE00  }
0x28b: {  	[tilespmem:s22], [sflag:$0x2] =	stream.indirect.gather [hbm4b:s4+s20], $0x80, s1, s20, $0xb8;
	[tilespmem:$0x1F800] =	vst v63  }
0x28c: {  	_ =	swait.ge [sflag:s17], $0x3200  }
0x28d: {  	[sflag:s17] =	ssyncset.done $0x0  }
0x28e: {  	s1 =	simm.s32 $0x1780;
	[sflag:s17] =	ssyncadd.s32 $0xFFFFCE00  }
0x28f: {  	[spmem:s2] =	stream.indirect.scatter.add.f32 [tilespmem:s16], [sflag:$0x4], $0x80, s1, s20, $0xb8;
	[tilespmem:$0x1F800] =	vst v63  }
0x290: {  	_ =	swait.ge [sflag:s7], $0x3200  }
0x291: {  	[sflag:s7] =	ssyncset.done $0x0  }
0x292: {  	s1 =	simm.s32 $0x880;
	[sflag:s7] =	ssyncadd.s32 $0xFFFFCE00  }
0x293: {  	[tilespmem:s24], [sflag:$0x3] =	stream.indirect.gather [hbm4b:s4+s20], $0x80, s1, s20, $0xb8;
	[tilespmem:$0x1F800] =	vst v63  }
0x294: {  	_ =	swait.ge [sflag:s25], $0x3200  }
0x295: {  	[sflag:s25] =	ssyncset.done $0x0  }
0x296: {  	s1 =	simm.s32 $0x1800;
	[sflag:s25] =	ssyncadd.s32 $0xFFFFCE00  }
0x297: {  	[spmem:s2] =	stream.indirect.scatter.add.f32 [tilespmem:s22], [sflag:$0x5], $0x80, s1, s20, $0xb8;
	[tilespmem:$0x1F800] =	vst v63  }
0x298: {  	_ =	swait.ge [sflag:s28], $0x3200  }
0x299: {  	[sflag:s28] =	ssyncset.done $0x0  }
0x29a: {  	s1 =	simm.s32 $0x900;
	[sflag:s28] =	ssyncadd.s32 $0xFFFFCE00  }
0x29b: {  	[tilespmem:s16], [sflag:$0x1] =	stream.indirect.gather [hbm4b:s4+s20], $0x80, s1, s20, $0xb8;
	[tilespmem:$0x1F800] =	vst v63  }
0x29c: {  	_ =	swait.ge [sflag:s30], $0x3200  }
0x29d: {  	[sflag:s30] =	ssyncset.done $0x0  }
0x29e: {  	s1 =	simm.s32 $0x1880;
	[sflag:s30] =	ssyncadd.s32 $0xFFFFCE00  }
0x29f: {  	[spmem:s2] =	stream.indirect.scatter.add.f32 [tilespmem:s24], [sflag:$0x6], $0x80, s1, s20, $0xb8;
	[tilespmem:$0x1F800] =	vst v63  }
0x2a0: {  	_ =	swait.ge [sflag:s0], $0x3200  }
0x2a1: {  	[sflag:s0] =	ssyncset.done $0x0  }
0x2a2: {  	s1 =	simm.s32 $0x980;
	[sflag:s0] =	ssyncadd.s32 $0xFFFFCE00  }
0x2a3: {  	[tilespmem:s22], [sflag:$0x2] =	stream.indirect.gather [hbm4b:s4+s20], $0x80, s1, s20, $0xb8;
	[tilespmem:$0x1F800] =	vst v63  }
0x2a4: {  	_ =	swait.ge [sflag:s17], $0x3200  }
0x2a5: {  	[sflag:s17] =	ssyncset.done $0x0  }
0x2a6: {  	s1 =	simm.s32 $0x1900;
	[sflag:s17] =	ssyncadd.s32 $0xFFFFCE00  }
0x2a7: {  	[spmem:s2] =	stream.indirect.scatter.add.f32 [tilespmem:s16], [sflag:$0x4], $0x80, s1, s20, $0xb8;
	[tilespmem:$0x1F800] =	vst v63  }
0x2a8: {  	_ =	swait.ge [sflag:s7], $0x3200  }
0x2a9: {  	[sflag:s7] =	ssyncset.done $0x0  }
0x2aa: {  	s1 =	simm.s32 $0xA00;
	[sflag:s7] =	ssyncadd.s32 $0xFFFFCE00  }
0x2ab: {  	[tilespmem:s24], [sflag:$0x3] =	stream.indirect.gather [hbm4b:s4+s20], $0x80, s1, s20, $0xb8;
	[tilespmem:$0x1F800] =	vst v63  }
0x2ac: {  	_ =	swait.ge [sflag:s25], $0x3200  }
0x2ad: {  	[sflag:s25] =	ssyncset.done $0x0  }
0x2ae: {  	s1 =	simm.s32 $0x1980;
	[sflag:s25] =	ssyncadd.s32 $0xFFFFCE00  }
0x2af: {  	[spmem:s2] =	stream.indirect.scatter.add.f32 [tilespmem:s22], [sflag:$0x5], $0x80, s1, s20, $0xb8;
	[tilespmem:$0x1F800] =	vst v63  }
0x2b0: {  	_ =	swait.ge [sflag:s28], $0x3200  }
0x2b1: {  	[sflag:s28] =	ssyncset.done $0x0  }
0x2b2: {  	s1 =	simm.s32 $0xA80;
	[sflag:s28] =	ssyncadd.s32 $0xFFFFCE00  }
0x2b3: {  	[tilespmem:s16], [sflag:$0x1] =	stream.indirect.gather [hbm4b:s4+s20], $0x80, s1, s20, $0xb8;
	[tilespmem:$0x1F800] =	vst v63  }
0x2b4: {  	_ =	swait.ge [sflag:s30], $0x3200  }
0x2b5: {  	[sflag:s30] =	ssyncset.done $0x0  }
0x2b6: {  	s1 =	simm.s32 $0x1A00;
	[sflag:s30] =	ssyncadd.s32 $0xFFFFCE00  }
0x2b7: {  	[spmem:s2] =	stream.indirect.scatter.add.f32 [tilespmem:s24], [sflag:$0x6], $0x80, s1, s20, $0xb8;
	[tilespmem:$0x1F800] =	vst v63  }
0x2b8: {  	_ =	swait.ge [sflag:s0], $0x3200  }
0x2b9: {  	[sflag:s0] =	ssyncset.done $0x0  }
0x2ba: {  	s1 =	simm.s32 $0xB00;
	[sflag:s0] =	ssyncadd.s32 $0xFFFFCE00  }
0x2bb: {  	[tilespmem:s22], [sflag:$0x2] =	stream.indirect.gather [hbm4b:s4+s20], $0x80, s1, s20, $0xb8;
	[tilespmem:$0x1F800] =	vst v63  }
0x2bc: {  	_ =	swait.ge [sflag:s17], $0x3200  }
0x2bd: {  	[sflag:s17] =	ssyncset.done $0x0  }
0x2be: {  	s1 =	simm.s32 $0x1A80;
	[sflag:s17] =	ssyncadd.s32 $0xFFFFCE00  }
0x2bf: {  	[spmem:s2] =	stream.indirect.scatter.add.f32 [tilespmem:s16], [sflag:$0x4], $0x80, s1, s20, $0xb8;
	[tilespmem:$0x1F800] =	vst v63  }
0x2c0: {  	_ =	swait.ge [sflag:s7], $0x3200  }
0x2c1: {  	[sflag:s7] =	ssyncset.done $0x0  }
0x2c2: {  	s1 =	simm.s32 $0xB80;
	[sflag:s7] =	ssyncadd.s32 $0xFFFFCE00  }
0x2c3: {  	[tilespmem:s24], [sflag:$0x3] =	stream.indirect.gather [hbm4b:s4+s20], $0x80, s1, s20, $0xb8;
	[tilespmem:$0x1F800] =	vst v63  }
0x2c4: {  	_ =	swait.ge [sflag:s25], $0x3200  }
0x2c5: {  	[sflag:s25] =	ssyncset.done $0x0  }
0x2c6: {  	s1 =	simm.s32 $0x1B00;
	[sflag:s25] =	ssyncadd.s32 $0xFFFFCE00  }
0x2c7: {  	[spmem:s2] =	stream.indirect.scatter.add.f32 [tilespmem:s22], [sflag:$0x5], $0x80, s1, s20, $0xb8;
	[tilespmem:$0x1F800] =	vst v63  }
0x2c8: {  	_ =	swait.ge [sflag:s28], $0x3200  }
0x2c9: {  	[sflag:s28] =	ssyncset.done $0x0  }
0x2ca: {  	s1 =	simm.s32 $0xC00;
	[sflag:s28] =	ssyncadd.s32 $0xFFFFCE00  }
0x2cb: {  	[tilespmem:s16], [sflag:$0x1] =	stream.indirect.gather [hbm4b:s4+s20], $0x80, s1, s20, $0xb8;
	[tilespmem:$0x1F800] =	vst v63  }
0x2cc: {  	_ =	swait.ge [sflag:s30], $0x3200  }
0x2cd: {  	[sflag:s30] =	ssyncset.done $0x0  }
0x2ce: {  	s1 =	simm.s32 $0x1B80;
	[sflag:s30] =	ssyncadd.s32 $0xFFFFCE00  }
0x2cf: {  	[spmem:s2] =	stream.indirect.scatter.add.f32 [tilespmem:s24], [sflag:$0x6], $0x80, s1, s20, $0xb8;
	[tilespmem:$0x1F800] =	vst v63  }
0x2d0: {  	_ =	swait.ge [sflag:s17], $0x3200  }
0x2d1: {  	[sflag:s17] =	ssyncset.done $0x0  }
0x2d2: {  	s1 =	simm.s32 $0x1C00;
	[sflag:s17] =	ssyncadd.s32 $0xFFFFCE00  }
0x2d3: {  	[spmem:s2] =	stream.indirect.scatter.add.f32 [tilespmem:s16], [sflag:$0x4], $0x80, s1, s20, $0xb8;
	[tilespmem:$0x1F800] =	vst v63  }
0x2d4: {  	_ =	swait.ge [sflag:s0], $0x3200  }
0x2d5: {  	[sflag:s0] =	ssyncset.done $0x0  }
0x2d6: {  	[sflag:s0] =	ssyncadd.s32 $0xFFFFCE00  }
0x2d7: {  	_ =	swait.ge [sflag:s7], $0x3200  }
0x2d8: {  	[sflag:s7] =	ssyncset.done $0x0  }
0x2d9: {  	[sflag:s7] =	ssyncadd.s32 $0xFFFFCE00  }
0x2da: {  	_ =	swait.ge [sflag:s28], $0x3200  }
0x2db: {  	[sflag:s28] =	ssyncset.done $0x0  }
0x2dc: {  	s1 =	rddreg [dreg:$0xa];
	[sflag:s28] =	ssyncadd.s32 $0xFFFFCE00  }
0x2dd: {  	[tilespmem:s11], [sflag:$0x7] =	stream.linear.gather [hbm4b:s1+s11], $0xC80, $0x38;
	[tilespmem:$0x1F800] =	vst v63  }
0x2de: {  	_ =	swait.ge [sflag:s18], $0xC80  }
0x2df: {  	[sflag:s18] =	ssyncset.done $0x0  }
0x2e0: {  	s1 =	rddreg [dreg:$0xb];
	[sflag:s18] =	ssyncadd.s32 $0xFFFFF380  }
0x2e1: {  	[tilespmem:s3], [sflag:$0x7] =	stream.linear.gather [hbm4b:s1+s11], $0xC80, $0x38;
	[tilespmem:$0x1F800] =	vst v63  }
0x2e2: {  	_ =	swait.ge [sflag:s18], $0xC80  }
0x2e3: {  	[sflag:s18] =	ssyncset.done $0x0  }
0x2e4: {  	[sflag:s18] =	ssyncadd.s32 $0xFFFFF380  }
0x2e5: {  	[tilespmem:s16], [sflag:$0x1] =	stream.indirect.gather [hbm4b:s4+s20], $0x80, s11, s20, $0xb8;
	[tilespmem:$0x1F800] =	vst v63  }
0x2e6: {  	s1 =	simm.s32 $0x80  }
0x2e7: {  	[tilespmem:s22], [sflag:$0x2] =	stream.indirect.gather [hbm4b:s4+s20], $0x80, s1, s20, $0xb8;
	[tilespmem:$0x1F800] =	vst v63  }
0x2e8: {  	_ =	swait.ge [sflag:s17], $0x3200  }
0x2e9: {  	[sflag:s17] =	ssyncset.done $0x0  }
0x2ea: {  	[sflag:s17] =	ssyncadd.s32 $0xFFFFCE00  }
0x2eb: {  	[spmem:s2] =	stream.indirect.scatter.add.f32 [tilespmem:s16], [sflag:$0x4], $0x80, s3, s20, $0xb8;
	[tilespmem:$0x1F800] =	vst v63  }
0x2ec: {  	s1 =	simm.s32 $0x100  }
0x2ed: {  	[tilespmem:s24], [sflag:$0x3] =	stream.indirect.gather [hbm4b:s4+s20], $0x80, s1, s20, $0xb8;
	[tilespmem:$0x1F800] =	vst v63  }
0x2ee: {  	_ =	swait.ge [sflag:s25], $0x3200  }
0x2ef: {  	[sflag:s25] =	ssyncset.done $0x0  }
0x2f0: {  	s1 =	simm.s32 $0x1080;
	[sflag:s25] =	ssyncadd.s32 $0xFFFFCE00  }
0x2f1: {  	[spmem:s2] =	stream.indirect.scatter.add.f32 [tilespmem:s22], [sflag:$0x5], $0x80, s1, s20, $0xb8;
	[tilespmem:$0x1F800] =	vst v63  }
0x2f2: {  	_ =	swait.ge [sflag:s28], $0x3200  }
0x2f3: {  	[sflag:s28] =	ssyncset.done $0x0  }
0x2f4: {  	s1 =	simm.s32 $0x180;
	[sflag:s28] =	ssyncadd.s32 $0xFFFFCE00  }
0x2f5: {  	[tilespmem:s16], [sflag:$0x1] =	stream.indirect.gather [hbm4b:s4+s20], $0x80, s1, s20, $0xb8;
	[tilespmem:$0x1F800] =	vst v63  }
0x2f6: {  	_ =	swait.ge [sflag:s30], $0x3200  }
0x2f7: {  	[sflag:s30] =	ssyncset.done $0x0  }
0x2f8: {  	s1 =	simm.s32 $0x1100;
	[sflag:s30] =	ssyncadd.s32 $0xFFFFCE00  }
0x2f9: {  	[spmem:s2] =	stream.indirect.scatter.add.f32 [tilespmem:s24], [sflag:$0x6], $0x80, s1, s20, $0xb8;
	[tilespmem:$0x1F800] =	vst v63  }
0x2fa: {  	_ =	swait.ge [sflag:s0], $0x3200  }
0x2fb: {  	[sflag:s0] =	ssyncset.done $0x0  }
0x2fc: {  	s1 =	simm.s32 $0x200;
	[sflag:s0] =	ssyncadd.s32 $0xFFFFCE00  }
0x2fd: {  	[tilespmem:s22], [sflag:$0x2] =	stream.indirect.gather [hbm4b:s4+s20], $0x80, s1, s20, $0xb8;
	[tilespmem:$0x1F800] =	vst v63  }
0x2fe: {  	_ =	swait.ge [sflag:s17], $0x3200  }
0x2ff: {  	[sflag:s17] =	ssyncset.done $0x0  }
0x300: {  	s1 =	simm.s32 $0x1180;
	[sflag:s17] =	ssyncadd.s32 $0xFFFFCE00  }
0x301: {  	[spmem:s2] =	stream.indirect.scatter.add.f32 [tilespmem:s16], [sflag:$0x4], $0x80, s1, s20, $0xb8;
	[tilespmem:$0x1F800] =	vst v63  }
0x302: {  	_ =	swait.ge [sflag:s7], $0x3200  }
0x303: {  	[sflag:s7] =	ssyncset.done $0x0  }
0x304: {  	s1 =	simm.s32 $0x280;
	[sflag:s7] =	ssyncadd.s32 $0xFFFFCE00  }
0x305: {  	[tilespmem:s24], [sflag:$0x3] =	stream.indirect.gather [hbm4b:s4+s20], $0x80, s1, s20, $0xb8;
	[tilespmem:$0x1F800] =	vst v63  }
0x306: {  	_ =	swait.ge [sflag:s25], $0x3200  }
0x307: {  	[sflag:s25] =	ssyncset.done $0x0  }
0x308: {  	s1 =	simm.s32 $0x1200;
	[sflag:s25] =	ssyncadd.s32 $0xFFFFCE00  }
0x309: {  	[spmem:s2] =	stream.indirect.scatter.add.f32 [tilespmem:s22], [sflag:$0x5], $0x80, s1, s20, $0xb8;
	[tilespmem:$0x1F800] =	vst v63  }
0x30a: {  	_ =	swait.ge [sflag:s28], $0x3200  }
0x30b: {  	[sflag:s28] =	ssyncset.done $0x0  }
0x30c: {  	s1 =	simm.s32 $0x300;
	[sflag:s28] =	ssyncadd.s32 $0xFFFFCE00  }
0x30d: {  	[tilespmem:s16], [sflag:$0x1] =	stream.indirect.gather [hbm4b:s4+s20], $0x80, s1, s20, $0xb8;
	[tilespmem:$0x1F800] =	vst v63  }
0x30e: {  	_ =	swait.ge [sflag:s30], $0x3200  }
0x30f: {  	[sflag:s30] =	ssyncset.done $0x0  }
0x310: {  	s1 =	simm.s32 $0x1280;
	[sflag:s30] =	ssyncadd.s32 $0xFFFFCE00  }
0x311: {  	[spmem:s2] =	stream.indirect.scatter.add.f32 [tilespmem:s24], [sflag:$0x6], $0x80, s1, s20, $0xb8;
	[tilespmem:$0x1F800] =	vst v63  }
0x312: {  	_ =	swait.ge [sflag:s0], $0x3200  }
0x313: {  	[sflag:s0] =	ssyncset.done $0x0  }
0x314: {  	s1 =	simm.s32 $0x380;
	[sflag:s0] =	ssyncadd.s32 $0xFFFFCE00  }
0x315: {  	[tilespmem:s22], [sflag:$0x2] =	stream.indirect.gather [hbm4b:s4+s20], $0x80, s1, s20, $0xb8;
	[tilespmem:$0x1F800] =	vst v63  }
0x316: {  	_ =	swait.ge [sflag:s17], $0x3200  }
0x317: {  	[sflag:s17] =	ssyncset.done $0x0  }
0x318: {  	s1 =	simm.s32 $0x1300;
	[sflag:s17] =	ssyncadd.s32 $0xFFFFCE00  }
0x319: {  	[spmem:s2] =	stream.indirect.scatter.add.f32 [tilespmem:s16], [sflag:$0x4], $0x80, s1, s20, $0xb8;
	[tilespmem:$0x1F800] =	vst v63  }
0x31a: {  	_ =	swait.ge [sflag:s7], $0x3200  }
0x31b: {  	[sflag:s7] =	ssyncset.done $0x0  }
0x31c: {  	s6 =	simm.s32 $0x400;
	[sflag:s7] =	ssyncadd.s32 $0xFFFFCE00  }
0x31d: {  	[tilespmem:s24], [sflag:$0x3] =	stream.indirect.gather [hbm4b:s4+s20], $0x80, s6, s20, $0xb8;
	[tilespmem:$0x1F800] =	vst v63  }
0x31e: {  	_ =	swait.ge [sflag:s25], $0x3200  }
0x31f: {  	[sflag:s25] =	ssyncset.done $0x0  }
0x320: {  	s8 =	simm.s32 $0x1380;
	[sflag:s25] =	ssyncadd.s32 $0xFFFFCE00  }
0x321: {  	[spmem:s2] =	stream.indirect.scatter.add.f32 [tilespmem:s22], [sflag:$0x5], $0x80, s8, s20, $0xb8;
	[tilespmem:$0x1F800] =	vst v63  }
0x322: {  	_ =	swait.ge [sflag:s28], $0x3200  }
0x323: {  	[sflag:s28] =	ssyncset.done $0x0  }
0x324: {  	s9 =	simm.s32 $0x480;
	[sflag:s28] =	ssyncadd.s32 $0xFFFFCE00  }
0x325: {  	[tilespmem:s16], [sflag:$0x1] =	stream.indirect.gather [hbm4b:s4+s20], $0x80, s9, s20, $0xb8;
	[tilespmem:$0x1F800] =	vst v63  }
0x326: {  	_ =	swait.ge [sflag:s30], $0x3200  }
0x327: {  	[sflag:s30] =	ssyncset.done $0x0  }
0x328: {  	s10 =	simm.s32 $0x1400;
	[sflag:s30] =	ssyncadd.s32 $0xFFFFCE00  }
0x329: {  	[spmem:s2] =	stream.indirect.scatter.add.f32 [tilespmem:s24], [sflag:$0x6], $0x80, s10, s20, $0xb8;
	[tilespmem:$0x1F800] =	vst v63  }
0x32a: {  	_ =	swait.ge [sflag:s0], $0x3200  }
0x32b: {  	[sflag:s0] =	ssyncset.done $0x0  }
0x32c: {  	s12 =	simm.s32 $0x500;
	[sflag:s0] =	ssyncadd.s32 $0xFFFFCE00  }
0x32d: {  	[tilespmem:s22], [sflag:$0x2] =	stream.indirect.gather [hbm4b:s4+s20], $0x80, s12, s20, $0xb8;
	[tilespmem:$0x1F800] =	vst v63  }
0x32e: {  	_ =	swait.ge [sflag:s17], $0x3200  }
0x32f: {  	[sflag:s17] =	ssyncset.done $0x0  }
0x330: {  	s31 =	simm.s32 $0x1480;
	[sflag:s17] =	ssyncadd.s32 $0xFFFFCE00  }
0x331: {  	[spmem:s2] =	stream.indirect.scatter.add.f32 [tilespmem:s16], [sflag:$0x4], $0x80, s31, s20, $0xb8;
	[tilespmem:$0x1F800] =	vst v63  }
0x332: {  	_ =	swait.ge [sflag:s7], $0x3200  }
0x333: {  	[sflag:s7] =	ssyncset.done $0x0  }
0x334: {  	s13 =	simm.s32 $0x580;
	[sflag:s7] =	ssyncadd.s32 $0xFFFFCE00  }
0x335: {  	[tilespmem:s24], [sflag:$0x3] =	stream.indirect.gather [hbm4b:s4+s20], $0x80, s13, s20, $0xb8;
	[tilespmem:$0x1F800] =	vst v63  }
0x336: {  	_ =	swait.ge [sflag:s25], $0x3200  }
0x337: {  	[sflag:s25] =	ssyncset.done $0x0  }
0x338: {  	s14 =	simm.s32 $0x1500;
	[sflag:s25] =	ssyncadd.s32 $0xFFFFCE00  }
0x339: {  	[spmem:s2] =	stream.indirect.scatter.add.f32 [tilespmem:s22], [sflag:$0x5], $0x80, s14, s20, $0xb8;
	[tilespmem:$0x1F800] =	vst v63  }
0x33a: {  	_ =	swait.ge [sflag:s28], $0x3200  }
0x33b: {  	[sflag:s28] =	ssyncset.done $0x0  }
0x33c: {  	s15 =	simm.s32 $0x600;
	[sflag:s28] =	ssyncadd.s32 $0xFFFFCE00  }
0x33d: {  	[tilespmem:s16], [sflag:$0x1] =	stream.indirect.gather [hbm4b:s4+s20], $0x80, s15, s20, $0xb8;
	[tilespmem:$0x1F800] =	vst v63  }
0x33e: {  	_ =	swait.ge [sflag:s30], $0x3200  }
0x33f: {  	[sflag:s30] =	ssyncset.done $0x0  }
0x340: {  	s19 =	simm.s32 $0x1580;
	[sflag:s30] =	ssyncadd.s32 $0xFFFFCE00  }
0x341: {  	[spmem:s2] =	stream.indirect.scatter.add.f32 [tilespmem:s24], [sflag:$0x6], $0x80, s19, s20, $0xb8;
	[tilespmem:$0x1F800] =	vst v63  }
0x342: {  	_ =	swait.ge [sflag:s0], $0x3200  }
0x343: {  	[sflag:s0] =	ssyncset.done $0x0  }
0x344: {  	s21 =	simm.s32 $0x680;
	[sflag:s0] =	ssyncadd.s32 $0xFFFFCE00  }
0x345: {  	[tilespmem:s22], [sflag:$0x2] =	stream.indirect.gather [hbm4b:s4+s20], $0x80, s21, s20, $0xb8;
	[tilespmem:$0x1F800] =	vst v63  }
0x346: {  	_ =	swait.ge [sflag:s17], $0x3200  }
0x347: {  	[sflag:s17] =	ssyncset.done $0x0  }
0x348: {  	s23 =	simm.s32 $0x1600;
	[sflag:s17] =	ssyncadd.s32 $0xFFFFCE00  }
0x349: {  	[spmem:s2] =	stream.indirect.scatter.add.f32 [tilespmem:s16], [sflag:$0x4], $0x80, s23, s20, $0xb8;
	[tilespmem:$0x1F800] =	vst v63  }
0x34a: {  	_ =	swait.ge [sflag:s7], $0x3200  }
0x34b: {  	[sflag:s7] =	ssyncset.done $0x0  }
0x34c: {  	s26 =	simm.s32 $0x700;
	[sflag:s7] =	ssyncadd.s32 $0xFFFFCE00  }
0x34d: {  	[tilespmem:s24], [sflag:$0x3] =	stream.indirect.gather [hbm4b:s4+s20], $0x80, s26, s20, $0xb8;
	[tilespmem:$0x1F800] =	vst v63  }
0x34e: {  	_ =	swait.ge [sflag:s25], $0x3200  }
0x34f: {  	[sflag:s25] =	ssyncset.done $0x0  }
0x350: {  	s6 =	simm.s32 $0x1680;
	[sflag:s25] =	ssyncadd.s32 $0xFFFFCE00  }
0x351: {  	[spmem:s2] =	stream.indirect.scatter.add.f32 [tilespmem:s22], [sflag:$0x5], $0x80, s6, s20, $0xb8;
	[tilespmem:$0x1F800] =	vst v63  }
0x352: {  	_ =	swait.ge [sflag:s28], $0x3200  }
0x353: {  	[sflag:s28] =	ssyncset.done $0x0  }
0x354: {  	s8 =	simm.s32 $0x780;
	[sflag:s28] =	ssyncadd.s32 $0xFFFFCE00  }
0x355: {  	[tilespmem:s16], [sflag:$0x1] =	stream.indirect.gather [hbm4b:s4+s20], $0x80, s8, s20, $0xb8;
	[tilespmem:$0x1F800] =	vst v63  }
0x356: {  	_ =	swait.ge [sflag:s30], $0x3200  }
0x357: {  	[sflag:s30] =	ssyncset.done $0x0  }
0x358: {  	s9 =	simm.s32 $0x1700;
	[sflag:s30] =	ssyncadd.s32 $0xFFFFCE00  }
0x359: {  	[spmem:s2] =	stream.indirect.scatter.add.f32 [tilespmem:s24], [sflag:$0x6], $0x80, s9, s20, $0xb8;
	[tilespmem:$0x1F800] =	vst v63  }
0x35a: {  	_ =	swait.ge [sflag:s0], $0x3200  }
0x35b: {  	[sflag:s0] =	ssyncset.done $0x0  }
0x35c: {  	s10 =	simm.s32 $0x800;
	[sflag:s0] =	ssyncadd.s32 $0xFFFFCE00  }
0x35d: {  	[tilespmem:s22], [sflag:$0x2] =	stream.indirect.gather [hbm4b:s4+s20], $0x80, s10, s20, $0xb8;
	[tilespmem:$0x1F800] =	vst v63  }
0x35e: {  	_ =	swait.ge [sflag:s17], $0x3200  }
0x35f: {  	[sflag:s17] =	ssyncset.done $0x0  }
0x360: {  	s12 =	simm.s32 $0x1780;
	[sflag:s17] =	ssyncadd.s32 $0xFFFFCE00  }
0x361: {  	[spmem:s2] =	stream.indirect.scatter.add.f32 [tilespmem:s16], [sflag:$0x4], $0x80, s12, s20, $0xb8;
	[tilespmem:$0x1F800] =	vst v63  }
0x362: {  	_ =	swait.ge [sflag:s7], $0x3200  }
0x363: {  	[sflag:s7] =	ssyncset.done $0x0  }
0x364: {  	s13 =	simm.s32 $0x880;
	[sflag:s7] =	ssyncadd.s32 $0xFFFFCE00  }
0x365: {  	[tilespmem:s24], [sflag:$0x3] =	stream.indirect.gather [hbm4b:s4+s20], $0x80, s13, s20, $0xb8;
	[tilespmem:$0x1F800] =	vst v63  }
0x366: {  	_ =	swait.ge [sflag:s25], $0x3200  }
0x367: {  	[sflag:s25] =	ssyncset.done $0x0  }
0x368: {  	s14 =	simm.s32 $0x1800;
	[sflag:s25] =	ssyncadd.s32 $0xFFFFCE00  }
0x369: {  	[spmem:s2] =	stream.indirect.scatter.add.f32 [tilespmem:s22], [sflag:$0x5], $0x80, s14, s20, $0xb8;
	[tilespmem:$0x1F800] =	vst v63  }
0x36a: {  	_ =	swait.ge [sflag:s28], $0x3200  }
0x36b: {  	[sflag:s28] =	ssyncset.done $0x0  }
0x36c: {  	s15 =	simm.s32 $0x900;
	[sflag:s28] =	ssyncadd.s32 $0xFFFFCE00  }
0x36d: {  	[tilespmem:s16], [sflag:$0x1] =	stream.indirect.gather [hbm4b:s4+s20], $0x80, s15, s20, $0xb8;
	[tilespmem:$0x1F800] =	vst v63  }
0x36e: {  	_ =	swait.ge [sflag:s30], $0x3200  }
0x36f: {  	[sflag:s30] =	ssyncset.done $0x0  }
0x370: {  	s19 =	simm.s32 $0x1880;
	[sflag:s30] =	ssyncadd.s32 $0xFFFFCE00  }
0x371: {  	[spmem:s2] =	stream.indirect.scatter.add.f32 [tilespmem:s24], [sflag:$0x6], $0x80, s19, s20, $0xb8;
	[tilespmem:$0x1F800] =	vst v63  }
0x372: {  	_ =	swait.ge [sflag:s0], $0x3200  }
0x373: {  	[sflag:s0] =	ssyncset.done $0x0  }
0x374: {  	s21 =	simm.s32 $0x980;
	[sflag:s0] =	ssyncadd.s32 $0xFFFFCE00  }
0x375: {  	[tilespmem:s22], [sflag:$0x2] =	stream.indirect.gather [hbm4b:s4+s20], $0x80, s21, s20, $0xb8;
	[tilespmem:$0x1F800] =	vst v63  }
0x376: {  	_ =	swait.ge [sflag:s17], $0x3200  }
0x377: {  	[sflag:s17] =	ssyncset.done $0x0  }
0x378: {  	s23 =	simm.s32 $0x1900;
	[sflag:s17] =	ssyncadd.s32 $0xFFFFCE00  }
0x379: {  	[spmem:s2] =	stream.indirect.scatter.add.f32 [tilespmem:s16], [sflag:$0x4], $0x80, s23, s20, $0xb8;
	[tilespmem:$0x1F800] =	vst v63  }
0x37a: {  	_ =	swait.ge [sflag:s7], $0x3200  }
0x37b: {  	[sflag:s7] =	ssyncset.done $0x0  }
0x37c: {  	s26 =	simm.s32 $0xA00;
	[sflag:s7] =	ssyncadd.s32 $0xFFFFCE00  }
0x37d: {  	[tilespmem:s24], [sflag:$0x3] =	stream.indirect.gather [hbm4b:s4+s20], $0x80, s26, s20, $0xb8;
	[tilespmem:$0x1F800] =	vst v63  }
0x37e: {  	_ =	swait.ge [sflag:s25], $0x3200  }
0x37f: {  	[sflag:s25] =	ssyncset.done $0x0  }
0x380: {  	s31 =	simm.s32 $0x1980;
	[sflag:s25] =	ssyncadd.s32 $0xFFFFCE00  }
0x381: {  	[spmem:s2] =	stream.indirect.scatter.add.f32 [tilespmem:s22], [sflag:$0x5], $0x80, s31, s20, $0xb8;
	[tilespmem:$0x1F800] =	vst v63  }
0x382: {  	_ =	swait.ge [sflag:s28], $0x3200  }
0x383: {  	[sflag:s28] =	ssyncset.done $0x0  }
0x384: {  	s6 =	simm.s32 $0xA80;
	[sflag:s28] =	ssyncadd.s32 $0xFFFFCE00  }
0x385: {  	[tilespmem:s16], [sflag:$0x1] =	stream.indirect.gather [hbm4b:s4+s20], $0x80, s6, s20, $0xb8;
	[tilespmem:$0x1F800] =	vst v63  }
0x386: {  	_ =	swait.ge [sflag:s30], $0x3200  }
0x387: {  	[sflag:s30] =	ssyncset.done $0x0  }
0x388: {  	s8 =	simm.s32 $0x1A00;
	[sflag:s30] =	ssyncadd.s32 $0xFFFFCE00  }
0x389: {  	[spmem:s2] =	stream.indirect.scatter.add.f32 [tilespmem:s24], [sflag:$0x6], $0x80, s8, s20, $0xb8;
	[tilespmem:$0x1F800] =	vst v63  }
0x38a: {  	_ =	swait.ge [sflag:s0], $0x3200  }
0x38b: {  	[sflag:s0] =	ssyncset.done $0x0  }
0x38c: {  	s9 =	simm.s32 $0xB00;
	[sflag:s0] =	ssyncadd.s32 $0xFFFFCE00  }
0x38d: {  	[tilespmem:s22], [sflag:$0x2] =	stream.indirect.gather [hbm4b:s4+s20], $0x80, s9, s20, $0xb8;
	[tilespmem:$0x1F800] =	vst v63  }
0x38e: {  	_ =	swait.ge [sflag:s17], $0x3200  }
0x38f: {  	[sflag:s17] =	ssyncset.done $0x0  }
0x390: {  	s10 =	simm.s32 $0x1A80;
	[sflag:s17] =	ssyncadd.s32 $0xFFFFCE00  }
0x391: {  	[spmem:s2] =	stream.indirect.scatter.add.f32 [tilespmem:s16], [sflag:$0x4], $0x80, s10, s20, $0xb8;
	[tilespmem:$0x1F800] =	vst v63  }
0x392: {  	_ =	swait.ge [sflag:s7], $0x3200  }
0x393: {  	[sflag:s7] =	ssyncset.done $0x0  }
0x394: {  	s12 =	simm.s32 $0xB80;
	[sflag:s7] =	ssyncadd.s32 $0xFFFFCE00  }
0x395: {  	[tilespmem:s24], [sflag:$0x3] =	stream.indirect.gather [hbm4b:s4+s20], $0x80, s12, s20, $0xb8;
	[tilespmem:$0x1F800] =	vst v63  }
0x396: {  	_ =	swait.ge [sflag:s25], $0x3200  }
0x397: {  	[sflag:s25] =	ssyncset.done $0x0  }
0x398: {  	s13 =	simm.s32 $0x1B00;
	[sflag:s25] =	ssyncadd.s32 $0xFFFFCE00  }
0x399: {  	[spmem:s2] =	stream.indirect.scatter.add.f32 [tilespmem:s22], [sflag:$0x5], $0x80, s13, s20, $0xb8;
	[tilespmem:$0x1F800] =	vst v63  }
0x39a: {  	_ =	swait.ge [sflag:s28], $0x3200  }
0x39b: {  	[sflag:s28] =	ssyncset.done $0x0  }
0x39c: {  	s14 =	simm.s32 $0xC00;
	[sflag:s28] =	ssyncadd.s32 $0xFFFFCE00  }
0x39d: {  	[tilespmem:s16], [sflag:$0x1] =	stream.indirect.gather [hbm4b:s4+s20], $0x80, s14, s20, $0xb8;
	[tilespmem:$0x1F800] =	vst v63  }
0x39e: {  	_ =	swait.ge [sflag:s30], $0x3200  }
0x39f: {  	[sflag:s30] =	ssyncset.done $0x0  }
0x3a0: {  	s15 =	simm.s32 $0x1B80;
	[sflag:s30] =	ssyncadd.s32 $0xFFFFCE00  }
0x3a1: {  	[spmem:s2] =	stream.indirect.scatter.add.f32 [tilespmem:s24], [sflag:$0x6], $0x80, s15, s20, $0xb8;
	[tilespmem:$0x1F800] =	vst v63  }
0x3a2: {  	_ =	swait.ge [sflag:s17], $0x3200  }
0x3a3: {  	[sflag:s17] =	ssyncset.done $0x0  }
0x3a4: {  	s19 =	simm.s32 $0x1C00;
	[sflag:s17] =	ssyncadd.s32 $0xFFFFCE00  }
0x3a5: {  	[spmem:s2] =	stream.indirect.scatter.add.f32 [tilespmem:s16], [sflag:$0x4], $0x80, s19, s20, $0xb8;
	[tilespmem:$0x1F800] =	vst v63  }
0x3a6: {  	_ =	swait.ge [sflag:s0], $0x3200  }
0x3a7: {  	[sflag:s0] =	ssyncset.done $0x0  }
0x3a8: {  	[sflag:s0] =	ssyncadd.s32 $0xFFFFCE00  }
0x3a9: {  	_ =	swait.ge [sflag:s7], $0x3200  }
0x3aa: {  	[sflag:s7] =	ssyncset.done $0x0  }
0x3ab: {  	[sflag:s7] =	ssyncadd.s32 $0xFFFFCE00  }
0x3ac: {  	_ =	swait.ge [sflag:s28], $0x3200  }
0x3ad: {  	[sflag:s28] =	ssyncset.done $0x0  }
0x3ae: {  	s21 =	stileid.u32;
	[sflag:s28] =	ssyncadd.s32 $0xFFFFCE00  }
0x3af: {  	s1 =	sshll.u32 s21, $0x6;
	[bflag:$0x0] =	sbarrier.arrive $0xFFFF  }
0x3b0: {  	s1 =	sor.u32 $0x1C07, s1;
	s23 =	sshrl.u32 s5, $0x3;
	s26 =	rddreg [dreg:$0xc]  }
0x3b1: {  	[hbm:s26], [sflag:s1] =	dma.local [spmem:s23], $0x2780  }
0x3b2: {  	_ =	swait.ge [sflag:s18], $0x2780  }
0x3b3: {  	s29 =	sadd.s32 $0x1, s29;
	s31 =	rddreg [dreg:$0xd]  }
0x3b4: {  	p0 =	sne.s32 s29, s31  }
.Ltmp2:
0x3b5: {  	_ = 	snop;
	(pc) =	sbr.rel @p0 .LBB2_1-.Ltmp2, $3  }
0x3b6: {  	_ =	sdelay $0x1  }
0x3b7: {  	[sflag:s18] =	ssyncset.done $0x0  }
0x3b8: {  	[sflag:s18] =	ssyncadd.s32 $0xFFFFD880  }
0x3b9: {  	_ =	sfence.sel $0x180000  }
0x3ba: {  	[bflag:$0x0] =	sbarrier.arrive $0xFFFF  }
0x3bb: {  	_ =	strace $0x9000004A  }
0x3bc: {  	s0 =	stileid.u32;
	[bflag:$0x2] =	sbarrier.arrive $0xFFFF  }
0x3bd: {  	p0 =	sne.s32 s0, $0x0;
	s0 =	rddreg [dreg:$0x3]  }
0x3be: {  	s0 =	sadd.s32 @!p0 $0x100000, s0  }
0x3bf: {  	[sflag:s0] =	ssyncadd.tile.s32 @!p0 $0x1;
	_ =	shalt  }
.Lfunc_end2:
_tile_overlayer_lowered:
.L_overlay_start_2:
0x3c0: {  	(tag) =	ssettag $0x2  }
0x3c1: {  	s0 =	rddreg [dreg:$0x0];
	s2 =	stileid.u32  }
0x3c2: {  	s1 =	rddreg [dreg:$0x1];
	p0 =	sne.s32 s2, $0x0  }
0x3c3: {  	s3 =	rddreg [dreg:$0x2];
	[bflag:$0x3] =	sbarrier.arrive $0xFFFF;
	s2 =	simm.s32 @!p0 $0x1C07  }
0x3c4: {  	[timem:s3], [sflag:s2] =	dma.local @!p0 [hbm:s0], s1  }
0x3c5: {  	s0 =	simm.s32 @!p0 $0x7  }
0x3c6: {  	_ =	swait.ge @!p0 [sflag:s0], s1  }
0x3c7: {  	s1 =	ssub.s32 @!p0 $0x0, s1;
	[sflag:s0] =	ssyncset.done @!p0 $0x0  }
0x3c8: {  	[sflag:s0] =	ssyncadd.s32 @!p0 s1  }
0x3c9: {  	[bflag:$0x3] =	sbarrier.arrive $0xFFFF  }
0x3ca: {  	_ =	shalt  }

// kernel: kernel.7.cloned.1.call-start
scs
__scs_entry_jumppad:
0x0: {  	(pc) =	sbr.rel $0x88, $3  }
0x1: {  	(tag) =	ssettag $0x0;
	lr =	simm.s32 $0x1  }
0x2: {  	[smem:$0x3F9B] =	sst lr;
	_ =	strace $0xD0000000  }
0x3: {  	_ = 	snop  }
0x4: {  	_ = 	snop  }
0x5: {  	_ = 	snop  }
0x6: {  	_ = 	snop  }
0x7: {  	_ = 	snop  }
__scs_overlays_trampoline_lowered:
0x8: {  	[smem:$0x3FAA] =	sst s0  }
0x9: {  	[smem:$0x3FAB] =	sst s1  }
0xa: {  	[smem:$0x3FAC] =	sst s2  }
0xb: {  	[smem:$0x3FAD] =	sst s3  }
0xc: {  	[smem:$0x3FAE] =	sst s4  }
0xd: {  	[smem:$0x3FAF] =	sst s5  }
0xe: {  	[smem:$0x3FB0] =	sst s6  }
0xf: {  	[smem:$0x3FB1] =	sst s7  }
0x10: {  	[smem:$0x3FB2] =	sst s8  }
0x11: {  	[smem:$0x3FB3] =	sst s9;
	s0 =	simm.s32 @!p0 $0x0  }
0x12: {  	s1 =	sld [smem:$0x3F99];
	s0 =	simm.s32 @p0 $0x1  }
0x13: {  	[smem:$0x3FB4] =	sst s0;
	s0 =	simm.s32 @!p1 $0x0  }
0x14: {  	s2 =	sld [smem:$0x3F98];
	s0 =	simm.s32 @p1 $0x1  }
0x15: {  	[smem:$0x3FB5] =	sst s0;
	s0 =	simm.s32 @!p2 $0x0  }
0x16: {  	s3 =	sld [smem:$0x3FDB];
	s0 =	simm.s32 @p2 $0x1  }
0x17: {  	s4 =	simm.s32 $0x1BF5;
	[smem:$0x3FB7] =	sst s0  }
0x18: {  	s0 =	sld [smem:$0x3F9A];
	_ =	swait.ge [sflag:s4], $0x0  }
0x19: {  	s7 =	sld [smem:$0x3F9B]  }
0x1a: {  	s8 =	sadd.s32 $0xFFFFE003, lr  }
0x1b: {  	s9 =	sadd.s32 $0xFFFFFEF7, lr;
	s5 =	simm.s32 $0xFFFFFFFF;
	p2 =	slt.u32 s8, $0xFFFFF086  }
0x1c: {  	p1 =	slt.u32 s9, $0xF7A;
	s5 =	simm.s32 @!p2 $0x0  }
0x1d: {  	s5 =	simm.s32 @p1 $0x1;
	p0 =	seq.s32 s7, s2  }
0x1e: {  	s7 =	smul.u32 @!p0 $0xF7A, s2;
	p2 =	seq.s32 @!p0 s5, $0x0  }
0x1f: {  	s9 =	smul.u32 $0xF7A, s1;
	s8 =	simm.s32 @!p0 $0x1BF5;
	p2 =	por !p2, p0  }
0x20: {  	[sflag:s8] =	ssyncset.s32 @!p0 $0xFFFFF086;
	s6 =	sadd.s32 @!p0 s3, s7;
	s7 =	simm.s32 @!p0 $0x108  }
0x21: {  	s3 =	sadd.s32 s3, s9;
	s6 =	sadd.s32 @!p0 $0x88, s6;
	s7 =	simm.s32 @p2 $0x1082  }
0x22: {  	[simem:s7], [sflag:s8] =	dma.local @!p0 [hbm:s6], $0xF7A  }
0x23: {  	s9 =	sor.u32 $0xD0000000, s2;
	s6 =	simm.s32 $0x108;
	_ =	swait.ge @!p0 [sflag:s8], $0x0  }
0x24: {  	s3 =	sadd.s32 $0x88, s3;
	s6 =	simm.s32 @!p1 $0x1082;
	[sflag:s4] =	ssyncset.s32 $0xFFFFF086  }
0x25: {  	[simem:s6], [sflag:s4] =	dma.local [hbm:s3], $0xF7A  }
0x26: {  	[smem:$0x3F9B] =	sst s1;
	(tag) =	ssettag s2;
	_ =	strace s9  }
0x27: {  	s1 =	sld [smem:$0x3FAB]  }
0x28: {  	s2 =	sld [smem:$0x3FAC]  }
0x29: {  	s4 =	sld [smem:$0x3FAE]  }
0x2a: {  	p0 =	seq.s32 s5, $0x0;
	s5 =	sld [smem:$0x3FAF]  }
0x2b: {  	s6 =	sld [smem:$0x3FB0]  }
0x2c: {  	s7 =	sld [smem:$0x3FB1]  }
0x2d: {  	s3 =	simm.s32 $0x108;
	s8 =	sld [smem:$0x3FB2]  }
0x2e: {  	s3 =	simm.s32 @!p0 $0x1082;
	s9 =	sld [smem:$0x3FB3]  }
0x2f: {  	lr =	sadd.s32 s0, s3;
	s0 =	sld [smem:$0x3FAA]  }
0x30: {  	s3 =	sld [smem:$0x3FAD]  }
0x31: {  	[smem:$0x3FB6] =	sst s10  }
0x32: {  	s10 =	sld [smem:$0x3FB4];
	_ =	sdelay $0x3  }
0x33: {  	p0 =	seq.s32 s10, $0x1;
	s10 =	sld [smem:$0x3FB6];
	_ =	sdelay $0x3  }
0x34: {  	[smem:$0x3FB6] =	sst s10  }
0x35: {  	s10 =	sld [smem:$0x3FB5];
	_ =	sdelay $0x3  }
0x36: {  	p1 =	seq.s32 s10, $0x1;
	s10 =	sld [smem:$0x3FB6];
	_ =	sdelay $0x3  }
0x37: {  	[smem:$0x3FB6] =	sst s10  }
0x38: {  	s10 =	sld [smem:$0x3FB7]  }
0x39: {  	_ = 	snop;
	(pc) =	sbr.ind lr, $3  }
0x3a: {  	_ = 	snop  }
0x3b: {  	_ = 	snop  }
0x3c: {  	p2 =	seq.s32 s10, $0x1;
	s10 =	sld [smem:$0x3FB6]  }
0x3d: {  	_ =	shalt  }
0x3e: {  	_ =	shalt  }
0x3f: {  	_ =	shalt  }
0x40: {  	_ =	shalt  }
0x41: {  	_ =	shalt  }
0x42: {  	_ =	shalt  }
0x43: {  	_ =	shalt  }
0x44: {  	_ =	shalt  }
0x45: {  	_ =	shalt  }
0x46: {  	_ =	shalt  }
0x47: {  	_ =	shalt  }
0x48: {  	_ =	shalt  }
0x49: {  	_ =	shalt  }
0x4a: {  	_ =	shalt  }
0x4b: {  	_ =	shalt  }
0x4c: {  	_ =	shalt  }
0x4d: {  	_ =	shalt  }
0x4e: {  	_ =	shalt  }
0x4f: {  	_ =	shalt  }
0x50: {  	_ =	shalt  }
0x51: {  	_ =	shalt  }
0x52: {  	_ =	shalt  }
0x53: {  	_ =	shalt  }
0x54: {  	_ =	shalt  }
0x55: {  	_ =	shalt  }
0x56: {  	_ =	shalt  }
0x57: {  	_ =	shalt  }
0x58: {  	_ =	shalt  }
0x59: {  	_ =	shalt  }
0x5a: {  	_ =	shalt  }
0x5b: {  	_ =	shalt  }
0x5c: {  	_ =	shalt  }
0x5d: {  	_ =	shalt  }
0x5e: {  	_ =	shalt  }
0x5f: {  	_ =	shalt  }
0x60: {  	_ =	shalt  }
0x61: {  	_ =	shalt  }
0x62: {  	_ =	shalt  }
0x63: {  	_ =	shalt  }
0x64: {  	_ =	shalt  }
0x65: {  	_ =	shalt  }
0x66: {  	_ =	shalt  }
0x67: {  	_ =	shalt  }
0x68: {  	_ =	shalt  }
0x69: {  	_ =	shalt  }
0x6a: {  	_ =	shalt  }
0x6b: {  	_ =	shalt  }
0x6c: {  	_ =	shalt  }
0x6d: {  	_ =	shalt  }
0x6e: {  	_ =	shalt  }
0x6f: {  	_ =	shalt  }
0x70: {  	_ =	shalt  }
0x71: {  	_ =	shalt  }
0x72: {  	_ =	shalt  }
0x73: {  	_ =	shalt  }
0x74: {  	_ =	shalt  }
0x75: {  	_ =	shalt  }
0x76: {  	_ =	shalt  }
0x77: {  	_ =	shalt  }
0x78: {  	_ =	shalt  }
0x79: {  	_ =	shalt  }
0x7a: {  	_ =	shalt  }
0x7b: {  	_ =	shalt  }
0x7c: {  	_ =	shalt  }
0x7d: {  	_ =	shalt  }
0x7e: {  	_ =	shalt  }
0x7f: {  	_ =	shalt  }
0x80: {  	_ =	shalt  }
0x81: {  	_ =	shalt  }
0x82: {  	_ =	shalt  }
0x83: {  	_ =	shalt  }
0x84: {  	_ =	shalt  }
0x85: {  	_ =	shalt  }
0x86: {  	_ =	shalt  }
0x87: {  	_ =	shalt  }
.Lfunc_end0:
.L_simem_size_0:
called_computation_lowered:
.L_overlay_start_0:
0x88: {  	s2 =	sld [smem:$0x3FD9]  }
0x89: {  	s3 =	sld [smem:$0x3FFE];
	_ =	sdelay $0x1  }
0x8a: {  	s1 =	srdreg.scid  }
0x8b: {  	s0 =	sand.u32 $0x1, s1  }
0x8c: {  	s17 =	sshll.u32 s0, $0xA;
	s2 =	sadd.s32 s3, s2  }
0x8d: {  	s2 =	sadd.s32 s2, s17  }
0x8e: {  	[smem:$0x3FC2] =	sst s2  }
0x8f: {  	_ = 	snop  }
0x90: {  	s2 =	sld [smem:$0x3FD0];
	(tm) =	ssettm $0x1  }
0x91: {  	s18 =	sld [smem:$0x3FFB];
	_ =	sdelay $0x3  }
0x92: {  	_ =	strace s18  }
0x93: {  	s3 =	sld [smem:$0x3FFC];
	_ =	sdelay $0x3  }
0x94: {  	_ =	strace s3  }
0x95: {  	s3 =	sld [smem:$0x3FFD];
	_ =	sdelay $0x3  }
0x96: {  	_ =	strace s3  }
0x97: {  	_ =	strace $0x8FFFFFFF  }
0x98: {  	s19 =	sld [smem:$0x3FDB];
	_ =	sdelay $0x1  }
0x99: {  	s4 =	simm.s32 $_scs_section_size  }
0x9a: {  	s5 =	simm.s32 $_size__tile_overlayer_lowered;
	s6 =	simm.s32 $_tile_overlayer_lowered  }
0x9b: {  	s22 =	simm.s32 $0x1BFF;
	s21 =	sshll.u32 s6, $0x1;
	s3 =	sadd.s32 s4, s19  }
0x9c: {  	s7 =	simm.s32 $0x0;
	s20 =	sshll.u32 s5, $0x1;
	s5 =	sadd.s32 s21, s3  }
0x9d: {  	[timem:s7], [sflag:s22] =	dma.local [hbm:s5], s20  }
0x9e: {  	_ =	swait.ge [sflag:s22], s20  }
0x9f: {  	s4 =	ssub.s32 $0x0, s20;
	[sflag:s22] =	ssyncset.done $0x0  }
0xa0: {  	[sflag:s22] =	ssyncadd.s32 s4;
	_ =	sdelay $0x1  }
0xa1: {  	s23 =	simm.s32 $0x1B8B  }
0xa2: {  	_ =	swait.ge [sflag:s23], $0x1  }
0xa3: {  	[sflag:s23] =	ssyncset.done $0x0  }
0xa4: {  	s25 =	simm.s32 $0x1B8E;
	s24 =	sld [smem:$0x3FFE];
	[sflag:s23] =	ssyncadd.s32 $0xFFFFFFFF  }
0xa5: {  	s26 =	simm.s32 $execute0_lowered;
	[smem:$0x3FD2] =	sst s25  }
0xa6: {  	s5 =	sshll.u32 s26, $0x1;
	_ =	strace $0x80000046;
	[dreg:$0x1] =	wrdreg $0xFFFFFFFF  }
0xa7: {  	s28 =	simm.s32 $_size_execute0_lowered;
	s3 =	sadd.s32 s3, s5;
	[dreg:$0x0] =	wrdreg $0x0  }
0xa8: {  	s5 =	sshll.u32 s28, $0x1;
	[dreg:$0x2] =	wrdreg s3  }
0xa9: {  	[dreg:$0x3] =	wrdreg s5  }
0xaa: {  	[dreg:$0x4] =	wrdreg $0xC0  }
0xab: {  	_ =	task [dreg:s7], $0x5FFFF  }
0xac: {  	[dreg:$0x1] =	wrdreg $0xFFFFFFFF  }
0xad: {  	[dreg:$0x0] =	wrdreg $0x60  }
0xae: {  	[dreg:$0x2] =	wrdreg s24  }
0xaf: {  	[dreg:$0x3] =	wrdreg s2  }
0xb0: {  	[dreg:$0x4] =	wrdreg $0xBC000  }
0xb1: {  	[dreg:$0x5] =	wrdreg $0x9  }
0xb2: {  	_ =	task.clear_ibuf [dreg:s7], $0x6FFFF;
	_ =	strace $0x90000046  }
0xb3: {  	s29 =	simm.s32 $0x9;
	_ =	strace $0x80000048  }
0xb4: {  	_ =	swait.ge [sflag:s29], $0x1  }
0xb5: {  	[sflag:s29] =	ssyncadd.s32 $0xFFFFFFFF  }
0xb6: {  	_ =	strace $0x90000048  }
0xb7: {  	_ =	sfence  }
0xb8: {  	s30 =	sld [smem:$0x0];
	_ =	sdelay $0x2  }
0xb9: {  	s31 =	sshll.u32 s1, $0xD;
	s1 =	sshrl.u32 s1, $0x2  }
0xba: {  	s3 =	sand.u32 $0x4000, s31;
	s1 =	sadd.s32 s1, s30  }
0xbb: {  	s0 =	sor.u32 s3, s0;
	s1 =	sshll.u32 s1, $0x11  }
0xbc: {  	s0 =	sor.u32 s1, s0  }
0xbd: {  	s0 =	sadd.s32 $0x8F2B, s0  }
0xbe: {  	[sflag:s0] =	ssyncadd.remote.s32 $0x1  }
0xbf: {  	_ =	sfence.sel $0xFFFF  }
0xc0: {  	[dreg:$0x0] =	wrdreg $0xFFFFFFFF;
	(pc) =	sbr.abs _section_cstart, $3  }
0xc1: {  	[dreg:$0x1] =	wrdreg $0xFFFFFFFF  }
0xc2: {  	_ =	task.clear_ibuf [dreg:s7], $0x2FFFF;
	_ =	strace $0x9FFFFFFF  }
0xc3: {  	(tm) =	ssettm $0x7FFFFFFF  }
tec
execute0_lowered:
.L_overlay_start_1:
0x0: {  	(tag) =	ssettag $0x1  }
0x1: {  	s0 =	rddreg [dreg:$0x0]  }
0x2: {  	s1 =	rddreg [dreg:$0x1]  }
0x3: {  	s3 =	srdreg.scid;
	s2 =	rddreg [dreg:$0x2]  }
0x4: {  	s10 =	stileid.u32;
	s11 =	simm.s32 $0x0;
	s16 =	simm.s32 $0x2000  }
0x5: {  	s28 =	simm.s32 $0x4;
	s30 =	simm.s32 $0x3;
	s29 =	simm.s32 $0x0  }
0x6: {  	s5 =	sand.u32 $0x1, s3;
	s6 =	smul.u32 $0x13C00, s10;
	[smem:$0x7FF] =	sst s11  }
0x7: {  	s7 =	sadd.s32 $0x1200, s0;
	s8 =	smul.u32 $0x4F000, s10;
	s10 =	sshll.u32 s10, $0xC  }
0x8: {  	s3 =	simm.s32 $0x1000;
	s4 =	smul.u32 $0x13C000, s5;
	s17 =	ssub.s32 $0x2, s5  }
0x9: {  	_ =	strace $0x80000047;
	s5 =	sshll.u32 s5, $0xB;
	s9 =	sshrl.u32 s17, $0x1  }
0xa: {  	s8 =	sshrl.u32 s8, $0x2;
	s18 =	sor.u32 s5, s10;
	s6 =	sadd.s32 s6, s4  }
0xb: {  	s4 =	sadd.s32 $0x11200, s0;
	s5 =	sadd.s32 s8, s2;
	s19 =	sadd.s32 s1, s18  }
0xc: {  	s20 =	sor.u32 $0x200, s18;
	s10 =	sadd.s32 s7, s18;
	s22 =	sor.u32 $0x400, s18  }
0xd: {  	s24 =	sor.u32 $0x600, s18;
	s18 =	simm.s32 $0x7;
	[dreg:$0x4] =	wrdreg s19  }
0xe: {  	s6 =	sshrl.u32 s6, $0x3;
	[dreg:$0x5] =	wrdreg s10;
	s21 =	sadd.s32 s1, s20  }
0xf: {  	s8 =	sadd.s32 s7, s20;
	s23 =	sadd.s32 s1, s22;
	[dreg:$0x6] =	wrdreg s21  }
0x10: {  	s25 =	sadd.s32 s7, s22;
	s1 =	sadd.s32 s1, s24;
	[dreg:$0x7] =	wrdreg s8  }
0x11: {  	s26 =	sadd.s32 s7, s24;
	s20 =	simm.s32 $0x64;
	[dreg:$0x8] =	wrdreg s23  }
0x12: {  	s22 =	simm.s32 $0x5400;
	s24 =	simm.s32 $0x8800;
	[dreg:$0x9] =	wrdreg s25  }
0x13: {  	s7 =	simm.s32 $0x6;
	s0 =	sadd.s32 s6, s0;
	[dreg:$0xa] =	wrdreg s1  }
0x14: {  	s6 =	ssub.s32 s17, s9;
	[dreg:$0xb] =	wrdreg s26;
	s0 =	sadd.s32 $0xAD600, s0  }
0x15: {  	s17 =	simm.s32 $0x1;
	s31 =	smax.u32 s6, $0x1;
	[dreg:$0xc] =	wrdreg s0  }
0x16: {  	v0 =	vimm.f32 $0.0e+00;
	s25 =	simm.s32 $0x2;
	[dreg:$0xd] =	wrdreg s31;
	s0 =	simm.s32 $0x5  }
.LBB2_1:
0x17: {  	[tilespmem:$0x2000] =	vst v0  }
0x18: {  	[tilespmem:$0x2010] =	vst v0  }
0x19: {  	[tilespmem:$0x2020] =	vst v0  }
0x1a: {  	[tilespmem:$0x2030] =	vst v0  }
0x1b: {  	[tilespmem:$0x2040] =	vst v0  }
0x1c: {  	[tilespmem:$0x2050] =	vst v0  }
0x1d: {  	[tilespmem:$0x2060] =	vst v0  }
0x1e: {  	[tilespmem:$0x2070] =	vst v0  }
0x1f: {  	[tilespmem:$0x2080] =	vst v0  }
0x20: {  	[tilespmem:$0x2090] =	vst v0  }
0x21: {  	[tilespmem:$0x20A0] =	vst v0  }
0x22: {  	[tilespmem:$0x20B0] =	vst v0  }
0x23: {  	[tilespmem:$0x20C0] =	vst v0  }
0x24: {  	[tilespmem:$0x20D0] =	vst v0  }
0x25: {  	[tilespmem:$0x20E0] =	vst v0  }
0x26: {  	[tilespmem:$0x20F0] =	vst v0  }
0x27: {  	[tilespmem:$0x2100] =	vst v0  }
0x28: {  	[tilespmem:$0x2110] =	vst v0  }
0x29: {  	[tilespmem:$0x2120] =	vst v0  }
0x2a: {  	[tilespmem:$0x2130] =	vst v0  }
0x2b: {  	[tilespmem:$0x2140] =	vst v0  }
0x2c: {  	[tilespmem:$0x2150] =	vst v0  }
0x2d: {  	[tilespmem:$0x2160] =	vst v0  }
0x2e: {  	[tilespmem:$0x2170] =	vst v0  }
0x2f: {  	[tilespmem:$0x2180] =	vst v0  }
0x30: {  	[tilespmem:$0x2190] =	vst v0  }
0x31: {  	[tilespmem:$0x21A0] =	vst v0  }
0x32: {  	[tilespmem:$0x21B0] =	vst v0  }
0x33: {  	[tilespmem:$0x21C0] =	vst v0  }
0x34: {  	[tilespmem:$0x21D0] =	vst v0  }
0x35: {  	[tilespmem:$0x21E0] =	vst v0  }
0x36: {  	[tilespmem:$0x21F0] =	vst v0  }
0x37: {  	[tilespmem:$0x2200] =	vst v0  }
0x38: {  	[tilespmem:$0x2210] =	vst v0  }
0x39: {  	[tilespmem:$0x2220] =	vst v0  }
0x3a: {  	[tilespmem:$0x2230] =	vst v0  }
0x3b: {  	[tilespmem:$0x2240] =	vst v0  }
0x3c: {  	[tilespmem:$0x2250] =	vst v0  }
0x3d: {  	[tilespmem:$0x2260] =	vst v0  }
0x3e: {  	[tilespmem:$0x2270] =	vst v0  }
0x3f: {  	[tilespmem:$0x2280] =	vst v0  }
0x40: {  	[tilespmem:$0x2290] =	vst v0  }
0x41: {  	[tilespmem:$0x22A0] =	vst v0  }
0x42: {  	[tilespmem:$0x22B0] =	vst v0  }
0x43: {  	[tilespmem:$0x22C0] =	vst v0  }
0x44: {  	[tilespmem:$0x22D0] =	vst v0  }
0x45: {  	[tilespmem:$0x22E0] =	vst v0  }
0x46: {  	[tilespmem:$0x22F0] =	vst v0  }
0x47: {  	[tilespmem:$0x2300] =	vst v0  }
0x48: {  	[tilespmem:$0x2310] =	vst v0  }
0x49: {  	[tilespmem:$0x2320] =	vst v0  }
0x4a: {  	[tilespmem:$0x2330] =	vst v0  }
0x4b: {  	[tilespmem:$0x2340] =	vst v0  }
0x4c: {  	[tilespmem:$0x2350] =	vst v0  }
0x4d: {  	[tilespmem:$0x2360] =	vst v0  }
0x4e: {  	[tilespmem:$0x2370] =	vst v0  }
0x4f: {  	[tilespmem:$0x2380] =	vst v0  }
0x50: {  	[tilespmem:$0x2390] =	vst v0  }
0x51: {  	[tilespmem:$0x23A0] =	vst v0  }
0x52: {  	[tilespmem:$0x23B0] =	vst v0  }
0x53: {  	[tilespmem:$0x23C0] =	vst v0  }
0x54: {  	[tilespmem:$0x23D0] =	vst v0  }
0x55: {  	[tilespmem:$0x23E0] =	vst v0  }
0x56: {  	[tilespmem:$0x23F0] =	vst v0;
	s31 =	simm.s32 $0x0  }
.LBB2_2:
0x57: {  	p0 =	sne.s32 s31, $0x4E000  }
.Ltmp0:
0x58: {  	_ = 	snop;
	(pc) =	sbr.rel @p0 .LBB2_2-.Ltmp0, $4  }
0x59: {  	_ = 	snop  }
0x5a: {  	s1 =	sshra.s32 s31, $0x2  }
0x5b: {  	s31 =	sadd.s32 $0x1000, s31;
	s1 =	sadd.s32 s1, s5  }
0x5c: {  	[spmem:s1] =	stream.linear.scatter [tilespmem:s16], [sflag:$0x1], $0x400, $0x38;
	[tilespmem:$0x1F800] =	vst v63  }
0x5d: {  	_ =	swait.ge [sflag:s17], $0x400  }
0x5e: {  	s31 =	simm.s32 $0x4E;
	[sflag:s17] =	ssyncset.done $0x0  }
.LBB2_4:
0x5f: {  	p0 =	sne.s32 s31, $0x1;
	s31 =	sadd.s32 $0xFFFFFFFF, s31;
	[sflag:s17] =	ssyncadd.s32 $0xFFFFFC00  }
.Ltmp1:
0x60: {  	(pc) =	sbr.rel @p0 .LBB2_4-.Ltmp1, $3  }
0x61: {  	_ =	sdelay $0x1  }
0x62: {  	_ =	swait.ge [sflag:s17], $0x400  }
0x63: {  	[sflag:s17] =	ssyncset.done $0x0  }
0x64: {  	[sflag:s17] =	ssyncadd.s32 $0xFFFFFC00  }
0x65: {  	[bflag:$0x0] =	sbarrier.arrive $0xFFFF  }
0x66: {  	s1 =	rddreg [dreg:$0x4]  }
0x67: {  	[tilespmem:s11], [sflag:$0x7] =	stream.linear.gather [hbm4b:s1+s11], $0xC80, $0x38;
	[tilespmem:$0x1F800] =	vst v63  }
0x68: {  	_ =	swait.ge [sflag:s18], $0xC80  }
0x69: {  	[sflag:s18] =	ssyncset.done $0x0  }
0x6a: {  	s15 =	rddreg [dreg:$0x5];
	[sflag:s18] =	ssyncadd.s32 $0xFFFFF380  }
0x6b: {  	[tilespmem:s3], [sflag:$0x7] =	stream.linear.gather [hbm4b:s15+s11], $0xC80, $0x38;
	[tilespmem:$0x1F800] =	vst v63  }
0x6c: {  	_ =	swait.ge [sflag:s18], $0xC80  }
0x6d: {  	[sflag:s18] =	ssyncset.done $0x0  }
0x6e: {  	[sflag:s18] =	ssyncadd.s32 $0xFFFFF380  }
0x6f: {  	[tilespmem:s16], [sflag:$0x1] =	stream.indirect.gather [hbm4b:s4+s20], $0x80, s11, s20, $0xb8;
	[tilespmem:$0x1F800] =	vst v63  }
0x70: {  	s19 =	simm.s32 $0x80  }
0x71: {  	[tilespmem:s22], [sflag:$0x2] =	stream.indirect.gather [hbm4b:s4+s20], $0x80, s19, s20, $0xb8;
	[tilespmem:$0x1F800] =	vst v63  }
0x72: {  	_ =	swait.ge [sflag:s17], $0x3200  }
0x73: {  	[sflag:s17] =	ssyncset.done $0x0  }
0x74: {  	[sflag:s17] =	ssyncadd.s32 $0xFFFFCE00  }
0x75: {  	[spmem:s2] =	stream.indirect.scatter.add.f32 [tilespmem:s16], [sflag:$0x4], $0x80, s3, s20, $0xb8;
	[tilespmem:$0x1F800] =	vst v63  }
0x76: {  	s21 =	simm.s32 $0x100  }
0x77: {  	[tilespmem:s24], [sflag:$0x3] =	stream.indirect.gather [hbm4b:s4+s20], $0x80, s21, s20, $0xb8;
	[tilespmem:$0x1F800] =	vst v63  }
0x78: {  	_ =	swait.ge [sflag:s25], $0x3200  }
0x79: {  	[sflag:s25] =	ssyncset.done $0x0  }
0x7a: {  	s23 =	simm.s32 $0x1080;
	[sflag:s25] =	ssyncadd.s32 $0xFFFFCE00  }
0x7b: {  	[spmem:s2] =	stream.indirect.scatter.add.f32 [tilespmem:s22], [sflag:$0x5], $0x80, s23, s20, $0xb8;
	[tilespmem:$0x1F800] =	vst v63  }
0x7c: {  	_ =	swait.ge [sflag:s28], $0x3200  }
0x7d: {  	[sflag:s28] =	ssyncset.done $0x0  }
0x7e: {  	s26 =	simm.s32 $0x180;
	[sflag:s28] =	ssyncadd.s32 $0xFFFFCE00  }
0x7f: {  	[tilespmem:s16], [sflag:$0x1] =	stream.indirect.gather [hbm4b:s4+s20], $0x80, s26, s20, $0xb8;
	[tilespmem:$0x1F800] =	vst v63  }
0x80: {  	_ =	swait.ge [sflag:s30], $0x3200  }
0x81: {  	[sflag:s30] =	ssyncset.done $0x0  }
0x82: {  	s31 =	simm.s32 $0x1100;
	[sflag:s30] =	ssyncadd.s32 $0xFFFFCE00  }
0x83: {  	[spmem:s2] =	stream.indirect.scatter.add.f32 [tilespmem:s24], [sflag:$0x6], $0x80, s31, s20, $0xb8;
	[tilespmem:$0x1F800] =	vst v63  }
0x84: {  	_ =	swait.ge [sflag:s0], $0x3200  }
0x85: {  	[sflag:s0] =	ssyncset.done $0x0  }
0x86: {  	s6 =	simm.s32 $0x200;
	[sflag:s0] =	ssyncadd.s32 $0xFFFFCE00  }
0x87: {  	[tilespmem:s22], [sflag:$0x2] =	stream.indirect.gather [hbm4b:s4+s20], $0x80, s6, s20, $0xb8;
	[tilespmem:$0x1F800] =	vst v63  }
0x88: {  	_ =	swait.ge [sflag:s17], $0x3200  }
0x89: {  	[sflag:s17] =	ssyncset.done $0x0  }
0x8a: {  	s8 =	simm.s32 $0x1180;
	[sflag:s17] =	ssyncadd.s32 $0xFFFFCE00  }
0x8b: {  	[spmem:s2] =	stream.indirect.scatter.add.f32 [tilespmem:s16], [sflag:$0x4], $0x80, s8, s20, $0xb8;
	[tilespmem:$0x1F800] =	vst v63  }
0x8c: {  	_ =	swait.ge [sflag:s7], $0x3200  }
0x8d: {  	[sflag:s7] =	ssyncset.done $0x0  }
0x8e: {  	s9 =	simm.s32 $0x280;
	[sflag:s7] =	ssyncadd.s32 $0xFFFFCE00  }
0x8f: {  	[tilespmem:s24], [sflag:$0x3] =	stream.indirect.gather [hbm4b:s4+s20], $0x80, s9, s20, $0xb8;
	[tilespmem:$0x1F800] =	vst v63  }
0x90: {  	_ =	swait.ge [sflag:s25], $0x3200  }
0x91: {  	[sflag:s25] =	ssyncset.done $0x0  }
0x92: {  	s10 =	simm.s32 $0x1200;
	[sflag:s25] =	ssyncadd.s32 $0xFFFFCE00  }
0x93: {  	[spmem:s2] =	stream.indirect.scatter.add.f32 [tilespmem:s22], [sflag:$0x5], $0x80, s10, s20, $0xb8;
	[tilespmem:$0x1F800] =	vst v63  }
0x94: {  	_ =	swait.ge [sflag:s28], $0x3200  }
0x95: {  	[sflag:s28] =	ssyncset.done $0x0  }
0x96: {  	s12 =	simm.s32 $0x300;
	[sflag:s28] =	ssyncadd.s32 $0xFFFFCE00  }
0x97: {  	[tilespmem:s16], [sflag:$0x1] =	stream.indirect.gather [hbm4b:s4+s20], $0x80, s12, s20, $0xb8;
	[tilespmem:$0x1F800] =	vst v63  }
0x98: {  	_ =	swait.ge [sflag:s30], $0x3200  }
0x99: {  	[sflag:s30] =	ssyncset.done $0x0  }
0x9a: {  	s13 =	simm.s32 $0x1280;
	[sflag:s30] =	ssyncadd.s32 $0xFFFFCE00  }
0x9b: {  	[spmem:s2] =	stream.indirect.scatter.add.f32 [tilespmem:s24], [sflag:$0x6], $0x80, s13, s20, $0xb8;
	[tilespmem:$0x1F800] =	vst v63  }
0x9c: {  	_ =	swait.ge [sflag:s0], $0x3200  }
0x9d: {  	[sflag:s0] =	ssyncset.done $0x0  }
0x9e: {  	s14 =	simm.s32 $0x380;
	[sflag:s0] =	ssyncadd.s32 $0xFFFFCE00  }
0x9f: {  	[tilespmem:s22], [sflag:$0x2] =	stream.indirect.gather [hbm4b:s4+s20], $0x80, s14, s20, $0xb8;
	[tilespmem:$0x1F800] =	vst v63  }
0xa0: {  	_ =	swait.ge [sflag:s17], $0x3200  }
0xa1: {  	[sflag:s17] =	ssyncset.done $0x0  }
0xa2: {  	s15 =	simm.s32 $0x1300;
	[sflag:s17] =	ssyncadd.s32 $0xFFFFCE00  }
0xa3: {  	[spmem:s2] =	stream.indirect.scatter.add.f32 [tilespmem:s16], [sflag:$0x4], $0x80, s15, s20, $0xb8;
	[tilespmem:$0x1F800] =	vst v63  }
0xa4: {  	_ =	swait.ge [sflag:s7], $0x3200  }
0xa5: {  	[sflag:s7] =	ssyncset.done $0x0  }
0xa6: {  	s19 =	simm.s32 $0x400;
	[sflag:s7] =	ssyncadd.s32 $0xFFFFCE00  }
0xa7: {  	[tilespmem:s24], [sflag:$0x3] =	stream.indirect.gather [hbm4b:s4+s20], $0x80, s19, s20, $0xb8;
	[tilespmem:$0x1F800] =	vst v63  }
0xa8: {  	_ =	swait.ge [sflag:s25], $0x3200  }
0xa9: {  	[sflag:s25] =	ssyncset.done $0x0  }
0xaa: {  	s21 =	simm.s32 $0x1380;
	[sflag:s25] =	ssyncadd.s32 $0xFFFFCE00  }
0xab: {  	[spmem:s2] =	stream.indirect.scatter.add.f32 [tilespmem:s22], [sflag:$0x5], $0x80, s21, s20, $0xb8;
	[tilespmem:$0x1F800] =	vst v63  }
0xac: {  	_ =	swait.ge [sflag:s28], $0x3200  }
0xad: {  	[sflag:s28] =	ssyncset.done $0x0  }
0xae: {  	s23 =	simm.s32 $0x480;
	[sflag:s28] =	ssyncadd.s32 $0xFFFFCE00  }
0xaf: {  	[tilespmem:s16], [sflag:$0x1] =	stream.indirect.gather [hbm4b:s4+s20], $0x80, s23, s20, $0xb8;
	[tilespmem:$0x1F800] =	vst v63  }
0xb0: {  	_ =	swait.ge [sflag:s30], $0x3200  }
0xb1: {  	[sflag:s30] =	ssyncset.done $0x0  }
0xb2: {  	s26 =	simm.s32 $0x1400;
	[sflag:s30] =	ssyncadd.s32 $0xFFFFCE00  }
0xb3: {  	[spmem:s2] =	stream.indirect.scatter.add.f32 [tilespmem:s24], [sflag:$0x6], $0x80, s26, s20, $0xb8;
	[tilespmem:$0x1F800] =	vst v63  }
0xb4: {  	_ =	swait.ge [sflag:s0], $0x3200  }
0xb5: {  	[sflag:s0] =	ssyncset.done $0x0  }
0xb6: {  	s31 =	simm.s32 $0x500;
	[sflag:s0] =	ssyncadd.s32 $0xFFFFCE00  }
0xb7: {  	[tilespmem:s22], [sflag:$0x2] =	stream.indirect.gather [hbm4b:s4+s20], $0x80, s31, s20, $0xb8;
	[tilespmem:$0x1F800] =	vst v63  }
0xb8: {  	_ =	swait.ge [sflag:s17], $0x3200  }
0xb9: {  	[sflag:s17] =	ssyncset.done $0x0  }
0xba: {  	s12 =	simm.s32 $0x1480;
	[sflag:s17] =	ssyncadd.s32 $0xFFFFCE00  }
0xbb: {  	[spmem:s2] =	stream.indirect.scatter.add.f32 [tilespmem:s16], [sflag:$0x4], $0x80, s12, s20, $0xb8;
	[tilespmem:$0x1F800] =	vst v63  }
0xbc: {  	_ =	swait.ge [sflag:s7], $0x3200  }
0xbd: {  	[sflag:s7] =	ssyncset.done $0x0  }
0xbe: {  	s13 =	simm.s32 $0x580;
	[sflag:s7] =	ssyncadd.s32 $0xFFFFCE00  }
0xbf: {  	[tilespmem:s24], [sflag:$0x3] =	stream.indirect.gather [hbm4b:s4+s20], $0x80, s13, s20, $0xb8;
	[tilespmem:$0x1F800] =	vst v63  }
0xc0: {  	_ =	swait.ge [sflag:s25], $0x3200  }
0xc1: {  	[sflag:s25] =	ssyncset.done $0x0  }
0xc2: {  	s14 =	simm.s32 $0x1500;
	[sflag:s25] =	ssyncadd.s32 $0xFFFFCE00  }
0xc3: {  	[spmem:s2] =	stream.indirect.scatter.add.f32 [tilespmem:s22], [sflag:$0x5], $0x80, s14, s20, $0xb8;
	[tilespmem:$0x1F800] =	vst v63  }
0xc4: {  	_ =	swait.ge [sflag:s28], $0x3200  }
0xc5: {  	[sflag:s28] =	ssyncset.done $0x0  }
0xc6: {  	s15 =	simm.s32 $0x600;
	[sflag:s28] =	ssyncadd.s32 $0xFFFFCE00  }
0xc7: {  	[tilespmem:s16], [sflag:$0x1] =	stream.indirect.gather [hbm4b:s4+s20], $0x80, s15, s20, $0xb8;
	[tilespmem:$0x1F800] =	vst v63  }
0xc8: {  	_ =	swait.ge [sflag:s30], $0x3200  }
0xc9: {  	[sflag:s30] =	ssyncset.done $0x0  }
0xca: {  	s19 =	simm.s32 $0x1580;
	[sflag:s30] =	ssyncadd.s32 $0xFFFFCE00  }
0xcb: {  	[spmem:s2] =	stream.indirect.scatter.add.f32 [tilespmem:s24], [sflag:$0x6], $0x80, s19, s20, $0xb8;
	[tilespmem:$0x1F800] =	vst v63  }
0xcc: {  	_ =	swait.ge [sflag:s0], $0x3200  }
0xcd: {  	[sflag:s0] =	ssyncset.done $0x0  }
0xce: {  	s21 =	simm.s32 $0x680;
	[sflag:s0] =	ssyncadd.s32 $0xFFFFCE00  }
0xcf: {  	[tilespmem:s22], [sflag:$0x2] =	stream.indirect.gather [hbm4b:s4+s20], $0x80, s21, s20, $0xb8;
	[tilespmem:$0x1F800] =	vst v63  }
0xd0: {  	_ =	swait.ge [sflag:s17], $0x3200  }
0xd1: {  	[sflag:s17] =	ssyncset.done $0x0  }
0xd2: {  	s23 =	simm.s32 $0x1600;
	[sflag:s17] =	ssyncadd.s32 $0xFFFFCE00  }
0xd3: {  	[spmem:s2] =	stream.indirect.scatter.add.f32 [tilespmem:s16], [sflag:$0x4], $0x80, s23, s20, $0xb8;
	[tilespmem:$0x1F800] =	vst v63  }
0xd4: {  	_ =	swait.ge [sflag:s7], $0x3200  }
0xd5: {  	[sflag:s7] =	ssyncset.done $0x0  }
0xd6: {  	s26 =	simm.s32 $0x700;
	[sflag:s7] =	ssyncadd.s32 $0xFFFFCE00  }
0xd7: {  	[tilespmem:s24], [sflag:$0x3] =	stream.indirect.gather [hbm4b:s4+s20], $0x80, s26, s20, $0xb8;
	[tilespmem:$0x1F800] =	vst v63  }
0xd8: {  	_ =	swait.ge [sflag:s25], $0x3200  }
0xd9: {  	[sflag:s25] =	ssyncset.done $0x0  }
0xda: {  	s1 =	simm.s32 $0x1680;
	[sflag:s25] =	ssyncadd.s32 $0xFFFFCE00  }
0xdb: {  	[spmem:s2] =	stream.indirect.scatter.add.f32 [tilespmem:s22], [sflag:$0x5], $0x80, s1, s20, $0xb8;
	[tilespmem:$0x1F800] =	vst v63  }
0xdc: {  	_ =	swait.ge [sflag:s28], $0x3200  }
0xdd: {  	[sflag:s28] =	ssyncset.done $0x0  }
0xde: {  	s1 =	simm.s32 $0x780;
	[sflag:s28] =	ssyncadd.s32 $0xFFFFCE00  }
0xdf: {  	[tilespmem:s16], [sflag:$0x1] =	stream.indirect.gather [hbm4b:s4+s20], $0x80, s1, s20, $0xb8;
	[tilespmem:$0x1F800] =	vst v63  }
0xe0: {  	_ =	swait.ge [sflag:s30], $0x3200  }
0xe1: {  	[sflag:s30] =	ssyncset.done $0x0  }
0xe2: {  	s1 =	simm.s32 $0x1700;
	[sflag:s30] =	ssyncadd.s32 $0xFFFFCE00  }
0xe3: {  	[spmem:s2] =	stream.indirect.scatter.add.f32 [tilespmem:s24], [sflag:$0x6], $0x80, s1, s20, $0xb8;
	[tilespmem:$0x1F800] =	vst v63  }
0xe4: {  	_ =	swait.ge [sflag:s0], $0x3200  }
0xe5: {  	[sflag:s0] =	ssyncset.done $0x0  }
0xe6: {  	s1 =	simm.s32 $0x800;
	[sflag:s0] =	ssyncadd.s32 $0xFFFFCE00  }
0xe7: {  	[tilespmem:s22], [sflag:$0x2] =	stream.indirect.gather [hbm4b:s4+s20], $0x80, s1, s20, $0xb8;
	[tilespmem:$0x1F800] =	vst v63  }
0xe8: {  	_ =	swait.ge [sflag:s17], $0x3200  }
0xe9: {  	[sflag:s17] =	ssyncset.done $0x0  }
0xea: {  	s1 =	simm.s32 $0x1780;
	[sflag:s17] =	ssyncadd.s32 $0xFFFFCE00  }
0xeb: {  	[spmem:s2] =	stream.indirect.scatter.add.f32 [tilespmem:s16], [sflag:$0x4], $0x80, s1, s20, $0xb8;
	[tilespmem:$0x1F800] =	vst v63  }
0xec: {  	_ =	swait.ge [sflag:s7], $0x3200  }
0xed: {  	[sflag:s7] =	ssyncset.done $0x0  }
0xee: {  	s1 =	simm.s32 $0x880;
	[sflag:s7] =	ssyncadd.s32 $0xFFFFCE00  }
0xef: {  	[tilespmem:s24], [sflag:$0x3] =	stream.indirect.gather [hbm4b:s4+s20], $0x80, s1, s20, $0xb8;
	[tilespmem:$0x1F800] =	vst v63  }
0xf0: {  	_ =	swait.ge [sflag:s25], $0x3200  }
0xf1: {  	[sflag:s25] =	ssyncset.done $0x0  }
0xf2: {  	s1 =	simm.s32 $0x1800;
	[sflag:s25] =	ssyncadd.s32 $0xFFFFCE00  }
0xf3: {  	[spmem:s2] =	stream.indirect.scatter.add.f32 [tilespmem:s22], [sflag:$0x5], $0x80, s1, s20, $0xb8;
	[tilespmem:$0x1F800] =	vst v63  }
0xf4: {  	_ =	swait.ge [sflag:s28], $0x3200  }
0xf5: {  	[sflag:s28] =	ssyncset.done $0x0  }
0xf6: {  	s1 =	simm.s32 $0x900;
	[sflag:s28] =	ssyncadd.s32 $0xFFFFCE00  }
0xf7: {  	[tilespmem:s16], [sflag:$0x1] =	stream.indirect.gather [hbm4b:s4+s20], $0x80, s1, s20, $0xb8;
	[tilespmem:$0x1F800] =	vst v63  }
0xf8: {  	_ =	swait.ge [sflag:s30], $0x3200  }
0xf9: {  	[sflag:s30] =	ssyncset.done $0x0  }
0xfa: {  	s1 =	simm.s32 $0x1880;
	[sflag:s30] =	ssyncadd.s32 $0xFFFFCE00  }
0xfb: {  	[spmem:s2] =	stream.indirect.scatter.add.f32 [tilespmem:s24], [sflag:$0x6], $0x80, s1, s20, $0xb8;
	[tilespmem:$0x1F800] =	vst v63  }
0xfc: {  	_ =	swait.ge [sflag:s0], $0x3200  }
0xfd: {  	[sflag:s0] =	ssyncset.done $0x0  }
0xfe: {  	s1 =	simm.s32 $0x980;
	[sflag:s0] =	ssyncadd.s32 $0xFFFFCE00  }
0xff: {  	[tilespmem:s22], [sflag:$0x2] =	stream.indirect.gather [hbm4b:s4+s20], $0x80, s1, s20, $0xb8;
	[tilespmem:$0x1F800] =	vst v63  }
0x100: {  	_ =	swait.ge [sflag:s17], $0x3200  }
0x101: {  	[sflag:s17] =	ssyncset.done $0x0  }
0x102: {  	s1 =	simm.s32 $0x1900;
	[sflag:s17] =	ssyncadd.s32 $0xFFFFCE00  }
0x103: {  	[spmem:s2] =	stream.indirect.scatter.add.f32 [tilespmem:s16], [sflag:$0x4], $0x80, s1, s20, $0xb8;
	[tilespmem:$0x1F800] =	vst v63  }
0x104: {  	_ =	swait.ge [sflag:s7], $0x3200  }
0x105: {  	[sflag:s7] =	ssyncset.done $0x0  }
0x106: {  	s1 =	simm.s32 $0xA00;
	[sflag:s7] =	ssyncadd.s32 $0xFFFFCE00  }
0x107: {  	[tilespmem:s24], [sflag:$0x3] =	stream.indirect.gather [hbm4b:s4+s20], $0x80, s1, s20, $0xb8;
	[tilespmem:$0x1F800] =	vst v63  }
0x108: {  	_ =	swait.ge [sflag:s25], $0x3200  }
0x109: {  	[sflag:s25] =	ssyncset.done $0x0  }
0x10a: {  	s1 =	simm.s32 $0x1980;
	[sflag:s25] =	ssyncadd.s32 $0xFFFFCE00  }
0x10b: {  	[spmem:s2] =	stream.indirect.scatter.add.f32 [tilespmem:s22], [sflag:$0x5], $0x80, s1, s20, $0xb8;
	[tilespmem:$0x1F800] =	vst v63  }
0x10c: {  	_ =	swait.ge [sflag:s28], $0x3200  }
0x10d: {  	[sflag:s28] =	ssyncset.done $0x0  }
0x10e: {  	s1 =	simm.s32 $0xA80;
	[sflag:s28] =	ssyncadd.s32 $0xFFFFCE00  }
0x10f: {  	[tilespmem:s16], [sflag:$0x1] =	stream.indirect.gather [hbm4b:s4+s20], $0x80, s1, s20, $0xb8;
	[tilespmem:$0x1F800] =	vst v63  }
0x110: {  	_ =	swait.ge [sflag:s30], $0x3200  }
0x111: {  	[sflag:s30] =	ssyncset.done $0x0  }
0x112: {  	s1 =	simm.s32 $0x1A00;
	[sflag:s30] =	ssyncadd.s32 $0xFFFFCE00  }
0x113: {  	[spmem:s2] =	stream.indirect.scatter.add.f32 [tilespmem:s24], [sflag:$0x6], $0x80, s1, s20, $0xb8;
	[tilespmem:$0x1F800] =	vst v63  }
0x114: {  	_ =	swait.ge [sflag:s0], $0x3200  }
0x115: {  	[sflag:s0] =	ssyncset.done $0x0  }
0x116: {  	s1 =	simm.s32 $0xB00;
	[sflag:s0] =	ssyncadd.s32 $0xFFFFCE00  }
0x117: {  	[tilespmem:s22], [sflag:$0x2] =	stream.indirect.gather [hbm4b:s4+s20], $0x80, s1, s20, $0xb8;
	[tilespmem:$0x1F800] =	vst v63  }
0x118: {  	_ =	swait.ge [sflag:s17], $0x3200  }
0x119: {  	[sflag:s17] =	ssyncset.done $0x0  }
0x11a: {  	s1 =	simm.s32 $0x1A80;
	[sflag:s17] =	ssyncadd.s32 $0xFFFFCE00  }
0x11b: {  	[spmem:s2] =	stream.indirect.scatter.add.f32 [tilespmem:s16], [sflag:$0x4], $0x80, s1, s20, $0xb8;
	[tilespmem:$0x1F800] =	vst v63  }
0x11c: {  	_ =	swait.ge [sflag:s7], $0x3200  }
0x11d: {  	[sflag:s7] =	ssyncset.done $0x0  }
0x11e: {  	s1 =	simm.s32 $0xB80;
	[sflag:s7] =	ssyncadd.s32 $0xFFFFCE00  }
0x11f: {  	[tilespmem:s24], [sflag:$0x3] =	stream.indirect.gather [hbm4b:s4+s20], $0x80, s1, s20, $0xb8;
	[tilespmem:$0x1F800] =	vst v63  }
0x120: {  	_ =	swait.ge [sflag:s25], $0x3200  }
0x121: {  	[sflag:s25] =	ssyncset.done $0x0  }
0x122: {  	s1 =	simm.s32 $0x1B00;
	[sflag:s25] =	ssyncadd.s32 $0xFFFFCE00  }
0x123: {  	[spmem:s2] =	stream.indirect.scatter.add.f32 [tilespmem:s22], [sflag:$0x5], $0x80, s1, s20, $0xb8;
	[tilespmem:$0x1F800] =	vst v63  }
0x124: {  	_ =	swait.ge [sflag:s28], $0x3200  }
0x125: {  	[sflag:s28] =	ssyncset.done $0x0  }
0x126: {  	s1 =	simm.s32 $0xC00;
	[sflag:s28] =	ssyncadd.s32 $0xFFFFCE00  }
0x127: {  	[tilespmem:s16], [sflag:$0x1] =	stream.indirect.gather [hbm4b:s4+s20], $0x80, s1, s20, $0xb8;
	[tilespmem:$0x1F800] =	vst v63  }
0x128: {  	_ =	swait.ge [sflag:s30], $0x3200  }
0x129: {  	[sflag:s30] =	ssyncset.done $0x0  }
0x12a: {  	s1 =	simm.s32 $0x1B80;
	[sflag:s30] =	ssyncadd.s32 $0xFFFFCE00  }
0x12b: {  	[spmem:s2] =	stream.indirect.scatter.add.f32 [tilespmem:s24], [sflag:$0x6], $0x80, s1, s20, $0xb8;
	[tilespmem:$0x1F800] =	vst v63  }
0x12c: {  	_ =	swait.ge [sflag:s17], $0x3200  }
0x12d: {  	[sflag:s17] =	ssyncset.done $0x0  }
0x12e: {  	s1 =	simm.s32 $0x1C00;
	[sflag:s17] =	ssyncadd.s32 $0xFFFFCE00  }
0x12f: {  	[spmem:s2] =	stream.indirect.scatter.add.f32 [tilespmem:s16], [sflag:$0x4], $0x80, s1, s20, $0xb8;
	[tilespmem:$0x1F800] =	vst v63  }
0x130: {  	_ =	swait.ge [sflag:s0], $0x3200  }
0x131: {  	[sflag:s0] =	ssyncset.done $0x0  }
0x132: {  	[sflag:s0] =	ssyncadd.s32 $0xFFFFCE00  }
0x133: {  	_ =	swait.ge [sflag:s7], $0x3200  }
0x134: {  	[sflag:s7] =	ssyncset.done $0x0  }
0x135: {  	[sflag:s7] =	ssyncadd.s32 $0xFFFFCE00  }
0x136: {  	_ =	swait.ge [sflag:s28], $0x3200  }
0x137: {  	[sflag:s28] =	ssyncset.done $0x0  }
0x138: {  	s1 =	rddreg [dreg:$0x6];
	[sflag:s28] =	ssyncadd.s32 $0xFFFFCE00  }
0x139: {  	[tilespmem:s11], [sflag:$0x7] =	stream.linear.gather [hbm4b:s1+s11], $0xC80, $0x38;
	[tilespmem:$0x1F800] =	vst v63  }
0x13a: {  	_ =	swait.ge [sflag:s18], $0xC80  }
0x13b: {  	[sflag:s18] =	ssyncset.done $0x0  }
0x13c: {  	s1 =	rddreg [dreg:$0x7];
	[sflag:s18] =	ssyncadd.s32 $0xFFFFF380  }
0x13d: {  	[tilespmem:s3], [sflag:$0x7] =	stream.linear.gather [hbm4b:s1+s11], $0xC80, $0x38;
	[tilespmem:$0x1F800] =	vst v63  }
0x13e: {  	_ =	swait.ge [sflag:s18], $0xC80  }
0x13f: {  	[sflag:s18] =	ssyncset.done $0x0  }
0x140: {  	[sflag:s18] =	ssyncadd.s32 $0xFFFFF380  }
0x141: {  	[tilespmem:s16], [sflag:$0x1] =	stream.indirect.gather [hbm4b:s4+s20], $0x80, s11, s20, $0xb8;
	[tilespmem:$0x1F800] =	vst v63  }
0x142: {  	s1 =	simm.s32 $0x80  }
0x143: {  	[tilespmem:s22], [sflag:$0x2] =	stream.indirect.gather [hbm4b:s4+s20], $0x80, s1, s20, $0xb8;
	[tilespmem:$0x1F800] =	vst v63  }
0x144: {  	_ =	swait.ge [sflag:s17], $0x3200  }
0x145: {  	[sflag:s17] =	ssyncset.done $0x0  }
0x146: {  	[sflag:s17] =	ssyncadd.s32 $0xFFFFCE00  }
0x147: {  	[spmem:s2] =	stream.indirect.scatter.add.f32 [tilespmem:s16], [sflag:$0x4], $0x80, s3, s20, $0xb8;
	[tilespmem:$0x1F800] =	vst v63  }
0x148: {  	s1 =	simm.s32 $0x100  }
0x149: {  	[tilespmem:s24], [sflag:$0x3] =	stream.indirect.gather [hbm4b:s4+s20], $0x80, s1, s20, $0xb8;
	[tilespmem:$0x1F800] =	vst v63  }
0x14a: {  	_ =	swait.ge [sflag:s25], $0x3200  }
0x14b: {  	[sflag:s25] =	ssyncset.done $0x0  }
0x14c: {  	s1 =	simm.s32 $0x1080;
	[sflag:s25] =	ssyncadd.s32 $0xFFFFCE00  }
0x14d: {  	[spmem:s2] =	stream.indirect.scatter.add.f32 [tilespmem:s22], [sflag:$0x5], $0x80, s1, s20, $0xb8;
	[tilespmem:$0x1F800] =	vst v63  }
0x14e: {  	_ =	swait.ge [sflag:s28], $0x3200  }
0x14f: {  	[sflag:s28] =	ssyncset.done $0x0  }
0x150: {  	s1 =	simm.s32 $0x180;
	[sflag:s28] =	ssyncadd.s32 $0xFFFFCE00  }
0x151: {  	[tilespmem:s16], [sflag:$0x1] =	stream.indirect.gather [hbm4b:s4+s20], $0x80, s1, s20, $0xb8;
	[tilespmem:$0x1F800] =	vst v63  }
0x152: {  	_ =	swait.ge [sflag:s30], $0x3200  }
0x153: {  	[sflag:s30] =	ssyncset.done $0x0  }
0x154: {  	s1 =	simm.s32 $0x1100;
	[sflag:s30] =	ssyncadd.s32 $0xFFFFCE00  }
0x155: {  	[spmem:s2] =	stream.indirect.scatter.add.f32 [tilespmem:s24], [sflag:$0x6], $0x80, s1, s20, $0xb8;
	[tilespmem:$0x1F800] =	vst v63  }
0x156: {  	_ =	swait.ge [sflag:s0], $0x3200  }
0x157: {  	[sflag:s0] =	ssyncset.done $0x0  }
0x158: {  	s1 =	simm.s32 $0x200;
	[sflag:s0] =	ssyncadd.s32 $0xFFFFCE00  }
0x159: {  	[tilespmem:s22], [sflag:$0x2] =	stream.indirect.gather [hbm4b:s4+s20], $0x80, s1, s20, $0xb8;
	[tilespmem:$0x1F800] =	vst v63  }
0x15a: {  	_ =	swait.ge [sflag:s17], $0x3200  }
0x15b: {  	[sflag:s17] =	ssyncset.done $0x0  }
0x15c: {  	s1 =	simm.s32 $0x1180;
	[sflag:s17] =	ssyncadd.s32 $0xFFFFCE00  }
0x15d: {  	[spmem:s2] =	stream.indirect.scatter.add.f32 [tilespmem:s16], [sflag:$0x4], $0x80, s1, s20, $0xb8;
	[tilespmem:$0x1F800] =	vst v63  }
0x15e: {  	_ =	swait.ge [sflag:s7], $0x3200  }
0x15f: {  	[sflag:s7] =	ssyncset.done $0x0  }
0x160: {  	s1 =	simm.s32 $0x280;
	[sflag:s7] =	ssyncadd.s32 $0xFFFFCE00  }
0x161: {  	[tilespmem:s24], [sflag:$0x3] =	stream.indirect.gather [hbm4b:s4+s20], $0x80, s1, s20, $0xb8;
	[tilespmem:$0x1F800] =	vst v63  }
0x162: {  	_ =	swait.ge [sflag:s25], $0x3200  }
0x163: {  	[sflag:s25] =	ssyncset.done $0x0  }
0x164: {  	s1 =	simm.s32 $0x1200;
	[sflag:s25] =	ssyncadd.s32 $0xFFFFCE00  }
0x165: {  	[spmem:s2] =	stream.indirect.scatter.add.f32 [tilespmem:s22], [sflag:$0x5], $0x80, s1, s20, $0xb8;
	[tilespmem:$0x1F800] =	vst v63  }
0x166: {  	_ =	swait.ge [sflag:s28], $0x3200  }
0x167: {  	[sflag:s28] =	ssyncset.done $0x0  }
0x168: {  	s1 =	simm.s32 $0x300;
	[sflag:s28] =	ssyncadd.s32 $0xFFFFCE00  }
0x169: {  	[tilespmem:s16], [sflag:$0x1] =	stream.indirect.gather [hbm4b:s4+s20], $0x80, s1, s20, $0xb8;
	[tilespmem:$0x1F800] =	vst v63  }
0x16a: {  	_ =	swait.ge [sflag:s30], $0x3200  }
0x16b: {  	[sflag:s30] =	ssyncset.done $0x0  }
0x16c: {  	s1 =	simm.s32 $0x1280;
	[sflag:s30] =	ssyncadd.s32 $0xFFFFCE00  }
0x16d: {  	[spmem:s2] =	stream.indirect.scatter.add.f32 [tilespmem:s24], [sflag:$0x6], $0x80, s1, s20, $0xb8;
	[tilespmem:$0x1F800] =	vst v63  }
0x16e: {  	_ =	swait.ge [sflag:s0], $0x3200  }
0x16f: {  	[sflag:s0] =	ssyncset.done $0x0  }
0x170: {  	s1 =	simm.s32 $0x380;
	[sflag:s0] =	ssyncadd.s32 $0xFFFFCE00  }
0x171: {  	[tilespmem:s22], [sflag:$0x2] =	stream.indirect.gather [hbm4b:s4+s20], $0x80, s1, s20, $0xb8;
	[tilespmem:$0x1F800] =	vst v63  }
0x172: {  	_ =	swait.ge [sflag:s17], $0x3200  }
0x173: {  	[sflag:s17] =	ssyncset.done $0x0  }
0x174: {  	s1 =	simm.s32 $0x1300;
	[sflag:s17] =	ssyncadd.s32 $0xFFFFCE00  }
0x175: {  	[spmem:s2] =	stream.indirect.scatter.add.f32 [tilespmem:s16], [sflag:$0x4], $0x80, s1, s20, $0xb8;
	[tilespmem:$0x1F800] =	vst v63  }
0x176: {  	_ =	swait.ge [sflag:s7], $0x3200  }
0x177: {  	[sflag:s7] =	ssyncset.done $0x0  }
0x178: {  	s6 =	simm.s32 $0x400;
	[sflag:s7] =	ssyncadd.s32 $0xFFFFCE00  }
0x179: {  	[tilespmem:s24], [sflag:$0x3] =	stream.indirect.gather [hbm4b:s4+s20], $0x80, s6, s20, $0xb8;
	[tilespmem:$0x1F800] =	vst v63  }
0x17a: {  	_ =	swait.ge [sflag:s25], $0x3200  }
0x17b: {  	[sflag:s25] =	ssyncset.done $0x0  }
0x17c: {  	s8 =	simm.s32 $0x1380;
	[sflag:s25] =	ssyncadd.s32 $0xFFFFCE00  }
0x17d: {  	[spmem:s2] =	stream.indirect.scatter.add.f32 [tilespmem:s22], [sflag:$0x5], $0x80, s8, s20, $0xb8;
	[tilespmem:$0x1F800] =	vst v63  }
0x17e: {  	_ =	swait.ge [sflag:s28], $0x3200  }
0x17f: {  	[sflag:s28] =	ssyncset.done $0x0  }
0x180: {  	s9 =	simm.s32 $0x480;
	[sflag:s28] =	ssyncadd.s32 $0xFFFFCE00  }
0x181: {  	[tilespmem:s16], [sflag:$0x1] =	stream.indirect.gather [hbm4b:s4+s20], $0x80, s9, s20, $0xb8;
	[tilespmem:$0x1F800] =	vst v63  }
0x182: {  	_ =	swait.ge [sflag:s30], $0x3200  }
0x183: {  	[sflag:s30] =	ssyncset.done $0x0  }
0x184: {  	s10 =	simm.s32 $0x1400;
	[sflag:s30] =	ssyncadd.s32 $0xFFFFCE00  }
0x185: {  	[spmem:s2] =	stream.indirect.scatter.add.f32 [tilespmem:s24], [sflag:$0x6], $0x80, s10, s20, $0xb8;
	[tilespmem:$0x1F800] =	vst v63  }
0x186: {  	_ =	swait.ge [sflag:s0], $0x3200  }
0x187: {  	[sflag:s0] =	ssyncset.done $0x0  }
0x188: {  	s31 =	simm.s32 $0x500;
	[sflag:s0] =	ssyncadd.s32 $0xFFFFCE00  }
0x189: {  	[tilespmem:s22], [sflag:$0x2] =	stream.indirect.gather [hbm4b:s4+s20], $0x80, s31, s20, $0xb8;
	[tilespmem:$0x1F800] =	vst v63  }
0x18a: {  	_ =	swait.ge [sflag:s17], $0x3200  }
0x18b: {  	[sflag:s17] =	ssyncset.done $0x0  }
0x18c: {  	s12 =	simm.s32 $0x1480;
	[sflag:s17] =	ssyncadd.s32 $0xFFFFCE00  }
0x18d: {  	[spmem:s2] =	stream.indirect.scatter.add.f32 [tilespmem:s16], [sflag:$0x4], $0x80, s12, s20, $0xb8;
	[tilespmem:$0x1F800] =	vst v63  }
0x18e: {  	_ =	swait.ge [sflag:s7], $0x3200  }
0x18f: {  	[sflag:s7] =	ssyncset.done $0x0  }
0x190: {  	s13 =	simm.s32 $0x580;
	[sflag:s7] =	ssyncadd.s32 $0xFFFFCE00  }
0x191: {  	[tilespmem:s24], [sflag:$0x3] =	stream.indirect.gather [hbm4b:s4+s20], $0x80, s13, s20, $0xb8;
	[tilespmem:$0x1F800] =	vst v63  }
0x192: {  	_ =	swait.ge [sflag:s25], $0x3200  }
0x193: {  	[sflag:s25] =	ssyncset.done $0x0  }
0x194: {  	s14 =	simm.s32 $0x1500;
	[sflag:s25] =	ssyncadd.s32 $0xFFFFCE00  }
0x195: {  	[spmem:s2] =	stream.indirect.scatter.add.f32 [tilespmem:s22], [sflag:$0x5], $0x80, s14, s20, $0xb8;
	[tilespmem:$0x1F800] =	vst v63  }
0x196: {  	_ =	swait.ge [sflag:s28], $0x3200  }
0x197: {  	[sflag:s28] =	ssyncset.done $0x0  }
0x198: {  	s15 =	simm.s32 $0x600;
	[sflag:s28] =	ssyncadd.s32 $0xFFFFCE00  }
0x199: {  	[tilespmem:s16], [sflag:$0x1] =	stream.indirect.gather [hbm4b:s4+s20], $0x80, s15, s20, $0xb8;
	[tilespmem:$0x1F800] =	vst v63  }
0x19a: {  	_ =	swait.ge [sflag:s30], $0x3200  }
0x19b: {  	[sflag:s30] =	ssyncset.done $0x0  }
0x19c: {  	s19 =	simm.s32 $0x1580;
	[sflag:s30] =	ssyncadd.s32 $0xFFFFCE00  }
0x19d: {  	[spmem:s2] =	stream.indirect.scatter.add.f32 [tilespmem:s24], [sflag:$0x6], $0x80, s19, s20, $0xb8;
	[tilespmem:$0x1F800] =	vst v63  }
0x19e: {  	_ =	swait.ge [sflag:s0], $0x3200  }
0x19f: {  	[sflag:s0] =	ssyncset.done $0x0  }
0x1a0: {  	s21 =	simm.s32 $0x680;
	[sflag:s0] =	ssyncadd.s32 $0xFFFFCE00  }
0x1a1: {  	[tilespmem:s22], [sflag:$0x2] =	stream.indirect.gather [hbm4b:s4+s20], $0x80, s21, s20, $0xb8;
	[tilespmem:$0x1F800] =	vst v63  }
0x1a2: {  	_ =	swait.ge [sflag:s17], $0x3200  }
0x1a3: {  	[sflag:s17] =	ssyncset.done $0x0  }
0x1a4: {  	s23 =	simm.s32 $0x1600;
	[sflag:s17] =	ssyncadd.s32 $0xFFFFCE00  }
0x1a5: {  	[spmem:s2] =	stream.indirect.scatter.add.f32 [tilespmem:s16], [sflag:$0x4], $0x80, s23, s20, $0xb8;
	[tilespmem:$0x1F800] =	vst v63  }
0x1a6: {  	_ =	swait.ge [sflag:s7], $0x3200  }
0x1a7: {  	[sflag:s7] =	ssyncset.done $0x0  }
0x1a8: {  	s26 =	simm.s32 $0x700;
	[sflag:s7] =	ssyncadd.s32 $0xFFFFCE00  }
0x1a9: {  	[tilespmem:s24], [sflag:$0x3] =	stream.indirect.gather [hbm4b:s4+s20], $0x80, s26, s20, $0xb8;
	[tilespmem:$0x1F800] =	vst v63  }
0x1aa: {  	_ =	swait.ge [sflag:s25], $0x3200  }
0x1ab: {  	[sflag:s25] =	ssyncset.done $0x0  }
0x1ac: {  	s12 =	simm.s32 $0x1680;
	[sflag:s25] =	ssyncadd.s32 $0xFFFFCE00  }
0x1ad: {  	[spmem:s2] =	stream.indirect.scatter.add.f32 [tilespmem:s22], [sflag:$0x5], $0x80, s12, s20, $0xb8;
	[tilespmem:$0x1F800] =	vst v63  }
0x1ae: {  	_ =	swait.ge [sflag:s28], $0x3200  }
0x1af: {  	[sflag:s28] =	ssyncset.done $0x0  }
0x1b0: {  	s12 =	simm.s32 $0x780;
	[sflag:s28] =	ssyncadd.s32 $0xFFFFCE00  }
0x1b1: {  	[tilespmem:s16], [sflag:$0x1] =	stream.indirect.gather [hbm4b:s4+s20], $0x80, s12, s20, $0xb8;
	[tilespmem:$0x1F800] =	vst v63  }
0x1b2: {  	_ =	swait.ge [sflag:s30], $0x3200  }
0x1b3: {  	[sflag:s30] =	ssyncset.done $0x0  }
0x1b4: {  	s12 =	simm.s32 $0x1700;
	[sflag:s30] =	ssyncadd.s32 $0xFFFFCE00  }
0x1b5: {  	[spmem:s2] =	stream.indirect.scatter.add.f32 [tilespmem:s24], [sflag:$0x6], $0x80, s12, s20, $0xb8;
	[tilespmem:$0x1F800] =	vst v63  }
0x1b6: {  	_ =	swait.ge [sflag:s0], $0x3200  }
0x1b7: {  	[sflag:s0] =	ssyncset.done $0x0  }
0x1b8: {  	s12 =	simm.s32 $0x800;
	[sflag:s0] =	ssyncadd.s32 $0xFFFFCE00  }
0x1b9: {  	[tilespmem:s22], [sflag:$0x2] =	stream.indirect.gather [hbm4b:s4+s20], $0x80, s12, s20, $0xb8;
	[tilespmem:$0x1F800] =	vst v63  }
0x1ba: {  	_ =	swait.ge [sflag:s17], $0x3200  }
0x1bb: {  	[sflag:s17] =	ssyncset.done $0x0  }
0x1bc: {  	s12 =	simm.s32 $0x1780;
	[sflag:s17] =	ssyncadd.s32 $0xFFFFCE00  }
0x1bd: {  	[spmem:s2] =	stream.indirect.scatter.add.f32 [tilespmem:s16], [sflag:$0x4], $0x80, s12, s20, $0xb8;
	[tilespmem:$0x1F800] =	vst v63  }
0x1be: {  	_ =	swait.ge [sflag:s7], $0x3200  }
0x1bf: {  	[sflag:s7] =	ssyncset.done $0x0  }
0x1c0: {  	s12 =	simm.s32 $0x880;
	[sflag:s7] =	ssyncadd.s32 $0xFFFFCE00  }
0x1c1: {  	[tilespmem:s24], [sflag:$0x3] =	stream.indirect.gather [hbm4b:s4+s20], $0x80, s12, s20, $0xb8;
	[tilespmem:$0x1F800] =	vst v63  }
0x1c2: {  	_ =	swait.ge [sflag:s25], $0x3200  }
0x1c3: {  	[sflag:s25] =	ssyncset.done $0x0  }
0x1c4: {  	s12 =	simm.s32 $0x1800;
	[sflag:s25] =	ssyncadd.s32 $0xFFFFCE00  }
0x1c5: {  	[spmem:s2] =	stream.indirect.scatter.add.f32 [tilespmem:s22], [sflag:$0x5], $0x80, s12, s20, $0xb8;
	[tilespmem:$0x1F800] =	vst v63  }
0x1c6: {  	_ =	swait.ge [sflag:s28], $0x3200  }
0x1c7: {  	[sflag:s28] =	ssyncset.done $0x0  }
0x1c8: {  	s12 =	simm.s32 $0x900;
	[sflag:s28] =	ssyncadd.s32 $0xFFFFCE00  }
0x1c9: {  	[tilespmem:s16], [sflag:$0x1] =	stream.indirect.gather [hbm4b:s4+s20], $0x80, s12, s20, $0xb8;
	[tilespmem:$0x1F800] =	vst v63  }
0x1ca: {  	_ =	swait.ge [sflag:s30], $0x3200  }
0x1cb: {  	[sflag:s30] =	ssyncset.done $0x0  }
0x1cc: {  	s12 =	simm.s32 $0x1880;
	[sflag:s30] =	ssyncadd.s32 $0xFFFFCE00  }
0x1cd: {  	[spmem:s2] =	stream.indirect.scatter.add.f32 [tilespmem:s24], [sflag:$0x6], $0x80, s12, s20, $0xb8;
	[tilespmem:$0x1F800] =	vst v63  }
0x1ce: {  	_ =	swait.ge [sflag:s0], $0x3200  }
0x1cf: {  	[sflag:s0] =	ssyncset.done $0x0  }
0x1d0: {  	s12 =	simm.s32 $0x980;
	[sflag:s0] =	ssyncadd.s32 $0xFFFFCE00  }
0x1d1: {  	[tilespmem:s22], [sflag:$0x2] =	stream.indirect.gather [hbm4b:s4+s20], $0x80, s12, s20, $0xb8;
	[tilespmem:$0x1F800] =	vst v63  }
0x1d2: {  	_ =	swait.ge [sflag:s17], $0x3200  }
0x1d3: {  	[sflag:s17] =	ssyncset.done $0x0  }
0x1d4: {  	s12 =	simm.s32 $0x1900;
	[sflag:s17] =	ssyncadd.s32 $0xFFFFCE00  }
0x1d5: {  	[spmem:s2] =	stream.indirect.scatter.add.f32 [tilespmem:s16], [sflag:$0x4], $0x80, s12, s20, $0xb8;
	[tilespmem:$0x1F800] =	vst v63  }
0x1d6: {  	_ =	swait.ge [sflag:s7], $0x3200  }
0x1d7: {  	[sflag:s7] =	ssyncset.done $0x0  }
0x1d8: {  	s12 =	simm.s32 $0xA00;
	[sflag:s7] =	ssyncadd.s32 $0xFFFFCE00  }
0x1d9: {  	[tilespmem:s24], [sflag:$0x3] =	stream.indirect.gather [hbm4b:s4+s20], $0x80, s12, s20, $0xb8;
	[tilespmem:$0x1F800] =	vst v63  }
0x1da: {  	_ =	swait.ge [sflag:s25], $0x3200  }
0x1db: {  	[sflag:s25] =	ssyncset.done $0x0  }
0x1dc: {  	s12 =	simm.s32 $0x1980;
	[sflag:s25] =	ssyncadd.s32 $0xFFFFCE00  }
0x1dd: {  	[spmem:s2] =	stream.indirect.scatter.add.f32 [tilespmem:s22], [sflag:$0x5], $0x80, s12, s20, $0xb8;
	[tilespmem:$0x1F800] =	vst v63  }
0x1de: {  	_ =	swait.ge [sflag:s28], $0x3200  }
0x1df: {  	[sflag:s28] =	ssyncset.done $0x0  }
0x1e0: {  	s12 =	simm.s32 $0xA80;
	[sflag:s28] =	ssyncadd.s32 $0xFFFFCE00  }
0x1e1: {  	[tilespmem:s16], [sflag:$0x1] =	stream.indirect.gather [hbm4b:s4+s20], $0x80, s12, s20, $0xb8;
	[tilespmem:$0x1F800] =	vst v63  }
0x1e2: {  	_ =	swait.ge [sflag:s30], $0x3200  }
0x1e3: {  	[sflag:s30] =	ssyncset.done $0x0  }
0x1e4: {  	s12 =	simm.s32 $0x1A00;
	[sflag:s30] =	ssyncadd.s32 $0xFFFFCE00  }
0x1e5: {  	[spmem:s2] =	stream.indirect.scatter.add.f32 [tilespmem:s24], [sflag:$0x6], $0x80, s12, s20, $0xb8;
	[tilespmem:$0x1F800] =	vst v63  }
0x1e6: {  	_ =	swait.ge [sflag:s0], $0x3200  }
0x1e7: {  	[sflag:s0] =	ssyncset.done $0x0  }
0x1e8: {  	s12 =	simm.s32 $0xB00;
	[sflag:s0] =	ssyncadd.s32 $0xFFFFCE00  }
0x1e9: {  	[tilespmem:s22], [sflag:$0x2] =	stream.indirect.gather [hbm4b:s4+s20], $0x80, s12, s20, $0xb8;
	[tilespmem:$0x1F800] =	vst v63  }
0x1ea: {  	_ =	swait.ge [sflag:s17], $0x3200  }
0x1eb: {  	[sflag:s17] =	ssyncset.done $0x0  }
0x1ec: {  	s12 =	simm.s32 $0x1A80;
	[sflag:s17] =	ssyncadd.s32 $0xFFFFCE00  }
0x1ed: {  	[spmem:s2] =	stream.indirect.scatter.add.f32 [tilespmem:s16], [sflag:$0x4], $0x80, s12, s20, $0xb8;
	[tilespmem:$0x1F800] =	vst v63  }
0x1ee: {  	_ =	swait.ge [sflag:s7], $0x3200  }
0x1ef: {  	[sflag:s7] =	ssyncset.done $0x0  }
0x1f0: {  	s12 =	simm.s32 $0xB80;
	[sflag:s7] =	ssyncadd.s32 $0xFFFFCE00  }
0x1f1: {  	[tilespmem:s24], [sflag:$0x3] =	stream.indirect.gather [hbm4b:s4+s20], $0x80, s12, s20, $0xb8;
	[tilespmem:$0x1F800] =	vst v63  }
0x1f2: {  	_ =	swait.ge [sflag:s25], $0x3200  }
0x1f3: {  	[sflag:s25] =	ssyncset.done $0x0  }
0x1f4: {  	s12 =	simm.s32 $0x1B00;
	[sflag:s25] =	ssyncadd.s32 $0xFFFFCE00  }
0x1f5: {  	[spmem:s2] =	stream.indirect.scatter.add.f32 [tilespmem:s22], [sflag:$0x5], $0x80, s12, s20, $0xb8;
	[tilespmem:$0x1F800] =	vst v63  }
0x1f6: {  	_ =	swait.ge [sflag:s28], $0x3200  }
0x1f7: {  	[sflag:s28] =	ssyncset.done $0x0  }
0x1f8: {  	s12 =	simm.s32 $0xC00;
	[sflag:s28] =	ssyncadd.s32 $0xFFFFCE00  }
0x1f9: {  	[tilespmem:s16], [sflag:$0x1] =	stream.indirect.gather [hbm4b:s4+s20], $0x80, s12, s20, $0xb8;
	[tilespmem:$0x1F800] =	vst v63  }
0x1fa: {  	_ =	swait.ge [sflag:s30], $0x3200  }
0x1fb: {  	[sflag:s30] =	ssyncset.done $0x0  }
0x1fc: {  	s12 =	simm.s32 $0x1B80;
	[sflag:s30] =	ssyncadd.s32 $0xFFFFCE00  }
0x1fd: {  	[spmem:s2] =	stream.indirect.scatter.add.f32 [tilespmem:s24], [sflag:$0x6], $0x80, s12, s20, $0xb8;
	[tilespmem:$0x1F800] =	vst v63  }
0x1fe: {  	_ =	swait.ge [sflag:s17], $0x3200  }
0x1ff: {  	[sflag:s17] =	ssyncset.done $0x0  }
0x200: {  	s12 =	simm.s32 $0x1C00;
	[sflag:s17] =	ssyncadd.s32 $0xFFFFCE00  }
0x201: {  	[spmem:s2] =	stream.indirect.scatter.add.f32 [tilespmem:s16], [sflag:$0x4], $0x80, s12, s20, $0xb8;
	[tilespmem:$0x1F800] =	vst v63  }
0x202: {  	_ =	swait.ge [sflag:s0], $0x3200  }
0x203: {  	[sflag:s0] =	ssyncset.done $0x0  }
0x204: {  	[sflag:s0] =	ssyncadd.s32 $0xFFFFCE00  }
0x205: {  	_ =	swait.ge [sflag:s7], $0x3200  }
0x206: {  	[sflag:s7] =	ssyncset.done $0x0  }
0x207: {  	[sflag:s7] =	ssyncadd.s32 $0xFFFFCE00  }
0x208: {  	_ =	swait.ge [sflag:s28], $0x3200  }
0x209: {  	[sflag:s28] =	ssyncset.done $0x0  }
0x20a: {  	s12 =	rddreg [dreg:$0x8];
	[sflag:s28] =	ssyncadd.s32 $0xFFFFCE00  }
0x20b: {  	[tilespmem:s11], [sflag:$0x7] =	stream.linear.gather [hbm4b:s12+s11], $0xC80, $0x38;
	[tilespmem:$0x1F800] =	vst v63  }
0x20c: {  	_ =	swait.ge [sflag:s18], $0xC80  }
0x20d: {  	[sflag:s18] =	ssyncset.done $0x0  }
0x20e: {  	s12 =	rddreg [dreg:$0x9];
	[sflag:s18] =	ssyncadd.s32 $0xFFFFF380  }
0x20f: {  	[tilespmem:s3], [sflag:$0x7] =	stream.linear.gather [hbm4b:s12+s11], $0xC80, $0x38;
	[tilespmem:$0x1F800] =	vst v63  }
0x210: {  	_ =	swait.ge [sflag:s18], $0xC80  }
0x211: {  	[sflag:s18] =	ssyncset.done $0x0  }
0x212: {  	[sflag:s18] =	ssyncadd.s32 $0xFFFFF380  }
0x213: {  	[tilespmem:s16], [sflag:$0x1] =	stream.indirect.gather [hbm4b:s4+s20], $0x80, s11, s20, $0xb8;
	[tilespmem:$0x1F800] =	vst v63  }
0x214: {  	s12 =	simm.s32 $0x80  }
0x215: {  	[tilespmem:s22], [sflag:$0x2] =	stream.indirect.gather [hbm4b:s4+s20], $0x80, s12, s20, $0xb8;
	[tilespmem:$0x1F800] =	vst v63  }
0x216: {  	_ =	swait.ge [sflag:s17], $0x3200  }
0x217: {  	[sflag:s17] =	ssyncset.done $0x0  }
0x218: {  	[sflag:s17] =	ssyncadd.s32 $0xFFFFCE00  }
0x219: {  	[spmem:s2] =	stream.indirect.scatter.add.f32 [tilespmem:s16], [sflag:$0x4], $0x80, s3, s20, $0xb8;
	[tilespmem:$0x1F800] =	vst v63  }
0x21a: {  	s12 =	simm.s32 $0x100  }
0x21b: {  	[tilespmem:s24], [sflag:$0x3] =	stream.indirect.gather [hbm4b:s4+s20], $0x80, s12, s20, $0xb8;
	[tilespmem:$0x1F800] =	vst v63  }
0x21c: {  	_ =	swait.ge [sflag:s25], $0x3200  }
0x21d: {  	[sflag:s25] =	ssyncset.done $0x0  }
0x21e: {  	s12 =	simm.s32 $0x1080;
	[sflag:s25] =	ssyncadd.s32 $0xFFFFCE00  }
0x21f: {  	[spmem:s2] =	stream.indirect.scatter.add.f32 [tilespmem:s22], [sflag:$0x5], $0x80, s12, s20, $0xb8;
	[tilespmem:$0x1F800] =	vst v63  }
0x220: {  	_ =	swait.ge [sflag:s28], $0x3200  }
0x221: {  	[sflag:s28] =	ssyncset.done $0x0  }
0x222: {  	s12 =	simm.s32 $0x180;
	[sflag:s28] =	ssyncadd.s32 $0xFFFFCE00  }
0x223: {  	[tilespmem:s16], [sflag:$0x1] =	stream.indirect.gather [hbm4b:s4+s20], $0x80, s12, s20, $0xb8;
	[tilespmem:$0x1F800] =	vst v63  }
0x224: {  	_ =	swait.ge [sflag:s30], $0x3200  }
0x225: {  	[sflag:s30] =	ssyncset.done $0x0  }
0x226: {  	s12 =	simm.s32 $0x1100;
	[sflag:s30] =	ssyncadd.s32 $0xFFFFCE00  }
0x227: {  	[spmem:s2] =	stream.indirect.scatter.add.f32 [tilespmem:s24], [sflag:$0x6], $0x80, s12, s20, $0xb8;
	[tilespmem:$0x1F800] =	vst v63  }
0x228: {  	_ =	swait.ge [sflag:s0], $0x3200  }
0x229: {  	[sflag:s0] =	ssyncset.done $0x0  }
0x22a: {  	s12 =	simm.s32 $0x200;
	[sflag:s0] =	ssyncadd.s32 $0xFFFFCE00  }
0x22b: {  	[tilespmem:s22], [sflag:$0x2] =	stream.indirect.gather [hbm4b:s4+s20], $0x80, s12, s20, $0xb8;
	[tilespmem:$0x1F800] =	vst v63  }
0x22c: {  	_ =	swait.ge [sflag:s17], $0x3200  }
0x22d: {  	[sflag:s17] =	ssyncset.done $0x0  }
0x22e: {  	s12 =	simm.s32 $0x1180;
	[sflag:s17] =	ssyncadd.s32 $0xFFFFCE00  }
0x22f: {  	[spmem:s2] =	stream.indirect.scatter.add.f32 [tilespmem:s16], [sflag:$0x4], $0x80, s12, s20, $0xb8;
	[tilespmem:$0x1F800] =	vst v63  }
0x230: {  	_ =	swait.ge [sflag:s7], $0x3200  }
0x231: {  	[sflag:s7] =	ssyncset.done $0x0  }
0x232: {  	s12 =	simm.s32 $0x280;
	[sflag:s7] =	ssyncadd.s32 $0xFFFFCE00  }
0x233: {  	[tilespmem:s24], [sflag:$0x3] =	stream.indirect.gather [hbm4b:s4+s20], $0x80, s12, s20, $0xb8;
	[tilespmem:$0x1F800] =	vst v63  }
0x234: {  	_ =	swait.ge [sflag:s25], $0x3200  }
0x235: {  	[sflag:s25] =	ssyncset.done $0x0  }
0x236: {  	s12 =	simm.s32 $0x1200;
	[sflag:s25] =	ssyncadd.s32 $0xFFFFCE00  }
0x237: {  	[spmem:s2] =	stream.indirect.scatter.add.f32 [tilespmem:s22], [sflag:$0x5], $0x80, s12, s20, $0xb8;
	[tilespmem:$0x1F800] =	vst v63  }
0x238: {  	_ =	swait.ge [sflag:s28], $0x3200  }
0x239: {  	[sflag:s28] =	ssyncset.done $0x0  }
0x23a: {  	s12 =	simm.s32 $0x300;
	[sflag:s28] =	ssyncadd.s32 $0xFFFFCE00  }
0x23b: {  	[tilespmem:s16], [sflag:$0x1] =	stream.indirect.gather [hbm4b:s4+s20], $0x80, s12, s20, $0xb8;
	[tilespmem:$0x1F800] =	vst v63  }
0x23c: {  	_ =	swait.ge [sflag:s30], $0x3200  }
0x23d: {  	[sflag:s30] =	ssyncset.done $0x0  }
0x23e: {  	s12 =	simm.s32 $0x1280;
	[sflag:s30] =	ssyncadd.s32 $0xFFFFCE00  }
0x23f: {  	[spmem:s2] =	stream.indirect.scatter.add.f32 [tilespmem:s24], [sflag:$0x6], $0x80, s12, s20, $0xb8;
	[tilespmem:$0x1F800] =	vst v63  }
0x240: {  	_ =	swait.ge [sflag:s0], $0x3200  }
0x241: {  	[sflag:s0] =	ssyncset.done $0x0  }
0x242: {  	s12 =	simm.s32 $0x380;
	[sflag:s0] =	ssyncadd.s32 $0xFFFFCE00  }
0x243: {  	[tilespmem:s22], [sflag:$0x2] =	stream.indirect.gather [hbm4b:s4+s20], $0x80, s12, s20, $0xb8;
	[tilespmem:$0x1F800] =	vst v63  }
0x244: {  	_ =	swait.ge [sflag:s17], $0x3200  }
0x245: {  	[sflag:s17] =	ssyncset.done $0x0  }
0x246: {  	s12 =	simm.s32 $0x1300;
	[sflag:s17] =	ssyncadd.s32 $0xFFFFCE00  }
0x247: {  	[spmem:s2] =	stream.indirect.scatter.add.f32 [tilespmem:s16], [sflag:$0x4], $0x80, s12, s20, $0xb8;
	[tilespmem:$0x1F800] =	vst v63  }
0x248: {  	_ =	swait.ge [sflag:s7], $0x3200  }
0x249: {  	[sflag:s7] =	ssyncset.done $0x0  }
0x24a: {  	s6 =	simm.s32 $0x400;
	[sflag:s7] =	ssyncadd.s32 $0xFFFFCE00  }
0x24b: {  	[tilespmem:s24], [sflag:$0x3] =	stream.indirect.gather [hbm4b:s4+s20], $0x80, s6, s20, $0xb8;
	[tilespmem:$0x1F800] =	vst v63  }
0x24c: {  	_ =	swait.ge [sflag:s25], $0x3200  }
0x24d: {  	[sflag:s25] =	ssyncset.done $0x0  }
0x24e: {  	s8 =	simm.s32 $0x1380;
	[sflag:s25] =	ssyncadd.s32 $0xFFFFCE00  }
0x24f: {  	[spmem:s2] =	stream.indirect.scatter.add.f32 [tilespmem:s22], [sflag:$0x5], $0x80, s8, s20, $0xb8;
	[tilespmem:$0x1F800] =	vst v63  }
0x250: {  	_ =	swait.ge [sflag:s28], $0x3200  }
0x251: {  	[sflag:s28] =	ssyncset.done $0x0  }
0x252: {  	s9 =	simm.s32 $0x480;
	[sflag:s28] =	ssyncadd.s32 $0xFFFFCE00  }
0x253: {  	[tilespmem:s16], [sflag:$0x1] =	stream.indirect.gather [hbm4b:s4+s20], $0x80, s9, s20, $0xb8;
	[tilespmem:$0x1F800] =	vst v63  }
0x254: {  	_ =	swait.ge [sflag:s30], $0x3200  }
0x255: {  	[sflag:s30] =	ssyncset.done $0x0  }
0x256: {  	s10 =	simm.s32 $0x1400;
	[sflag:s30] =	ssyncadd.s32 $0xFFFFCE00  }
0x257: {  	[spmem:s2] =	stream.indirect.scatter.add.f32 [tilespmem:s24], [sflag:$0x6], $0x80, s10, s20, $0xb8;
	[tilespmem:$0x1F800] =	vst v63  }
0x258: {  	_ =	swait.ge [sflag:s0], $0x3200  }
0x259: {  	[sflag:s0] =	ssyncset.done $0x0  }
0x25a: {  	s31 =	simm.s32 $0x500;
	[sflag:s0] =	ssyncadd.s32 $0xFFFFCE00  }
0x25b: {  	[tilespmem:s22], [sflag:$0x2] =	stream.indirect.gather [hbm4b:s4+s20], $0x80, s31, s20, $0xb8;
	[tilespmem:$0x1F800] =	vst v63  }
0x25c: {  	_ =	swait.ge [sflag:s17], $0x3200  }
0x25d: {  	[sflag:s17] =	ssyncset.done $0x0  }
0x25e: {  	s31 =	simm.s32 $0x1480;
	[sflag:s17] =	ssyncadd.s32 $0xFFFFCE00  }
0x25f: {  	[spmem:s2] =	stream.indirect.scatter.add.f32 [tilespmem:s16], [sflag:$0x4], $0x80, s31, s20, $0xb8;
	[tilespmem:$0x1F800] =	vst v63  }
0x260: {  	_ =	swait.ge [sflag:s7], $0x3200  }
0x261: {  	[sflag:s7] =	ssyncset.done $0x0  }
0x262: {  	s13 =	simm.s32 $0x580;
	[sflag:s7] =	ssyncadd.s32 $0xFFFFCE00  }
0x263: {  	[tilespmem:s24], [sflag:$0x3] =	stream.indirect.gather [hbm4b:s4+s20], $0x80, s13, s20, $0xb8;
	[tilespmem:$0x1F800] =	vst v63  }
0x264: {  	_ =	swait.ge [sflag:s25], $0x3200  }
0x265: {  	[sflag:s25] =	ssyncset.done $0x0  }
0x266: {  	s14 =	simm.s32 $0x1500;
	[sflag:s25] =	ssyncadd.s32 $0xFFFFCE00  }
0x267: {  	[spmem:s2] =	stream.indirect.scatter.add.f32 [tilespmem:s22], [sflag:$0x5], $0x80, s14, s20, $0xb8;
	[tilespmem:$0x1F800] =	vst v63  }
0x268: {  	_ =	swait.ge [sflag:s28], $0x3200  }
0x269: {  	[sflag:s28] =	ssyncset.done $0x0  }
0x26a: {  	s15 =	simm.s32 $0x600;
	[sflag:s28] =	ssyncadd.s32 $0xFFFFCE00  }
0x26b: {  	[tilespmem:s16], [sflag:$0x1] =	stream.indirect.gather [hbm4b:s4+s20], $0x80, s15, s20, $0xb8;
	[tilespmem:$0x1F800] =	vst v63  }
0x26c: {  	_ =	swait.ge [sflag:s30], $0x3200  }
0x26d: {  	[sflag:s30] =	ssyncset.done $0x0  }
0x26e: {  	s19 =	simm.s32 $0x1580;
	[sflag:s30] =	ssyncadd.s32 $0xFFFFCE00  }
0x26f: {  	[spmem:s2] =	stream.indirect.scatter.add.f32 [tilespmem:s24], [sflag:$0x6], $0x80, s19, s20, $0xb8;
	[tilespmem:$0x1F800] =	vst v63  }
0x270: {  	_ =	swait.ge [sflag:s0], $0x3200  }
0x271: {  	[sflag:s0] =	ssyncset.done $0x0  }
0x272: {  	s21 =	simm.s32 $0x680;
	[sflag:s0] =	ssyncadd.s32 $0xFFFFCE00  }
0x273: {  	[tilespmem:s22], [sflag:$0x2] =	stream.indirect.gather [hbm4b:s4+s20], $0x80, s21, s20, $0xb8;
	[tilespmem:$0x1F800] =	vst v63  }
0x274: {  	_ =	swait.ge [sflag:s17], $0x3200  }
0x275: {  	[sflag:s17] =	ssyncset.done $0x0  }
0x276: {  	s23 =	simm.s32 $0x1600;
	[sflag:s17] =	ssyncadd.s32 $0xFFFFCE00  }
0x277: {  	[spmem:s2] =	stream.indirect.scatter.add.f32 [tilespmem:s16], [sflag:$0x4], $0x80, s23, s20, $0xb8;
	[tilespmem:$0x1F800] =	vst v63  }
0x278: {  	_ =	swait.ge [sflag:s7], $0x3200  }
0x279: {  	[sflag:s7] =	ssyncset.done $0x0  }
0x27a: {  	s26 =	simm.s32 $0x700;
	[sflag:s7] =	ssyncadd.s32 $0xFFFFCE00  }
0x27b: {  	[tilespmem:s24], [sflag:$0x3] =	stream.indirect.gather [hbm4b:s4+s20], $0x80, s26, s20, $0xb8;
	[tilespmem:$0x1F800] =	vst v63  }
0x27c: {  	_ =	swait.ge [sflag:s25], $0x3200  }
0x27d: {  	[sflag:s25] =	ssyncset.done $0x0  }
0x27e: {  	s1 =	simm.s32 $0x1680;
	[sflag:s25] =	ssyncadd.s32 $0xFFFFCE00  }
0x27f: {  	[spmem:s2] =	stream.indirect.scatter.add.f32 [tilespmem:s22], [sflag:$0x5], $0x80, s1, s20, $0xb8;
	[tilespmem:$0x1F800] =	vst v63  }
0x280: {  	_ =	swait.ge [sflag:s28], $0x3200  }
0x281: {  	[sflag:s28] =	ssyncset.done $0x0  }
0x282: {  	s1 =	simm.s32 $0x780;
	[sflag:s28] =	ssyncadd.s32 $0xFFFFCE00  }
0x283: {  	[tilespmem:s16], [sflag:$0x1] =	stream.indirect.gather [hbm4b:s4+s20], $0x80, s1, s20, $0xb8;
	[tilespmem:$0x1F800] =	vst v63  }
0x284: {  	_ =	swait.ge [sflag:s30], $0x3200  }
0x285: {  	[sflag:s30] =	ssyncset.done $0x0  }
0x286: {  	s1 =	simm.s32 $0x1700;
	[sflag:s30] =	ssyncadd.s32 $0xFFFFCE00  }
0x287: {  	[spmem:s2] =	stream.indirect.scatter.add.f32 [tilespmem:s24], [sflag:$0x6], $0x80, s1, s20, $0xb8;
	[tilespmem:$0x1F800] =	vst v63  }
0x288: {  	_ =	swait.ge [sflag:s0], $0x3200  }
0x289: {  	[sflag:s0] =	ssyncset.done $0x0  }
0x28a: {  	s1 =	simm.s32 $0x800;
	[sflag:s0] =	ssyncadd.s32 $0xFFFFCE00  }
0x28b: {  	[tilespmem:s22], [sflag:$0x2] =	stream.indirect.gather [hbm4b:s4+s20], $0x80, s1, s20, $0xb8;
	[tilespmem:$0x1F800] =	vst v63  }
0x28c: {  	_ =	swait.ge [sflag:s17], $0x3200  }
0x28d: {  	[sflag:s17] =	ssyncset.done $0x0  }
0x28e: {  	s1 =	simm.s32 $0x1780;
	[sflag:s17] =	ssyncadd.s32 $0xFFFFCE00  }
0x28f: {  	[spmem:s2] =	stream.indirect.scatter.add.f32 [tilespmem:s16], [sflag:$0x4], $0x80, s1, s20, $0xb8;
	[tilespmem:$0x1F800] =	vst v63  }
0x290: {  	_ =	swait.ge [sflag:s7], $0x3200  }
0x291: {  	[sflag:s7] =	ssyncset.done $0x0  }
0x292: {  	s1 =	simm.s32 $0x880;
	[sflag:s7] =	ssyncadd.s32 $0xFFFFCE00  }
0x293: {  	[tilespmem:s24], [sflag:$0x3] =	stream.indirect.gather [hbm4b:s4+s20], $0x80, s1, s20, $0xb8;
	[tilespmem:$0x1F800] =	vst v63  }
0x294: {  	_ =	swait.ge [sflag:s25], $0x3200  }
0x295: {  	[sflag:s25] =	ssyncset.done $0x0  }
0x296: {  	s1 =	simm.s32 $0x1800;
	[sflag:s25] =	ssyncadd.s32 $0xFFFFCE00  }
0x297: {  	[spmem:s2] =	stream.indirect.scatter.add.f32 [tilespmem:s22], [sflag:$0x5], $0x80, s1, s20, $0xb8;
	[tilespmem:$0x1F800] =	vst v63  }
0x298: {  	_ =	swait.ge [sflag:s28], $0x3200  }
0x299: {  	[sflag:s28] =	ssyncset.done $0x0  }
0x29a: {  	s1 =	simm.s32 $0x900;
	[sflag:s28] =	ssyncadd.s32 $0xFFFFCE00  }
0x29b: {  	[tilespmem:s16], [sflag:$0x1] =	stream.indirect.gather [hbm4b:s4+s20], $0x80, s1, s20, $0xb8;
	[tilespmem:$0x1F800] =	vst v63  }
0x29c: {  	_ =	swait.ge [sflag:s30], $0x3200  }
0x29d: {  	[sflag:s30] =	ssyncset.done $0x0  }
0x29e: {  	s1 =	simm.s32 $0x1880;
	[sflag:s30] =	ssyncadd.s32 $0xFFFFCE00  }
0x29f: {  	[spmem:s2] =	stream.indirect.scatter.add.f32 [tilespmem:s24], [sflag:$0x6], $0x80, s1, s20, $0xb8;
	[tilespmem:$0x1F800] =	vst v63  }
0x2a0: {  	_ =	swait.ge [sflag:s0], $0x3200  }
0x2a1: {  	[sflag:s0] =	ssyncset.done $0x0  }
0x2a2: {  	s1 =	simm.s32 $0x980;
	[sflag:s0] =	ssyncadd.s32 $0xFFFFCE00  }
0x2a3: {  	[tilespmem:s22], [sflag:$0x2] =	stream.indirect.gather [hbm4b:s4+s20], $0x80, s1, s20, $0xb8;
	[tilespmem:$0x1F800] =	vst v63  }
0x2a4: {  	_ =	swait.ge [sflag:s17], $0x3200  }
0x2a5: {  	[sflag:s17] =	ssyncset.done $0x0  }
0x2a6: {  	s1 =	simm.s32 $0x1900;
	[sflag:s17] =	ssyncadd.s32 $0xFFFFCE00  }
0x2a7: {  	[spmem:s2] =	stream.indirect.scatter.add.f32 [tilespmem:s16], [sflag:$0x4], $0x80, s1, s20, $0xb8;
	[tilespmem:$0x1F800] =	vst v63  }
0x2a8: {  	_ =	swait.ge [sflag:s7], $0x3200  }
0x2a9: {  	[sflag:s7] =	ssyncset.done $0x0  }
0x2aa: {  	s1 =	simm.s32 $0xA00;
	[sflag:s7] =	ssyncadd.s32 $0xFFFFCE00  }
0x2ab: {  	[tilespmem:s24], [sflag:$0x3] =	stream.indirect.gather [hbm4b:s4+s20], $0x80, s1, s20, $0xb8;
	[tilespmem:$0x1F800] =	vst v63  }
0x2ac: {  	_ =	swait.ge [sflag:s25], $0x3200  }
0x2ad: {  	[sflag:s25] =	ssyncset.done $0x0  }
0x2ae: {  	s1 =	simm.s32 $0x1980;
	[sflag:s25] =	ssyncadd.s32 $0xFFFFCE00  }
0x2af: {  	[spmem:s2] =	stream.indirect.scatter.add.f32 [tilespmem:s22], [sflag:$0x5], $0x80, s1, s20, $0xb8;
	[tilespmem:$0x1F800] =	vst v63  }
0x2b0: {  	_ =	swait.ge [sflag:s28], $0x3200  }
0x2b1: {  	[sflag:s28] =	ssyncset.done $0x0  }
0x2b2: {  	s1 =	simm.s32 $0xA80;
	[sflag:s28] =	ssyncadd.s32 $0xFFFFCE00  }
0x2b3: {  	[tilespmem:s16], [sflag:$0x1] =	stream.indirect.gather [hbm4b:s4+s20], $0x80, s1, s20, $0xb8;
	[tilespmem:$0x1F800] =	vst v63  }
0x2b4: {  	_ =	swait.ge [sflag:s30], $0x3200  }
0x2b5: {  	[sflag:s30] =	ssyncset.done $0x0  }
0x2b6: {  	s1 =	simm.s32 $0x1A00;
	[sflag:s30] =	ssyncadd.s32 $0xFFFFCE00  }
0x2b7: {  	[spmem:s2] =	stream.indirect.scatter.add.f32 [tilespmem:s24], [sflag:$0x6], $0x80, s1, s20, $0xb8;
	[tilespmem:$0x1F800] =	vst v63  }
0x2b8: {  	_ =	swait.ge [sflag:s0], $0x3200  }
0x2b9: {  	[sflag:s0] =	ssyncset.done $0x0  }
0x2ba: {  	s1 =	simm.s32 $0xB00;
	[sflag:s0] =	ssyncadd.s32 $0xFFFFCE00  }
0x2bb: {  	[tilespmem:s22], [sflag:$0x2] =	stream.indirect.gather [hbm4b:s4+s20], $0x80, s1, s20, $0xb8;
	[tilespmem:$0x1F800] =	vst v63  }
0x2bc: {  	_ =	swait.ge [sflag:s17], $0x3200  }
0x2bd: {  	[sflag:s17] =	ssyncset.done $0x0  }
0x2be: {  	s1 =	simm.s32 $0x1A80;
	[sflag:s17] =	ssyncadd.s32 $0xFFFFCE00  }
0x2bf: {  	[spmem:s2] =	stream.indirect.scatter.add.f32 [tilespmem:s16], [sflag:$0x4], $0x80, s1, s20, $0xb8;
	[tilespmem:$0x1F800] =	vst v63  }
0x2c0: {  	_ =	swait.ge [sflag:s7], $0x3200  }
0x2c1: {  	[sflag:s7] =	ssyncset.done $0x0  }
0x2c2: {  	s1 =	simm.s32 $0xB80;
	[sflag:s7] =	ssyncadd.s32 $0xFFFFCE00  }
0x2c3: {  	[tilespmem:s24], [sflag:$0x3] =	stream.indirect.gather [hbm4b:s4+s20], $0x80, s1, s20, $0xb8;
	[tilespmem:$0x1F800] =	vst v63  }
0x2c4: {  	_ =	swait.ge [sflag:s25], $0x3200  }
0x2c5: {  	[sflag:s25] =	ssyncset.done $0x0  }
0x2c6: {  	s1 =	simm.s32 $0x1B00;
	[sflag:s25] =	ssyncadd.s32 $0xFFFFCE00  }
0x2c7: {  	[spmem:s2] =	stream.indirect.scatter.add.f32 [tilespmem:s22], [sflag:$0x5], $0x80, s1, s20, $0xb8;
	[tilespmem:$0x1F800] =	vst v63  }
0x2c8: {  	_ =	swait.ge [sflag:s28], $0x3200  }
0x2c9: {  	[sflag:s28] =	ssyncset.done $0x0  }
0x2ca: {  	s1 =	simm.s32 $0xC00;
	[sflag:s28] =	ssyncadd.s32 $0xFFFFCE00  }
0x2cb: {  	[tilespmem:s16], [sflag:$0x1] =	stream.indirect.gather [hbm4b:s4+s20], $0x80, s1, s20, $0xb8;
	[tilespmem:$0x1F800] =	vst v63  }
0x2cc: {  	_ =	swait.ge [sflag:s30], $0x3200  }
0x2cd: {  	[sflag:s30] =	ssyncset.done $0x0  }
0x2ce: {  	s1 =	simm.s32 $0x1B80;
	[sflag:s30] =	ssyncadd.s32 $0xFFFFCE00  }
0x2cf: {  	[spmem:s2] =	stream.indirect.scatter.add.f32 [tilespmem:s24], [sflag:$0x6], $0x80, s1, s20, $0xb8;
	[tilespmem:$0x1F800] =	vst v63  }
0x2d0: {  	_ =	swait.ge [sflag:s17], $0x3200  }
0x2d1: {  	[sflag:s17] =	ssyncset.done $0x0  }
0x2d2: {  	s1 =	simm.s32 $0x1C00;
	[sflag:s17] =	ssyncadd.s32 $0xFFFFCE00  }
0x2d3: {  	[spmem:s2] =	stream.indirect.scatter.add.f32 [tilespmem:s16], [sflag:$0x4], $0x80, s1, s20, $0xb8;
	[tilespmem:$0x1F800] =	vst v63  }
0x2d4: {  	_ =	swait.ge [sflag:s0], $0x3200  }
0x2d5: {  	[sflag:s0] =	ssyncset.done $0x0  }
0x2d6: {  	[sflag:s0] =	ssyncadd.s32 $0xFFFFCE00  }
0x2d7: {  	_ =	swait.ge [sflag:s7], $0x3200  }
0x2d8: {  	[sflag:s7] =	ssyncset.done $0x0  }
0x2d9: {  	[sflag:s7] =	ssyncadd.s32 $0xFFFFCE00  }
0x2da: {  	_ =	swait.ge [sflag:s28], $0x3200  }
0x2db: {  	[sflag:s28] =	ssyncset.done $0x0  }
0x2dc: {  	s1 =	rddreg [dreg:$0xa];
	[sflag:s28] =	ssyncadd.s32 $0xFFFFCE00  }
0x2dd: {  	[tilespmem:s11], [sflag:$0x7] =	stream.linear.gather [hbm4b:s1+s11], $0xC80, $0x38;
	[tilespmem:$0x1F800] =	vst v63  }
0x2de: {  	_ =	swait.ge [sflag:s18], $0xC80  }
0x2df: {  	[sflag:s18] =	ssyncset.done $0x0  }
0x2e0: {  	s1 =	rddreg [dreg:$0xb];
	[sflag:s18] =	ssyncadd.s32 $0xFFFFF380  }
0x2e1: {  	[tilespmem:s3], [sflag:$0x7] =	stream.linear.gather [hbm4b:s1+s11], $0xC80, $0x38;
	[tilespmem:$0x1F800] =	vst v63  }
0x2e2: {  	_ =	swait.ge [sflag:s18], $0xC80  }
0x2e3: {  	[sflag:s18] =	ssyncset.done $0x0  }
0x2e4: {  	[sflag:s18] =	ssyncadd.s32 $0xFFFFF380  }
0x2e5: {  	[tilespmem:s16], [sflag:$0x1] =	stream.indirect.gather [hbm4b:s4+s20], $0x80, s11, s20, $0xb8;
	[tilespmem:$0x1F800] =	vst v63  }
0x2e6: {  	s1 =	simm.s32 $0x80  }
0x2e7: {  	[tilespmem:s22], [sflag:$0x2] =	stream.indirect.gather [hbm4b:s4+s20], $0x80, s1, s20, $0xb8;
	[tilespmem:$0x1F800] =	vst v63  }
0x2e8: {  	_ =	swait.ge [sflag:s17], $0x3200  }
0x2e9: {  	[sflag:s17] =	ssyncset.done $0x0  }
0x2ea: {  	[sflag:s17] =	ssyncadd.s32 $0xFFFFCE00  }
0x2eb: {  	[spmem:s2] =	stream.indirect.scatter.add.f32 [tilespmem:s16], [sflag:$0x4], $0x80, s3, s20, $0xb8;
	[tilespmem:$0x1F800] =	vst v63  }
0x2ec: {  	s1 =	simm.s32 $0x100  }
0x2ed: {  	[tilespmem:s24], [sflag:$0x3] =	stream.indirect.gather [hbm4b:s4+s20], $0x80, s1, s20, $0xb8;
	[tilespmem:$0x1F800] =	vst v63  }
0x2ee: {  	_ =	swait.ge [sflag:s25], $0x3200  }
0x2ef: {  	[sflag:s25] =	ssyncset.done $0x0  }
0x2f0: {  	s1 =	simm.s32 $0x1080;
	[sflag:s25] =	ssyncadd.s32 $0xFFFFCE00  }
0x2f1: {  	[spmem:s2] =	stream.indirect.scatter.add.f32 [tilespmem:s22], [sflag:$0x5], $0x80, s1, s20, $0xb8;
	[tilespmem:$0x1F800] =	vst v63  }
0x2f2: {  	_ =	swait.ge [sflag:s28], $0x3200  }
0x2f3: {  	[sflag:s28] =	ssyncset.done $0x0  }
0x2f4: {  	s1 =	simm.s32 $0x180;
	[sflag:s28] =	ssyncadd.s32 $0xFFFFCE00  }
0x2f5: {  	[tilespmem:s16], [sflag:$0x1] =	stream.indirect.gather [hbm4b:s4+s20], $0x80, s1, s20, $0xb8;
	[tilespmem:$0x1F800] =	vst v63  }
0x2f6: {  	_ =	swait.ge [sflag:s30], $0x3200  }
0x2f7: {  	[sflag:s30] =	ssyncset.done $0x0  }
0x2f8: {  	s1 =	simm.s32 $0x1100;
	[sflag:s30] =	ssyncadd.s32 $0xFFFFCE00  }
0x2f9: {  	[spmem:s2] =	stream.indirect.scatter.add.f32 [tilespmem:s24], [sflag:$0x6], $0x80, s1, s20, $0xb8;
	[tilespmem:$0x1F800] =	vst v63  }
0x2fa: {  	_ =	swait.ge [sflag:s0], $0x3200  }
0x2fb: {  	[sflag:s0] =	ssyncset.done $0x0  }
0x2fc: {  	s1 =	simm.s32 $0x200;
	[sflag:s0] =	ssyncadd.s32 $0xFFFFCE00  }
0x2fd: {  	[tilespmem:s22], [sflag:$0x2] =	stream.indirect.gather [hbm4b:s4+s20], $0x80, s1, s20, $0xb8;
	[tilespmem:$0x1F800] =	vst v63  }
0x2fe: {  	_ =	swait.ge [sflag:s17], $0x3200  }
0x2ff: {  	[sflag:s17] =	ssyncset.done $0x0  }
0x300: {  	s1 =	simm.s32 $0x1180;
	[sflag:s17] =	ssyncadd.s32 $0xFFFFCE00  }
0x301: {  	[spmem:s2] =	stream.indirect.scatter.add.f32 [tilespmem:s16], [sflag:$0x4], $0x80, s1, s20, $0xb8;
	[tilespmem:$0x1F800] =	vst v63  }
0x302: {  	_ =	swait.ge [sflag:s7], $0x3200  }
0x303: {  	[sflag:s7] =	ssyncset.done $0x0  }
0x304: {  	s1 =	simm.s32 $0x280;
	[sflag:s7] =	ssyncadd.s32 $0xFFFFCE00  }
0x305: {  	[tilespmem:s24], [sflag:$0x3] =	stream.indirect.gather [hbm4b:s4+s20], $0x80, s1, s20, $0xb8;
	[tilespmem:$0x1F800] =	vst v63  }
0x306: {  	_ =	swait.ge [sflag:s25], $0x3200  }
0x307: {  	[sflag:s25] =	ssyncset.done $0x0  }
0x308: {  	s1 =	simm.s32 $0x1200;
	[sflag:s25] =	ssyncadd.s32 $0xFFFFCE00  }
0x309: {  	[spmem:s2] =	stream.indirect.scatter.add.f32 [tilespmem:s22], [sflag:$0x5], $0x80, s1, s20, $0xb8;
	[tilespmem:$0x1F800] =	vst v63  }
0x30a: {  	_ =	swait.ge [sflag:s28], $0x3200  }
0x30b: {  	[sflag:s28] =	ssyncset.done $0x0  }
0x30c: {  	s1 =	simm.s32 $0x300;
	[sflag:s28] =	ssyncadd.s32 $0xFFFFCE00  }
0x30d: {  	[tilespmem:s16], [sflag:$0x1] =	stream.indirect.gather [hbm4b:s4+s20], $0x80, s1, s20, $0xb8;
	[tilespmem:$0x1F800] =	vst v63  }
0x30e: {  	_ =	swait.ge [sflag:s30], $0x3200  }
0x30f: {  	[sflag:s30] =	ssyncset.done $0x0  }
0x310: {  	s1 =	simm.s32 $0x1280;
	[sflag:s30] =	ssyncadd.s32 $0xFFFFCE00  }
0x311: {  	[spmem:s2] =	stream.indirect.scatter.add.f32 [tilespmem:s24], [sflag:$0x6], $0x80, s1, s20, $0xb8;
	[tilespmem:$0x1F800] =	vst v63  }
0x312: {  	_ =	swait.ge [sflag:s0], $0x3200  }
0x313: {  	[sflag:s0] =	ssyncset.done $0x0  }
0x314: {  	s1 =	simm.s32 $0x380;
	[sflag:s0] =	ssyncadd.s32 $0xFFFFCE00  }
0x315: {  	[tilespmem:s22], [sflag:$0x2] =	stream.indirect.gather [hbm4b:s4+s20], $0x80, s1, s20, $0xb8;
	[tilespmem:$0x1F800] =	vst v63  }
0x316: {  	_ =	swait.ge [sflag:s17], $0x3200  }
0x317: {  	[sflag:s17] =	ssyncset.done $0x0  }
0x318: {  	s1 =	simm.s32 $0x1300;
	[sflag:s17] =	ssyncadd.s32 $0xFFFFCE00  }
0x319: {  	[spmem:s2] =	stream.indirect.scatter.add.f32 [tilespmem:s16], [sflag:$0x4], $0x80, s1, s20, $0xb8;
	[tilespmem:$0x1F800] =	vst v63  }
0x31a: {  	_ =	swait.ge [sflag:s7], $0x3200  }
0x31b: {  	[sflag:s7] =	ssyncset.done $0x0  }
0x31c: {  	s6 =	simm.s32 $0x400;
	[sflag:s7] =	ssyncadd.s32 $0xFFFFCE00  }
0x31d: {  	[tilespmem:s24], [sflag:$0x3] =	stream.indirect.gather [hbm4b:s4+s20], $0x80, s6, s20, $0xb8;
	[tilespmem:$0x1F800] =	vst v63  }
0x31e: {  	_ =	swait.ge [sflag:s25], $0x3200  }
0x31f: {  	[sflag:s25] =	ssyncset.done $0x0  }
0x320: {  	s8 =	simm.s32 $0x1380;
	[sflag:s25] =	ssyncadd.s32 $0xFFFFCE00  }
0x321: {  	[spmem:s2] =	stream.indirect.scatter.add.f32 [tilespmem:s22], [sflag:$0x5], $0x80, s8, s20, $0xb8;
	[tilespmem:$0x1F800] =	vst v63  }
0x322: {  	_ =	swait.ge [sflag:s28], $0x3200  }
0x323: {  	[sflag:s28] =	ssyncset.done $0x0  }
0x324: {  	s9 =	simm.s32 $0x480;
	[sflag:s28] =	ssyncadd.s32 $0xFFFFCE00  }
0x325: {  	[tilespmem:s16], [sflag:$0x1] =	stream.indirect.gather [hbm4b:s4+s20], $0x80, s9, s20, $0xb8;
	[tilespmem:$0x1F800] =	vst v63  }
0x326: {  	_ =	swait.ge [sflag:s30], $0x3200  }
0x327: {  	[sflag:s30] =	ssyncset.done $0x0  }
0x328: {  	s10 =	simm.s32 $0x1400;
	[sflag:s30] =	ssyncadd.s32 $0xFFFFCE00  }
0x329: {  	[spmem:s2] =	stream.indirect.scatter.add.f32 [tilespmem:s24], [sflag:$0x6], $0x80, s10, s20, $0xb8;
	[tilespmem:$0x1F800] =	vst v63  }
0x32a: {  	_ =	swait.ge [sflag:s0], $0x3200  }
0x32b: {  	[sflag:s0] =	ssyncset.done $0x0  }
0x32c: {  	s12 =	simm.s32 $0x500;
	[sflag:s0] =	ssyncadd.s32 $0xFFFFCE00  }
0x32d: {  	[tilespmem:s22], [sflag:$0x2] =	stream.indirect.gather [hbm4b:s4+s20], $0x80, s12, s20, $0xb8;
	[tilespmem:$0x1F800] =	vst v63  }
0x32e: {  	_ =	swait.ge [sflag:s17], $0x3200  }
0x32f: {  	[sflag:s17] =	ssyncset.done $0x0  }
0x330: {  	s31 =	simm.s32 $0x1480;
	[sflag:s17] =	ssyncadd.s32 $0xFFFFCE00  }
0x331: {  	[spmem:s2] =	stream.indirect.scatter.add.f32 [tilespmem:s16], [sflag:$0x4], $0x80, s31, s20, $0xb8;
	[tilespmem:$0x1F800] =	vst v63  }
0x332: {  	_ =	swait.ge [sflag:s7], $0x3200  }
0x333: {  	[sflag:s7] =	ssyncset.done $0x0  }
0x334: {  	s13 =	simm.s32 $0x580;
	[sflag:s7] =	ssyncadd.s32 $0xFFFFCE00  }
0x335: {  	[tilespmem:s24], [sflag:$0x3] =	stream.indirect.gather [hbm4b:s4+s20], $0x80, s13, s20, $0xb8;
	[tilespmem:$0x1F800] =	vst v63  }
0x336: {  	_ =	swait.ge [sflag:s25], $0x3200  }
0x337: {  	[sflag:s25] =	ssyncset.done $0x0  }
0x338: {  	s14 =	simm.s32 $0x1500;
	[sflag:s25] =	ssyncadd.s32 $0xFFFFCE00  }
0x339: {  	[spmem:s2] =	stream.indirect.scatter.add.f32 [tilespmem:s22], [sflag:$0x5], $0x80, s14, s20, $0xb8;
	[tilespmem:$0x1F800] =	vst v63  }
0x33a: {  	_ =	swait.ge [sflag:s28], $0x3200  }
0x33b: {  	[sflag:s28] =	ssyncset.done $0x0  }
0x33c: {  	s15 =	simm.s32 $0x600;
	[sflag:s28] =	ssyncadd.s32 $0xFFFFCE00  }
0x33d: {  	[tilespmem:s16], [sflag:$0x1] =	stream.indirect.gather [hbm4b:s4+s20], $0x80, s15, s20, $0xb8;
	[tilespmem:$0x1F800] =	vst v63  }
0x33e: {  	_ =	swait.ge [sflag:s30], $0x3200  }
0x33f: {  	[sflag:s30] =	ssyncset.done $0x0  }
0x340: {  	s19 =	simm.s32 $0x1580;
	[sflag:s30] =	ssyncadd.s32 $0xFFFFCE00  }
0x341: {  	[spmem:s2] =	stream.indirect.scatter.add.f32 [tilespmem:s24], [sflag:$0x6], $0x80, s19, s20, $0xb8;
	[tilespmem:$0x1F800] =	vst v63  }
0x342: {  	_ =	swait.ge [sflag:s0], $0x3200  }
0x343: {  	[sflag:s0] =	ssyncset.done $0x0  }
0x344: {  	s21 =	simm.s32 $0x680;
	[sflag:s0] =	ssyncadd.s32 $0xFFFFCE00  }
0x345: {  	[tilespmem:s22], [sflag:$0x2] =	stream.indirect.gather [hbm4b:s4+s20], $0x80, s21, s20, $0xb8;
	[tilespmem:$0x1F800] =	vst v63  }
0x346: {  	_ =	swait.ge [sflag:s17], $0x3200  }
0x347: {  	[sflag:s17] =	ssyncset.done $0x0  }
0x348: {  	s23 =	simm.s32 $0x1600;
	[sflag:s17] =	ssyncadd.s32 $0xFFFFCE00  }
0x349: {  	[spmem:s2] =	stream.indirect.scatter.add.f32 [tilespmem:s16], [sflag:$0x4], $0x80, s23, s20, $0xb8;
	[tilespmem:$0x1F800] =	vst v63  }
0x34a: {  	_ =	swait.ge [sflag:s7], $0x3200  }
0x34b: {  	[sflag:s7] =	ssyncset.done $0x0  }
0x34c: {  	s26 =	simm.s32 $0x700;
	[sflag:s7] =	ssyncadd.s32 $0xFFFFCE00  }
0x34d: {  	[tilespmem:s24], [sflag:$0x3] =	stream.indirect.gather [hbm4b:s4+s20], $0x80, s26, s20, $0xb8;
	[tilespmem:$0x1F800] =	vst v63  }
0x34e: {  	_ =	swait.ge [sflag:s25], $0x3200  }
0x34f: {  	[sflag:s25] =	ssyncset.done $0x0  }
0x350: {  	s6 =	simm.s32 $0x1680;
	[sflag:s25] =	ssyncadd.s32 $0xFFFFCE00  }
0x351: {  	[spmem:s2] =	stream.indirect.scatter.add.f32 [tilespmem:s22], [sflag:$0x5], $0x80, s6, s20, $0xb8;
	[tilespmem:$0x1F800] =	vst v63  }
0x352: {  	_ =	swait.ge [sflag:s28], $0x3200  }
0x353: {  	[sflag:s28] =	ssyncset.done $0x0  }
0x354: {  	s8 =	simm.s32 $0x780;
	[sflag:s28] =	ssyncadd.s32 $0xFFFFCE00  }
0x355: {  	[tilespmem:s16], [sflag:$0x1] =	stream.indirect.gather [hbm4b:s4+s20], $0x80, s8, s20, $0xb8;
	[tilespmem:$0x1F800] =	vst v63  }
0x356: {  	_ =	swait.ge [sflag:s30], $0x3200  }
0x357: {  	[sflag:s30] =	ssyncset.done $0x0  }
0x358: {  	s9 =	simm.s32 $0x1700;
	[sflag:s30] =	ssyncadd.s32 $0xFFFFCE00  }
0x359: {  	[spmem:s2] =	stream.indirect.scatter.add.f32 [tilespmem:s24], [sflag:$0x6], $0x80, s9, s20, $0xb8;
	[tilespmem:$0x1F800] =	vst v63  }
0x35a: {  	_ =	swait.ge [sflag:s0], $0x3200  }
0x35b: {  	[sflag:s0] =	ssyncset.done $0x0  }
0x35c: {  	s10 =	simm.s32 $0x800;
	[sflag:s0] =	ssyncadd.s32 $0xFFFFCE00  }
0x35d: {  	[tilespmem:s22], [sflag:$0x2] =	stream.indirect.gather [hbm4b:s4+s20], $0x80, s10, s20, $0xb8;
	[tilespmem:$0x1F800] =	vst v63  }
0x35e: {  	_ =	swait.ge [sflag:s17], $0x3200  }
0x35f: {  	[sflag:s17] =	ssyncset.done $0x0  }
0x360: {  	s12 =	simm.s32 $0x1780;
	[sflag:s17] =	ssyncadd.s32 $0xFFFFCE00  }
0x361: {  	[spmem:s2] =	stream.indirect.scatter.add.f32 [tilespmem:s16], [sflag:$0x4], $0x80, s12, s20, $0xb8;
	[tilespmem:$0x1F800] =	vst v63  }
0x362: {  	_ =	swait.ge [sflag:s7], $0x3200  }
0x363: {  	[sflag:s7] =	ssyncset.done $0x0  }
0x364: {  	s13 =	simm.s32 $0x880;
	[sflag:s7] =	ssyncadd.s32 $0xFFFFCE00  }
0x365: {  	[tilespmem:s24], [sflag:$0x3] =	stream.indirect.gather [hbm4b:s4+s20], $0x80, s13, s20, $0xb8;
	[tilespmem:$0x1F800] =	vst v63  }
0x366: {  	_ =	swait.ge [sflag:s25], $0x3200  }
0x367: {  	[sflag:s25] =	ssyncset.done $0x0  }
0x368: {  	s14 =	simm.s32 $0x1800;
	[sflag:s25] =	ssyncadd.s32 $0xFFFFCE00  }
0x369: {  	[spmem:s2] =	stream.indirect.scatter.add.f32 [tilespmem:s22], [sflag:$0x5], $0x80, s14, s20, $0xb8;
	[tilespmem:$0x1F800] =	vst v63  }
0x36a: {  	_ =	swait.ge [sflag:s28], $0x3200  }
0x36b: {  	[sflag:s28] =	ssyncset.done $0x0  }
0x36c: {  	s15 =	simm.s32 $0x900;
	[sflag:s28] =	ssyncadd.s32 $0xFFFFCE00  }
0x36d: {  	[tilespmem:s16], [sflag:$0x1] =	stream.indirect.gather [hbm4b:s4+s20], $0x80, s15, s20, $0xb8;
	[tilespmem:$0x1F800] =	vst v63  }
0x36e: {  	_ =	swait.ge [sflag:s30], $0x3200  }
0x36f: {  	[sflag:s30] =	ssyncset.done $0x0  }
0x370: {  	s19 =	simm.s32 $0x1880;
	[sflag:s30] =	ssyncadd.s32 $0xFFFFCE00  }
0x371: {  	[spmem:s2] =	stream.indirect.scatter.add.f32 [tilespmem:s24], [sflag:$0x6], $0x80, s19, s20, $0xb8;
	[tilespmem:$0x1F800] =	vst v63  }
0x372: {  	_ =	swait.ge [sflag:s0], $0x3200  }
0x373: {  	[sflag:s0] =	ssyncset.done $0x0  }
0x374: {  	s21 =	simm.s32 $0x980;
	[sflag:s0] =	ssyncadd.s32 $0xFFFFCE00  }
0x375: {  	[tilespmem:s22], [sflag:$0x2] =	stream.indirect.gather [hbm4b:s4+s20], $0x80, s21, s20, $0xb8;
	[tilespmem:$0x1F800] =	vst v63  }
0x376: {  	_ =	swait.ge [sflag:s17], $0x3200  }
0x377: {  	[sflag:s17] =	ssyncset.done $0x0  }
0x378: {  	s23 =	simm.s32 $0x1900;
	[sflag:s17] =	ssyncadd.s32 $0xFFFFCE00  }
0x379: {  	[spmem:s2] =	stream.indirect.scatter.add.f32 [tilespmem:s16], [sflag:$0x4], $0x80, s23, s20, $0xb8;
	[tilespmem:$0x1F800] =	vst v63  }
0x37a: {  	_ =	swait.ge [sflag:s7], $0x3200  }
0x37b: {  	[sflag:s7] =	ssyncset.done $0x0  }
0x37c: {  	s26 =	simm.s32 $0xA00;
	[sflag:s7] =	ssyncadd.s32 $0xFFFFCE00  }
0x37d: {  	[tilespmem:s24], [sflag:$0x3] =	stream.indirect.gather [hbm4b:s4+s20], $0x80, s26, s20, $0xb8;
	[tilespmem:$0x1F800] =	vst v63  }
0x37e: {  	_ =	swait.ge [sflag:s25], $0x3200  }
0x37f: {  	[sflag:s25] =	ssyncset.done $0x0  }
0x380: {  	s31 =	simm.s32 $0x1980;
	[sflag:s25] =	ssyncadd.s32 $0xFFFFCE00  }
0x381: {  	[spmem:s2] =	stream.indirect.scatter.add.f32 [tilespmem:s22], [sflag:$0x5], $0x80, s31, s20, $0xb8;
	[tilespmem:$0x1F800] =	vst v63  }
0x382: {  	_ =	swait.ge [sflag:s28], $0x3200  }
0x383: {  	[sflag:s28] =	ssyncset.done $0x0  }
0x384: {  	s6 =	simm.s32 $0xA80;
	[sflag:s28] =	ssyncadd.s32 $0xFFFFCE00  }
0x385: {  	[tilespmem:s16], [sflag:$0x1] =	stream.indirect.gather [hbm4b:s4+s20], $0x80, s6, s20, $0xb8;
	[tilespmem:$0x1F800] =	vst v63  }
0x386: {  	_ =	swait.ge [sflag:s30], $0x3200  }
0x387: {  	[sflag:s30] =	ssyncset.done $0x0  }
0x388: {  	s8 =	simm.s32 $0x1A00;
	[sflag:s30] =	ssyncadd.s32 $0xFFFFCE00  }
0x389: {  	[spmem:s2] =	stream.indirect.scatter.add.f32 [tilespmem:s24], [sflag:$0x6], $0x80, s8, s20, $0xb8;
	[tilespmem:$0x1F800] =	vst v63  }
0x38a: {  	_ =	swait.ge [sflag:s0], $0x3200  }
0x38b: {  	[sflag:s0] =	ssyncset.done $0x0  }
0x38c: {  	s9 =	simm.s32 $0xB00;
	[sflag:s0] =	ssyncadd.s32 $0xFFFFCE00  }
0x38d: {  	[tilespmem:s22], [sflag:$0x2] =	stream.indirect.gather [hbm4b:s4+s20], $0x80, s9, s20, $0xb8;
	[tilespmem:$0x1F800] =	vst v63  }
0x38e: {  	_ =	swait.ge [sflag:s17], $0x3200  }
0x38f: {  	[sflag:s17] =	ssyncset.done $0x0  }
0x390: {  	s10 =	simm.s32 $0x1A80;
	[sflag:s17] =	ssyncadd.s32 $0xFFFFCE00  }
0x391: {  	[spmem:s2] =	stream.indirect.scatter.add.f32 [tilespmem:s16], [sflag:$0x4], $0x80, s10, s20, $0xb8;
	[tilespmem:$0x1F800] =	vst v63  }
0x392: {  	_ =	swait.ge [sflag:s7], $0x3200  }
0x393: {  	[sflag:s7] =	ssyncset.done $0x0  }
0x394: {  	s12 =	simm.s32 $0xB80;
	[sflag:s7] =	ssyncadd.s32 $0xFFFFCE00  }
0x395: {  	[tilespmem:s24], [sflag:$0x3] =	stream.indirect.gather [hbm4b:s4+s20], $0x80, s12, s20, $0xb8;
	[tilespmem:$0x1F800] =	vst v63  }
0x396: {  	_ =	swait.ge [sflag:s25], $0x3200  }
0x397: {  	[sflag:s25] =	ssyncset.done $0x0  }
0x398: {  	s13 =	simm.s32 $0x1B00;
	[sflag:s25] =	ssyncadd.s32 $0xFFFFCE00  }
0x399: {  	[spmem:s2] =	stream.indirect.scatter.add.f32 [tilespmem:s22], [sflag:$0x5], $0x80, s13, s20, $0xb8;
	[tilespmem:$0x1F800] =	vst v63  }
0x39a: {  	_ =	swait.ge [sflag:s28], $0x3200  }
0x39b: {  	[sflag:s28] =	ssyncset.done $0x0  }
0x39c: {  	s14 =	simm.s32 $0xC00;
	[sflag:s28] =	ssyncadd.s32 $0xFFFFCE00  }
0x39d: {  	[tilespmem:s16], [sflag:$0x1] =	stream.indirect.gather [hbm4b:s4+s20], $0x80, s14, s20, $0xb8;
	[tilespmem:$0x1F800] =	vst v63  }
0x39e: {  	_ =	swait.ge [sflag:s30], $0x3200  }
0x39f: {  	[sflag:s30] =	ssyncset.done $0x0  }
0x3a0: {  	s15 =	simm.s32 $0x1B80;
	[sflag:s30] =	ssyncadd.s32 $0xFFFFCE00  }
0x3a1: {  	[spmem:s2] =	stream.indirect.scatter.add.f32 [tilespmem:s24], [sflag:$0x6], $0x80, s15, s20, $0xb8;
	[tilespmem:$0x1F800] =	vst v63  }
0x3a2: {  	_ =	swait.ge [sflag:s17], $0x3200  }
0x3a3: {  	[sflag:s17] =	ssyncset.done $0x0  }
0x3a4: {  	s19 =	simm.s32 $0x1C00;
	[sflag:s17] =	ssyncadd.s32 $0xFFFFCE00  }
0x3a5: {  	[spmem:s2] =	stream.indirect.scatter.add.f32 [tilespmem:s16], [sflag:$0x4], $0x80, s19, s20, $0xb8;
	[tilespmem:$0x1F800] =	vst v63  }
0x3a6: {  	_ =	swait.ge [sflag:s0], $0x3200  }
0x3a7: {  	[sflag:s0] =	ssyncset.done $0x0  }
0x3a8: {  	[sflag:s0] =	ssyncadd.s32 $0xFFFFCE00  }
0x3a9: {  	_ =	swait.ge [sflag:s7], $0x3200  }
0x3aa: {  	[sflag:s7] =	ssyncset.done $0x0  }
0x3ab: {  	[sflag:s7] =	ssyncadd.s32 $0xFFFFCE00  }
0x3ac: {  	_ =	swait.ge [sflag:s28], $0x3200  }
0x3ad: {  	[sflag:s28] =	ssyncset.done $0x0  }
0x3ae: {  	s21 =	stileid.u32;
	[sflag:s28] =	ssyncadd.s32 $0xFFFFCE00  }
0x3af: {  	s1 =	sshll.u32 s21, $0x6;
	[bflag:$0x0] =	sbarrier.arrive $0xFFFF  }
0x3b0: {  	s1 =	sor.u32 $0x1C07, s1;
	s23 =	sshrl.u32 s5, $0x3;
	s26 =	rddreg [dreg:$0xc]  }
0x3b1: {  	[hbm:s26], [sflag:s1] =	dma.local [spmem:s23], $0x2780  }
0x3b2: {  	_ =	swait.ge [sflag:s18], $0x2780  }
0x3b3: {  	s29 =	sadd.s32 $0x1, s29;
	s31 =	rddreg [dreg:$0xd]  }
0x3b4: {  	p0 =	sne.s32 s29, s31  }
.Ltmp2:
0x3b5: {  	_ = 	snop;
	(pc) =	sbr.rel @p0 .LBB2_1-.Ltmp2, $3  }
0x3b6: {  	_ =	sdelay $0x1  }
0x3b7: {  	[sflag:s18] =	ssyncset.done $0x0  }
0x3b8: {  	[sflag:s18] =	ssyncadd.s32 $0xFFFFD880  }
0x3b9: {  	_ =	sfence.sel $0x180000  }
0x3ba: {  	[bflag:$0x0] =	sbarrier.arrive $0xFFFF  }
0x3bb: {  	_ =	strace $0x90000047  }
0x3bc: {  	s0 =	stileid.u32;
	[bflag:$0x2] =	sbarrier.arrive $0xFFFF  }
0x3bd: {  	p0 =	sne.s32 s0, $0x0;
	s0 =	rddreg [dreg:$0x3]  }
0x3be: {  	s0 =	sadd.s32 @!p0 $0x100000, s0  }
0x3bf: {  	[sflag:s0] =	ssyncadd.tile.s32 @!p0 $0x1;
	_ =	shalt  }
.Lfunc_end2:
_tile_overlayer_lowered:
.L_overlay_start_2:
0x3c0: {  	(tag) =	ssettag $0x2  }
0x3c1: {  	s0 =	rddreg [dreg:$0x0];
	s2 =	stileid.u32  }
0x3c2: {  	s1 =	rddreg [dreg:$0x1];
	p0 =	sne.s32 s2, $0x0  }
0x3c3: {  	s3 =	rddreg [dreg:$0x2];
	[bflag:$0x3] =	sbarrier.arrive $0xFFFF;
	s2 =	simm.s32 @!p0 $0x1C07  }
0x3c4: {  	[timem:s3], [sflag:s2] =	dma.local @!p0 [hbm:s0], s1  }
0x3c5: {  	s0 =	simm.s32 @!p0 $0x7  }
0x3c6: {  	_ =	swait.ge @!p0 [sflag:s0], s1  }
0x3c7: {  	s1 =	ssub.s32 @!p0 $0x0, s1;
	[sflag:s0] =	ssyncset.done @!p0 $0x0  }
0x3c8: {  	[sflag:s0] =	ssyncadd.s32 @!p0 s1  }
0x3c9: {  	[bflag:$0x3] =	sbarrier.arrive $0xFFFF  }
0x3ca: {  	_ =	shalt  }

</sc_bundles>
